<compile_context>
chip_gen: v7x
topology: tpu7x:2x2x1
jax: 0.10.2.dev20260603
libtpu: 0.0.44.dev20260713+nightly
codegen_flags: <defaults>
</compile_context>

<pallas_src>
import functools

import jax
import jax.numpy as jnp
from jax import lax
from jax.experimental import pallas as pl
from jax.experimental.pallas import tpu as pltpu
from jax.experimental.pallas import tpu_sc as plsc

NC = 2
NS = 16
LANES = 16
NW = NC * NS


def _coeff_body(d_ref, c_ref, w_ref, o_ref):
    o_ref[...] = (d_ref[...] * w_ref[0] + c_ref[...] * w_ref[1] + w_ref[2]) * w_ref[3]


def _edge_coeff(direction2d, cfg2d, wvec):
    return pl.pallas_call(
        _coeff_body,
        out_shape=jax.ShapeDtypeStruct(direction2d.shape, jnp.float32),
        in_specs=[
            pl.BlockSpec(memory_space=pltpu.VMEM),
            pl.BlockSpec(memory_space=pltpu.VMEM),
            pl.BlockSpec(memory_space=pltpu.SMEM),
        ],
        out_specs=pl.BlockSpec(memory_space=pltpu.VMEM),
    )(direction2d, cfg2d, wvec)


CHUNK = 64
NBUF = 4
SBUF = 2
IB = 8


def _make_sc_kernel(n_pad, d_feat, e_pad):
    cpw = e_pad // (NW * CHUNK)
    nu = cpw // IB
    rows_per_tile = n_pad // NS
    mesh = plsc.VectorSubcoreMesh(
        core_axis_name="c", subcore_axis_name="s", num_cores=NC, num_subcores=NS
    )

    @functools.partial(
        pl.kernel,
        out_type=jax.ShapeDtypeStruct((NC, n_pad, d_feat), jnp.float32),
        mesh=mesh,
        compiler_params=pltpu.CompilerParams(needs_layout_passes=False, use_tc_tiling_on_sc=False),
        scratch_types=[
            pltpu.VMEM_SHARED((n_pad, d_feat), jnp.float32),
            [pltpu.VMEM((CHUNK,), jnp.int32) for _ in range(IB)],
            [pltpu.VMEM((CHUNK,), jnp.int32) for _ in range(IB)],
            [pltpu.VMEM((CHUNK,), jnp.float32) for _ in range(IB)],
            [pltpu.VMEM((CHUNK, d_feat // 2), jnp.int32) for _ in range(NBUF)],
            [pltpu.VMEM((CHUNK, d_feat), jnp.float32) for _ in range(SBUF)],
            [pltpu.SemaphoreType.DMA for _ in range(NBUF)],
            [pltpu.SemaphoreType.DMA for _ in range(SBUF)],
            [pltpu.SemaphoreType.DMA for _ in range(IB)],
            pltpu.SemaphoreType.DMA,
        ],
    )
    def sc_kernel(trace_hbm, src_hbm, tgt_hbm, coeff_hbm, zeros_hbm,
                  out_hbm, acc, sidx, tidx, cbuf, rows, srows,
                  gsem, ssem, isem, zsem):
        cid = lax.axis_index("c")
        sid = lax.axis_index("s")
        wid = cid * NS + sid
        c0 = wid * cpw

        def _idx_start(c, sl):
            pltpu.async_copy(src_hbm.at[c0 + c], sidx[sl], isem[sl])
            pltpu.async_copy(tgt_hbm.at[c0 + c], tidx[sl], isem[sl])
            pltpu.async_copy(coeff_hbm.at[c0 + c], cbuf[sl], isem[sl])

        def _idx_wait(c, sl):
            pltpu.make_async_copy(src_hbm.at[c0 + c], sidx[sl], isem[sl]).wait()
            pltpu.make_async_copy(tgt_hbm.at[c0 + c], tidx[sl], isem[sl]).wait()
            pltpu.make_async_copy(coeff_hbm.at[c0 + c], cbuf[sl], isem[sl]).wait()

        def _gather_start(sl, b):
            pltpu.async_copy(trace_hbm.at[sidx[sl]], rows[b], gsem[b])

        def _gather_wait(sl, b):
            pltpu.make_async_copy(
                trace_hbm.at[sidx[sl]], rows[b], gsem[b]).wait()

        def _scatter_start(sl, s):
            pltpu.async_copy(srows[s], acc.at[tidx[sl]], ssem[s], add=True)

        def _scatter_wait(sl, s):
            pltpu.make_async_copy(srows[s], acc.at[tidx[sl]], ssem[s]).wait()

        row0 = sid * rows_per_tile
        for c in range(6):
            _idx_start(c, c)
        for c in range(3):
            _idx_wait(c, c)
            _gather_start(c, c)

        pltpu.async_copy(zeros_hbm.at[pl.ds(row0, rows_per_tile)],
                         acc.at[pl.ds(row0, rows_per_tile)], zsem)
        pltpu.make_async_copy(zeros_hbm.at[pl.ds(row0, rows_per_tile)],
                              acc.at[pl.ds(row0, rows_per_tile)], zsem).wait()
        plsc.subcore_barrier()

        def u_body(u, carry):
            for k in range(IB):
                c = u * IB + k
                b = k % NBUF
                s = k % SBUF
                _gather_wait(k, b)
                if k < SBUF:
                    @pl.when(u > 0)
                    def _():
                        _scatter_wait((k - SBUF) % IB, s)
                else:
                    _scatter_wait(k - SBUF, s)

                @plsc.parallel_loop(0, CHUNK, unroll=2)
                def _scale(e):
                    cvec = plsc.load_gather(
                        cbuf[k], [jnp.full((LANES,), e, jnp.int32)])
                    for m in range(d_feat // (2 * LANES)):
                        v32 = rows[b][e, pl.ds(m * LANES, LANES)]
                        v = plsc.bitcast(v32, jnp.bfloat16)
                        lo, hi = plsc.unpack(
                            v, format=plsc.PackFormat.INTERLEAVED,
                            preferred_element_type=jnp.float32)
                        srows[s][e, pl.ds(m * 2 * LANES, LANES)] = lo * cvec
                        srows[s][e, pl.ds(m * 2 * LANES + LANES, LANES)] = (
                            hi * cvec)

                _scatter_start(k, s)

                k3 = (k + 3) % IB
                b3 = (b + 3) % NBUF
                if k < IB - 3:
                    _idx_wait(c + 3, k3)
                    _gather_start(k3, b3)
                else:
                    @pl.when(u < nu - 1)
                    def _():
                        _idx_wait(c + 3, k3)
                        _gather_start(k3, b3)
                k6 = (k + 6) % IB
                if k < 2:
                    _idx_start(c + 6, k6)
                else:
                    @pl.when(u < nu - 1)
                    def _():
                        _idx_start(c + 6, k6)
            return carry

        lax.fori_loop(0, nu, u_body, 0)
        _scatter_wait((cpw - 2) % IB, (cpw - 2) % SBUF)
        _scatter_wait((cpw - 1) % IB, (cpw - 1) % SBUF)
        plsc.subcore_barrier()
        pltpu.sync_copy(acc.at[pl.ds(row0, rows_per_tile)],
                        out_hbm.at[cid, pl.ds(row0, rows_per_tile)])

    return sc_kernel


def _pack_body(x_ref, o_ref):
    x = x_ref[...]
    lo = jnp.concatenate([x[:, 32 * m:32 * m + 16] for m in range(4)], axis=1)
    hi = jnp.concatenate(
        [x[:, 32 * m + 16:32 * m + 32] for m in range(4)], axis=1)
    lob = jax.lax.bitcast_convert_type(
        lo.astype(jnp.bfloat16), jnp.uint16).astype(jnp.int32)
    hib = jax.lax.bitcast_convert_type(
        hi.astype(jnp.bfloat16), jnp.uint16).astype(jnp.int32)
    o_ref[...] = lob | (hib << 16)


def _pack_table(trace2d, n_nodes, d_feat):
    return pl.pallas_call(
        _pack_body,
        grid=(10,),
        out_shape=jax.ShapeDtypeStruct((n_nodes, d_feat // 2), jnp.int32),
        in_specs=[pl.BlockSpec((n_nodes // 10, d_feat), lambda i: (i, 0))],
        out_specs=pl.BlockSpec((n_nodes // 10, d_feat // 2), lambda i: (i, 0)),
    )(trace2d)


def _combine_body(g_ref, k_ref, p_ref, w_ref, o_ref):
    o_ref[...] = (g_ref[...] * w_ref[0] + k_ref[...] * w_ref[1]
                  + p_ref[0] + p_ref[1] + w_ref[2])


def _combine(gen2d, kill2d, partials, wvec, n_nodes, d_feat):
    blk = n_nodes // 10
    spec = pl.BlockSpec((blk, d_feat), lambda i: (i, 0))
    pspec = pl.BlockSpec((2, blk, d_feat), lambda i: (0, i, 0))
    return pl.pallas_call(
        _combine_body,
        grid=(10,),
        out_shape=jax.ShapeDtypeStruct((n_nodes, d_feat), jnp.float32),
        in_specs=[spec, spec, pspec,
                  pl.BlockSpec(memory_space=pltpu.SMEM)],
        out_specs=spec,
    )(gen2d, kill2d, partials, wvec)


def kernel(cfg_indices_padded, trace_h_i, gen_vectors, kill_vectors,
           direction, cfg_edges, W_edge, b_edge, W_upd, b_upd):
    b, n_nodes, d_feat = trace_h_i.shape
    n_edges = cfg_indices_padded.shape[1]
    assert b == 1

    idx = cfg_indices_padded[0].astype(jnp.int32)
    src = idx[:, 0]
    tgt = idx[:, 1]

    w_coeff = jnp.stack(
        [W_edge[0, 0], W_edge[1, 0], b_edge[0], W_upd[2, 0]]).astype(jnp.float32)
    rows = n_edges // CHUNK
    coeff = _edge_coeff(
        direction[0].reshape(rows, CHUNK).astype(jnp.float32),
        cfg_edges[0].reshape(rows, CHUNK).astype(jnp.float32),
        w_coeff,
    ).reshape(n_edges)

    quantum = NW * CHUNK * IB
    e_pad = -(-n_edges // quantum) * quantum
    pad = e_pad - n_edges
    n_pad = -(-n_nodes // (8 * NS)) * (8 * NS)
    if pad:
        r = jnp.arange(pad, dtype=jnp.int32)
        coeff = jnp.concatenate([coeff, jnp.zeros((pad,), jnp.float32)])
        src = jnp.concatenate([src, r % n_nodes])
        tgt = jnp.concatenate([tgt, n_nodes + r % (n_pad - n_nodes)])
    src = src.reshape(e_pad // CHUNK, CHUNK)
    tgt = tgt.reshape(e_pad // CHUNK, CHUNK)
    coeff = coeff.reshape(e_pad // CHUNK, CHUNK)

    trace_i32 = _pack_table(trace_h_i[0], n_nodes, d_feat)
    zeros_hbm = jnp.zeros((n_pad, d_feat), jnp.float32)
    partials = _make_sc_kernel(n_pad, d_feat, e_pad)(
        trace_i32, src, tgt, coeff, zeros_hbm)

    out2d = _combine(
        gen_vectors[0], kill_vectors[0], partials,
        jnp.stack([W_upd[0, 0], W_upd[1, 0], b_upd[0]]).astype(jnp.float32),
        n_nodes, d_feat)
    return out2d.reshape(1, n_nodes, d_feat, 1)

# --- scband reference (transcript-rebuilt; emitter-appended) ---
"""Pipeline reference for scband-gnnv3-78529182040546 (READ-ONLY COPY).

The authoritative reference and input builder live on the scoring server;
editing this copy changes nothing except your own understanding.
"""

import jax, jax.numpy as jnp
import numpy as np

NB_NODES = 10000
N_EDGES = 320000
D_FEAT = 128
BATCH = 1


def setup_inputs(seed: int = 0) -> dict:
    key = jax.random.key(seed)
    ks = jax.random.split(key, 10)
    cfg_indices_padded = jax.random.randint(ks[0], (BATCH, N_EDGES, 2), 0, NB_NODES, dtype=jnp.int64)
    trace_h_i = jax.random.normal(ks[1], (BATCH, NB_NODES, D_FEAT), dtype=jnp.float32)
    gen_vectors = jax.random.normal(ks[2], (BATCH, NB_NODES, D_FEAT), dtype=jnp.float32)
    kill_vectors = jax.random.normal(ks[3], (BATCH, NB_NODES, D_FEAT), dtype=jnp.float32)
    direction = jax.random.uniform(ks[4], (BATCH, N_EDGES), dtype=jnp.float32)
    cfg_edges = jax.random.uniform(ks[5], (BATCH, N_EDGES), dtype=jnp.float32)
    # hk.Linear(1) applied to last-dim-2 input (edge_coeff) and last-dim-3 input (update)
    W_edge = jax.random.normal(ks[6], (2, 1), dtype=jnp.float32) / np.sqrt(2.0)
    b_edge = jnp.zeros((1,), dtype=jnp.float32)
    W_upd = jax.random.normal(ks[7], (3, 1), dtype=jnp.float32) / np.sqrt(3.0)
    b_upd = jnp.zeros((1,), dtype=jnp.float32)
    return {
        'cfg_indices_padded': cfg_indices_padded,
        'trace_h_i': trace_h_i,
        'gen_vectors': gen_vectors,
        'kill_vectors': kill_vectors,
        'direction': direction,
        'cfg_edges': cfg_edges,
        'W_edge': W_edge,
        'b_edge': b_edge,
        'W_upd': W_upd,
        'b_upd': b_upd,
    }


def reference(cfg_indices_padded, trace_h_i, gen_vectors, kill_vectors, direction, cfg_edges, W_edge, b_edge, W_upd, b_upd):
    nb_nodes = trace_h_i.shape[1]
    edge_indices_source = cfg_indices_padded[..., 0]
    edge_indices_target = cfg_indices_padded[..., 1]
    # dfa_utils.dim_expand_to: expand trailing dims to match trace_h_i rank
    src_idx = jnp.broadcast_to(edge_indices_source[..., None], edge_indices_source.shape + (trace_h_i.shape[-1],))
    trace_h_i_sources = jnp.take_along_axis(trace_h_i, src_idx, axis=1)
    concated_de = jnp.concatenate([jnp.expand_dims(direction, axis=-1), jnp.expand_dims(cfg_edges, axis=-1)], axis=-1)
    edge_coeff = concated_de @ W_edge + b_edge  # [B, E, 1]
    filtered_trace_h_i = edge_coeff * trace_h_i_sources  # [B, E, d]

    def _seg(data, segment_ids):
        return jax.ops.segment_sum(data=data, segment_ids=segment_ids, num_segments=nb_nodes)
    meeted_state = jax.vmap(_seg)(filtered_trace_h_i, edge_indices_target)  # [B, N, d]
    concated_gen_kill_state = jnp.concatenate([
        jnp.expand_dims(gen_vectors, axis=-1),
        jnp.expand_dims(kill_vectors, axis=-1),
        jnp.expand_dims(meeted_state, axis=-1),
    ], axis=-1)  # [B, N, d, 3]
    out = concated_gen_kill_state @ W_upd + b_upd  # [B, N, d, 1]
    return out

if __name__ == "__main__":
    import jax
    _d = setup_inputs()
    print(jax.jit(kernel)(*tuple(_d.values())))

</pallas_src>

<mosaic_0001>
#map = affine_map<(d0, d1) -> (0, 0)>
#map1 = affine_map<(d0, d1) -> (0, 0, 0)>
module attributes {stable_mosaic.version = 14 : i64} {
  func.func @sc_kernel(%arg0: i32, %arg1: i32, %arg2: memref<10000x64xi32, #tpu.memory_space<hbm>>, %arg3: memref<5120x64xi32, #tpu.memory_space<hbm>>, %arg4: memref<5120x64xi32, #tpu.memory_space<hbm>>, %arg5: memref<5120x64xf32, #tpu.memory_space<hbm>>, %arg6: memref<10112x128xf32, #tpu.memory_space<hbm>>, %arg7: memref<2x10112x128xf32, #tpu.memory_space<hbm>>, %arg8: memref<10112x128xf32, #tpu.memory_space<vmem_shared>>, %arg9: memref<64xi32, #tpu.memory_space<vmem>>, %arg10: memref<64xi32, #tpu.memory_space<vmem>>, %arg11: memref<64xi32, #tpu.memory_space<vmem>>, %arg12: memref<64xi32, #tpu.memory_space<vmem>>, %arg13: memref<64xi32, #tpu.memory_space<vmem>>, %arg14: memref<64xi32, #tpu.memory_space<vmem>>, %arg15: memref<64xi32, #tpu.memory_space<vmem>>, %arg16: memref<64xi32, #tpu.memory_space<vmem>>, %arg17: memref<64xi32, #tpu.memory_space<vmem>>, %arg18: memref<64xi32, #tpu.memory_space<vmem>>, %arg19: memref<64xi32, #tpu.memory_space<vmem>>, %arg20: memref<64xi32, #tpu.memory_space<vmem>>, %arg21: memref<64xi32, #tpu.memory_space<vmem>>, %arg22: memref<64xi32, #tpu.memory_space<vmem>>, %arg23: memref<64xi32, #tpu.memory_space<vmem>>, %arg24: memref<64xi32, #tpu.memory_space<vmem>>, %arg25: memref<64xf32, #tpu.memory_space<vmem>>, %arg26: memref<64xf32, #tpu.memory_space<vmem>>, %arg27: memref<64xf32, #tpu.memory_space<vmem>>, %arg28: memref<64xf32, #tpu.memory_space<vmem>>, %arg29: memref<64xf32, #tpu.memory_space<vmem>>, %arg30: memref<64xf32, #tpu.memory_space<vmem>>, %arg31: memref<64xf32, #tpu.memory_space<vmem>>, %arg32: memref<64xf32, #tpu.memory_space<vmem>>, %arg33: memref<64x64xi32, #tpu.memory_space<vmem>>, %arg34: memref<64x64xi32, #tpu.memory_space<vmem>>, %arg35: memref<64x64xi32, #tpu.memory_space<vmem>>, %arg36: memref<64x64xi32, #tpu.memory_space<vmem>>, %arg37: memref<64x128xf32, #tpu.memory_space<vmem>>, %arg38: memref<64x128xf32, #tpu.memory_space<vmem>>, %arg39: memref<!tpu.dma_semaphore, #tpu.memory_space<semaphore_mem>>, %arg40: memref<!tpu.dma_semaphore, #tpu.memory_space<semaphore_mem>>, %arg41: memref<!tpu.dma_semaphore, #tpu.memory_space<semaphore_mem>>, %arg42: memref<!tpu.dma_semaphore, #tpu.memory_space<semaphore_mem>>, %arg43: memref<!tpu.dma_semaphore, #tpu.memory_space<semaphore_mem>>, %arg44: memref<!tpu.dma_semaphore, #tpu.memory_space<semaphore_mem>>, %arg45: memref<!tpu.dma_semaphore, #tpu.memory_space<semaphore_mem>>, %arg46: memref<!tpu.dma_semaphore, #tpu.memory_space<semaphore_mem>>, %arg47: memref<!tpu.dma_semaphore, #tpu.memory_space<semaphore_mem>>, %arg48: memref<!tpu.dma_semaphore, #tpu.memory_space<semaphore_mem>>, %arg49: memref<!tpu.dma_semaphore, #tpu.memory_space<semaphore_mem>>, %arg50: memref<!tpu.dma_semaphore, #tpu.memory_space<semaphore_mem>>, %arg51: memref<!tpu.dma_semaphore, #tpu.memory_space<semaphore_mem>>, %arg52: memref<!tpu.dma_semaphore, #tpu.memory_space<semaphore_mem>>, %arg53: memref<!tpu.dma_semaphore, #tpu.memory_space<semaphore_mem>>) attributes {dimension_semantics = [#tpu.dimension_semantics<core_parallel>, #tpu.dimension_semantics<subcore_parallel>], iteration_bounds = array<i64: 2, 16>, scalar_prefetch = 0 : i64, scratch_operands = 46 : i64, tpu.core_type = #tpu.core_type<sc_vector_subcore>, window_params = [{transform_indices = #map}, {transform_indices = #map}, {transform_indices = #map}, {transform_indices = #map}, {transform_indices = #map}, {transform_indices = #map1}]} {
    %mul3A = arith.constant 16 : i32
    %mul3A_0 = arith.muli %arg0, %mul3A : i32
    %add3A = arith.addi %mul3A_0, %arg1 : i32
    %mul3A_1 = arith.constant 160 : i32
    %mul3A_2 = arith.muli %add3A, %mul3A_1 : i32
    %mul3A_3 = arith.constant 632 : i32
    %mul3A_4 = arith.muli %arg1, %mul3A_3 : i32
    %add3A_5 = arith.constant 0 : i32
    %add3A_6 = arith.addi %mul3A_2, %add3A_5 : i32
    %dma_start3A = arith.constant 0 : i32
    %dma_start3A_7 = tpu.memref_slice %arg3[%add3A_6, %dma_start3A] : memref<5120x64xi32, #tpu.memory_space<hbm>> -> memref<1x64xi32, #tpu.memory_space<hbm>>
    %dma_start3A_8 = tpu.memref_squeeze %dma_start3A_7 : memref<1x64xi32, #tpu.memory_space<hbm>> -> memref<64xi32, #tpu.memory_space<hbm>>
    %dma_start3A_9 = arith.constant 0 : i32
    %dma_start3A_10 = tpu.memref_slice %arg3[%add3A_6, %dma_start3A_9] : memref<5120x64xi32, #tpu.memory_space<hbm>> -> memref<1x64xi32, #tpu.memory_space<hbm>>
    %dma_start3A_11 = tpu.memref_squeeze %dma_start3A_10 : memref<1x64xi32, #tpu.memory_space<hbm>> -> memref<64xi32, #tpu.memory_space<hbm>>
    tpu.enqueue_dma source(%dma_start3A_11 : memref<64xi32, #tpu.memory_space<hbm>>) target(%arg9 : memref<64xi32, #tpu.memory_space<vmem>>) target_semaphore(%arg45 : memref<!tpu.dma_semaphore, #tpu.memory_space<semaphore_mem>>)
    %add3A_12 = arith.constant 0 : i32
    %add3A_13 = arith.addi %mul3A_2, %add3A_12 : i32
    %dma_start3A_14 = arith.constant 0 : i32
    %dma_start3A_15 = tpu.memref_slice %arg4[%add3A_13, %dma_start3A_14] : memref<5120x64xi32, #tpu.memory_space<hbm>> -> memref<1x64xi32, #tpu.memory_space<hbm>>
    %dma_start3A_16 = tpu.memref_squeeze %dma_start3A_15 : memref<1x64xi32, #tpu.memory_space<hbm>> -> memref<64xi32, #tpu.memory_space<hbm>>
    %dma_start3A_17 = arith.constant 0 : i32
    %dma_start3A_18 = tpu.memref_slice %arg4[%add3A_13, %dma_start3A_17] : memref<5120x64xi32, #tpu.memory_space<hbm>> -> memref<1x64xi32, #tpu.memory_space<hbm>>
    %dma_start3A_19 = tpu.memref_squeeze %dma_start3A_18 : memref<1x64xi32, #tpu.memory_space<hbm>> -> memref<64xi32, #tpu.memory_space<hbm>>
    tpu.enqueue_dma source(%dma_start3A_19 : memref<64xi32, #tpu.memory_space<hbm>>) target(%arg17 : memref<64xi32, #tpu.memory_space<vmem>>) target_semaphore(%arg45 : memref<!tpu.dma_semaphore, #tpu.memory_space<semaphore_mem>>)
    %add3A_20 = arith.constant 0 : i32
    %add3A_21 = arith.addi %mul3A_2, %add3A_20 : i32
    %dma_start3A_22 = arith.constant 0 : i32
    %dma_start3A_23 = tpu.memref_slice %arg5[%add3A_21, %dma_start3A_22] : memref<5120x64xf32, #tpu.memory_space<hbm>> -> memref<1x64xf32, #tpu.memory_space<hbm>>
    %dma_start3A_24 = tpu.memref_squeeze %dma_start3A_23 : memref<1x64xf32, #tpu.memory_space<hbm>> -> memref<64xf32, #tpu.memory_space<hbm>>
    %dma_start3A_25 = arith.constant 0 : i32
    %dma_start3A_26 = tpu.memref_slice %arg5[%add3A_21, %dma_start3A_25] : memref<5120x64xf32, #tpu.memory_space<hbm>> -> memref<1x64xf32, #tpu.memory_space<hbm>>
    %dma_start3A_27 = tpu.memref_squeeze %dma_start3A_26 : memref<1x64xf32, #tpu.memory_space<hbm>> -> memref<64xf32, #tpu.memory_space<hbm>>
    tpu.enqueue_dma source(%dma_start3A_27 : memref<64xf32, #tpu.memory_space<hbm>>) target(%arg25 : memref<64xf32, #tpu.memory_space<vmem>>) target_semaphore(%arg45 : memref<!tpu.dma_semaphore, #tpu.memory_space<semaphore_mem>>)
    %add3A_28 = arith.constant 1 : i32
    %add3A_29 = arith.addi %mul3A_2, %add3A_28 : i32
    %dma_start3A_30 = arith.constant 0 : i32
    %dma_start3A_31 = tpu.memref_slice %arg3[%add3A_29, %dma_start3A_30] : memref<5120x64xi32, #tpu.memory_space<hbm>> -> memref<1x64xi32, #tpu.memory_space<hbm>>
    %dma_start3A_32 = tpu.memref_squeeze %dma_start3A_31 : memref<1x64xi32, #tpu.memory_space<hbm>> -> memref<64xi32, #tpu.memory_space<hbm>>
    %dma_start3A_33 = arith.constant 0 : i32
    %dma_start3A_34 = tpu.memref_slice %arg3[%add3A_29, %dma_start3A_33] : memref<5120x64xi32, #tpu.memory_space<hbm>> -> memref<1x64xi32, #tpu.memory_space<hbm>>
    %dma_start3A_35 = tpu.memref_squeeze %dma_start3A_34 : memref<1x64xi32, #tpu.memory_space<hbm>> -> memref<64xi32, #tpu.memory_space<hbm>>
    tpu.enqueue_dma source(%dma_start3A_35 : memref<64xi32, #tpu.memory_space<hbm>>) target(%arg10 : memref<64xi32, #tpu.memory_space<vmem>>) target_semaphore(%arg46 : memref<!tpu.dma_semaphore, #tpu.memory_space<semaphore_mem>>)
    %add3A_36 = arith.constant 1 : i32
    %add3A_37 = arith.addi %mul3A_2, %add3A_36 : i32
    %dma_start3A_38 = arith.constant 0 : i32
    %dma_start3A_39 = tpu.memref_slice %arg4[%add3A_37, %dma_start3A_38] : memref<5120x64xi32, #tpu.memory_space<hbm>> -> memref<1x64xi32, #tpu.memory_space<hbm>>
    %dma_start3A_40 = tpu.memref_squeeze %dma_start3A_39 : memref<1x64xi32, #tpu.memory_space<hbm>> -> memref<64xi32, #tpu.memory_space<hbm>>
    %dma_start3A_41 = arith.constant 0 : i32
    %dma_start3A_42 = tpu.memref_slice %arg4[%add3A_37, %dma_start3A_41] : memref<5120x64xi32, #tpu.memory_space<hbm>> -> memref<1x64xi32, #tpu.memory_space<hbm>>
    %dma_start3A_43 = tpu.memref_squeeze %dma_start3A_42 : memref<1x64xi32, #tpu.memory_space<hbm>> -> memref<64xi32, #tpu.memory_space<hbm>>
    tpu.enqueue_dma source(%dma_start3A_43 : memref<64xi32, #tpu.memory_space<hbm>>) target(%arg18 : memref<64xi32, #tpu.memory_space<vmem>>) target_semaphore(%arg46 : memref<!tpu.dma_semaphore, #tpu.memory_space<semaphore_mem>>)
    %add3A_44 = arith.constant 1 : i32
    %add3A_45 = arith.addi %mul3A_2, %add3A_44 : i32
    %dma_start3A_46 = arith.constant 0 : i32
    %dma_start3A_47 = tpu.memref_slice %arg5[%add3A_45, %dma_start3A_46] : memref<5120x64xf32, #tpu.memory_space<hbm>> -> memref<1x64xf32, #tpu.memory_space<hbm>>
    %dma_start3A_48 = tpu.memref_squeeze %dma_start3A_47 : memref<1x64xf32, #tpu.memory_space<hbm>> -> memref<64xf32, #tpu.memory_space<hbm>>
    %dma_start3A_49 = arith.constant 0 : i32
    %dma_start3A_50 = tpu.memref_slice %arg5[%add3A_45, %dma_start3A_49] : memref<5120x64xf32, #tpu.memory_space<hbm>> -> memref<1x64xf32, #tpu.memory_space<hbm>>
    %dma_start3A_51 = tpu.memref_squeeze %dma_start3A_50 : memref<1x64xf32, #tpu.memory_space<hbm>> -> memref<64xf32, #tpu.memory_space<hbm>>
    tpu.enqueue_dma source(%dma_start3A_51 : memref<64xf32, #tpu.memory_space<hbm>>) target(%arg26 : memref<64xf32, #tpu.memory_space<vmem>>) target_semaphore(%arg46 : memref<!tpu.dma_semaphore, #tpu.memory_space<semaphore_mem>>)
    %add3A_52 = arith.constant 2 : i32
    %add3A_53 = arith.addi %mul3A_2, %add3A_52 : i32
    %dma_start3A_54 = arith.constant 0 : i32
    %dma_start3A_55 = tpu.memref_slice %arg3[%add3A_53, %dma_start3A_54] : memref<5120x64xi32, #tpu.memory_space<hbm>> -> memref<1x64xi32, #tpu.memory_space<hbm>>
    %dma_start3A_56 = tpu.memref_squeeze %dma_start3A_55 : memref<1x64xi32, #tpu.memory_space<hbm>> -> memref<64xi32, #tpu.memory_space<hbm>>
    %dma_start3A_57 = arith.constant 0 : i32
    %dma_start3A_58 = tpu.memref_slice %arg3[%add3A_53, %dma_start3A_57] : memref<5120x64xi32, #tpu.memory_space<hbm>> -> memref<1x64xi32, #tpu.memory_space<hbm>>
    %dma_start3A_59 = tpu.memref_squeeze %dma_start3A_58 : memref<1x64xi32, #tpu.memory_space<hbm>> -> memref<64xi32, #tpu.memory_space<hbm>>
    tpu.enqueue_dma source(%dma_start3A_59 : memref<64xi32, #tpu.memory_space<hbm>>) target(%arg11 : memref<64xi32, #tpu.memory_space<vmem>>) target_semaphore(%arg47 : memref<!tpu.dma_semaphore, #tpu.memory_space<semaphore_mem>>)
    %add3A_60 = arith.constant 2 : i32
    %add3A_61 = arith.addi %mul3A_2, %add3A_60 : i32
    %dma_start3A_62 = arith.constant 0 : i32
    %dma_start3A_63 = tpu.memref_slice %arg4[%add3A_61, %dma_start3A_62] : memref<5120x64xi32, #tpu.memory_space<hbm>> -> memref<1x64xi32, #tpu.memory_space<hbm>>
    %dma_start3A_64 = tpu.memref_squeeze %dma_start3A_63 : memref<1x64xi32, #tpu.memory_space<hbm>> -> memref<64xi32, #tpu.memory_space<hbm>>
    %dma_start3A_65 = arith.constant 0 : i32
    %dma_start3A_66 = tpu.memref_slice %arg4[%add3A_61, %dma_start3A_65] : memref<5120x64xi32, #tpu.memory_space<hbm>> -> memref<1x64xi32, #tpu.memory_space<hbm>>
    %dma_start3A_67 = tpu.memref_squeeze %dma_start3A_66 : memref<1x64xi32, #tpu.memory_space<hbm>> -> memref<64xi32, #tpu.memory_space<hbm>>
    tpu.enqueue_dma source(%dma_start3A_67 : memref<64xi32, #tpu.memory_space<hbm>>) target(%arg19 : memref<64xi32, #tpu.memory_space<vmem>>) target_semaphore(%arg47 : memref<!tpu.dma_semaphore, #tpu.memory_space<semaphore_mem>>)
    %add3A_68 = arith.constant 2 : i32
    %add3A_69 = arith.addi %mul3A_2, %add3A_68 : i32
    %dma_start3A_70 = arith.constant 0 : i32
    %dma_start3A_71 = tpu.memref_slice %arg5[%add3A_69, %dma_start3A_70] : memref<5120x64xf32, #tpu.memory_space<hbm>> -> memref<1x64xf32, #tpu.memory_space<hbm>>
    %dma_start3A_72 = tpu.memref_squeeze %dma_start3A_71 : memref<1x64xf32, #tpu.memory_space<hbm>> -> memref<64xf32, #tpu.memory_space<hbm>>
    %dma_start3A_73 = arith.constant 0 : i32
    %dma_start3A_74 = tpu.memref_slice %arg5[%add3A_69, %dma_start3A_73] : memref<5120x64xf32, #tpu.memory_space<hbm>> -> memref<1x64xf32, #tpu.memory_space<hbm>>
    %dma_start3A_75 = tpu.memref_squeeze %dma_start3A_74 : memref<1x64xf32, #tpu.memory_space<hbm>> -> memref<64xf32, #tpu.memory_space<hbm>>
    tpu.enqueue_dma source(%dma_start3A_75 : memref<64xf32, #tpu.memory_space<hbm>>) target(%arg27 : memref<64xf32, #tpu.memory_space<vmem>>) target_semaphore(%arg47 : memref<!tpu.dma_semaphore, #tpu.memory_space<semaphore_mem>>)
    %add3A_76 = arith.constant 3 : i32
    %add3A_77 = arith.addi %mul3A_2, %add3A_76 : i32
    %dma_start3A_78 = arith.constant 0 : i32
    %dma_start3A_79 = tpu.memref_slice %arg3[%add3A_77, %dma_start3A_78] : memref<5120x64xi32, #tpu.memory_space<hbm>> -> memref<1x64xi32, #tpu.memory_space<hbm>>
    %dma_start3A_80 = tpu.memref_squeeze %dma_start3A_79 : memref<1x64xi32, #tpu.memory_space<hbm>> -> memref<64xi32, #tpu.memory_space<hbm>>
    %dma_start3A_81 = arith.constant 0 : i32
    %dma_start3A_82 = tpu.memref_slice %arg3[%add3A_77, %dma_start3A_81] : memref<5120x64xi32, #tpu.memory_space<hbm>> -> memref<1x64xi32, #tpu.memory_space<hbm>>
    %dma_start3A_83 = tpu.memref_squeeze %dma_start3A_82 : memref<1x64xi32, #tpu.memory_space<hbm>> -> memref<64xi32, #tpu.memory_space<hbm>>
    tpu.enqueue_dma source(%dma_start3A_83 : memref<64xi32, #tpu.memory_space<hbm>>) target(%arg12 : memref<64xi32, #tpu.memory_space<vmem>>) target_semaphore(%arg48 : memref<!tpu.dma_semaphore, #tpu.memory_space<semaphore_mem>>)
    %add3A_84 = arith.constant 3 : i32
    %add3A_85 = arith.addi %mul3A_2, %add3A_84 : i32
    %dma_start3A_86 = arith.constant 0 : i32
    %dma_start3A_87 = tpu.memref_slice %arg4[%add3A_85, %dma_start3A_86] : memref<5120x64xi32, #tpu.memory_space<hbm>> -> memref<1x64xi32, #tpu.memory_space<hbm>>
    %dma_start3A_88 = tpu.memref_squeeze %dma_start3A_87 : memref<1x64xi32, #tpu.memory_space<hbm>> -> memref<64xi32, #tpu.memory_space<hbm>>
    %dma_start3A_89 = arith.constant 0 : i32
    %dma_start3A_90 = tpu.memref_slice %arg4[%add3A_85, %dma_start3A_89] : memref<5120x64xi32, #tpu.memory_space<hbm>> -> memref<1x64xi32, #tpu.memory_space<hbm>>
    %dma_start3A_91 = tpu.memref_squeeze %dma_start3A_90 : memref<1x64xi32, #tpu.memory_space<hbm>> -> memref<64xi32, #tpu.memory_space<hbm>>
    tpu.enqueue_dma source(%dma_start3A_91 : memref<64xi32, #tpu.memory_space<hbm>>) target(%arg20 : memref<64xi32, #tpu.memory_space<vmem>>) target_semaphore(%arg48 : memref<!tpu.dma_semaphore, #tpu.memory_space<semaphore_mem>>)
    %add3A_92 = arith.constant 3 : i32
    %add3A_93 = arith.addi %mul3A_2, %add3A_92 : i32
    %dma_start3A_94 = arith.constant 0 : i32
    %dma_start3A_95 = tpu.memref_slice %arg5[%add3A_93, %dma_start3A_94] : memref<5120x64xf32, #tpu.memory_space<hbm>> -> memref<1x64xf32, #tpu.memory_space<hbm>>
    %dma_start3A_96 = tpu.memref_squeeze %dma_start3A_95 : memref<1x64xf32, #tpu.memory_space<hbm>> -> memref<64xf32, #tpu.memory_space<hbm>>
    %dma_start3A_97 = arith.constant 0 : i32
    %dma_start3A_98 = tpu.memref_slice %arg5[%add3A_93, %dma_start3A_97] : memref<5120x64xf32, #tpu.memory_space<hbm>> -> memref<1x64xf32, #tpu.memory_space<hbm>>
    %dma_start3A_99 = tpu.memref_squeeze %dma_start3A_98 : memref<1x64xf32, #tpu.memory_space<hbm>> -> memref<64xf32, #tpu.memory_space<hbm>>
    tpu.enqueue_dma source(%dma_start3A_99 : memref<64xf32, #tpu.memory_space<hbm>>) target(%arg28 : memref<64xf32, #tpu.memory_space<vmem>>) target_semaphore(%arg48 : memref<!tpu.dma_semaphore, #tpu.memory_space<semaphore_mem>>)
    %add3A_100 = arith.constant 4 : i32
    %add3A_101 = arith.addi %mul3A_2, %add3A_100 : i32
    %dma_start3A_102 = arith.constant 0 : i32
    %dma_start3A_103 = tpu.memref_slice %arg3[%add3A_101, %dma_start3A_102] : memref<5120x64xi32, #tpu.memory_space<hbm>> -> memref<1x64xi32, #tpu.memory_space<hbm>>
    %dma_start3A_104 = tpu.memref_squeeze %dma_start3A_103 : memref<1x64xi32, #tpu.memory_space<hbm>> -> memref<64xi32, #tpu.memory_space<hbm>>
    %dma_start3A_105 = arith.constant 0 : i32
    %dma_start3A_106 = tpu.memref_slice %arg3[%add3A_101, %dma_start3A_105] : memref<5120x64xi32, #tpu.memory_space<hbm>> -> memref<1x64xi32, #tpu.memory_space<hbm>>
    %dma_start3A_107 = tpu.memref_squeeze %dma_start3A_106 : memref<1x64xi32, #tpu.memory_space<hbm>> -> memref<64xi32, #tpu.memory_space<hbm>>
    tpu.enqueue_dma source(%dma_start3A_107 : memref<64xi32, #tpu.memory_space<hbm>>) target(%arg13 : memref<64xi32, #tpu.memory_space<vmem>>) target_semaphore(%arg49 : memref<!tpu.dma_semaphore, #tpu.memory_space<semaphore_mem>>)
    %add3A_108 = arith.constant 4 : i32
    %add3A_109 = arith.addi %mul3A_2, %add3A_108 : i32
    %dma_start3A_110 = arith.constant 0 : i32
    %dma_start3A_111 = tpu.memref_slice %arg4[%add3A_109, %dma_start3A_110] : memref<5120x64xi32, #tpu.memory_space<hbm>> -> memref<1x64xi32, #tpu.memory_space<hbm>>
    %dma_start3A_112 = tpu.memref_squeeze %dma_start3A_111 : memref<1x64xi32, #tpu.memory_space<hbm>> -> memref<64xi32, #tpu.memory_space<hbm>>
    %dma_start3A_113 = arith.constant 0 : i32
    %dma_start3A_114 = tpu.memref_slice %arg4[%add3A_109, %dma_start3A_113] : memref<5120x64xi32, #tpu.memory_space<hbm>> -> memref<1x64xi32, #tpu.memory_space<hbm>>
    %dma_start3A_115 = tpu.memref_squeeze %dma_start3A_114 : memref<1x64xi32, #tpu.memory_space<hbm>> -> memref<64xi32, #tpu.memory_space<hbm>>
    tpu.enqueue_dma source(%dma_start3A_115 : memref<64xi32, #tpu.memory_space<hbm>>) target(%arg21 : memref<64xi32, #tpu.memory_space<vmem>>) target_semaphore(%arg49 : memref<!tpu.dma_semaphore, #tpu.memory_space<semaphore_mem>>)
    %add3A_116 = arith.constant 4 : i32
    %add3A_117 = arith.addi %mul3A_2, %add3A_116 : i32
    %dma_start3A_118 = arith.constant 0 : i32
    %dma_start3A_119 = tpu.memref_slice %arg5[%add3A_117, %dma_start3A_118] : memref<5120x64xf32, #tpu.memory_space<hbm>> -> memref<1x64xf32, #tpu.memory_space<hbm>>
    %dma_start3A_120 = tpu.memref_squeeze %dma_start3A_119 : memref<1x64xf32, #tpu.memory_space<hbm>> -> memref<64xf32, #tpu.memory_space<hbm>>
    %dma_start3A_121 = arith.constant 0 : i32
    %dma_start3A_122 = tpu.memref_slice %arg5[%add3A_117, %dma_start3A_121] : memref<5120x64xf32, #tpu.memory_space<hbm>> -> memref<1x64xf32, #tpu.memory_space<hbm>>
    %dma_start3A_123 = tpu.memref_squeeze %dma_start3A_122 : memref<1x64xf32, #tpu.memory_space<hbm>> -> memref<64xf32, #tpu.memory_space<hbm>>
    tpu.enqueue_dma source(%dma_start3A_123 : memref<64xf32, #tpu.memory_space<hbm>>) target(%arg29 : memref<64xf32, #tpu.memory_space<vmem>>) target_semaphore(%arg49 : memref<!tpu.dma_semaphore, #tpu.memory_space<semaphore_mem>>)
    %add3A_124 = arith.constant 5 : i32
    %add3A_125 = arith.addi %mul3A_2, %add3A_124 : i32
    %dma_start3A_126 = arith.constant 0 : i32
    %dma_start3A_127 = tpu.memref_slice %arg3[%add3A_125, %dma_start3A_126] : memref<5120x64xi32, #tpu.memory_space<hbm>> -> memref<1x64xi32, #tpu.memory_space<hbm>>
    %dma_start3A_128 = tpu.memref_squeeze %dma_start3A_127 : memref<1x64xi32, #tpu.memory_space<hbm>> -> memref<64xi32, #tpu.memory_space<hbm>>
    %dma_start3A_129 = arith.constant 0 : i32
    %dma_start3A_130 = tpu.memref_slice %arg3[%add3A_125, %dma_start3A_129] : memref<5120x64xi32, #tpu.memory_space<hbm>> -> memref<1x64xi32, #tpu.memory_space<hbm>>
    %dma_start3A_131 = tpu.memref_squeeze %dma_start3A_130 : memref<1x64xi32, #tpu.memory_space<hbm>> -> memref<64xi32, #tpu.memory_space<hbm>>
    tpu.enqueue_dma source(%dma_start3A_131 : memref<64xi32, #tpu.memory_space<hbm>>) target(%arg14 : memref<64xi32, #tpu.memory_space<vmem>>) target_semaphore(%arg50 : memref<!tpu.dma_semaphore, #tpu.memory_space<semaphore_mem>>)
    %add3A_132 = arith.constant 5 : i32
    %add3A_133 = arith.addi %mul3A_2, %add3A_132 : i32
    %dma_start3A_134 = arith.constant 0 : i32
    %dma_start3A_135 = tpu.memref_slice %arg4[%add3A_133, %dma_start3A_134] : memref<5120x64xi32, #tpu.memory_space<hbm>> -> memref<1x64xi32, #tpu.memory_space<hbm>>
    %dma_start3A_136 = tpu.memref_squeeze %dma_start3A_135 : memref<1x64xi32, #tpu.memory_space<hbm>> -> memref<64xi32, #tpu.memory_space<hbm>>
    %dma_start3A_137 = arith.constant 0 : i32
    %dma_start3A_138 = tpu.memref_slice %arg4[%add3A_133, %dma_start3A_137] : memref<5120x64xi32, #tpu.memory_space<hbm>> -> memref<1x64xi32, #tpu.memory_space<hbm>>
    %dma_start3A_139 = tpu.memref_squeeze %dma_start3A_138 : memref<1x64xi32, #tpu.memory_space<hbm>> -> memref<64xi32, #tpu.memory_space<hbm>>
    tpu.enqueue_dma source(%dma_start3A_139 : memref<64xi32, #tpu.memory_space<hbm>>) target(%arg22 : memref<64xi32, #tpu.memory_space<vmem>>) target_semaphore(%arg50 : memref<!tpu.dma_semaphore, #tpu.memory_space<semaphore_mem>>)
    %add3A_140 = arith.constant 5 : i32
    %add3A_141 = arith.addi %mul3A_2, %add3A_140 : i32
    %dma_start3A_142 = arith.constant 0 : i32
    %dma_start3A_143 = tpu.memref_slice %arg5[%add3A_141, %dma_start3A_142] : memref<5120x64xf32, #tpu.memory_space<hbm>> -> memref<1x64xf32, #tpu.memory_space<hbm>>
    %dma_start3A_144 = tpu.memref_squeeze %dma_start3A_143 : memref<1x64xf32, #tpu.memory_space<hbm>> -> memref<64xf32, #tpu.memory_space<hbm>>
    %dma_start3A_145 = arith.constant 0 : i32
    %dma_start3A_146 = tpu.memref_slice %arg5[%add3A_141, %dma_start3A_145] : memref<5120x64xf32, #tpu.memory_space<hbm>> -> memref<1x64xf32, #tpu.memory_space<hbm>>
    %dma_start3A_147 = tpu.memref_squeeze %dma_start3A_146 : memref<1x64xf32, #tpu.memory_space<hbm>> -> memref<64xf32, #tpu.memory_space<hbm>>
    tpu.enqueue_dma source(%dma_start3A_147 : memref<64xf32, #tpu.memory_space<hbm>>) target(%arg30 : memref<64xf32, #tpu.memory_space<vmem>>) target_semaphore(%arg50 : memref<!tpu.dma_semaphore, #tpu.memory_space<semaphore_mem>>)
    %add3A_148 = arith.constant 0 : i32
    %add3A_149 = arith.addi %mul3A_2, %add3A_148 : i32
    %dma_wait3A = arith.constant 0 : i32
    %dma_wait3A_150 = tpu.memref_slice %arg3[%add3A_149, %dma_wait3A] : memref<5120x64xi32, #tpu.memory_space<hbm>> -> memref<1x64xi32, #tpu.memory_space<hbm>>
    %dma_wait3A_151 = tpu.memref_squeeze %dma_wait3A_150 : memref<1x64xi32, #tpu.memory_space<hbm>> -> memref<64xi32, #tpu.memory_space<hbm>>
    %dma_wait3A_152 = arith.constant 0 : i32
    %dma_wait3A_153 = tpu.memref_slice %arg3[%add3A_149, %dma_wait3A_152] : memref<5120x64xi32, #tpu.memory_space<hbm>> -> memref<1x64xi32, #tpu.memory_space<hbm>>
    %dma_wait3A_154 = tpu.memref_squeeze %dma_wait3A_153 : memref<1x64xi32, #tpu.memory_space<hbm>> -> memref<64xi32, #tpu.memory_space<hbm>>
    tpu.wait_dma2 semaphore(%arg45 : memref<!tpu.dma_semaphore, #tpu.memory_space<semaphore_mem>>) src(%dma_wait3A_154 : memref<64xi32, #tpu.memory_space<hbm>>) dst(%arg9 : memref<64xi32, #tpu.memory_space<vmem>>)
    %add3A_155 = arith.constant 0 : i32
    %add3A_156 = arith.addi %mul3A_2, %add3A_155 : i32
    %dma_wait3A_157 = arith.constant 0 : i32
    %dma_wait3A_158 = tpu.memref_slice %arg4[%add3A_156, %dma_wait3A_157] : memref<5120x64xi32, #tpu.memory_space<hbm>> -> memref<1x64xi32, #tpu.memory_space<hbm>>
    %dma_wait3A_159 = tpu.memref_squeeze %dma_wait3A_158 : memref<1x64xi32, #tpu.memory_space<hbm>> -> memref<64xi32, #tpu.memory_space<hbm>>
    %dma_wait3A_160 = arith.constant 0 : i32
    %dma_wait3A_161 = tpu.memref_slice %arg4[%add3A_156, %dma_wait3A_160] : memref<5120x64xi32, #tpu.memory_space<hbm>> -> memref<1x64xi32, #tpu.memory_space<hbm>>
    %dma_wait3A_162 = tpu.memref_squeeze %dma_wait3A_161 : memref<1x64xi32, #tpu.memory_space<hbm>> -> memref<64xi32, #tpu.memory_space<hbm>>
    tpu.wait_dma2 semaphore(%arg45 : memref<!tpu.dma_semaphore, #tpu.memory_space<semaphore_mem>>) src(%dma_wait3A_162 : memref<64xi32, #tpu.memory_space<hbm>>) dst(%arg17 : memref<64xi32, #tpu.memory_space<vmem>>)
    %add3A_163 = arith.constant 0 : i32
    %add3A_164 = arith.addi %mul3A_2, %add3A_163 : i32
    %dma_wait3A_165 = arith.constant 0 : i32
    %dma_wait3A_166 = tpu.memref_slice %arg5[%add3A_164, %dma_wait3A_165] : memref<5120x64xf32, #tpu.memory_space<hbm>> -> memref<1x64xf32, #tpu.memory_space<hbm>>
    %dma_wait3A_167 = tpu.memref_squeeze %dma_wait3A_166 : memref<1x64xf32, #tpu.memory_space<hbm>> -> memref<64xf32, #tpu.memory_space<hbm>>
    %dma_wait3A_168 = arith.constant 0 : i32
    %dma_wait3A_169 = tpu.memref_slice %arg5[%add3A_164, %dma_wait3A_168] : memref<5120x64xf32, #tpu.memory_space<hbm>> -> memref<1x64xf32, #tpu.memory_space<hbm>>
    %dma_wait3A_170 = tpu.memref_squeeze %dma_wait3A_169 : memref<1x64xf32, #tpu.memory_space<hbm>> -> memref<64xf32, #tpu.memory_space<hbm>>
    tpu.wait_dma2 semaphore(%arg45 : memref<!tpu.dma_semaphore, #tpu.memory_space<semaphore_mem>>) src(%dma_wait3A_170 : memref<64xf32, #tpu.memory_space<hbm>>) dst(%arg25 : memref<64xf32, #tpu.memory_space<vmem>>)
    %dma_start3A_171 = arith.constant 0 : i32
    %dma_start3A_172 = arith.constant 0 : i32
    %dma_start3A_173 = tpu.memref_slice %arg2[%dma_start3A_171, %dma_start3A_172] : memref<10000x64xi32, #tpu.memory_space<hbm>> -> memref<10000x64xi32, #tpu.memory_space<hbm>>
    tpu.enqueue_indirect_dma source(%dma_start3A_173 : memref<10000x64xi32, #tpu.memory_space<hbm>>) target(%arg33 : memref<64x64xi32, #tpu.memory_space<vmem>>) offsets(%arg9 : memref<64xi32, #tpu.memory_space<vmem>>) semaphore(%arg39 : memref<!tpu.dma_semaphore, #tpu.memory_space<semaphore_mem>>)
    %add3A_174 = arith.constant 1 : i32
    %add3A_175 = arith.addi %mul3A_2, %add3A_174 : i32
    %dma_wait3A_176 = arith.constant 0 : i32
    %dma_wait3A_177 = tpu.memref_slice %arg3[%add3A_175, %dma_wait3A_176] : memref<5120x64xi32, #tpu.memory_space<hbm>> -> memref<1x64xi32, #tpu.memory_space<hbm>>
    %dma_wait3A_178 = tpu.memref_squeeze %dma_wait3A_177 : memref<1x64xi32, #tpu.memory_space<hbm>> -> memref<64xi32, #tpu.memory_space<hbm>>
    %dma_wait3A_179 = arith.constant 0 : i32
    %dma_wait3A_180 = tpu.memref_slice %arg3[%add3A_175, %dma_wait3A_179] : memref<5120x64xi32, #tpu.memory_space<hbm>> -> memref<1x64xi32, #tpu.memory_space<hbm>>
    %dma_wait3A_181 = tpu.memref_squeeze %dma_wait3A_180 : memref<1x64xi32, #tpu.memory_space<hbm>> -> memref<64xi32, #tpu.memory_space<hbm>>
    tpu.wait_dma2 semaphore(%arg46 : memref<!tpu.dma_semaphore, #tpu.memory_space<semaphore_mem>>) src(%dma_wait3A_181 : memref<64xi32, #tpu.memory_space<hbm>>) dst(%arg10 : memref<64xi32, #tpu.memory_space<vmem>>)
    %add3A_182 = arith.constant 1 : i32
    %add3A_183 = arith.addi %mul3A_2, %add3A_182 : i32
    %dma_wait3A_184 = arith.constant 0 : i32
    %dma_wait3A_185 = tpu.memref_slice %arg4[%add3A_183, %dma_wait3A_184] : memref<5120x64xi32, #tpu.memory_space<hbm>> -> memref<1x64xi32, #tpu.memory_space<hbm>>
    %dma_wait3A_186 = tpu.memref_squeeze %dma_wait3A_185 : memref<1x64xi32, #tpu.memory_space<hbm>> -> memref<64xi32, #tpu.memory_space<hbm>>
    %dma_wait3A_187 = arith.constant 0 : i32
    %dma_wait3A_188 = tpu.memref_slice %arg4[%add3A_183, %dma_wait3A_187] : memref<5120x64xi32, #tpu.memory_space<hbm>> -> memref<1x64xi32, #tpu.memory_space<hbm>>
    %dma_wait3A_189 = tpu.memref_squeeze %dma_wait3A_188 : memref<1x64xi32, #tpu.memory_space<hbm>> -> memref<64xi32, #tpu.memory_space<hbm>>
    tpu.wait_dma2 semaphore(%arg46 : memref<!tpu.dma_semaphore, #tpu.memory_space<semaphore_mem>>) src(%dma_wait3A_189 : memref<64xi32, #tpu.memory_space<hbm>>) dst(%arg18 : memref<64xi32, #tpu.memory_space<vmem>>)
    %add3A_190 = arith.constant 1 : i32
    %add3A_191 = arith.addi %mul3A_2, %add3A_190 : i32
    %dma_wait3A_192 = arith.constant 0 : i32
    %dma_wait3A_193 = tpu.memref_slice %arg5[%add3A_191, %dma_wait3A_192] : memref<5120x64xf32, #tpu.memory_space<hbm>> -> memref<1x64xf32, #tpu.memory_space<hbm>>
    %dma_wait3A_194 = tpu.memref_squeeze %dma_wait3A_193 : memref<1x64xf32, #tpu.memory_space<hbm>> -> memref<64xf32, #tpu.memory_space<hbm>>
    %dma_wait3A_195 = arith.constant 0 : i32
    %dma_wait3A_196 = tpu.memref_slice %arg5[%add3A_191, %dma_wait3A_195] : memref<5120x64xf32, #tpu.memory_space<hbm>> -> memref<1x64xf32, #tpu.memory_space<hbm>>
    %dma_wait3A_197 = tpu.memref_squeeze %dma_wait3A_196 : memref<1x64xf32, #tpu.memory_space<hbm>> -> memref<64xf32, #tpu.memory_space<hbm>>
    tpu.wait_dma2 semaphore(%arg46 : memref<!tpu.dma_semaphore, #tpu.memory_space<semaphore_mem>>) src(%dma_wait3A_197 : memref<64xf32, #tpu.memory_space<hbm>>) dst(%arg26 : memref<64xf32, #tpu.memory_space<vmem>>)
    %dma_start3A_198 = arith.constant 0 : i32
    %dma_start3A_199 = arith.constant 0 : i32
    %dma_start3A_200 = tpu.memref_slice %arg2[%dma_start3A_198, %dma_start3A_199] : memref<10000x64xi32, #tpu.memory_space<hbm>> -> memref<10000x64xi32, #tpu.memory_space<hbm>>
    tpu.enqueue_indirect_dma source(%dma_start3A_200 : memref<10000x64xi32, #tpu.memory_space<hbm>>) target(%arg34 : memref<64x64xi32, #tpu.memory_space<vmem>>) offsets(%arg10 : memref<64xi32, #tpu.memory_space<vmem>>) semaphore(%arg40 : memref<!tpu.dma_semaphore, #tpu.memory_space<semaphore_mem>>)
    %add3A_201 = arith.constant 2 : i32
    %add3A_202 = arith.addi %mul3A_2, %add3A_201 : i32
    %dma_wait3A_203 = arith.constant 0 : i32
    %dma_wait3A_204 = tpu.memref_slice %arg3[%add3A_202, %dma_wait3A_203] : memref<5120x64xi32, #tpu.memory_space<hbm>> -> memref<1x64xi32, #tpu.memory_space<hbm>>
    %dma_wait3A_205 = tpu.memref_squeeze %dma_wait3A_204 : memref<1x64xi32, #tpu.memory_space<hbm>> -> memref<64xi32, #tpu.memory_space<hbm>>
    %dma_wait3A_206 = arith.constant 0 : i32
    %dma_wait3A_207 = tpu.memref_slice %arg3[%add3A_202, %dma_wait3A_206] : memref<5120x64xi32, #tpu.memory_space<hbm>> -> memref<1x64xi32, #tpu.memory_space<hbm>>
    %dma_wait3A_208 = tpu.memref_squeeze %dma_wait3A_207 : memref<1x64xi32, #tpu.memory_space<hbm>> -> memref<64xi32, #tpu.memory_space<hbm>>
    tpu.wait_dma2 semaphore(%arg47 : memref<!tpu.dma_semaphore, #tpu.memory_space<semaphore_mem>>) src(%dma_wait3A_208 : memref<64xi32, #tpu.memory_space<hbm>>) dst(%arg11 : memref<64xi32, #tpu.memory_space<vmem>>)
    %add3A_209 = arith.constant 2 : i32
    %add3A_210 = arith.addi %mul3A_2, %add3A_209 : i32
    %dma_wait3A_211 = arith.constant 0 : i32
    %dma_wait3A_212 = tpu.memref_slice %arg4[%add3A_210, %dma_wait3A_211] : memref<5120x64xi32, #tpu.memory_space<hbm>> -> memref<1x64xi32, #tpu.memory_space<hbm>>
    %dma_wait3A_213 = tpu.memref_squeeze %dma_wait3A_212 : memref<1x64xi32, #tpu.memory_space<hbm>> -> memref<64xi32, #tpu.memory_space<hbm>>
    %dma_wait3A_214 = arith.constant 0 : i32
    %dma_wait3A_215 = tpu.memref_slice %arg4[%add3A_210, %dma_wait3A_214] : memref<5120x64xi32, #tpu.memory_space<hbm>> -> memref<1x64xi32, #tpu.memory_space<hbm>>
    %dma_wait3A_216 = tpu.memref_squeeze %dma_wait3A_215 : memref<1x64xi32, #tpu.memory_space<hbm>> -> memref<64xi32, #tpu.memory_space<hbm>>
    tpu.wait_dma2 semaphore(%arg47 : memref<!tpu.dma_semaphore, #tpu.memory_space<semaphore_mem>>) src(%dma_wait3A_216 : memref<64xi32, #tpu.memory_space<hbm>>) dst(%arg19 : memref<64xi32, #tpu.memory_space<vmem>>)
    %add3A_217 = arith.constant 2 : i32
    %add3A_218 = arith.addi %mul3A_2, %add3A_217 : i32
    %dma_wait3A_219 = arith.constant 0 : i32
    %dma_wait3A_220 = tpu.memref_slice %arg5[%add3A_218, %dma_wait3A_219] : memref<5120x64xf32, #tpu.memory_space<hbm>> -> memref<1x64xf32, #tpu.memory_space<hbm>>
    %dma_wait3A_221 = tpu.memref_squeeze %dma_wait3A_220 : memref<1x64xf32, #tpu.memory_space<hbm>> -> memref<64xf32, #tpu.memory_space<hbm>>
    %dma_wait3A_222 = arith.constant 0 : i32
    %dma_wait3A_223 = tpu.memref_slice %arg5[%add3A_218, %dma_wait3A_222] : memref<5120x64xf32, #tpu.memory_space<hbm>> -> memref<1x64xf32, #tpu.memory_space<hbm>>
    %dma_wait3A_224 = tpu.memref_squeeze %dma_wait3A_223 : memref<1x64xf32, #tpu.memory_space<hbm>> -> memref<64xf32, #tpu.memory_space<hbm>>
    tpu.wait_dma2 semaphore(%arg47 : memref<!tpu.dma_semaphore, #tpu.memory_space<semaphore_mem>>) src(%dma_wait3A_224 : memref<64xf32, #tpu.memory_space<hbm>>) dst(%arg27 : memref<64xf32, #tpu.memory_space<vmem>>)
    %dma_start3A_225 = arith.constant 0 : i32
    %dma_start3A_226 = arith.constant 0 : i32
    %dma_start3A_227 = tpu.memref_slice %arg2[%dma_start3A_225, %dma_start3A_226] : memref<10000x64xi32, #tpu.memory_space<hbm>> -> memref<10000x64xi32, #tpu.memory_space<hbm>>
    tpu.enqueue_indirect_dma source(%dma_start3A_227 : memref<10000x64xi32, #tpu.memory_space<hbm>>) target(%arg35 : memref<64x64xi32, #tpu.memory_space<vmem>>) offsets(%arg11 : memref<64xi32, #tpu.memory_space<vmem>>) semaphore(%arg41 : memref<!tpu.dma_semaphore, #tpu.memory_space<semaphore_mem>>)
    %dma_start3A_228 = arith.constant 0 : i32
    %dma_start3A_229 = tpu.memref_slice %arg8[%mul3A_4, %dma_start3A_228] : memref<10112x128xf32, #tpu.memory_space<vmem_shared>> -> memref<632x128xf32, #tpu.memory_space<vmem_shared>>
    %dma_start3A_230 = arith.constant 0 : i32
    %dma_start3A_231 = tpu.memref_slice %arg6[%mul3A_4, %dma_start3A_230] : memref<10112x128xf32, #tpu.memory_space<hbm>> -> memref<632x128xf32, #tpu.memory_space<hbm>>
    tpu.enqueue_dma source(%dma_start3A_231 : memref<632x128xf32, #tpu.memory_space<hbm>>) target(%dma_start3A_229 : memref<632x128xf32, #tpu.memory_space<vmem_shared>>) target_semaphore(%arg53 : memref<!tpu.dma_semaphore, #tpu.memory_space<semaphore_mem>>)
    %dma_wait3A_232 = arith.constant 0 : i32
    %dma_wait3A_233 = tpu.memref_slice %arg8[%mul3A_4, %dma_wait3A_232] : memref<10112x128xf32, #tpu.memory_space<vmem_shared>> -> memref<632x128xf32, #tpu.memory_space<vmem_shared>>
    %dma_wait3A_234 = arith.constant 0 : i32
    %dma_wait3A_235 = tpu.memref_slice %arg6[%mul3A_4, %dma_wait3A_234] : memref<10112x128xf32, #tpu.memory_space<hbm>> -> memref<632x128xf32, #tpu.memory_space<hbm>>
    tpu.wait_dma2 semaphore(%arg53 : memref<!tpu.dma_semaphore, #tpu.memory_space<semaphore_mem>>) src(%dma_wait3A_235 : memref<632x128xf32, #tpu.memory_space<hbm>>) dst(%dma_wait3A_233 : memref<632x128xf32, #tpu.memory_space<vmem_shared>>)
    %barrier3A = arith.constant 0 : index
    tpu.barrier barrier_id(%barrier3A)
    %scan3A = arith.constant 0 : i32
    %scan3A_236 = arith.constant 0 : i32
    %scan3A_237 = arith.constant 20 : i32
    %scan3A_238 = arith.addi %scan3A_236, %scan3A_237 : i32
    %scan3A_239 = arith.constant 1 : i32
    scf.for %scan3A_248 = %scan3A_236 to %scan3A_238 step %scan3A_239  : i32 {
      %mul3A_249 = arith.constant 8 : i32
      %mul3A_250 = arith.muli %scan3A_248, %mul3A_249 : i32
      %add3A_251 = arith.constant 0 : i32
      %add3A_252 = arith.addi %mul3A_250, %add3A_251 : i32
      %dma_wait3A_253 = arith.constant 0 : i32
      %dma_wait3A_254 = arith.constant 0 : i32
      %dma_wait3A_255 = tpu.memref_slice %arg2[%dma_wait3A_253, %dma_wait3A_254] : memref<10000x64xi32, #tpu.memory_space<hbm>> -> memref<10000x64xi32, #tpu.memory_space<hbm>>
      tpu.wait_indirect_dma semaphore(%arg39 : memref<!tpu.dma_semaphore, #tpu.memory_space<semaphore_mem>>) src(%dma_wait3A_255 : memref<10000x64xi32, #tpu.memory_space<hbm>>) dst(%arg33 : memref<64x64xi32, #tpu.memory_space<vmem>>)
      %gt3A = arith.constant 0 : i32
      %gt3A_256 = arith.cmpi sgt, %scan3A_248, %gt3A : i32
      %convert_element_type3A = arith.extui %gt3A_256 : i1 to i32
      %cond3A = arith.constant 0 : i32
      %cond3A_257 = arith.cmpi ne, %convert_element_type3A, %cond3A : i32
      scf.if %cond3A_257 {
        %dma_wait3A_597 = arith.constant 0 : i32
        %dma_wait3A_598 = arith.constant 0 : i32
        %dma_wait3A_599 = tpu.memref_slice %arg8[%dma_wait3A_597, %dma_wait3A_598] : memref<10112x128xf32, #tpu.memory_space<vmem_shared>> -> memref<10112x128xf32, #tpu.memory_space<vmem_shared>>
        tpu.wait_indirect_dma semaphore(%arg43 : memref<!tpu.dma_semaphore, #tpu.memory_space<semaphore_mem>>) src(%arg37 : memref<64x128xf32, #tpu.memory_space<vmem>>) dst(%dma_wait3A_599 : memref<10112x128xf32, #tpu.memory_space<vmem_shared>>)
      } else {
      }
      %parallel_loop3A = arith.constant 0 : i32
      %parallel_loop3A_258 = arith.constant 64 : i32
      %parallel_loop3A_259 = arith.constant 1 : i32
      scf.for %parallel_loop3A_597 = %parallel_loop3A to %parallel_loop3A_258 step %parallel_loop3A_259  : i32 {
        %parallel_loop3A_598 = vector.broadcast %parallel_loop3A_597 : i32 to vector<16xi32>
        %parallel_loop3A_599 = tpu.vector_load_idx %arg25[%parallel_loop3A_598] : memref<64xf32, #tpu.memory_space<vmem>>[vector<16xi32>], vector<16xf32>,
        %parallel_loop3A_600 = arith.index_cast %parallel_loop3A_597 : i32 to index
        %parallel_loop3A_601 = arith.constant 0 : index
        %parallel_loop3A_602 = tpu.vector_load %arg33[%parallel_loop3A_600, %parallel_loop3A_601] {strides = array<i32>} : memref<64x64xi32, #tpu.memory_space<vmem>>, vector<16xi32>,
        %parallel_loop3A_603 = vector.bitcast %parallel_loop3A_602 : vector<16xi32> to vector<32xbf16>
        %parallel_loop3A_604 = tpu.unpack_subelements %parallel_loop3A_603, 0 {pack_format = #tpu.pack_format<interleaved>} : vector<32xbf16> -> vector<16xf32>
        %parallel_loop3A_605 = tpu.unpack_subelements %parallel_loop3A_603, 1 {pack_format = #tpu.pack_format<interleaved>} : vector<32xbf16> -> vector<16xf32>
        %parallel_loop3A_606 = arith.mulf %parallel_loop3A_604, %parallel_loop3A_599 : vector<16xf32>
        %parallel_loop3A_607 = arith.index_cast %parallel_loop3A_597 : i32 to index
        %parallel_loop3A_608 = arith.constant 0 : index
        %parallel_loop3A_609 = tpu.vector_load %arg37[%parallel_loop3A_607, %parallel_loop3A_608] {strides = array<i32>} : memref<64x128xf32, #tpu.memory_space<vmem>>, vector<16xf32>,
        tpu.vector_store %arg37[%parallel_loop3A_607, %parallel_loop3A_608], %parallel_loop3A_606 {strides = array<i32>} : memref<64x128xf32, #tpu.memory_space<vmem>>, vector<16xf32>,
        %parallel_loop3A_610 = arith.mulf %parallel_loop3A_605, %parallel_loop3A_599 : vector<16xf32>
        %parallel_loop3A_611 = arith.index_cast %parallel_loop3A_597 : i32 to index
        %parallel_loop3A_612 = arith.constant 16 : index
        %parallel_loop3A_613 = tpu.vector_load %arg37[%parallel_loop3A_611, %parallel_loop3A_612] {strides = array<i32>} : memref<64x128xf32, #tpu.memory_space<vmem>>, vector<16xf32>,
        tpu.vector_store %arg37[%parallel_loop3A_611, %parallel_loop3A_612], %parallel_loop3A_610 {strides = array<i32>} : memref<64x128xf32, #tpu.memory_space<vmem>>, vector<16xf32>,
        %parallel_loop3A_614 = arith.index_cast %parallel_loop3A_597 : i32 to index
        %parallel_loop3A_615 = arith.constant 16 : index
        %parallel_loop3A_616 = tpu.vector_load %arg33[%parallel_loop3A_614, %parallel_loop3A_615] {strides = array<i32>} : memref<64x64xi32, #tpu.memory_space<vmem>>, vector<16xi32>,
        %parallel_loop3A_617 = vector.bitcast %parallel_loop3A_616 : vector<16xi32> to vector<32xbf16>
        %parallel_loop3A_618 = tpu.unpack_subelements %parallel_loop3A_617, 0 {pack_format = #tpu.pack_format<interleaved>} : vector<32xbf16> -> vector<16xf32>
        %parallel_loop3A_619 = tpu.unpack_subelements %parallel_loop3A_617, 1 {pack_format = #tpu.pack_format<interleaved>} : vector<32xbf16> -> vector<16xf32>
        %parallel_loop3A_620 = arith.mulf %parallel_loop3A_618, %parallel_loop3A_599 : vector<16xf32>
        %parallel_loop3A_621 = arith.index_cast %parallel_loop3A_597 : i32 to index
        %parallel_loop3A_622 = arith.constant 32 : index
        %parallel_loop3A_623 = tpu.vector_load %arg37[%parallel_loop3A_621, %parallel_loop3A_622] {strides = array<i32>} : memref<64x128xf32, #tpu.memory_space<vmem>>, vector<16xf32>,
        tpu.vector_store %arg37[%parallel_loop3A_621, %parallel_loop3A_622], %parallel_loop3A_620 {strides = array<i32>} : memref<64x128xf32, #tpu.memory_space<vmem>>, vector<16xf32>,
        %parallel_loop3A_624 = arith.mulf %parallel_loop3A_619, %parallel_loop3A_599 : vector<16xf32>
        %parallel_loop3A_625 = arith.index_cast %parallel_loop3A_597 : i32 to index
        %parallel_loop3A_626 = arith.constant 48 : index
        %parallel_loop3A_627 = tpu.vector_load %arg37[%parallel_loop3A_625, %parallel_loop3A_626] {strides = array<i32>} : memref<64x128xf32, #tpu.memory_space<vmem>>, vector<16xf32>,
        tpu.vector_store %arg37[%parallel_loop3A_625, %parallel_loop3A_626], %parallel_loop3A_624 {strides = array<i32>} : memref<64x128xf32, #tpu.memory_space<vmem>>, vector<16xf32>,
        %parallel_loop3A_628 = arith.index_cast %parallel_loop3A_597 : i32 to index
        %parallel_loop3A_629 = arith.constant 32 : index
        %parallel_loop3A_630 = tpu.vector_load %arg33[%parallel_loop3A_628, %parallel_loop3A_629] {strides = array<i32>} : memref<64x64xi32, #tpu.memory_space<vmem>>, vector<16xi32>,
        %parallel_loop3A_631 = vector.bitcast %parallel_loop3A_630 : vector<16xi32> to vector<32xbf16>
        %parallel_loop3A_632 = tpu.unpack_subelements %parallel_loop3A_631, 0 {pack_format = #tpu.pack_format<interleaved>} : vector<32xbf16> -> vector<16xf32>
        %parallel_loop3A_633 = tpu.unpack_subelements %parallel_loop3A_631, 1 {pack_format = #tpu.pack_format<interleaved>} : vector<32xbf16> -> vector<16xf32>
        %parallel_loop3A_634 = arith.mulf %parallel_loop3A_632, %parallel_loop3A_599 : vector<16xf32>
        %parallel_loop3A_635 = arith.index_cast %parallel_loop3A_597 : i32 to index
        %parallel_loop3A_636 = arith.constant 64 : index
        %parallel_loop3A_637 = tpu.vector_load %arg37[%parallel_loop3A_635, %parallel_loop3A_636] {strides = array<i32>} : memref<64x128xf32, #tpu.memory_space<vmem>>, vector<16xf32>,
        tpu.vector_store %arg37[%parallel_loop3A_635, %parallel_loop3A_636], %parallel_loop3A_634 {strides = array<i32>} : memref<64x128xf32, #tpu.memory_space<vmem>>, vector<16xf32>,
        %parallel_loop3A_638 = arith.mulf %parallel_loop3A_633, %parallel_loop3A_599 : vector<16xf32>
        %parallel_loop3A_639 = arith.index_cast %parallel_loop3A_597 : i32 to index
        %parallel_loop3A_640 = arith.constant 80 : index
        %parallel_loop3A_641 = tpu.vector_load %arg37[%parallel_loop3A_639, %parallel_loop3A_640] {strides = array<i32>} : memref<64x128xf32, #tpu.memory_space<vmem>>, vector<16xf32>,
        tpu.vector_store %arg37[%parallel_loop3A_639, %parallel_loop3A_640], %parallel_loop3A_638 {strides = array<i32>} : memref<64x128xf32, #tpu.memory_space<vmem>>, vector<16xf32>,
        %parallel_loop3A_642 = arith.index_cast %parallel_loop3A_597 : i32 to index
        %parallel_loop3A_643 = arith.constant 48 : index
        %parallel_loop3A_644 = tpu.vector_load %arg33[%parallel_loop3A_642, %parallel_loop3A_643] {strides = array<i32>} : memref<64x64xi32, #tpu.memory_space<vmem>>, vector<16xi32>,
        %parallel_loop3A_645 = vector.bitcast %parallel_loop3A_644 : vector<16xi32> to vector<32xbf16>
        %parallel_loop3A_646 = tpu.unpack_subelements %parallel_loop3A_645, 0 {pack_format = #tpu.pack_format<interleaved>} : vector<32xbf16> -> vector<16xf32>
        %parallel_loop3A_647 = tpu.unpack_subelements %parallel_loop3A_645, 1 {pack_format = #tpu.pack_format<interleaved>} : vector<32xbf16> -> vector<16xf32>
        %parallel_loop3A_648 = arith.mulf %parallel_loop3A_646, %parallel_loop3A_599 : vector<16xf32>
        %parallel_loop3A_649 = arith.index_cast %parallel_loop3A_597 : i32 to index
        %parallel_loop3A_650 = arith.constant 96 : index
        %parallel_loop3A_651 = tpu.vector_load %arg37[%parallel_loop3A_649, %parallel_loop3A_650] {strides = array<i32>} : memref<64x128xf32, #tpu.memory_space<vmem>>, vector<16xf32>,
        tpu.vector_store %arg37[%parallel_loop3A_649, %parallel_loop3A_650], %parallel_loop3A_648 {strides = array<i32>} : memref<64x128xf32, #tpu.memory_space<vmem>>, vector<16xf32>,
        %parallel_loop3A_652 = arith.mulf %parallel_loop3A_647, %parallel_loop3A_599 : vector<16xf32>
        %parallel_loop3A_653 = arith.index_cast %parallel_loop3A_597 : i32 to index
        %parallel_loop3A_654 = arith.constant 112 : index
        %parallel_loop3A_655 = tpu.vector_load %arg37[%parallel_loop3A_653, %parallel_loop3A_654] {strides = array<i32>} : memref<64x128xf32, #tpu.memory_space<vmem>>, vector<16xf32>,
        tpu.vector_store %arg37[%parallel_loop3A_653, %parallel_loop3A_654], %parallel_loop3A_652 {strides = array<i32>} : memref<64x128xf32, #tpu.memory_space<vmem>>, vector<16xf32>,
      } {sc.loop_unroll_factor = 2 : i64, sc.parallel_access}
      %dma_start3A_260 = arith.constant 0 : i32
      %dma_start3A_261 = arith.constant 0 : i32
      %dma_start3A_262 = tpu.memref_slice %arg8[%dma_start3A_260, %dma_start3A_261] : memref<10112x128xf32, #tpu.memory_space<vmem_shared>> -> memref<10112x128xf32, #tpu.memory_space<vmem_shared>>
      tpu.enqueue_indirect_dma source(%arg37 : memref<64x128xf32, #tpu.memory_space<vmem>>) target(%dma_start3A_262 : memref<10112x128xf32, #tpu.memory_space<vmem_shared>>) offsets(%arg17 : memref<64xi32, #tpu.memory_space<vmem>>) semaphore(%arg43 : memref<!tpu.dma_semaphore, #tpu.memory_space<semaphore_mem>>) {add = true}
      %add3A_263 = arith.constant 3 : i32
      %add3A_264 = arith.addi %add3A_252, %add3A_263 : i32
      %add3A_265 = arith.addi %mul3A_2, %add3A_264 : i32
      %dma_wait3A_266 = arith.constant 0 : i32
      %dma_wait3A_267 = tpu.memref_slice %arg3[%add3A_265, %dma_wait3A_266] : memref<5120x64xi32, #tpu.memory_space<hbm>> -> memref<1x64xi32, #tpu.memory_space<hbm>>
      %dma_wait3A_268 = tpu.memref_squeeze %dma_wait3A_267 : memref<1x64xi32, #tpu.memory_space<hbm>> -> memref<64xi32, #tpu.memory_space<hbm>>
      %dma_wait3A_269 = arith.constant 0 : i32
      %dma_wait3A_270 = tpu.memref_slice %arg3[%add3A_265, %dma_wait3A_269] : memref<5120x64xi32, #tpu.memory_space<hbm>> -> memref<1x64xi32, #tpu.memory_space<hbm>>
      %dma_wait3A_271 = tpu.memref_squeeze %dma_wait3A_270 : memref<1x64xi32, #tpu.memory_space<hbm>> -> memref<64xi32, #tpu.memory_space<hbm>>
      tpu.wait_dma2 semaphore(%arg48 : memref<!tpu.dma_semaphore, #tpu.memory_space<semaphore_mem>>) src(%dma_wait3A_271 : memref<64xi32, #tpu.memory_space<hbm>>) dst(%arg12 : memref<64xi32, #tpu.memory_space<vmem>>)
      %add3A_272 = arith.addi %mul3A_2, %add3A_264 : i32
      %dma_wait3A_273 = arith.constant 0 : i32
      %dma_wait3A_274 = tpu.memref_slice %arg4[%add3A_272, %dma_wait3A_273] : memref<5120x64xi32, #tpu.memory_space<hbm>> -> memref<1x64xi32, #tpu.memory_space<hbm>>
      %dma_wait3A_275 = tpu.memref_squeeze %dma_wait3A_274 : memref<1x64xi32, #tpu.memory_space<hbm>> -> memref<64xi32, #tpu.memory_space<hbm>>
      %dma_wait3A_276 = arith.constant 0 : i32
      %dma_wait3A_277 = tpu.memref_slice %arg4[%add3A_272, %dma_wait3A_276] : memref<5120x64xi32, #tpu.memory_space<hbm>> -> memref<1x64xi32, #tpu.memory_space<hbm>>
      %dma_wait3A_278 = tpu.memref_squeeze %dma_wait3A_277 : memref<1x64xi32, #tpu.memory_space<hbm>> -> memref<64xi32, #tpu.memory_space<hbm>>
      tpu.wait_dma2 semaphore(%arg48 : memref<!tpu.dma_semaphore, #tpu.memory_space<semaphore_mem>>) src(%dma_wait3A_278 : memref<64xi32, #tpu.memory_space<hbm>>) dst(%arg20 : memref<64xi32, #tpu.memory_space<vmem>>)
      %add3A_279 = arith.addi %mul3A_2, %add3A_264 : i32
      %dma_wait3A_280 = arith.constant 0 : i32
      %dma_wait3A_281 = tpu.memref_slice %arg5[%add3A_279, %dma_wait3A_280] : memref<5120x64xf32, #tpu.memory_space<hbm>> -> memref<1x64xf32, #tpu.memory_space<hbm>>
      %dma_wait3A_282 = tpu.memref_squeeze %dma_wait3A_281 : memref<1x64xf32, #tpu.memory_space<hbm>> -> memref<64xf32, #tpu.memory_space<hbm>>
      %dma_wait3A_283 = arith.constant 0 : i32
      %dma_wait3A_284 = tpu.memref_slice %arg5[%add3A_279, %dma_wait3A_283] : memref<5120x64xf32, #tpu.memory_space<hbm>> -> memref<1x64xf32, #tpu.memory_space<hbm>>
      %dma_wait3A_285 = tpu.memref_squeeze %dma_wait3A_284 : memref<1x64xf32, #tpu.memory_space<hbm>> -> memref<64xf32, #tpu.memory_space<hbm>>
      tpu.wait_dma2 semaphore(%arg48 : memref<!tpu.dma_semaphore, #tpu.memory_space<semaphore_mem>>) src(%dma_wait3A_285 : memref<64xf32, #tpu.memory_space<hbm>>) dst(%arg28 : memref<64xf32, #tpu.memory_space<vmem>>)
      %dma_start3A_286 = arith.constant 0 : i32
      %dma_start3A_287 = arith.constant 0 : i32
      %dma_start3A_288 = tpu.memref_slice %arg2[%dma_start3A_286, %dma_start3A_287] : memref<10000x64xi32, #tpu.memory_space<hbm>> -> memref<10000x64xi32, #tpu.memory_space<hbm>>
      tpu.enqueue_indirect_dma source(%dma_start3A_288 : memref<10000x64xi32, #tpu.memory_space<hbm>>) target(%arg36 : memref<64x64xi32, #tpu.memory_space<vmem>>) offsets(%arg12 : memref<64xi32, #tpu.memory_space<vmem>>) semaphore(%arg42 : memref<!tpu.dma_semaphore, #tpu.memory_space<semaphore_mem>>)
      %add3A_289 = arith.constant 6 : i32
      %add3A_290 = arith.addi %add3A_252, %add3A_289 : i32
      %add3A_291 = arith.addi %mul3A_2, %add3A_290 : i32
      %dma_start3A_292 = arith.constant 0 : i32
      %dma_start3A_293 = tpu.memref_slice %arg3[%add3A_291, %dma_start3A_292] : memref<5120x64xi32, #tpu.memory_space<hbm>> -> memref<1x64xi32, #tpu.memory_space<hbm>>
      %dma_start3A_294 = tpu.memref_squeeze %dma_start3A_293 : memref<1x64xi32, #tpu.memory_space<hbm>> -> memref<64xi32, #tpu.memory_space<hbm>>
      %dma_start3A_295 = arith.constant 0 : i32
      %dma_start3A_296 = tpu.memref_slice %arg3[%add3A_291, %dma_start3A_295] : memref<5120x64xi32, #tpu.memory_space<hbm>> -> memref<1x64xi32, #tpu.memory_space<hbm>>
      %dma_start3A_297 = tpu.memref_squeeze %dma_start3A_296 : memref<1x64xi32, #tpu.memory_space<hbm>> -> memref<64xi32, #tpu.memory_space<hbm>>
      tpu.enqueue_dma source(%dma_start3A_297 : memref<64xi32, #tpu.memory_space<hbm>>) target(%arg15 : memref<64xi32, #tpu.memory_space<vmem>>) target_semaphore(%arg51 : memref<!tpu.dma_semaphore, #tpu.memory_space<semaphore_mem>>)
      %add3A_298 = arith.addi %mul3A_2, %add3A_290 : i32
      %dma_start3A_299 = arith.constant 0 : i32
      %dma_start3A_300 = tpu.memref_slice %arg4[%add3A_298, %dma_start3A_299] : memref<5120x64xi32, #tpu.memory_space<hbm>> -> memref<1x64xi32, #tpu.memory_space<hbm>>
      %dma_start3A_301 = tpu.memref_squeeze %dma_start3A_300 : memref<1x64xi32, #tpu.memory_space<hbm>> -> memref<64xi32, #tpu.memory_space<hbm>>
      %dma_start3A_302 = arith.constant 0 : i32
      %dma_start3A_303 = tpu.memref_slice %arg4[%add3A_298, %dma_start3A_302] : memref<5120x64xi32, #tpu.memory_space<hbm>> -> memref<1x64xi32, #tpu.memory_space<hbm>>
      %dma_start3A_304 = tpu.memref_squeeze %dma_start3A_303 : memref<1x64xi32, #tpu.memory_space<hbm>> -> memref<64xi32, #tpu.memory_space<hbm>>
      tpu.enqueue_dma source(%dma_start3A_304 : memref<64xi32, #tpu.memory_space<hbm>>) target(%arg23 : memref<64xi32, #tpu.memory_space<vmem>>) target_semaphore(%arg51 : memref<!tpu.dma_semaphore, #tpu.memory_space<semaphore_mem>>)
      %add3A_305 = arith.addi %mul3A_2, %add3A_290 : i32
      %dma_start3A_306 = arith.constant 0 : i32
      %dma_start3A_307 = tpu.memref_slice %arg5[%add3A_305, %dma_start3A_306] : memref<5120x64xf32, #tpu.memory_space<hbm>> -> memref<1x64xf32, #tpu.memory_space<hbm>>
      %dma_start3A_308 = tpu.memref_squeeze %dma_start3A_307 : memref<1x64xf32, #tpu.memory_space<hbm>> -> memref<64xf32, #tpu.memory_space<hbm>>
      %dma_start3A_309 = arith.constant 0 : i32
      %dma_start3A_310 = tpu.memref_slice %arg5[%add3A_305, %dma_start3A_309] : memref<5120x64xf32, #tpu.memory_space<hbm>> -> memref<1x64xf32, #tpu.memory_space<hbm>>
      %dma_start3A_311 = tpu.memref_squeeze %dma_start3A_310 : memref<1x64xf32, #tpu.memory_space<hbm>> -> memref<64xf32, #tpu.memory_space<hbm>>
      tpu.enqueue_dma source(%dma_start3A_311 : memref<64xf32, #tpu.memory_space<hbm>>) target(%arg31 : memref<64xf32, #tpu.memory_space<vmem>>) target_semaphore(%arg51 : memref<!tpu.dma_semaphore, #tpu.memory_space<semaphore_mem>>)
      %mul3A_312 = arith.constant 8 : i32
      %mul3A_313 = arith.muli %scan3A_248, %mul3A_312 : i32
      %add3A_314 = arith.constant 1 : i32
      %add3A_315 = arith.addi %mul3A_313, %add3A_314 : i32
      %dma_wait3A_316 = arith.constant 0 : i32
      %dma_wait3A_317 = arith.constant 0 : i32
      %dma_wait3A_318 = tpu.memref_slice %arg2[%dma_wait3A_316, %dma_wait3A_317] : memref<10000x64xi32, #tpu.memory_space<hbm>> -> memref<10000x64xi32, #tpu.memory_space<hbm>>
      tpu.wait_indirect_dma semaphore(%arg40 : memref<!tpu.dma_semaphore, #tpu.memory_space<semaphore_mem>>) src(%dma_wait3A_318 : memref<10000x64xi32, #tpu.memory_space<hbm>>) dst(%arg34 : memref<64x64xi32, #tpu.memory_space<vmem>>)
      %gt3A_319 = arith.constant 0 : i32
      %gt3A_320 = arith.cmpi sgt, %scan3A_248, %gt3A_319 : i32
      %convert_element_type3A_321 = arith.extui %gt3A_320 : i1 to i32
      %cond3A_322 = arith.constant 0 : i32
      %cond3A_323 = arith.cmpi ne, %convert_element_type3A_321, %cond3A_322 : i32
      scf.if %cond3A_323 {
        %dma_wait3A_597 = arith.constant 0 : i32
        %dma_wait3A_598 = arith.constant 0 : i32
        %dma_wait3A_599 = tpu.memref_slice %arg8[%dma_wait3A_597, %dma_wait3A_598] : memref<10112x128xf32, #tpu.memory_space<vmem_shared>> -> memref<10112x128xf32, #tpu.memory_space<vmem_shared>>
        tpu.wait_indirect_dma semaphore(%arg44 : memref<!tpu.dma_semaphore, #tpu.memory_space<semaphore_mem>>) src(%arg38 : memref<64x128xf32, #tpu.memory_space<vmem>>) dst(%dma_wait3A_599 : memref<10112x128xf32, #tpu.memory_space<vmem_shared>>)
      } else {
      }
      %parallel_loop3A_324 = arith.constant 0 : i32
      %parallel_loop3A_325 = arith.constant 64 : i32
      %parallel_loop3A_326 = arith.constant 1 : i32
      scf.for %parallel_loop3A_597 = %parallel_loop3A_324 to %parallel_loop3A_325 step %parallel_loop3A_326  : i32 {
        %parallel_loop3A_598 = vector.broadcast %parallel_loop3A_597 : i32 to vector<16xi32>
        %parallel_loop3A_599 = tpu.vector_load_idx %arg26[%parallel_loop3A_598] : memref<64xf32, #tpu.memory_space<vmem>>[vector<16xi32>], vector<16xf32>,
        %parallel_loop3A_600 = arith.index_cast %parallel_loop3A_597 : i32 to index
        %parallel_loop3A_601 = arith.constant 0 : index
        %parallel_loop3A_602 = tpu.vector_load %arg34[%parallel_loop3A_600, %parallel_loop3A_601] {strides = array<i32>} : memref<64x64xi32, #tpu.memory_space<vmem>>, vector<16xi32>,
        %parallel_loop3A_603 = vector.bitcast %parallel_loop3A_602 : vector<16xi32> to vector<32xbf16>
        %parallel_loop3A_604 = tpu.unpack_subelements %parallel_loop3A_603, 0 {pack_format = #tpu.pack_format<interleaved>} : vector<32xbf16> -> vector<16xf32>
        %parallel_loop3A_605 = tpu.unpack_subelements %parallel_loop3A_603, 1 {pack_format = #tpu.pack_format<interleaved>} : vector<32xbf16> -> vector<16xf32>
        %parallel_loop3A_606 = arith.mulf %parallel_loop3A_604, %parallel_loop3A_599 : vector<16xf32>
        %parallel_loop3A_607 = arith.index_cast %parallel_loop3A_597 : i32 to index
        %parallel_loop3A_608 = arith.constant 0 : index
        %parallel_loop3A_609 = tpu.vector_load %arg38[%parallel_loop3A_607, %parallel_loop3A_608] {strides = array<i32>} : memref<64x128xf32, #tpu.memory_space<vmem>>, vector<16xf32>,
        tpu.vector_store %arg38[%parallel_loop3A_607, %parallel_loop3A_608], %parallel_loop3A_606 {strides = array<i32>} : memref<64x128xf32, #tpu.memory_space<vmem>>, vector<16xf32>,
        %parallel_loop3A_610 = arith.mulf %parallel_loop3A_605, %parallel_loop3A_599 : vector<16xf32>
        %parallel_loop3A_611 = arith.index_cast %parallel_loop3A_597 : i32 to index
        %parallel_loop3A_612 = arith.constant 16 : index
        %parallel_loop3A_613 = tpu.vector_load %arg38[%parallel_loop3A_611, %parallel_loop3A_612] {strides = array<i32>} : memref<64x128xf32, #tpu.memory_space<vmem>>, vector<16xf32>,
        tpu.vector_store %arg38[%parallel_loop3A_611, %parallel_loop3A_612], %parallel_loop3A_610 {strides = array<i32>} : memref<64x128xf32, #tpu.memory_space<vmem>>, vector<16xf32>,
        %parallel_loop3A_614 = arith.index_cast %parallel_loop3A_597 : i32 to index
        %parallel_loop3A_615 = arith.constant 16 : index
        %parallel_loop3A_616 = tpu.vector_load %arg34[%parallel_loop3A_614, %parallel_loop3A_615] {strides = array<i32>} : memref<64x64xi32, #tpu.memory_space<vmem>>, vector<16xi32>,
        %parallel_loop3A_617 = vector.bitcast %parallel_loop3A_616 : vector<16xi32> to vector<32xbf16>
        %parallel_loop3A_618 = tpu.unpack_subelements %parallel_loop3A_617, 0 {pack_format = #tpu.pack_format<interleaved>} : vector<32xbf16> -> vector<16xf32>
        %parallel_loop3A_619 = tpu.unpack_subelements %parallel_loop3A_617, 1 {pack_format = #tpu.pack_format<interleaved>} : vector<32xbf16> -> vector<16xf32>
        %parallel_loop3A_620 = arith.mulf %parallel_loop3A_618, %parallel_loop3A_599 : vector<16xf32>
        %parallel_loop3A_621 = arith.index_cast %parallel_loop3A_597 : i32 to index
        %parallel_loop3A_622 = arith.constant 32 : index
        %parallel_loop3A_623 = tpu.vector_load %arg38[%parallel_loop3A_621, %parallel_loop3A_622] {strides = array<i32>} : memref<64x128xf32, #tpu.memory_space<vmem>>, vector<16xf32>,
        tpu.vector_store %arg38[%parallel_loop3A_621, %parallel_loop3A_622], %parallel_loop3A_620 {strides = array<i32>} : memref<64x128xf32, #tpu.memory_space<vmem>>, vector<16xf32>,
        %parallel_loop3A_624 = arith.mulf %parallel_loop3A_619, %parallel_loop3A_599 : vector<16xf32>
        %parallel_loop3A_625 = arith.index_cast %parallel_loop3A_597 : i32 to index
        %parallel_loop3A_626 = arith.constant 48 : index
        %parallel_loop3A_627 = tpu.vector_load %arg38[%parallel_loop3A_625, %parallel_loop3A_626] {strides = array<i32>} : memref<64x128xf32, #tpu.memory_space<vmem>>, vector<16xf32>,
        tpu.vector_store %arg38[%parallel_loop3A_625, %parallel_loop3A_626], %parallel_loop3A_624 {strides = array<i32>} : memref<64x128xf32, #tpu.memory_space<vmem>>, vector<16xf32>,
        %parallel_loop3A_628 = arith.index_cast %parallel_loop3A_597 : i32 to index
        %parallel_loop3A_629 = arith.constant 32 : index
        %parallel_loop3A_630 = tpu.vector_load %arg34[%parallel_loop3A_628, %parallel_loop3A_629] {strides = array<i32>} : memref<64x64xi32, #tpu.memory_space<vmem>>, vector<16xi32>,
        %parallel_loop3A_631 = vector.bitcast %parallel_loop3A_630 : vector<16xi32> to vector<32xbf16>
        %parallel_loop3A_632 = tpu.unpack_subelements %parallel_loop3A_631, 0 {pack_format = #tpu.pack_format<interleaved>} : vector<32xbf16> -> vector<16xf32>
        %parallel_loop3A_633 = tpu.unpack_subelements %parallel_loop3A_631, 1 {pack_format = #tpu.pack_format<interleaved>} : vector<32xbf16> -> vector<16xf32>
        %parallel_loop3A_634 = arith.mulf %parallel_loop3A_632, %parallel_loop3A_599 : vector<16xf32>
        %parallel_loop3A_635 = arith.index_cast %parallel_loop3A_597 : i32 to index
        %parallel_loop3A_636 = arith.constant 64 : index
        %parallel_loop3A_637 = tpu.vector_load %arg38[%parallel_loop3A_635, %parallel_loop3A_636] {strides = array<i32>} : memref<64x128xf32, #tpu.memory_space<vmem>>, vector<16xf32>,
        tpu.vector_store %arg38[%parallel_loop3A_635, %parallel_loop3A_636], %parallel_loop3A_634 {strides = array<i32>} : memref<64x128xf32, #tpu.memory_space<vmem>>, vector<16xf32>,
        %parallel_loop3A_638 = arith.mulf %parallel_loop3A_633, %parallel_loop3A_599 : vector<16xf32>
        %parallel_loop3A_639 = arith.index_cast %parallel_loop3A_597 : i32 to index
        %parallel_loop3A_640 = arith.constant 80 : index
        %parallel_loop3A_641 = tpu.vector_load %arg38[%parallel_loop3A_639, %parallel_loop3A_640] {strides = array<i32>} : memref<64x128xf32, #tpu.memory_space<vmem>>, vector<16xf32>,
        tpu.vector_store %arg38[%parallel_loop3A_639, %parallel_loop3A_640], %parallel_loop3A_638 {strides = array<i32>} : memref<64x128xf32, #tpu.memory_space<vmem>>, vector<16xf32>,
        %parallel_loop3A_642 = arith.index_cast %parallel_loop3A_597 : i32 to index
        %parallel_loop3A_643 = arith.constant 48 : index
        %parallel_loop3A_644 = tpu.vector_load %arg34[%parallel_loop3A_642, %parallel_loop3A_643] {strides = array<i32>} : memref<64x64xi32, #tpu.memory_space<vmem>>, vector<16xi32>,
        %parallel_loop3A_645 = vector.bitcast %parallel_loop3A_644 : vector<16xi32> to vector<32xbf16>
        %parallel_loop3A_646 = tpu.unpack_subelements %parallel_loop3A_645, 0 {pack_format = #tpu.pack_format<interleaved>} : vector<32xbf16> -> vector<16xf32>
        %parallel_loop3A_647 = tpu.unpack_subelements %parallel_loop3A_645, 1 {pack_format = #tpu.pack_format<interleaved>} : vector<32xbf16> -> vector<16xf32>
        %parallel_loop3A_648 = arith.mulf %parallel_loop3A_646, %parallel_loop3A_599 : vector<16xf32>
        %parallel_loop3A_649 = arith.index_cast %parallel_loop3A_597 : i32 to index
        %parallel_loop3A_650 = arith.constant 96 : index
        %parallel_loop3A_651 = tpu.vector_load %arg38[%parallel_loop3A_649, %parallel_loop3A_650] {strides = array<i32>} : memref<64x128xf32, #tpu.memory_space<vmem>>, vector<16xf32>,
        tpu.vector_store %arg38[%parallel_loop3A_649, %parallel_loop3A_650], %parallel_loop3A_648 {strides = array<i32>} : memref<64x128xf32, #tpu.memory_space<vmem>>, vector<16xf32>,
        %parallel_loop3A_652 = arith.mulf %parallel_loop3A_647, %parallel_loop3A_599 : vector<16xf32>
        %parallel_loop3A_653 = arith.index_cast %parallel_loop3A_597 : i32 to index
        %parallel_loop3A_654 = arith.constant 112 : index
        %parallel_loop3A_655 = tpu.vector_load %arg38[%parallel_loop3A_653, %parallel_loop3A_654] {strides = array<i32>} : memref<64x128xf32, #tpu.memory_space<vmem>>, vector<16xf32>,
        tpu.vector_store %arg38[%parallel_loop3A_653, %parallel_loop3A_654], %parallel_loop3A_652 {strides = array<i32>} : memref<64x128xf32, #tpu.memory_space<vmem>>, vector<16xf32>,
      } {sc.loop_unroll_factor = 2 : i64, sc.parallel_access}
      %dma_start3A_327 = arith.constant 0 : i32
      %dma_start3A_328 = arith.constant 0 : i32
      %dma_start3A_329 = tpu.memref_slice %arg8[%dma_start3A_327, %dma_start3A_328] : memref<10112x128xf32, #tpu.memory_space<vmem_shared>> -> memref<10112x128xf32, #tpu.memory_space<vmem_shared>>
      tpu.enqueue_indirect_dma source(%arg38 : memref<64x128xf32, #tpu.memory_space<vmem>>) target(%dma_start3A_329 : memref<10112x128xf32, #tpu.memory_space<vmem_shared>>) offsets(%arg18 : memref<64xi32, #tpu.memory_space<vmem>>) semaphore(%arg44 : memref<!tpu.dma_semaphore, #tpu.memory_space<semaphore_mem>>) {add = true}
      %add3A_330 = arith.constant 3 : i32
      %add3A_331 = arith.addi %add3A_315, %add3A_330 : i32
      %add3A_332 = arith.addi %mul3A_2, %add3A_331 : i32
      %dma_wait3A_333 = arith.constant 0 : i32
      %dma_wait3A_334 = tpu.memref_slice %arg3[%add3A_332, %dma_wait3A_333] : memref<5120x64xi32, #tpu.memory_space<hbm>> -> memref<1x64xi32, #tpu.memory_space<hbm>>
      %dma_wait3A_335 = tpu.memref_squeeze %dma_wait3A_334 : memref<1x64xi32, #tpu.memory_space<hbm>> -> memref<64xi32, #tpu.memory_space<hbm>>
      %dma_wait3A_336 = arith.constant 0 : i32
      %dma_wait3A_337 = tpu.memref_slice %arg3[%add3A_332, %dma_wait3A_336] : memref<5120x64xi32, #tpu.memory_space<hbm>> -> memref<1x64xi32, #tpu.memory_space<hbm>>
      %dma_wait3A_338 = tpu.memref_squeeze %dma_wait3A_337 : memref<1x64xi32, #tpu.memory_space<hbm>> -> memref<64xi32, #tpu.memory_space<hbm>>
      tpu.wait_dma2 semaphore(%arg49 : memref<!tpu.dma_semaphore, #tpu.memory_space<semaphore_mem>>) src(%dma_wait3A_338 : memref<64xi32, #tpu.memory_space<hbm>>) dst(%arg13 : memref<64xi32, #tpu.memory_space<vmem>>)
      %add3A_339 = arith.addi %mul3A_2, %add3A_331 : i32
      %dma_wait3A_340 = arith.constant 0 : i32
      %dma_wait3A_341 = tpu.memref_slice %arg4[%add3A_339, %dma_wait3A_340] : memref<5120x64xi32, #tpu.memory_space<hbm>> -> memref<1x64xi32, #tpu.memory_space<hbm>>
      %dma_wait3A_342 = tpu.memref_squeeze %dma_wait3A_341 : memref<1x64xi32, #tpu.memory_space<hbm>> -> memref<64xi32, #tpu.memory_space<hbm>>
      %dma_wait3A_343 = arith.constant 0 : i32
      %dma_wait3A_344 = tpu.memref_slice %arg4[%add3A_339, %dma_wait3A_343] : memref<5120x64xi32, #tpu.memory_space<hbm>> -> memref<1x64xi32, #tpu.memory_space<hbm>>
      %dma_wait3A_345 = tpu.memref_squeeze %dma_wait3A_344 : memref<1x64xi32, #tpu.memory_space<hbm>> -> memref<64xi32, #tpu.memory_space<hbm>>
      tpu.wait_dma2 semaphore(%arg49 : memref<!tpu.dma_semaphore, #tpu.memory_space<semaphore_mem>>) src(%dma_wait3A_345 : memref<64xi32, #tpu.memory_space<hbm>>) dst(%arg21 : memref<64xi32, #tpu.memory_space<vmem>>)
      %add3A_346 = arith.addi %mul3A_2, %add3A_331 : i32
      %dma_wait3A_347 = arith.constant 0 : i32
      %dma_wait3A_348 = tpu.memref_slice %arg5[%add3A_346, %dma_wait3A_347] : memref<5120x64xf32, #tpu.memory_space<hbm>> -> memref<1x64xf32, #tpu.memory_space<hbm>>
      %dma_wait3A_349 = tpu.memref_squeeze %dma_wait3A_348 : memref<1x64xf32, #tpu.memory_space<hbm>> -> memref<64xf32, #tpu.memory_space<hbm>>
      %dma_wait3A_350 = arith.constant 0 : i32
      %dma_wait3A_351 = tpu.memref_slice %arg5[%add3A_346, %dma_wait3A_350] : memref<5120x64xf32, #tpu.memory_space<hbm>> -> memref<1x64xf32, #tpu.memory_space<hbm>>
      %dma_wait3A_352 = tpu.memref_squeeze %dma_wait3A_351 : memref<1x64xf32, #tpu.memory_space<hbm>> -> memref<64xf32, #tpu.memory_space<hbm>>
      tpu.wait_dma2 semaphore(%arg49 : memref<!tpu.dma_semaphore, #tpu.memory_space<semaphore_mem>>) src(%dma_wait3A_352 : memref<64xf32, #tpu.memory_space<hbm>>) dst(%arg29 : memref<64xf32, #tpu.memory_space<vmem>>)
      %dma_start3A_353 = arith.constant 0 : i32
      %dma_start3A_354 = arith.constant 0 : i32
      %dma_start3A_355 = tpu.memref_slice %arg2[%dma_start3A_353, %dma_start3A_354] : memref<10000x64xi32, #tpu.memory_space<hbm>> -> memref<10000x64xi32, #tpu.memory_space<hbm>>
      tpu.enqueue_indirect_dma source(%dma_start3A_355 : memref<10000x64xi32, #tpu.memory_space<hbm>>) target(%arg33 : memref<64x64xi32, #tpu.memory_space<vmem>>) offsets(%arg13 : memref<64xi32, #tpu.memory_space<vmem>>) semaphore(%arg39 : memref<!tpu.dma_semaphore, #tpu.memory_space<semaphore_mem>>)
      %add3A_356 = arith.constant 6 : i32
      %add3A_357 = arith.addi %add3A_315, %add3A_356 : i32
      %add3A_358 = arith.addi %mul3A_2, %add3A_357 : i32
      %dma_start3A_359 = arith.constant 0 : i32
      %dma_start3A_360 = tpu.memref_slice %arg3[%add3A_358, %dma_start3A_359] : memref<5120x64xi32, #tpu.memory_space<hbm>> -> memref<1x64xi32, #tpu.memory_space<hbm>>
      %dma_start3A_361 = tpu.memref_squeeze %dma_start3A_360 : memref<1x64xi32, #tpu.memory_space<hbm>> -> memref<64xi32, #tpu.memory_space<hbm>>
      %dma_start3A_362 = arith.constant 0 : i32
      %dma_start3A_363 = tpu.memref_slice %arg3[%add3A_358, %dma_start3A_362] : memref<5120x64xi32, #tpu.memory_space<hbm>> -> memref<1x64xi32, #tpu.memory_space<hbm>>
      %dma_start3A_364 = tpu.memref_squeeze %dma_start3A_363 : memref<1x64xi32, #tpu.memory_space<hbm>> -> memref<64xi32, #tpu.memory_space<hbm>>
      tpu.enqueue_dma source(%dma_start3A_364 : memref<64xi32, #tpu.memory_space<hbm>>) target(%arg16 : memref<64xi32, #tpu.memory_space<vmem>>) target_semaphore(%arg52 : memref<!tpu.dma_semaphore, #tpu.memory_space<semaphore_mem>>)
      %add3A_365 = arith.addi %mul3A_2, %add3A_357 : i32
      %dma_start3A_366 = arith.constant 0 : i32
      %dma_start3A_367 = tpu.memref_slice %arg4[%add3A_365, %dma_start3A_366] : memref<5120x64xi32, #tpu.memory_space<hbm>> -> memref<1x64xi32, #tpu.memory_space<hbm>>
      %dma_start3A_368 = tpu.memref_squeeze %dma_start3A_367 : memref<1x64xi32, #tpu.memory_space<hbm>> -> memref<64xi32, #tpu.memory_space<hbm>>
      %dma_start3A_369 = arith.constant 0 : i32
      %dma_start3A_370 = tpu.memref_slice %arg4[%add3A_365, %dma_start3A_369] : memref<5120x64xi32, #tpu.memory_space<hbm>> -> memref<1x64xi32, #tpu.memory_space<hbm>>
      %dma_start3A_371 = tpu.memref_squeeze %dma_start3A_370 : memref<1x64xi32, #tpu.memory_space<hbm>> -> memref<64xi32, #tpu.memory_space<hbm>>
      tpu.enqueue_dma source(%dma_start3A_371 : memref<64xi32, #tpu.memory_space<hbm>>) target(%arg24 : memref<64xi32, #tpu.memory_space<vmem>>) target_semaphore(%arg52 : memref<!tpu.dma_semaphore, #tpu.memory_space<semaphore_mem>>)
      %add3A_372 = arith.addi %mul3A_2, %add3A_357 : i32
      %dma_start3A_373 = arith.constant 0 : i32
      %dma_start3A_374 = tpu.memref_slice %arg5[%add3A_372, %dma_start3A_373] : memref<5120x64xf32, #tpu.memory_space<hbm>> -> memref<1x64xf32, #tpu.memory_space<hbm>>
      %dma_start3A_375 = tpu.memref_squeeze %dma_start3A_374 : memref<1x64xf32, #tpu.memory_space<hbm>> -> memref<64xf32, #tpu.memory_space<hbm>>
      %dma_start3A_376 = arith.constant 0 : i32
      %dma_start3A_377 = tpu.memref_slice %arg5[%add3A_372, %dma_start3A_376] : memref<5120x64xf32, #tpu.memory_space<hbm>> -> memref<1x64xf32, #tpu.memory_space<hbm>>
      %dma_start3A_378 = tpu.memref_squeeze %dma_start3A_377 : memref<1x64xf32, #tpu.memory_space<hbm>> -> memref<64xf32, #tpu.memory_space<hbm>>
      tpu.enqueue_dma source(%dma_start3A_378 : memref<64xf32, #tpu.memory_space<hbm>>) target(%arg32 : memref<64xf32, #tpu.memory_space<vmem>>) target_semaphore(%arg52 : memref<!tpu.dma_semaphore, #tpu.memory_space<semaphore_mem>>)
      %mul3A_379 = arith.constant 8 : i32
      %mul3A_380 = arith.muli %scan3A_248, %mul3A_379 : i32
      %add3A_381 = arith.constant 2 : i32
      %add3A_382 = arith.addi %mul3A_380, %add3A_381 : i32
      %dma_wait3A_383 = arith.constant 0 : i32
      %dma_wait3A_384 = arith.constant 0 : i32
      %dma_wait3A_385 = tpu.memref_slice %arg2[%dma_wait3A_383, %dma_wait3A_384] : memref<10000x64xi32, #tpu.memory_space<hbm>> -> memref<10000x64xi32, #tpu.memory_space<hbm>>
      tpu.wait_indirect_dma semaphore(%arg41 : memref<!tpu.dma_semaphore, #tpu.memory_space<semaphore_mem>>) src(%dma_wait3A_385 : memref<10000x64xi32, #tpu.memory_space<hbm>>) dst(%arg35 : memref<64x64xi32, #tpu.memory_space<vmem>>)
      %dma_wait3A_386 = arith.constant 0 : i32
      %dma_wait3A_387 = arith.constant 0 : i32
      %dma_wait3A_388 = tpu.memref_slice %arg8[%dma_wait3A_386, %dma_wait3A_387] : memref<10112x128xf32, #tpu.memory_space<vmem_shared>> -> memref<10112x128xf32, #tpu.memory_space<vmem_shared>>
      tpu.wait_indirect_dma semaphore(%arg43 : memref<!tpu.dma_semaphore, #tpu.memory_space<semaphore_mem>>) src(%arg37 : memref<64x128xf32, #tpu.memory_space<vmem>>) dst(%dma_wait3A_388 : memref<10112x128xf32, #tpu.memory_space<vmem_shared>>)
      %parallel_loop3A_389 = arith.constant 0 : i32
      %parallel_loop3A_390 = arith.constant 64 : i32
      %parallel_loop3A_391 = arith.constant 1 : i32
      scf.for %parallel_loop3A_597 = %parallel_loop3A_389 to %parallel_loop3A_390 step %parallel_loop3A_391  : i32 {
        %parallel_loop3A_598 = vector.broadcast %parallel_loop3A_597 : i32 to vector<16xi32>
        %parallel_loop3A_599 = tpu.vector_load_idx %arg27[%parallel_loop3A_598] : memref<64xf32, #tpu.memory_space<vmem>>[vector<16xi32>], vector<16xf32>,
        %parallel_loop3A_600 = arith.index_cast %parallel_loop3A_597 : i32 to index
        %parallel_loop3A_601 = arith.constant 0 : index
        %parallel_loop3A_602 = tpu.vector_load %arg35[%parallel_loop3A_600, %parallel_loop3A_601] {strides = array<i32>} : memref<64x64xi32, #tpu.memory_space<vmem>>, vector<16xi32>,
        %parallel_loop3A_603 = vector.bitcast %parallel_loop3A_602 : vector<16xi32> to vector<32xbf16>
        %parallel_loop3A_604 = tpu.unpack_subelements %parallel_loop3A_603, 0 {pack_format = #tpu.pack_format<interleaved>} : vector<32xbf16> -> vector<16xf32>
        %parallel_loop3A_605 = tpu.unpack_subelements %parallel_loop3A_603, 1 {pack_format = #tpu.pack_format<interleaved>} : vector<32xbf16> -> vector<16xf32>
        %parallel_loop3A_606 = arith.mulf %parallel_loop3A_604, %parallel_loop3A_599 : vector<16xf32>
        %parallel_loop3A_607 = arith.index_cast %parallel_loop3A_597 : i32 to index
        %parallel_loop3A_608 = arith.constant 0 : index
        %parallel_loop3A_609 = tpu.vector_load %arg37[%parallel_loop3A_607, %parallel_loop3A_608] {strides = array<i32>} : memref<64x128xf32, #tpu.memory_space<vmem>>, vector<16xf32>,
        tpu.vector_store %arg37[%parallel_loop3A_607, %parallel_loop3A_608], %parallel_loop3A_606 {strides = array<i32>} : memref<64x128xf32, #tpu.memory_space<vmem>>, vector<16xf32>,
        %parallel_loop3A_610 = arith.mulf %parallel_loop3A_605, %parallel_loop3A_599 : vector<16xf32>
        %parallel_loop3A_611 = arith.index_cast %parallel_loop3A_597 : i32 to index
        %parallel_loop3A_612 = arith.constant 16 : index
        %parallel_loop3A_613 = tpu.vector_load %arg37[%parallel_loop3A_611, %parallel_loop3A_612] {strides = array<i32>} : memref<64x128xf32, #tpu.memory_space<vmem>>, vector<16xf32>,
        tpu.vector_store %arg37[%parallel_loop3A_611, %parallel_loop3A_612], %parallel_loop3A_610 {strides = array<i32>} : memref<64x128xf32, #tpu.memory_space<vmem>>, vector<16xf32>,
        %parallel_loop3A_614 = arith.index_cast %parallel_loop3A_597 : i32 to index
        %parallel_loop3A_615 = arith.constant 16 : index
        %parallel_loop3A_616 = tpu.vector_load %arg35[%parallel_loop3A_614, %parallel_loop3A_615] {strides = array<i32>} : memref<64x64xi32, #tpu.memory_space<vmem>>, vector<16xi32>,
        %parallel_loop3A_617 = vector.bitcast %parallel_loop3A_616 : vector<16xi32> to vector<32xbf16>
        %parallel_loop3A_618 = tpu.unpack_subelements %parallel_loop3A_617, 0 {pack_format = #tpu.pack_format<interleaved>} : vector<32xbf16> -> vector<16xf32>
        %parallel_loop3A_619 = tpu.unpack_subelements %parallel_loop3A_617, 1 {pack_format = #tpu.pack_format<interleaved>} : vector<32xbf16> -> vector<16xf32>
        %parallel_loop3A_620 = arith.mulf %parallel_loop3A_618, %parallel_loop3A_599 : vector<16xf32>
        %parallel_loop3A_621 = arith.index_cast %parallel_loop3A_597 : i32 to index
        %parallel_loop3A_622 = arith.constant 32 : index
        %parallel_loop3A_623 = tpu.vector_load %arg37[%parallel_loop3A_621, %parallel_loop3A_622] {strides = array<i32>} : memref<64x128xf32, #tpu.memory_space<vmem>>, vector<16xf32>,
        tpu.vector_store %arg37[%parallel_loop3A_621, %parallel_loop3A_622], %parallel_loop3A_620 {strides = array<i32>} : memref<64x128xf32, #tpu.memory_space<vmem>>, vector<16xf32>,
        %parallel_loop3A_624 = arith.mulf %parallel_loop3A_619, %parallel_loop3A_599 : vector<16xf32>
        %parallel_loop3A_625 = arith.index_cast %parallel_loop3A_597 : i32 to index
        %parallel_loop3A_626 = arith.constant 48 : index
        %parallel_loop3A_627 = tpu.vector_load %arg37[%parallel_loop3A_625, %parallel_loop3A_626] {strides = array<i32>} : memref<64x128xf32, #tpu.memory_space<vmem>>, vector<16xf32>,
        tpu.vector_store %arg37[%parallel_loop3A_625, %parallel_loop3A_626], %parallel_loop3A_624 {strides = array<i32>} : memref<64x128xf32, #tpu.memory_space<vmem>>, vector<16xf32>,
        %parallel_loop3A_628 = arith.index_cast %parallel_loop3A_597 : i32 to index
        %parallel_loop3A_629 = arith.constant 32 : index
        %parallel_loop3A_630 = tpu.vector_load %arg35[%parallel_loop3A_628, %parallel_loop3A_629] {strides = array<i32>} : memref<64x64xi32, #tpu.memory_space<vmem>>, vector<16xi32>,
        %parallel_loop3A_631 = vector.bitcast %parallel_loop3A_630 : vector<16xi32> to vector<32xbf16>
        %parallel_loop3A_632 = tpu.unpack_subelements %parallel_loop3A_631, 0 {pack_format = #tpu.pack_format<interleaved>} : vector<32xbf16> -> vector<16xf32>
        %parallel_loop3A_633 = tpu.unpack_subelements %parallel_loop3A_631, 1 {pack_format = #tpu.pack_format<interleaved>} : vector<32xbf16> -> vector<16xf32>
        %parallel_loop3A_634 = arith.mulf %parallel_loop3A_632, %parallel_loop3A_599 : vector<16xf32>
        %parallel_loop3A_635 = arith.index_cast %parallel_loop3A_597 : i32 to index
        %parallel_loop3A_636 = arith.constant 64 : index
        %parallel_loop3A_637 = tpu.vector_load %arg37[%parallel_loop3A_635, %parallel_loop3A_636] {strides = array<i32>} : memref<64x128xf32, #tpu.memory_space<vmem>>, vector<16xf32>,
        tpu.vector_store %arg37[%parallel_loop3A_635, %parallel_loop3A_636], %parallel_loop3A_634 {strides = array<i32>} : memref<64x128xf32, #tpu.memory_space<vmem>>, vector<16xf32>,
        %parallel_loop3A_638 = arith.mulf %parallel_loop3A_633, %parallel_loop3A_599 : vector<16xf32>
        %parallel_loop3A_639 = arith.index_cast %parallel_loop3A_597 : i32 to index
        %parallel_loop3A_640 = arith.constant 80 : index
        %parallel_loop3A_641 = tpu.vector_load %arg37[%parallel_loop3A_639, %parallel_loop3A_640] {strides = array<i32>} : memref<64x128xf32, #tpu.memory_space<vmem>>, vector<16xf32>,
        tpu.vector_store %arg37[%parallel_loop3A_639, %parallel_loop3A_640], %parallel_loop3A_638 {strides = array<i32>} : memref<64x128xf32, #tpu.memory_space<vmem>>, vector<16xf32>,
        %parallel_loop3A_642 = arith.index_cast %parallel_loop3A_597 : i32 to index
        %parallel_loop3A_643 = arith.constant 48 : index
        %parallel_loop3A_644 = tpu.vector_load %arg35[%parallel_loop3A_642, %parallel_loop3A_643] {strides = array<i32>} : memref<64x64xi32, #tpu.memory_space<vmem>>, vector<16xi32>,
        %parallel_loop3A_645 = vector.bitcast %parallel_loop3A_644 : vector<16xi32> to vector<32xbf16>
        %parallel_loop3A_646 = tpu.unpack_subelements %parallel_loop3A_645, 0 {pack_format = #tpu.pack_format<interleaved>} : vector<32xbf16> -> vector<16xf32>
        %parallel_loop3A_647 = tpu.unpack_subelements %parallel_loop3A_645, 1 {pack_format = #tpu.pack_format<interleaved>} : vector<32xbf16> -> vector<16xf32>
        %parallel_loop3A_648 = arith.mulf %parallel_loop3A_646, %parallel_loop3A_599 : vector<16xf32>
        %parallel_loop3A_649 = arith.index_cast %parallel_loop3A_597 : i32 to index
        %parallel_loop3A_650 = arith.constant 96 : index
        %parallel_loop3A_651 = tpu.vector_load %arg37[%parallel_loop3A_649, %parallel_loop3A_650] {strides = array<i32>} : memref<64x128xf32, #tpu.memory_space<vmem>>, vector<16xf32>,
        tpu.vector_store %arg37[%parallel_loop3A_649, %parallel_loop3A_650], %parallel_loop3A_648 {strides = array<i32>} : memref<64x128xf32, #tpu.memory_space<vmem>>, vector<16xf32>,
        %parallel_loop3A_652 = arith.mulf %parallel_loop3A_647, %parallel_loop3A_599 : vector<16xf32>
        %parallel_loop3A_653 = arith.index_cast %parallel_loop3A_597 : i32 to index
        %parallel_loop3A_654 = arith.constant 112 : index
        %parallel_loop3A_655 = tpu.vector_load %arg37[%parallel_loop3A_653, %parallel_loop3A_654] {strides = array<i32>} : memref<64x128xf32, #tpu.memory_space<vmem>>, vector<16xf32>,
        tpu.vector_store %arg37[%parallel_loop3A_653, %parallel_loop3A_654], %parallel_loop3A_652 {strides = array<i32>} : memref<64x128xf32, #tpu.memory_space<vmem>>, vector<16xf32>,
      } {sc.loop_unroll_factor = 2 : i64, sc.parallel_access}
      %dma_start3A_392 = arith.constant 0 : i32
      %dma_start3A_393 = arith.constant 0 : i32
      %dma_start3A_394 = tpu.memref_slice %arg8[%dma_start3A_392, %dma_start3A_393] : memref<10112x128xf32, #tpu.memory_space<vmem_shared>> -> memref<10112x128xf32, #tpu.memory_space<vmem_shared>>
      tpu.enqueue_indirect_dma source(%arg37 : memref<64x128xf32, #tpu.memory_space<vmem>>) target(%dma_start3A_394 : memref<10112x128xf32, #tpu.memory_space<vmem_shared>>) offsets(%arg19 : memref<64xi32, #tpu.memory_space<vmem>>) semaphore(%arg43 : memref<!tpu.dma_semaphore, #tpu.memory_space<semaphore_mem>>) {add = true}
      %add3A_395 = arith.constant 3 : i32
      %add3A_396 = arith.addi %add3A_382, %add3A_395 : i32
      %add3A_397 = arith.addi %mul3A_2, %add3A_396 : i32
      %dma_wait3A_398 = arith.constant 0 : i32
      %dma_wait3A_399 = tpu.memref_slice %arg3[%add3A_397, %dma_wait3A_398] : memref<5120x64xi32, #tpu.memory_space<hbm>> -> memref<1x64xi32, #tpu.memory_space<hbm>>
      %dma_wait3A_400 = tpu.memref_squeeze %dma_wait3A_399 : memref<1x64xi32, #tpu.memory_space<hbm>> -> memref<64xi32, #tpu.memory_space<hbm>>
      %dma_wait3A_401 = arith.constant 0 : i32
      %dma_wait3A_402 = tpu.memref_slice %arg3[%add3A_397, %dma_wait3A_401] : memref<5120x64xi32, #tpu.memory_space<hbm>> -> memref<1x64xi32, #tpu.memory_space<hbm>>
      %dma_wait3A_403 = tpu.memref_squeeze %dma_wait3A_402 : memref<1x64xi32, #tpu.memory_space<hbm>> -> memref<64xi32, #tpu.memory_space<hbm>>
      tpu.wait_dma2 semaphore(%arg50 : memref<!tpu.dma_semaphore, #tpu.memory_space<semaphore_mem>>) src(%dma_wait3A_403 : memref<64xi32, #tpu.memory_space<hbm>>) dst(%arg14 : memref<64xi32, #tpu.memory_space<vmem>>)
      %add3A_404 = arith.addi %mul3A_2, %add3A_396 : i32
      %dma_wait3A_405 = arith.constant 0 : i32
      %dma_wait3A_406 = tpu.memref_slice %arg4[%add3A_404, %dma_wait3A_405] : memref<5120x64xi32, #tpu.memory_space<hbm>> -> memref<1x64xi32, #tpu.memory_space<hbm>>
      %dma_wait3A_407 = tpu.memref_squeeze %dma_wait3A_406 : memref<1x64xi32, #tpu.memory_space<hbm>> -> memref<64xi32, #tpu.memory_space<hbm>>
      %dma_wait3A_408 = arith.constant 0 : i32
      %dma_wait3A_409 = tpu.memref_slice %arg4[%add3A_404, %dma_wait3A_408] : memref<5120x64xi32, #tpu.memory_space<hbm>> -> memref<1x64xi32, #tpu.memory_space<hbm>>
      %dma_wait3A_410 = tpu.memref_squeeze %dma_wait3A_409 : memref<1x64xi32, #tpu.memory_space<hbm>> -> memref<64xi32, #tpu.memory_space<hbm>>
      tpu.wait_dma2 semaphore(%arg50 : memref<!tpu.dma_semaphore, #tpu.memory_space<semaphore_mem>>) src(%dma_wait3A_410 : memref<64xi32, #tpu.memory_space<hbm>>) dst(%arg22 : memref<64xi32, #tpu.memory_space<vmem>>)
      %add3A_411 = arith.addi %mul3A_2, %add3A_396 : i32
      %dma_wait3A_412 = arith.constant 0 : i32
      %dma_wait3A_413 = tpu.memref_slice %arg5[%add3A_411, %dma_wait3A_412] : memref<5120x64xf32, #tpu.memory_space<hbm>> -> memref<1x64xf32, #tpu.memory_space<hbm>>
      %dma_wait3A_414 = tpu.memref_squeeze %dma_wait3A_413 : memref<1x64xf32, #tpu.memory_space<hbm>> -> memref<64xf32, #tpu.memory_space<hbm>>
      %dma_wait3A_415 = arith.constant 0 : i32
      %dma_wait3A_416 = tpu.memref_slice %arg5[%add3A_411, %dma_wait3A_415] : memref<5120x64xf32, #tpu.memory_space<hbm>> -> memref<1x64xf32, #tpu.memory_space<hbm>>
      %dma_wait3A_417 = tpu.memref_squeeze %dma_wait3A_416 : memref<1x64xf32, #tpu.memory_space<hbm>> -> memref<64xf32, #tpu.memory_space<hbm>>
      tpu.wait_dma2 semaphore(%arg50 : memref<!tpu.dma_semaphore, #tpu.memory_space<semaphore_mem>>) src(%dma_wait3A_417 : memref<64xf32, #tpu.memory_space<hbm>>) dst(%arg30 : memref<64xf32, #tpu.memory_space<vmem>>)
      %dma_start3A_418 = arith.constant 0 : i32
      %dma_start3A_419 = arith.constant 0 : i32
      %dma_start3A_420 = tpu.memref_slice %arg2[%dma_start3A_418, %dma_start3A_419] : memref<10000x64xi32, #tpu.memory_space<hbm>> -> memref<10000x64xi32, #tpu.memory_space<hbm>>
      tpu.enqueue_indirect_dma source(%dma_start3A_420 : memref<10000x64xi32, #tpu.memory_space<hbm>>) target(%arg34 : memref<64x64xi32, #tpu.memory_space<vmem>>) offsets(%arg14 : memref<64xi32, #tpu.memory_space<vmem>>) semaphore(%arg40 : memref<!tpu.dma_semaphore, #tpu.memory_space<semaphore_mem>>)
      %lt3A = arith.constant 19 : i32
      %lt3A_421 = arith.cmpi slt, %scan3A_248, %lt3A : i32
      %convert_element_type3A_422 = arith.extui %lt3A_421 : i1 to i32
      %cond3A_423 = arith.constant 0 : i32
      %cond3A_424 = arith.cmpi ne, %convert_element_type3A_422, %cond3A_423 : i32
      scf.if %cond3A_424 {
        %add3A_597 = arith.constant 6 : i32
        %add3A_598 = arith.addi %add3A_382, %add3A_597 : i32
        %add3A_599 = arith.addi %mul3A_2, %add3A_598 : i32
        %dma_start3A_600 = arith.constant 0 : i32
        %dma_start3A_601 = tpu.memref_slice %arg3[%add3A_599, %dma_start3A_600] : memref<5120x64xi32, #tpu.memory_space<hbm>> -> memref<1x64xi32, #tpu.memory_space<hbm>>
        %dma_start3A_602 = tpu.memref_squeeze %dma_start3A_601 : memref<1x64xi32, #tpu.memory_space<hbm>> -> memref<64xi32, #tpu.memory_space<hbm>>
        %dma_start3A_603 = arith.constant 0 : i32
        %dma_start3A_604 = tpu.memref_slice %arg3[%add3A_599, %dma_start3A_603] : memref<5120x64xi32, #tpu.memory_space<hbm>> -> memref<1x64xi32, #tpu.memory_space<hbm>>
        %dma_start3A_605 = tpu.memref_squeeze %dma_start3A_604 : memref<1x64xi32, #tpu.memory_space<hbm>> -> memref<64xi32, #tpu.memory_space<hbm>>
        tpu.enqueue_dma source(%dma_start3A_605 : memref<64xi32, #tpu.memory_space<hbm>>) target(%arg9 : memref<64xi32, #tpu.memory_space<vmem>>) target_semaphore(%arg45 : memref<!tpu.dma_semaphore, #tpu.memory_space<semaphore_mem>>)
        %add3A_606 = arith.addi %mul3A_2, %add3A_598 : i32
        %dma_start3A_607 = arith.constant 0 : i32
        %dma_start3A_608 = tpu.memref_slice %arg4[%add3A_606, %dma_start3A_607] : memref<5120x64xi32, #tpu.memory_space<hbm>> -> memref<1x64xi32, #tpu.memory_space<hbm>>
        %dma_start3A_609 = tpu.memref_squeeze %dma_start3A_608 : memref<1x64xi32, #tpu.memory_space<hbm>> -> memref<64xi32, #tpu.memory_space<hbm>>
        %dma_start3A_610 = arith.constant 0 : i32
        %dma_start3A_611 = tpu.memref_slice %arg4[%add3A_606, %dma_start3A_610] : memref<5120x64xi32, #tpu.memory_space<hbm>> -> memref<1x64xi32, #tpu.memory_space<hbm>>
        %dma_start3A_612 = tpu.memref_squeeze %dma_start3A_611 : memref<1x64xi32, #tpu.memory_space<hbm>> -> memref<64xi32, #tpu.memory_space<hbm>>
        tpu.enqueue_dma source(%dma_start3A_612 : memref<64xi32, #tpu.memory_space<hbm>>) target(%arg17 : memref<64xi32, #tpu.memory_space<vmem>>) target_semaphore(%arg45 : memref<!tpu.dma_semaphore, #tpu.memory_space<semaphore_mem>>)
        %add3A_613 = arith.addi %mul3A_2, %add3A_598 : i32
        %dma_start3A_614 = arith.constant 0 : i32
        %dma_start3A_615 = tpu.memref_slice %arg5[%add3A_613, %dma_start3A_614] : memref<5120x64xf32, #tpu.memory_space<hbm>> -> memref<1x64xf32, #tpu.memory_space<hbm>>
        %dma_start3A_616 = tpu.memref_squeeze %dma_start3A_615 : memref<1x64xf32, #tpu.memory_space<hbm>> -> memref<64xf32, #tpu.memory_space<hbm>>
        %dma_start3A_617 = arith.constant 0 : i32
        %dma_start3A_618 = tpu.memref_slice %arg5[%add3A_613, %dma_start3A_617] : memref<5120x64xf32, #tpu.memory_space<hbm>> -> memref<1x64xf32, #tpu.memory_space<hbm>>
        %dma_start3A_619 = tpu.memref_squeeze %dma_start3A_618 : memref<1x64xf32, #tpu.memory_space<hbm>> -> memref<64xf32, #tpu.memory_space<hbm>>
        tpu.enqueue_dma source(%dma_start3A_619 : memref<64xf32, #tpu.memory_space<hbm>>) target(%arg25 : memref<64xf32, #tpu.memory_space<vmem>>) target_semaphore(%arg45 : memref<!tpu.dma_semaphore, #tpu.memory_space<semaphore_mem>>)
      } else {
      }
      %mul3A_425 = arith.constant 8 : i32
      %mul3A_426 = arith.muli %scan3A_248, %mul3A_425 : i32
      %add3A_427 = arith.constant 3 : i32
      %add3A_428 = arith.addi %mul3A_426, %add3A_427 : i32
      %dma_wait3A_429 = arith.constant 0 : i32
      %dma_wait3A_430 = arith.constant 0 : i32
      %dma_wait3A_431 = tpu.memref_slice %arg2[%dma_wait3A_429, %dma_wait3A_430] : memref<10000x64xi32, #tpu.memory_space<hbm>> -> memref<10000x64xi32, #tpu.memory_space<hbm>>
      tpu.wait_indirect_dma semaphore(%arg42 : memref<!tpu.dma_semaphore, #tpu.memory_space<semaphore_mem>>) src(%dma_wait3A_431 : memref<10000x64xi32, #tpu.memory_space<hbm>>) dst(%arg36 : memref<64x64xi32, #tpu.memory_space<vmem>>)
      %dma_wait3A_432 = arith.constant 0 : i32
      %dma_wait3A_433 = arith.constant 0 : i32
      %dma_wait3A_434 = tpu.memref_slice %arg8[%dma_wait3A_432, %dma_wait3A_433] : memref<10112x128xf32, #tpu.memory_space<vmem_shared>> -> memref<10112x128xf32, #tpu.memory_space<vmem_shared>>
      tpu.wait_indirect_dma semaphore(%arg44 : memref<!tpu.dma_semaphore, #tpu.memory_space<semaphore_mem>>) src(%arg38 : memref<64x128xf32, #tpu.memory_space<vmem>>) dst(%dma_wait3A_434 : memref<10112x128xf32, #tpu.memory_space<vmem_shared>>)
      %parallel_loop3A_435 = arith.constant 0 : i32
      %parallel_loop3A_436 = arith.constant 64 : i32
      %parallel_loop3A_437 = arith.constant 1 : i32
      scf.for %parallel_loop3A_597 = %parallel_loop3A_435 to %parallel_loop3A_436 step %parallel_loop3A_437  : i32 {
        %parallel_loop3A_598 = vector.broadcast %parallel_loop3A_597 : i32 to vector<16xi32>
        %parallel_loop3A_599 = tpu.vector_load_idx %arg28[%parallel_loop3A_598] : memref<64xf32, #tpu.memory_space<vmem>>[vector<16xi32>], vector<16xf32>,
        %parallel_loop3A_600 = arith.index_cast %parallel_loop3A_597 : i32 to index
        %parallel_loop3A_601 = arith.constant 0 : index
        %parallel_loop3A_602 = tpu.vector_load %arg36[%parallel_loop3A_600, %parallel_loop3A_601] {strides = array<i32>} : memref<64x64xi32, #tpu.memory_space<vmem>>, vector<16xi32>,
        %parallel_loop3A_603 = vector.bitcast %parallel_loop3A_602 : vector<16xi32> to vector<32xbf16>
        %parallel_loop3A_604 = tpu.unpack_subelements %parallel_loop3A_603, 0 {pack_format = #tpu.pack_format<interleaved>} : vector<32xbf16> -> vector<16xf32>
        %parallel_loop3A_605 = tpu.unpack_subelements %parallel_loop3A_603, 1 {pack_format = #tpu.pack_format<interleaved>} : vector<32xbf16> -> vector<16xf32>
        %parallel_loop3A_606 = arith.mulf %parallel_loop3A_604, %parallel_loop3A_599 : vector<16xf32>
        %parallel_loop3A_607 = arith.index_cast %parallel_loop3A_597 : i32 to index
        %parallel_loop3A_608 = arith.constant 0 : index
        %parallel_loop3A_609 = tpu.vector_load %arg38[%parallel_loop3A_607, %parallel_loop3A_608] {strides = array<i32>} : memref<64x128xf32, #tpu.memory_space<vmem>>, vector<16xf32>,
        tpu.vector_store %arg38[%parallel_loop3A_607, %parallel_loop3A_608], %parallel_loop3A_606 {strides = array<i32>} : memref<64x128xf32, #tpu.memory_space<vmem>>, vector<16xf32>,
        %parallel_loop3A_610 = arith.mulf %parallel_loop3A_605, %parallel_loop3A_599 : vector<16xf32>
        %parallel_loop3A_611 = arith.index_cast %parallel_loop3A_597 : i32 to index
        %parallel_loop3A_612 = arith.constant 16 : index
        %parallel_loop3A_613 = tpu.vector_load %arg38[%parallel_loop3A_611, %parallel_loop3A_612] {strides = array<i32>} : memref<64x128xf32, #tpu.memory_space<vmem>>, vector<16xf32>,
        tpu.vector_store %arg38[%parallel_loop3A_611, %parallel_loop3A_612], %parallel_loop3A_610 {strides = array<i32>} : memref<64x128xf32, #tpu.memory_space<vmem>>, vector<16xf32>,
        %parallel_loop3A_614 = arith.index_cast %parallel_loop3A_597 : i32 to index
        %parallel_loop3A_615 = arith.constant 16 : index
        %parallel_loop3A_616 = tpu.vector_load %arg36[%parallel_loop3A_614, %parallel_loop3A_615] {strides = array<i32>} : memref<64x64xi32, #tpu.memory_space<vmem>>, vector<16xi32>,
        %parallel_loop3A_617 = vector.bitcast %parallel_loop3A_616 : vector<16xi32> to vector<32xbf16>
        %parallel_loop3A_618 = tpu.unpack_subelements %parallel_loop3A_617, 0 {pack_format = #tpu.pack_format<interleaved>} : vector<32xbf16> -> vector<16xf32>
        %parallel_loop3A_619 = tpu.unpack_subelements %parallel_loop3A_617, 1 {pack_format = #tpu.pack_format<interleaved>} : vector<32xbf16> -> vector<16xf32>
        %parallel_loop3A_620 = arith.mulf %parallel_loop3A_618, %parallel_loop3A_599 : vector<16xf32>
        %parallel_loop3A_621 = arith.index_cast %parallel_loop3A_597 : i32 to index
        %parallel_loop3A_622 = arith.constant 32 : index
        %parallel_loop3A_623 = tpu.vector_load %arg38[%parallel_loop3A_621, %parallel_loop3A_622] {strides = array<i32>} : memref<64x128xf32, #tpu.memory_space<vmem>>, vector<16xf32>,
        tpu.vector_store %arg38[%parallel_loop3A_621, %parallel_loop3A_622], %parallel_loop3A_620 {strides = array<i32>} : memref<64x128xf32, #tpu.memory_space<vmem>>, vector<16xf32>,
        %parallel_loop3A_624 = arith.mulf %parallel_loop3A_619, %parallel_loop3A_599 : vector<16xf32>
        %parallel_loop3A_625 = arith.index_cast %parallel_loop3A_597 : i32 to index
        %parallel_loop3A_626 = arith.constant 48 : index
        %parallel_loop3A_627 = tpu.vector_load %arg38[%parallel_loop3A_625, %parallel_loop3A_626] {strides = array<i32>} : memref<64x128xf32, #tpu.memory_space<vmem>>, vector<16xf32>,
        tpu.vector_store %arg38[%parallel_loop3A_625, %parallel_loop3A_626], %parallel_loop3A_624 {strides = array<i32>} : memref<64x128xf32, #tpu.memory_space<vmem>>, vector<16xf32>,
        %parallel_loop3A_628 = arith.index_cast %parallel_loop3A_597 : i32 to index
        %parallel_loop3A_629 = arith.constant 32 : index
        %parallel_loop3A_630 = tpu.vector_load %arg36[%parallel_loop3A_628, %parallel_loop3A_629] {strides = array<i32>} : memref<64x64xi32, #tpu.memory_space<vmem>>, vector<16xi32>,
        %parallel_loop3A_631 = vector.bitcast %parallel_loop3A_630 : vector<16xi32> to vector<32xbf16>
        %parallel_loop3A_632 = tpu.unpack_subelements %parallel_loop3A_631, 0 {pack_format = #tpu.pack_format<interleaved>} : vector<32xbf16> -> vector<16xf32>
        %parallel_loop3A_633 = tpu.unpack_subelements %parallel_loop3A_631, 1 {pack_format = #tpu.pack_format<interleaved>} : vector<32xbf16> -> vector<16xf32>
        %parallel_loop3A_634 = arith.mulf %parallel_loop3A_632, %parallel_loop3A_599 : vector<16xf32>
        %parallel_loop3A_635 = arith.index_cast %parallel_loop3A_597 : i32 to index
        %parallel_loop3A_636 = arith.constant 64 : index
        %parallel_loop3A_637 = tpu.vector_load %arg38[%parallel_loop3A_635, %parallel_loop3A_636] {strides = array<i32>} : memref<64x128xf32, #tpu.memory_space<vmem>>, vector<16xf32>,
        tpu.vector_store %arg38[%parallel_loop3A_635, %parallel_loop3A_636], %parallel_loop3A_634 {strides = array<i32>} : memref<64x128xf32, #tpu.memory_space<vmem>>, vector<16xf32>,
        %parallel_loop3A_638 = arith.mulf %parallel_loop3A_633, %parallel_loop3A_599 : vector<16xf32>
        %parallel_loop3A_639 = arith.index_cast %parallel_loop3A_597 : i32 to index
        %parallel_loop3A_640 = arith.constant 80 : index
        %parallel_loop3A_641 = tpu.vector_load %arg38[%parallel_loop3A_639, %parallel_loop3A_640] {strides = array<i32>} : memref<64x128xf32, #tpu.memory_space<vmem>>, vector<16xf32>,
        tpu.vector_store %arg38[%parallel_loop3A_639, %parallel_loop3A_640], %parallel_loop3A_638 {strides = array<i32>} : memref<64x128xf32, #tpu.memory_space<vmem>>, vector<16xf32>,
        %parallel_loop3A_642 = arith.index_cast %parallel_loop3A_597 : i32 to index
        %parallel_loop3A_643 = arith.constant 48 : index
        %parallel_loop3A_644 = tpu.vector_load %arg36[%parallel_loop3A_642, %parallel_loop3A_643] {strides = array<i32>} : memref<64x64xi32, #tpu.memory_space<vmem>>, vector<16xi32>,
        %parallel_loop3A_645 = vector.bitcast %parallel_loop3A_644 : vector<16xi32> to vector<32xbf16>
        %parallel_loop3A_646 = tpu.unpack_subelements %parallel_loop3A_645, 0 {pack_format = #tpu.pack_format<interleaved>} : vector<32xbf16> -> vector<16xf32>
        %parallel_loop3A_647 = tpu.unpack_subelements %parallel_loop3A_645, 1 {pack_format = #tpu.pack_format<interleaved>} : vector<32xbf16> -> vector<16xf32>
        %parallel_loop3A_648 = arith.mulf %parallel_loop3A_646, %parallel_loop3A_599 : vector<16xf32>
        %parallel_loop3A_649 = arith.index_cast %parallel_loop3A_597 : i32 to index
        %parallel_loop3A_650 = arith.constant 96 : index
        %parallel_loop3A_651 = tpu.vector_load %arg38[%parallel_loop3A_649, %parallel_loop3A_650] {strides = array<i32>} : memref<64x128xf32, #tpu.memory_space<vmem>>, vector<16xf32>,
        tpu.vector_store %arg38[%parallel_loop3A_649, %parallel_loop3A_650], %parallel_loop3A_648 {strides = array<i32>} : memref<64x128xf32, #tpu.memory_space<vmem>>, vector<16xf32>,
        %parallel_loop3A_652 = arith.mulf %parallel_loop3A_647, %parallel_loop3A_599 : vector<16xf32>
        %parallel_loop3A_653 = arith.index_cast %parallel_loop3A_597 : i32 to index
        %parallel_loop3A_654 = arith.constant 112 : index
        %parallel_loop3A_655 = tpu.vector_load %arg38[%parallel_loop3A_653, %parallel_loop3A_654] {strides = array<i32>} : memref<64x128xf32, #tpu.memory_space<vmem>>, vector<16xf32>,
        tpu.vector_store %arg38[%parallel_loop3A_653, %parallel_loop3A_654], %parallel_loop3A_652 {strides = array<i32>} : memref<64x128xf32, #tpu.memory_space<vmem>>, vector<16xf32>,
      } {sc.loop_unroll_factor = 2 : i64, sc.parallel_access}
      %dma_start3A_438 = arith.constant 0 : i32
      %dma_start3A_439 = arith.constant 0 : i32
      %dma_start3A_440 = tpu.memref_slice %arg8[%dma_start3A_438, %dma_start3A_439] : memref<10112x128xf32, #tpu.memory_space<vmem_shared>> -> memref<10112x128xf32, #tpu.memory_space<vmem_shared>>
      tpu.enqueue_indirect_dma source(%arg38 : memref<64x128xf32, #tpu.memory_space<vmem>>) target(%dma_start3A_440 : memref<10112x128xf32, #tpu.memory_space<vmem_shared>>) offsets(%arg20 : memref<64xi32, #tpu.memory_space<vmem>>) semaphore(%arg44 : memref<!tpu.dma_semaphore, #tpu.memory_space<semaphore_mem>>) {add = true}
      %add3A_441 = arith.constant 3 : i32
      %add3A_442 = arith.addi %add3A_428, %add3A_441 : i32
      %add3A_443 = arith.addi %mul3A_2, %add3A_442 : i32
      %dma_wait3A_444 = arith.constant 0 : i32
      %dma_wait3A_445 = tpu.memref_slice %arg3[%add3A_443, %dma_wait3A_444] : memref<5120x64xi32, #tpu.memory_space<hbm>> -> memref<1x64xi32, #tpu.memory_space<hbm>>
      %dma_wait3A_446 = tpu.memref_squeeze %dma_wait3A_445 : memref<1x64xi32, #tpu.memory_space<hbm>> -> memref<64xi32, #tpu.memory_space<hbm>>
      %dma_wait3A_447 = arith.constant 0 : i32
      %dma_wait3A_448 = tpu.memref_slice %arg3[%add3A_443, %dma_wait3A_447] : memref<5120x64xi32, #tpu.memory_space<hbm>> -> memref<1x64xi32, #tpu.memory_space<hbm>>
      %dma_wait3A_449 = tpu.memref_squeeze %dma_wait3A_448 : memref<1x64xi32, #tpu.memory_space<hbm>> -> memref<64xi32, #tpu.memory_space<hbm>>
      tpu.wait_dma2 semaphore(%arg51 : memref<!tpu.dma_semaphore, #tpu.memory_space<semaphore_mem>>) src(%dma_wait3A_449 : memref<64xi32, #tpu.memory_space<hbm>>) dst(%arg15 : memref<64xi32, #tpu.memory_space<vmem>>)
      %add3A_450 = arith.addi %mul3A_2, %add3A_442 : i32
      %dma_wait3A_451 = arith.constant 0 : i32
      %dma_wait3A_452 = tpu.memref_slice %arg4[%add3A_450, %dma_wait3A_451] : memref<5120x64xi32, #tpu.memory_space<hbm>> -> memref<1x64xi32, #tpu.memory_space<hbm>>
      %dma_wait3A_453 = tpu.memref_squeeze %dma_wait3A_452 : memref<1x64xi32, #tpu.memory_space<hbm>> -> memref<64xi32, #tpu.memory_space<hbm>>
      %dma_wait3A_454 = arith.constant 0 : i32
      %dma_wait3A_455 = tpu.memref_slice %arg4[%add3A_450, %dma_wait3A_454] : memref<5120x64xi32, #tpu.memory_space<hbm>> -> memref<1x64xi32, #tpu.memory_space<hbm>>
      %dma_wait3A_456 = tpu.memref_squeeze %dma_wait3A_455 : memref<1x64xi32, #tpu.memory_space<hbm>> -> memref<64xi32, #tpu.memory_space<hbm>>
      tpu.wait_dma2 semaphore(%arg51 : memref<!tpu.dma_semaphore, #tpu.memory_space<semaphore_mem>>) src(%dma_wait3A_456 : memref<64xi32, #tpu.memory_space<hbm>>) dst(%arg23 : memref<64xi32, #tpu.memory_space<vmem>>)
      %add3A_457 = arith.addi %mul3A_2, %add3A_442 : i32
      %dma_wait3A_458 = arith.constant 0 : i32
      %dma_wait3A_459 = tpu.memref_slice %arg5[%add3A_457, %dma_wait3A_458] : memref<5120x64xf32, #tpu.memory_space<hbm>> -> memref<1x64xf32, #tpu.memory_space<hbm>>
      %dma_wait3A_460 = tpu.memref_squeeze %dma_wait3A_459 : memref<1x64xf32, #tpu.memory_space<hbm>> -> memref<64xf32, #tpu.memory_space<hbm>>
      %dma_wait3A_461 = arith.constant 0 : i32
      %dma_wait3A_462 = tpu.memref_slice %arg5[%add3A_457, %dma_wait3A_461] : memref<5120x64xf32, #tpu.memory_space<hbm>> -> memref<1x64xf32, #tpu.memory_space<hbm>>
      %dma_wait3A_463 = tpu.memref_squeeze %dma_wait3A_462 : memref<1x64xf32, #tpu.memory_space<hbm>> -> memref<64xf32, #tpu.memory_space<hbm>>
      tpu.wait_dma2 semaphore(%arg51 : memref<!tpu.dma_semaphore, #tpu.memory_space<semaphore_mem>>) src(%dma_wait3A_463 : memref<64xf32, #tpu.memory_space<hbm>>) dst(%arg31 : memref<64xf32, #tpu.memory_space<vmem>>)
      %dma_start3A_464 = arith.constant 0 : i32
      %dma_start3A_465 = arith.constant 0 : i32
      %dma_start3A_466 = tpu.memref_slice %arg2[%dma_start3A_464, %dma_start3A_465] : memref<10000x64xi32, #tpu.memory_space<hbm>> -> memref<10000x64xi32, #tpu.memory_space<hbm>>
      tpu.enqueue_indirect_dma source(%dma_start3A_466 : memref<10000x64xi32, #tpu.memory_space<hbm>>) target(%arg35 : memref<64x64xi32, #tpu.memory_space<vmem>>) offsets(%arg15 : memref<64xi32, #tpu.memory_space<vmem>>) semaphore(%arg41 : memref<!tpu.dma_semaphore, #tpu.memory_space<semaphore_mem>>)
      %lt3A_467 = arith.constant 19 : i32
      %lt3A_468 = arith.cmpi slt, %scan3A_248, %lt3A_467 : i32
      %convert_element_type3A_469 = arith.extui %lt3A_468 : i1 to i32
      %cond3A_470 = arith.constant 0 : i32
      %cond3A_471 = arith.cmpi ne, %convert_element_type3A_469, %cond3A_470 : i32
      scf.if %cond3A_471 {
        %add3A_597 = arith.constant 6 : i32
        %add3A_598 = arith.addi %add3A_428, %add3A_597 : i32
        %add3A_599 = arith.addi %mul3A_2, %add3A_598 : i32
        %dma_start3A_600 = arith.constant 0 : i32
        %dma_start3A_601 = tpu.memref_slice %arg3[%add3A_599, %dma_start3A_600] : memref<5120x64xi32, #tpu.memory_space<hbm>> -> memref<1x64xi32, #tpu.memory_space<hbm>>
        %dma_start3A_602 = tpu.memref_squeeze %dma_start3A_601 : memref<1x64xi32, #tpu.memory_space<hbm>> -> memref<64xi32, #tpu.memory_space<hbm>>
        %dma_start3A_603 = arith.constant 0 : i32
        %dma_start3A_604 = tpu.memref_slice %arg3[%add3A_599, %dma_start3A_603] : memref<5120x64xi32, #tpu.memory_space<hbm>> -> memref<1x64xi32, #tpu.memory_space<hbm>>
        %dma_start3A_605 = tpu.memref_squeeze %dma_start3A_604 : memref<1x64xi32, #tpu.memory_space<hbm>> -> memref<64xi32, #tpu.memory_space<hbm>>
        tpu.enqueue_dma source(%dma_start3A_605 : memref<64xi32, #tpu.memory_space<hbm>>) target(%arg10 : memref<64xi32, #tpu.memory_space<vmem>>) target_semaphore(%arg46 : memref<!tpu.dma_semaphore, #tpu.memory_space<semaphore_mem>>)
        %add3A_606 = arith.addi %mul3A_2, %add3A_598 : i32
        %dma_start3A_607 = arith.constant 0 : i32
        %dma_start3A_608 = tpu.memref_slice %arg4[%add3A_606, %dma_start3A_607] : memref<5120x64xi32, #tpu.memory_space<hbm>> -> memref<1x64xi32, #tpu.memory_space<hbm>>
        %dma_start3A_609 = tpu.memref_squeeze %dma_start3A_608 : memref<1x64xi32, #tpu.memory_space<hbm>> -> memref<64xi32, #tpu.memory_space<hbm>>
        %dma_start3A_610 = arith.constant 0 : i32
        %dma_start3A_611 = tpu.memref_slice %arg4[%add3A_606, %dma_start3A_610] : memref<5120x64xi32, #tpu.memory_space<hbm>> -> memref<1x64xi32, #tpu.memory_space<hbm>>
        %dma_start3A_612 = tpu.memref_squeeze %dma_start3A_611 : memref<1x64xi32, #tpu.memory_space<hbm>> -> memref<64xi32, #tpu.memory_space<hbm>>
        tpu.enqueue_dma source(%dma_start3A_612 : memref<64xi32, #tpu.memory_space<hbm>>) target(%arg18 : memref<64xi32, #tpu.memory_space<vmem>>) target_semaphore(%arg46 : memref<!tpu.dma_semaphore, #tpu.memory_space<semaphore_mem>>)
        %add3A_613 = arith.addi %mul3A_2, %add3A_598 : i32
        %dma_start3A_614 = arith.constant 0 : i32
        %dma_start3A_615 = tpu.memref_slice %arg5[%add3A_613, %dma_start3A_614] : memref<5120x64xf32, #tpu.memory_space<hbm>> -> memref<1x64xf32, #tpu.memory_space<hbm>>
        %dma_start3A_616 = tpu.memref_squeeze %dma_start3A_615 : memref<1x64xf32, #tpu.memory_space<hbm>> -> memref<64xf32, #tpu.memory_space<hbm>>
        %dma_start3A_617 = arith.constant 0 : i32
        %dma_start3A_618 = tpu.memref_slice %arg5[%add3A_613, %dma_start3A_617] : memref<5120x64xf32, #tpu.memory_space<hbm>> -> memref<1x64xf32, #tpu.memory_space<hbm>>
        %dma_start3A_619 = tpu.memref_squeeze %dma_start3A_618 : memref<1x64xf32, #tpu.memory_space<hbm>> -> memref<64xf32, #tpu.memory_space<hbm>>
        tpu.enqueue_dma source(%dma_start3A_619 : memref<64xf32, #tpu.memory_space<hbm>>) target(%arg26 : memref<64xf32, #tpu.memory_space<vmem>>) target_semaphore(%arg46 : memref<!tpu.dma_semaphore, #tpu.memory_space<semaphore_mem>>)
      } else {
      }
      %mul3A_472 = arith.constant 8 : i32
      %mul3A_473 = arith.muli %scan3A_248, %mul3A_472 : i32
      %add3A_474 = arith.constant 4 : i32
      %add3A_475 = arith.addi %mul3A_473, %add3A_474 : i32
      %dma_wait3A_476 = arith.constant 0 : i32
      %dma_wait3A_477 = arith.constant 0 : i32
      %dma_wait3A_478 = tpu.memref_slice %arg2[%dma_wait3A_476, %dma_wait3A_477] : memref<10000x64xi32, #tpu.memory_space<hbm>> -> memref<10000x64xi32, #tpu.memory_space<hbm>>
      tpu.wait_indirect_dma semaphore(%arg39 : memref<!tpu.dma_semaphore, #tpu.memory_space<semaphore_mem>>) src(%dma_wait3A_478 : memref<10000x64xi32, #tpu.memory_space<hbm>>) dst(%arg33 : memref<64x64xi32, #tpu.memory_space<vmem>>)
      %dma_wait3A_479 = arith.constant 0 : i32
      %dma_wait3A_480 = arith.constant 0 : i32
      %dma_wait3A_481 = tpu.memref_slice %arg8[%dma_wait3A_479, %dma_wait3A_480] : memref<10112x128xf32, #tpu.memory_space<vmem_shared>> -> memref<10112x128xf32, #tpu.memory_space<vmem_shared>>
      tpu.wait_indirect_dma semaphore(%arg43 : memref<!tpu.dma_semaphore, #tpu.memory_space<semaphore_mem>>) src(%arg37 : memref<64x128xf32, #tpu.memory_space<vmem>>) dst(%dma_wait3A_481 : memref<10112x128xf32, #tpu.memory_space<vmem_shared>>)
      %parallel_loop3A_482 = arith.constant 0 : i32
      %parallel_loop3A_483 = arith.constant 64 : i32
      %parallel_loop3A_484 = arith.constant 1 : i32
      scf.for %parallel_loop3A_597 = %parallel_loop3A_482 to %parallel_loop3A_483 step %parallel_loop3A_484  : i32 {
        %parallel_loop3A_598 = vector.broadcast %parallel_loop3A_597 : i32 to vector<16xi32>
        %parallel_loop3A_599 = tpu.vector_load_idx %arg29[%parallel_loop3A_598] : memref<64xf32, #tpu.memory_space<vmem>>[vector<16xi32>], vector<16xf32>,
        %parallel_loop3A_600 = arith.index_cast %parallel_loop3A_597 : i32 to index
        %parallel_loop3A_601 = arith.constant 0 : index
        %parallel_loop3A_602 = tpu.vector_load %arg33[%parallel_loop3A_600, %parallel_loop3A_601] {strides = array<i32>} : memref<64x64xi32, #tpu.memory_space<vmem>>, vector<16xi32>,
        %parallel_loop3A_603 = vector.bitcast %parallel_loop3A_602 : vector<16xi32> to vector<32xbf16>
        %parallel_loop3A_604 = tpu.unpack_subelements %parallel_loop3A_603, 0 {pack_format = #tpu.pack_format<interleaved>} : vector<32xbf16> -> vector<16xf32>
        %parallel_loop3A_605 = tpu.unpack_subelements %parallel_loop3A_603, 1 {pack_format = #tpu.pack_format<interleaved>} : vector<32xbf16> -> vector<16xf32>
        %parallel_loop3A_606 = arith.mulf %parallel_loop3A_604, %parallel_loop3A_599 : vector<16xf32>
        %parallel_loop3A_607 = arith.index_cast %parallel_loop3A_597 : i32 to index
        %parallel_loop3A_608 = arith.constant 0 : index
        %parallel_loop3A_609 = tpu.vector_load %arg37[%parallel_loop3A_607, %parallel_loop3A_608] {strides = array<i32>} : memref<64x128xf32, #tpu.memory_space<vmem>>, vector<16xf32>,
        tpu.vector_store %arg37[%parallel_loop3A_607, %parallel_loop3A_608], %parallel_loop3A_606 {strides = array<i32>} : memref<64x128xf32, #tpu.memory_space<vmem>>, vector<16xf32>,
        %parallel_loop3A_610 = arith.mulf %parallel_loop3A_605, %parallel_loop3A_599 : vector<16xf32>
        %parallel_loop3A_611 = arith.index_cast %parallel_loop3A_597 : i32 to index
        %parallel_loop3A_612 = arith.constant 16 : index
        %parallel_loop3A_613 = tpu.vector_load %arg37[%parallel_loop3A_611, %parallel_loop3A_612] {strides = array<i32>} : memref<64x128xf32, #tpu.memory_space<vmem>>, vector<16xf32>,
        tpu.vector_store %arg37[%parallel_loop3A_611, %parallel_loop3A_612], %parallel_loop3A_610 {strides = array<i32>} : memref<64x128xf32, #tpu.memory_space<vmem>>, vector<16xf32>,
        %parallel_loop3A_614 = arith.index_cast %parallel_loop3A_597 : i32 to index
        %parallel_loop3A_615 = arith.constant 16 : index
        %parallel_loop3A_616 = tpu.vector_load %arg33[%parallel_loop3A_614, %parallel_loop3A_615] {strides = array<i32>} : memref<64x64xi32, #tpu.memory_space<vmem>>, vector<16xi32>,
        %parallel_loop3A_617 = vector.bitcast %parallel_loop3A_616 : vector<16xi32> to vector<32xbf16>
        %parallel_loop3A_618 = tpu.unpack_subelements %parallel_loop3A_617, 0 {pack_format = #tpu.pack_format<interleaved>} : vector<32xbf16> -> vector<16xf32>
        %parallel_loop3A_619 = tpu.unpack_subelements %parallel_loop3A_617, 1 {pack_format = #tpu.pack_format<interleaved>} : vector<32xbf16> -> vector<16xf32>
        %parallel_loop3A_620 = arith.mulf %parallel_loop3A_618, %parallel_loop3A_599 : vector<16xf32>
        %parallel_loop3A_621 = arith.index_cast %parallel_loop3A_597 : i32 to index
        %parallel_loop3A_622 = arith.constant 32 : index
        %parallel_loop3A_623 = tpu.vector_load %arg37[%parallel_loop3A_621, %parallel_loop3A_622] {strides = array<i32>} : memref<64x128xf32, #tpu.memory_space<vmem>>, vector<16xf32>,
        tpu.vector_store %arg37[%parallel_loop3A_621, %parallel_loop3A_622], %parallel_loop3A_620 {strides = array<i32>} : memref<64x128xf32, #tpu.memory_space<vmem>>, vector<16xf32>,
        %parallel_loop3A_624 = arith.mulf %parallel_loop3A_619, %parallel_loop3A_599 : vector<16xf32>
        %parallel_loop3A_625 = arith.index_cast %parallel_loop3A_597 : i32 to index
        %parallel_loop3A_626 = arith.constant 48 : index
        %parallel_loop3A_627 = tpu.vector_load %arg37[%parallel_loop3A_625, %parallel_loop3A_626] {strides = array<i32>} : memref<64x128xf32, #tpu.memory_space<vmem>>, vector<16xf32>,
        tpu.vector_store %arg37[%parallel_loop3A_625, %parallel_loop3A_626], %parallel_loop3A_624 {strides = array<i32>} : memref<64x128xf32, #tpu.memory_space<vmem>>, vector<16xf32>,
        %parallel_loop3A_628 = arith.index_cast %parallel_loop3A_597 : i32 to index
        %parallel_loop3A_629 = arith.constant 32 : index
        %parallel_loop3A_630 = tpu.vector_load %arg33[%parallel_loop3A_628, %parallel_loop3A_629] {strides = array<i32>} : memref<64x64xi32, #tpu.memory_space<vmem>>, vector<16xi32>,
        %parallel_loop3A_631 = vector.bitcast %parallel_loop3A_630 : vector<16xi32> to vector<32xbf16>
        %parallel_loop3A_632 = tpu.unpack_subelements %parallel_loop3A_631, 0 {pack_format = #tpu.pack_format<interleaved>} : vector<32xbf16> -> vector<16xf32>
        %parallel_loop3A_633 = tpu.unpack_subelements %parallel_loop3A_631, 1 {pack_format = #tpu.pack_format<interleaved>} : vector<32xbf16> -> vector<16xf32>
        %parallel_loop3A_634 = arith.mulf %parallel_loop3A_632, %parallel_loop3A_599 : vector<16xf32>
        %parallel_loop3A_635 = arith.index_cast %parallel_loop3A_597 : i32 to index
        %parallel_loop3A_636 = arith.constant 64 : index
        %parallel_loop3A_637 = tpu.vector_load %arg37[%parallel_loop3A_635, %parallel_loop3A_636] {strides = array<i32>} : memref<64x128xf32, #tpu.memory_space<vmem>>, vector<16xf32>,
        tpu.vector_store %arg37[%parallel_loop3A_635, %parallel_loop3A_636], %parallel_loop3A_634 {strides = array<i32>} : memref<64x128xf32, #tpu.memory_space<vmem>>, vector<16xf32>,
        %parallel_loop3A_638 = arith.mulf %parallel_loop3A_633, %parallel_loop3A_599 : vector<16xf32>
        %parallel_loop3A_639 = arith.index_cast %parallel_loop3A_597 : i32 to index
        %parallel_loop3A_640 = arith.constant 80 : index
        %parallel_loop3A_641 = tpu.vector_load %arg37[%parallel_loop3A_639, %parallel_loop3A_640] {strides = array<i32>} : memref<64x128xf32, #tpu.memory_space<vmem>>, vector<16xf32>,
        tpu.vector_store %arg37[%parallel_loop3A_639, %parallel_loop3A_640], %parallel_loop3A_638 {strides = array<i32>} : memref<64x128xf32, #tpu.memory_space<vmem>>, vector<16xf32>,
        %parallel_loop3A_642 = arith.index_cast %parallel_loop3A_597 : i32 to index
        %parallel_loop3A_643 = arith.constant 48 : index
        %parallel_loop3A_644 = tpu.vector_load %arg33[%parallel_loop3A_642, %parallel_loop3A_643] {strides = array<i32>} : memref<64x64xi32, #tpu.memory_space<vmem>>, vector<16xi32>,
        %parallel_loop3A_645 = vector.bitcast %parallel_loop3A_644 : vector<16xi32> to vector<32xbf16>
        %parallel_loop3A_646 = tpu.unpack_subelements %parallel_loop3A_645, 0 {pack_format = #tpu.pack_format<interleaved>} : vector<32xbf16> -> vector<16xf32>
        %parallel_loop3A_647 = tpu.unpack_subelements %parallel_loop3A_645, 1 {pack_format = #tpu.pack_format<interleaved>} : vector<32xbf16> -> vector<16xf32>
        %parallel_loop3A_648 = arith.mulf %parallel_loop3A_646, %parallel_loop3A_599 : vector<16xf32>
        %parallel_loop3A_649 = arith.index_cast %parallel_loop3A_597 : i32 to index
        %parallel_loop3A_650 = arith.constant 96 : index
        %parallel_loop3A_651 = tpu.vector_load %arg37[%parallel_loop3A_649, %parallel_loop3A_650] {strides = array<i32>} : memref<64x128xf32, #tpu.memory_space<vmem>>, vector<16xf32>,
        tpu.vector_store %arg37[%parallel_loop3A_649, %parallel_loop3A_650], %parallel_loop3A_648 {strides = array<i32>} : memref<64x128xf32, #tpu.memory_space<vmem>>, vector<16xf32>,
        %parallel_loop3A_652 = arith.mulf %parallel_loop3A_647, %parallel_loop3A_599 : vector<16xf32>
        %parallel_loop3A_653 = arith.index_cast %parallel_loop3A_597 : i32 to index
        %parallel_loop3A_654 = arith.constant 112 : index
        %parallel_loop3A_655 = tpu.vector_load %arg37[%parallel_loop3A_653, %parallel_loop3A_654] {strides = array<i32>} : memref<64x128xf32, #tpu.memory_space<vmem>>, vector<16xf32>,
        tpu.vector_store %arg37[%parallel_loop3A_653, %parallel_loop3A_654], %parallel_loop3A_652 {strides = array<i32>} : memref<64x128xf32, #tpu.memory_space<vmem>>, vector<16xf32>,
      } {sc.loop_unroll_factor = 2 : i64, sc.parallel_access}
      %dma_start3A_485 = arith.constant 0 : i32
      %dma_start3A_486 = arith.constant 0 : i32
      %dma_start3A_487 = tpu.memref_slice %arg8[%dma_start3A_485, %dma_start3A_486] : memref<10112x128xf32, #tpu.memory_space<vmem_shared>> -> memref<10112x128xf32, #tpu.memory_space<vmem_shared>>
      tpu.enqueue_indirect_dma source(%arg37 : memref<64x128xf32, #tpu.memory_space<vmem>>) target(%dma_start3A_487 : memref<10112x128xf32, #tpu.memory_space<vmem_shared>>) offsets(%arg21 : memref<64xi32, #tpu.memory_space<vmem>>) semaphore(%arg43 : memref<!tpu.dma_semaphore, #tpu.memory_space<semaphore_mem>>) {add = true}
      %add3A_488 = arith.constant 3 : i32
      %add3A_489 = arith.addi %add3A_475, %add3A_488 : i32
      %add3A_490 = arith.addi %mul3A_2, %add3A_489 : i32
      %dma_wait3A_491 = arith.constant 0 : i32
      %dma_wait3A_492 = tpu.memref_slice %arg3[%add3A_490, %dma_wait3A_491] : memref<5120x64xi32, #tpu.memory_space<hbm>> -> memref<1x64xi32, #tpu.memory_space<hbm>>
      %dma_wait3A_493 = tpu.memref_squeeze %dma_wait3A_492 : memref<1x64xi32, #tpu.memory_space<hbm>> -> memref<64xi32, #tpu.memory_space<hbm>>
      %dma_wait3A_494 = arith.constant 0 : i32
      %dma_wait3A_495 = tpu.memref_slice %arg3[%add3A_490, %dma_wait3A_494] : memref<5120x64xi32, #tpu.memory_space<hbm>> -> memref<1x64xi32, #tpu.memory_space<hbm>>
      %dma_wait3A_496 = tpu.memref_squeeze %dma_wait3A_495 : memref<1x64xi32, #tpu.memory_space<hbm>> -> memref<64xi32, #tpu.memory_space<hbm>>
      tpu.wait_dma2 semaphore(%arg52 : memref<!tpu.dma_semaphore, #tpu.memory_space<semaphore_mem>>) src(%dma_wait3A_496 : memref<64xi32, #tpu.memory_space<hbm>>) dst(%arg16 : memref<64xi32, #tpu.memory_space<vmem>>)
      %add3A_497 = arith.addi %mul3A_2, %add3A_489 : i32
      %dma_wait3A_498 = arith.constant 0 : i32
      %dma_wait3A_499 = tpu.memref_slice %arg4[%add3A_497, %dma_wait3A_498] : memref<5120x64xi32, #tpu.memory_space<hbm>> -> memref<1x64xi32, #tpu.memory_space<hbm>>
      %dma_wait3A_500 = tpu.memref_squeeze %dma_wait3A_499 : memref<1x64xi32, #tpu.memory_space<hbm>> -> memref<64xi32, #tpu.memory_space<hbm>>
      %dma_wait3A_501 = arith.constant 0 : i32
      %dma_wait3A_502 = tpu.memref_slice %arg4[%add3A_497, %dma_wait3A_501] : memref<5120x64xi32, #tpu.memory_space<hbm>> -> memref<1x64xi32, #tpu.memory_space<hbm>>
      %dma_wait3A_503 = tpu.memref_squeeze %dma_wait3A_502 : memref<1x64xi32, #tpu.memory_space<hbm>> -> memref<64xi32, #tpu.memory_space<hbm>>
      tpu.wait_dma2 semaphore(%arg52 : memref<!tpu.dma_semaphore, #tpu.memory_space<semaphore_mem>>) src(%dma_wait3A_503 : memref<64xi32, #tpu.memory_space<hbm>>) dst(%arg24 : memref<64xi32, #tpu.memory_space<vmem>>)
      %add3A_504 = arith.addi %mul3A_2, %add3A_489 : i32
      %dma_wait3A_505 = arith.constant 0 : i32
      %dma_wait3A_506 = tpu.memref_slice %arg5[%add3A_504, %dma_wait3A_505] : memref<5120x64xf32, #tpu.memory_space<hbm>> -> memref<1x64xf32, #tpu.memory_space<hbm>>
      %dma_wait3A_507 = tpu.memref_squeeze %dma_wait3A_506 : memref<1x64xf32, #tpu.memory_space<hbm>> -> memref<64xf32, #tpu.memory_space<hbm>>
      %dma_wait3A_508 = arith.constant 0 : i32
      %dma_wait3A_509 = tpu.memref_slice %arg5[%add3A_504, %dma_wait3A_508] : memref<5120x64xf32, #tpu.memory_space<hbm>> -> memref<1x64xf32, #tpu.memory_space<hbm>>
      %dma_wait3A_510 = tpu.memref_squeeze %dma_wait3A_509 : memref<1x64xf32, #tpu.memory_space<hbm>> -> memref<64xf32, #tpu.memory_space<hbm>>
      tpu.wait_dma2 semaphore(%arg52 : memref<!tpu.dma_semaphore, #tpu.memory_space<semaphore_mem>>) src(%dma_wait3A_510 : memref<64xf32, #tpu.memory_space<hbm>>) dst(%arg32 : memref<64xf32, #tpu.memory_space<vmem>>)
      %dma_start3A_511 = arith.constant 0 : i32
      %dma_start3A_512 = arith.constant 0 : i32
      %dma_start3A_513 = tpu.memref_slice %arg2[%dma_start3A_511, %dma_start3A_512] : memref<10000x64xi32, #tpu.memory_space<hbm>> -> memref<10000x64xi32, #tpu.memory_space<hbm>>
      tpu.enqueue_indirect_dma source(%dma_start3A_513 : memref<10000x64xi32, #tpu.memory_space<hbm>>) target(%arg36 : memref<64x64xi32, #tpu.memory_space<vmem>>) offsets(%arg16 : memref<64xi32, #tpu.memory_space<vmem>>) semaphore(%arg42 : memref<!tpu.dma_semaphore, #tpu.memory_space<semaphore_mem>>)
      %lt3A_514 = arith.constant 19 : i32
      %lt3A_515 = arith.cmpi slt, %scan3A_248, %lt3A_514 : i32
      %convert_element_type3A_516 = arith.extui %lt3A_515 : i1 to i32
      %cond3A_517 = arith.constant 0 : i32
      %cond3A_518 = arith.cmpi ne, %convert_element_type3A_516, %cond3A_517 : i32
      scf.if %cond3A_518 {
        %add3A_597 = arith.constant 6 : i32
        %add3A_598 = arith.addi %add3A_475, %add3A_597 : i32
        %add3A_599 = arith.addi %mul3A_2, %add3A_598 : i32
        %dma_start3A_600 = arith.constant 0 : i32
        %dma_start3A_601 = tpu.memref_slice %arg3[%add3A_599, %dma_start3A_600] : memref<5120x64xi32, #tpu.memory_space<hbm>> -> memref<1x64xi32, #tpu.memory_space<hbm>>
        %dma_start3A_602 = tpu.memref_squeeze %dma_start3A_601 : memref<1x64xi32, #tpu.memory_space<hbm>> -> memref<64xi32, #tpu.memory_space<hbm>>
        %dma_start3A_603 = arith.constant 0 : i32
        %dma_start3A_604 = tpu.memref_slice %arg3[%add3A_599, %dma_start3A_603] : memref<5120x64xi32, #tpu.memory_space<hbm>> -> memref<1x64xi32, #tpu.memory_space<hbm>>
        %dma_start3A_605 = tpu.memref_squeeze %dma_start3A_604 : memref<1x64xi32, #tpu.memory_space<hbm>> -> memref<64xi32, #tpu.memory_space<hbm>>
        tpu.enqueue_dma source(%dma_start3A_605 : memref<64xi32, #tpu.memory_space<hbm>>) target(%arg11 : memref<64xi32, #tpu.memory_space<vmem>>) target_semaphore(%arg47 : memref<!tpu.dma_semaphore, #tpu.memory_space<semaphore_mem>>)
        %add3A_606 = arith.addi %mul3A_2, %add3A_598 : i32
        %dma_start3A_607 = arith.constant 0 : i32
        %dma_start3A_608 = tpu.memref_slice %arg4[%add3A_606, %dma_start3A_607] : memref<5120x64xi32, #tpu.memory_space<hbm>> -> memref<1x64xi32, #tpu.memory_space<hbm>>
        %dma_start3A_609 = tpu.memref_squeeze %dma_start3A_608 : memref<1x64xi32, #tpu.memory_space<hbm>> -> memref<64xi32, #tpu.memory_space<hbm>>
        %dma_start3A_610 = arith.constant 0 : i32
        %dma_start3A_611 = tpu.memref_slice %arg4[%add3A_606, %dma_start3A_610] : memref<5120x64xi32, #tpu.memory_space<hbm>> -> memref<1x64xi32, #tpu.memory_space<hbm>>
        %dma_start3A_612 = tpu.memref_squeeze %dma_start3A_611 : memref<1x64xi32, #tpu.memory_space<hbm>> -> memref<64xi32, #tpu.memory_space<hbm>>
        tpu.enqueue_dma source(%dma_start3A_612 : memref<64xi32, #tpu.memory_space<hbm>>) target(%arg19 : memref<64xi32, #tpu.memory_space<vmem>>) target_semaphore(%arg47 : memref<!tpu.dma_semaphore, #tpu.memory_space<semaphore_mem>>)
        %add3A_613 = arith.addi %mul3A_2, %add3A_598 : i32
        %dma_start3A_614 = arith.constant 0 : i32
        %dma_start3A_615 = tpu.memref_slice %arg5[%add3A_613, %dma_start3A_614] : memref<5120x64xf32, #tpu.memory_space<hbm>> -> memref<1x64xf32, #tpu.memory_space<hbm>>
        %dma_start3A_616 = tpu.memref_squeeze %dma_start3A_615 : memref<1x64xf32, #tpu.memory_space<hbm>> -> memref<64xf32, #tpu.memory_space<hbm>>
        %dma_start3A_617 = arith.constant 0 : i32
        %dma_start3A_618 = tpu.memref_slice %arg5[%add3A_613, %dma_start3A_617] : memref<5120x64xf32, #tpu.memory_space<hbm>> -> memref<1x64xf32, #tpu.memory_space<hbm>>
        %dma_start3A_619 = tpu.memref_squeeze %dma_start3A_618 : memref<1x64xf32, #tpu.memory_space<hbm>> -> memref<64xf32, #tpu.memory_space<hbm>>
        tpu.enqueue_dma source(%dma_start3A_619 : memref<64xf32, #tpu.memory_space<hbm>>) target(%arg27 : memref<64xf32, #tpu.memory_space<vmem>>) target_semaphore(%arg47 : memref<!tpu.dma_semaphore, #tpu.memory_space<semaphore_mem>>)
      } else {
      }
      %mul3A_519 = arith.constant 8 : i32
      %mul3A_520 = arith.muli %scan3A_248, %mul3A_519 : i32
      %add3A_521 = arith.constant 5 : i32
      %add3A_522 = arith.addi %mul3A_520, %add3A_521 : i32
      %dma_wait3A_523 = arith.constant 0 : i32
      %dma_wait3A_524 = arith.constant 0 : i32
      %dma_wait3A_525 = tpu.memref_slice %arg2[%dma_wait3A_523, %dma_wait3A_524] : memref<10000x64xi32, #tpu.memory_space<hbm>> -> memref<10000x64xi32, #tpu.memory_space<hbm>>
      tpu.wait_indirect_dma semaphore(%arg40 : memref<!tpu.dma_semaphore, #tpu.memory_space<semaphore_mem>>) src(%dma_wait3A_525 : memref<10000x64xi32, #tpu.memory_space<hbm>>) dst(%arg34 : memref<64x64xi32, #tpu.memory_space<vmem>>)
      %dma_wait3A_526 = arith.constant 0 : i32
      %dma_wait3A_527 = arith.constant 0 : i32
      %dma_wait3A_528 = tpu.memref_slice %arg8[%dma_wait3A_526, %dma_wait3A_527] : memref<10112x128xf32, #tpu.memory_space<vmem_shared>> -> memref<10112x128xf32, #tpu.memory_space<vmem_shared>>
      tpu.wait_indirect_dma semaphore(%arg44 : memref<!tpu.dma_semaphore, #tpu.memory_space<semaphore_mem>>) src(%arg38 : memref<64x128xf32, #tpu.memory_space<vmem>>) dst(%dma_wait3A_528 : memref<10112x128xf32, #tpu.memory_space<vmem_shared>>)
      %parallel_loop3A_529 = arith.constant 0 : i32
      %parallel_loop3A_530 = arith.constant 64 : i32
      %parallel_loop3A_531 = arith.constant 1 : i32
      scf.for %parallel_loop3A_597 = %parallel_loop3A_529 to %parallel_loop3A_530 step %parallel_loop3A_531  : i32 {
        %parallel_loop3A_598 = vector.broadcast %parallel_loop3A_597 : i32 to vector<16xi32>
        %parallel_loop3A_599 = tpu.vector_load_idx %arg30[%parallel_loop3A_598] : memref<64xf32, #tpu.memory_space<vmem>>[vector<16xi32>], vector<16xf32>,
        %parallel_loop3A_600 = arith.index_cast %parallel_loop3A_597 : i32 to index
        %parallel_loop3A_601 = arith.constant 0 : index
        %parallel_loop3A_602 = tpu.vector_load %arg34[%parallel_loop3A_600, %parallel_loop3A_601] {strides = array<i32>} : memref<64x64xi32, #tpu.memory_space<vmem>>, vector<16xi32>,
        %parallel_loop3A_603 = vector.bitcast %parallel_loop3A_602 : vector<16xi32> to vector<32xbf16>
        %parallel_loop3A_604 = tpu.unpack_subelements %parallel_loop3A_603, 0 {pack_format = #tpu.pack_format<interleaved>} : vector<32xbf16> -> vector<16xf32>
        %parallel_loop3A_605 = tpu.unpack_subelements %parallel_loop3A_603, 1 {pack_format = #tpu.pack_format<interleaved>} : vector<32xbf16> -> vector<16xf32>
        %parallel_loop3A_606 = arith.mulf %parallel_loop3A_604, %parallel_loop3A_599 : vector<16xf32>
        %parallel_loop3A_607 = arith.index_cast %parallel_loop3A_597 : i32 to index
        %parallel_loop3A_608 = arith.constant 0 : index
        %parallel_loop3A_609 = tpu.vector_load %arg38[%parallel_loop3A_607, %parallel_loop3A_608] {strides = array<i32>} : memref<64x128xf32, #tpu.memory_space<vmem>>, vector<16xf32>,
        tpu.vector_store %arg38[%parallel_loop3A_607, %parallel_loop3A_608], %parallel_loop3A_606 {strides = array<i32>} : memref<64x128xf32, #tpu.memory_space<vmem>>, vector<16xf32>,
        %parallel_loop3A_610 = arith.mulf %parallel_loop3A_605, %parallel_loop3A_599 : vector<16xf32>
        %parallel_loop3A_611 = arith.index_cast %parallel_loop3A_597 : i32 to index
        %parallel_loop3A_612 = arith.constant 16 : index
        %parallel_loop3A_613 = tpu.vector_load %arg38[%parallel_loop3A_611, %parallel_loop3A_612] {strides = array<i32>} : memref<64x128xf32, #tpu.memory_space<vmem>>, vector<16xf32>,
        tpu.vector_store %arg38[%parallel_loop3A_611, %parallel_loop3A_612], %parallel_loop3A_610 {strides = array<i32>} : memref<64x128xf32, #tpu.memory_space<vmem>>, vector<16xf32>,
        %parallel_loop3A_614 = arith.index_cast %parallel_loop3A_597 : i32 to index
        %parallel_loop3A_615 = arith.constant 16 : index
        %parallel_loop3A_616 = tpu.vector_load %arg34[%parallel_loop3A_614, %parallel_loop3A_615] {strides = array<i32>} : memref<64x64xi32, #tpu.memory_space<vmem>>, vector<16xi32>,
        %parallel_loop3A_617 = vector.bitcast %parallel_loop3A_616 : vector<16xi32> to vector<32xbf16>
        %parallel_loop3A_618 = tpu.unpack_subelements %parallel_loop3A_617, 0 {pack_format = #tpu.pack_format<interleaved>} : vector<32xbf16> -> vector<16xf32>
        %parallel_loop3A_619 = tpu.unpack_subelements %parallel_loop3A_617, 1 {pack_format = #tpu.pack_format<interleaved>} : vector<32xbf16> -> vector<16xf32>
        %parallel_loop3A_620 = arith.mulf %parallel_loop3A_618, %parallel_loop3A_599 : vector<16xf32>
        %parallel_loop3A_621 = arith.index_cast %parallel_loop3A_597 : i32 to index
        %parallel_loop3A_622 = arith.constant 32 : index
        %parallel_loop3A_623 = tpu.vector_load %arg38[%parallel_loop3A_621, %parallel_loop3A_622] {strides = array<i32>} : memref<64x128xf32, #tpu.memory_space<vmem>>, vector<16xf32>,
        tpu.vector_store %arg38[%parallel_loop3A_621, %parallel_loop3A_622], %parallel_loop3A_620 {strides = array<i32>} : memref<64x128xf32, #tpu.memory_space<vmem>>, vector<16xf32>,
        %parallel_loop3A_624 = arith.mulf %parallel_loop3A_619, %parallel_loop3A_599 : vector<16xf32>
        %parallel_loop3A_625 = arith.index_cast %parallel_loop3A_597 : i32 to index
        %parallel_loop3A_626 = arith.constant 48 : index
        %parallel_loop3A_627 = tpu.vector_load %arg38[%parallel_loop3A_625, %parallel_loop3A_626] {strides = array<i32>} : memref<64x128xf32, #tpu.memory_space<vmem>>, vector<16xf32>,
        tpu.vector_store %arg38[%parallel_loop3A_625, %parallel_loop3A_626], %parallel_loop3A_624 {strides = array<i32>} : memref<64x128xf32, #tpu.memory_space<vmem>>, vector<16xf32>,
        %parallel_loop3A_628 = arith.index_cast %parallel_loop3A_597 : i32 to index
        %parallel_loop3A_629 = arith.constant 32 : index
        %parallel_loop3A_630 = tpu.vector_load %arg34[%parallel_loop3A_628, %parallel_loop3A_629] {strides = array<i32>} : memref<64x64xi32, #tpu.memory_space<vmem>>, vector<16xi32>,
        %parallel_loop3A_631 = vector.bitcast %parallel_loop3A_630 : vector<16xi32> to vector<32xbf16>
        %parallel_loop3A_632 = tpu.unpack_subelements %parallel_loop3A_631, 0 {pack_format = #tpu.pack_format<interleaved>} : vector<32xbf16> -> vector<16xf32>
        %parallel_loop3A_633 = tpu.unpack_subelements %parallel_loop3A_631, 1 {pack_format = #tpu.pack_format<interleaved>} : vector<32xbf16> -> vector<16xf32>
        %parallel_loop3A_634 = arith.mulf %parallel_loop3A_632, %parallel_loop3A_599 : vector<16xf32>
        %parallel_loop3A_635 = arith.index_cast %parallel_loop3A_597 : i32 to index
        %parallel_loop3A_636 = arith.constant 64 : index
        %parallel_loop3A_637 = tpu.vector_load %arg38[%parallel_loop3A_635, %parallel_loop3A_636] {strides = array<i32>} : memref<64x128xf32, #tpu.memory_space<vmem>>, vector<16xf32>,
        tpu.vector_store %arg38[%parallel_loop3A_635, %parallel_loop3A_636], %parallel_loop3A_634 {strides = array<i32>} : memref<64x128xf32, #tpu.memory_space<vmem>>, vector<16xf32>,
        %parallel_loop3A_638 = arith.mulf %parallel_loop3A_633, %parallel_loop3A_599 : vector<16xf32>
        %parallel_loop3A_639 = arith.index_cast %parallel_loop3A_597 : i32 to index
        %parallel_loop3A_640 = arith.constant 80 : index
        %parallel_loop3A_641 = tpu.vector_load %arg38[%parallel_loop3A_639, %parallel_loop3A_640] {strides = array<i32>} : memref<64x128xf32, #tpu.memory_space<vmem>>, vector<16xf32>,
        tpu.vector_store %arg38[%parallel_loop3A_639, %parallel_loop3A_640], %parallel_loop3A_638 {strides = array<i32>} : memref<64x128xf32, #tpu.memory_space<vmem>>, vector<16xf32>,
        %parallel_loop3A_642 = arith.index_cast %parallel_loop3A_597 : i32 to index
        %parallel_loop3A_643 = arith.constant 48 : index
        %parallel_loop3A_644 = tpu.vector_load %arg34[%parallel_loop3A_642, %parallel_loop3A_643] {strides = array<i32>} : memref<64x64xi32, #tpu.memory_space<vmem>>, vector<16xi32>,
        %parallel_loop3A_645 = vector.bitcast %parallel_loop3A_644 : vector<16xi32> to vector<32xbf16>
        %parallel_loop3A_646 = tpu.unpack_subelements %parallel_loop3A_645, 0 {pack_format = #tpu.pack_format<interleaved>} : vector<32xbf16> -> vector<16xf32>
        %parallel_loop3A_647 = tpu.unpack_subelements %parallel_loop3A_645, 1 {pack_format = #tpu.pack_format<interleaved>} : vector<32xbf16> -> vector<16xf32>
        %parallel_loop3A_648 = arith.mulf %parallel_loop3A_646, %parallel_loop3A_599 : vector<16xf32>
        %parallel_loop3A_649 = arith.index_cast %parallel_loop3A_597 : i32 to index
        %parallel_loop3A_650 = arith.constant 96 : index
        %parallel_loop3A_651 = tpu.vector_load %arg38[%parallel_loop3A_649, %parallel_loop3A_650] {strides = array<i32>} : memref<64x128xf32, #tpu.memory_space<vmem>>, vector<16xf32>,
        tpu.vector_store %arg38[%parallel_loop3A_649, %parallel_loop3A_650], %parallel_loop3A_648 {strides = array<i32>} : memref<64x128xf32, #tpu.memory_space<vmem>>, vector<16xf32>,
        %parallel_loop3A_652 = arith.mulf %parallel_loop3A_647, %parallel_loop3A_599 : vector<16xf32>
        %parallel_loop3A_653 = arith.index_cast %parallel_loop3A_597 : i32 to index
        %parallel_loop3A_654 = arith.constant 112 : index
        %parallel_loop3A_655 = tpu.vector_load %arg38[%parallel_loop3A_653, %parallel_loop3A_654] {strides = array<i32>} : memref<64x128xf32, #tpu.memory_space<vmem>>, vector<16xf32>,
        tpu.vector_store %arg38[%parallel_loop3A_653, %parallel_loop3A_654], %parallel_loop3A_652 {strides = array<i32>} : memref<64x128xf32, #tpu.memory_space<vmem>>, vector<16xf32>,
      } {sc.loop_unroll_factor = 2 : i64, sc.parallel_access}
      %dma_start3A_532 = arith.constant 0 : i32
      %dma_start3A_533 = arith.constant 0 : i32
      %dma_start3A_534 = tpu.memref_slice %arg8[%dma_start3A_532, %dma_start3A_533] : memref<10112x128xf32, #tpu.memory_space<vmem_shared>> -> memref<10112x128xf32, #tpu.memory_space<vmem_shared>>
      tpu.enqueue_indirect_dma source(%arg38 : memref<64x128xf32, #tpu.memory_space<vmem>>) target(%dma_start3A_534 : memref<10112x128xf32, #tpu.memory_space<vmem_shared>>) offsets(%arg22 : memref<64xi32, #tpu.memory_space<vmem>>) semaphore(%arg44 : memref<!tpu.dma_semaphore, #tpu.memory_space<semaphore_mem>>) {add = true}
      %lt3A_535 = arith.constant 19 : i32
      %lt3A_536 = arith.cmpi slt, %scan3A_248, %lt3A_535 : i32
      %convert_element_type3A_537 = arith.extui %lt3A_536 : i1 to i32
      %cond3A_538 = arith.constant 0 : i32
      %cond3A_539 = arith.cmpi ne, %convert_element_type3A_537, %cond3A_538 : i32
      scf.if %cond3A_539 {
        %add3A_597 = arith.constant 3 : i32
        %add3A_598 = arith.addi %add3A_522, %add3A_597 : i32
        %add3A_599 = arith.addi %mul3A_2, %add3A_598 : i32
        %dma_wait3A_600 = arith.constant 0 : i32
        %dma_wait3A_601 = tpu.memref_slice %arg3[%add3A_599, %dma_wait3A_600] : memref<5120x64xi32, #tpu.memory_space<hbm>> -> memref<1x64xi32, #tpu.memory_space<hbm>>
        %dma_wait3A_602 = tpu.memref_squeeze %dma_wait3A_601 : memref<1x64xi32, #tpu.memory_space<hbm>> -> memref<64xi32, #tpu.memory_space<hbm>>
        %dma_wait3A_603 = arith.constant 0 : i32
        %dma_wait3A_604 = tpu.memref_slice %arg3[%add3A_599, %dma_wait3A_603] : memref<5120x64xi32, #tpu.memory_space<hbm>> -> memref<1x64xi32, #tpu.memory_space<hbm>>
        %dma_wait3A_605 = tpu.memref_squeeze %dma_wait3A_604 : memref<1x64xi32, #tpu.memory_space<hbm>> -> memref<64xi32, #tpu.memory_space<hbm>>
        tpu.wait_dma2 semaphore(%arg45 : memref<!tpu.dma_semaphore, #tpu.memory_space<semaphore_mem>>) src(%dma_wait3A_605 : memref<64xi32, #tpu.memory_space<hbm>>) dst(%arg9 : memref<64xi32, #tpu.memory_space<vmem>>)
        %add3A_606 = arith.addi %mul3A_2, %add3A_598 : i32
        %dma_wait3A_607 = arith.constant 0 : i32
        %dma_wait3A_608 = tpu.memref_slice %arg4[%add3A_606, %dma_wait3A_607] : memref<5120x64xi32, #tpu.memory_space<hbm>> -> memref<1x64xi32, #tpu.memory_space<hbm>>
        %dma_wait3A_609 = tpu.memref_squeeze %dma_wait3A_608 : memref<1x64xi32, #tpu.memory_space<hbm>> -> memref<64xi32, #tpu.memory_space<hbm>>
        %dma_wait3A_610 = arith.constant 0 : i32
        %dma_wait3A_611 = tpu.memref_slice %arg4[%add3A_606, %dma_wait3A_610] : memref<5120x64xi32, #tpu.memory_space<hbm>> -> memref<1x64xi32, #tpu.memory_space<hbm>>
        %dma_wait3A_612 = tpu.memref_squeeze %dma_wait3A_611 : memref<1x64xi32, #tpu.memory_space<hbm>> -> memref<64xi32, #tpu.memory_space<hbm>>
        tpu.wait_dma2 semaphore(%arg45 : memref<!tpu.dma_semaphore, #tpu.memory_space<semaphore_mem>>) src(%dma_wait3A_612 : memref<64xi32, #tpu.memory_space<hbm>>) dst(%arg17 : memref<64xi32, #tpu.memory_space<vmem>>)
        %add3A_613 = arith.addi %mul3A_2, %add3A_598 : i32
        %dma_wait3A_614 = arith.constant 0 : i32
        %dma_wait3A_615 = tpu.memref_slice %arg5[%add3A_613, %dma_wait3A_614] : memref<5120x64xf32, #tpu.memory_space<hbm>> -> memref<1x64xf32, #tpu.memory_space<hbm>>
        %dma_wait3A_616 = tpu.memref_squeeze %dma_wait3A_615 : memref<1x64xf32, #tpu.memory_space<hbm>> -> memref<64xf32, #tpu.memory_space<hbm>>
        %dma_wait3A_617 = arith.constant 0 : i32
        %dma_wait3A_618 = tpu.memref_slice %arg5[%add3A_613, %dma_wait3A_617] : memref<5120x64xf32, #tpu.memory_space<hbm>> -> memref<1x64xf32, #tpu.memory_space<hbm>>
        %dma_wait3A_619 = tpu.memref_squeeze %dma_wait3A_618 : memref<1x64xf32, #tpu.memory_space<hbm>> -> memref<64xf32, #tpu.memory_space<hbm>>
        tpu.wait_dma2 semaphore(%arg45 : memref<!tpu.dma_semaphore, #tpu.memory_space<semaphore_mem>>) src(%dma_wait3A_619 : memref<64xf32, #tpu.memory_space<hbm>>) dst(%arg25 : memref<64xf32, #tpu.memory_space<vmem>>)
        %dma_start3A_620 = arith.constant 0 : i32
        %dma_start3A_621 = arith.constant 0 : i32
        %dma_start3A_622 = tpu.memref_slice %arg2[%dma_start3A_620, %dma_start3A_621] : memref<10000x64xi32, #tpu.memory_space<hbm>> -> memref<10000x64xi32, #tpu.memory_space<hbm>>
        tpu.enqueue_indirect_dma source(%dma_start3A_622 : memref<10000x64xi32, #tpu.memory_space<hbm>>) target(%arg33 : memref<64x64xi32, #tpu.memory_space<vmem>>) offsets(%arg9 : memref<64xi32, #tpu.memory_space<vmem>>) semaphore(%arg39 : memref<!tpu.dma_semaphore, #tpu.memory_space<semaphore_mem>>)
      } else {
      }
      %lt3A_540 = arith.constant 19 : i32
      %lt3A_541 = arith.cmpi slt, %scan3A_248, %lt3A_540 : i32
      %convert_element_type3A_542 = arith.extui %lt3A_541 : i1 to i32
      %cond3A_543 = arith.constant 0 : i32
      %cond3A_544 = arith.cmpi ne, %convert_element_type3A_542, %cond3A_543 : i32
      scf.if %cond3A_544 {
        %add3A_597 = arith.constant 6 : i32
        %add3A_598 = arith.addi %add3A_522, %add3A_597 : i32
        %add3A_599 = arith.addi %mul3A_2, %add3A_598 : i32
        %dma_start3A_600 = arith.constant 0 : i32
        %dma_start3A_601 = tpu.memref_slice %arg3[%add3A_599, %dma_start3A_600] : memref<5120x64xi32, #tpu.memory_space<hbm>> -> memref<1x64xi32, #tpu.memory_space<hbm>>
        %dma_start3A_602 = tpu.memref_squeeze %dma_start3A_601 : memref<1x64xi32, #tpu.memory_space<hbm>> -> memref<64xi32, #tpu.memory_space<hbm>>
        %dma_start3A_603 = arith.constant 0 : i32
        %dma_start3A_604 = tpu.memref_slice %arg3[%add3A_599, %dma_start3A_603] : memref<5120x64xi32, #tpu.memory_space<hbm>> -> memref<1x64xi32, #tpu.memory_space<hbm>>
        %dma_start3A_605 = tpu.memref_squeeze %dma_start3A_604 : memref<1x64xi32, #tpu.memory_space<hbm>> -> memref<64xi32, #tpu.memory_space<hbm>>
        tpu.enqueue_dma source(%dma_start3A_605 : memref<64xi32, #tpu.memory_space<hbm>>) target(%arg12 : memref<64xi32, #tpu.memory_space<vmem>>) target_semaphore(%arg48 : memref<!tpu.dma_semaphore, #tpu.memory_space<semaphore_mem>>)
        %add3A_606 = arith.addi %mul3A_2, %add3A_598 : i32
        %dma_start3A_607 = arith.constant 0 : i32
        %dma_start3A_608 = tpu.memref_slice %arg4[%add3A_606, %dma_start3A_607] : memref<5120x64xi32, #tpu.memory_space<hbm>> -> memref<1x64xi32, #tpu.memory_space<hbm>>
        %dma_start3A_609 = tpu.memref_squeeze %dma_start3A_608 : memref<1x64xi32, #tpu.memory_space<hbm>> -> memref<64xi32, #tpu.memory_space<hbm>>
        %dma_start3A_610 = arith.constant 0 : i32
        %dma_start3A_611 = tpu.memref_slice %arg4[%add3A_606, %dma_start3A_610] : memref<5120x64xi32, #tpu.memory_space<hbm>> -> memref<1x64xi32, #tpu.memory_space<hbm>>
        %dma_start3A_612 = tpu.memref_squeeze %dma_start3A_611 : memref<1x64xi32, #tpu.memory_space<hbm>> -> memref<64xi32, #tpu.memory_space<hbm>>
        tpu.enqueue_dma source(%dma_start3A_612 : memref<64xi32, #tpu.memory_space<hbm>>) target(%arg20 : memref<64xi32, #tpu.memory_space<vmem>>) target_semaphore(%arg48 : memref<!tpu.dma_semaphore, #tpu.memory_space<semaphore_mem>>)
        %add3A_613 = arith.addi %mul3A_2, %add3A_598 : i32
        %dma_start3A_614 = arith.constant 0 : i32
        %dma_start3A_615 = tpu.memref_slice %arg5[%add3A_613, %dma_start3A_614] : memref<5120x64xf32, #tpu.memory_space<hbm>> -> memref<1x64xf32, #tpu.memory_space<hbm>>
        %dma_start3A_616 = tpu.memref_squeeze %dma_start3A_615 : memref<1x64xf32, #tpu.memory_space<hbm>> -> memref<64xf32, #tpu.memory_space<hbm>>
        %dma_start3A_617 = arith.constant 0 : i32
        %dma_start3A_618 = tpu.memref_slice %arg5[%add3A_613, %dma_start3A_617] : memref<5120x64xf32, #tpu.memory_space<hbm>> -> memref<1x64xf32, #tpu.memory_space<hbm>>
        %dma_start3A_619 = tpu.memref_squeeze %dma_start3A_618 : memref<1x64xf32, #tpu.memory_space<hbm>> -> memref<64xf32, #tpu.memory_space<hbm>>
        tpu.enqueue_dma source(%dma_start3A_619 : memref<64xf32, #tpu.memory_space<hbm>>) target(%arg28 : memref<64xf32, #tpu.memory_space<vmem>>) target_semaphore(%arg48 : memref<!tpu.dma_semaphore, #tpu.memory_space<semaphore_mem>>)
      } else {
      }
      %mul3A_545 = arith.constant 8 : i32
      %mul3A_546 = arith.muli %scan3A_248, %mul3A_545 : i32
      %add3A_547 = arith.constant 6 : i32
      %add3A_548 = arith.addi %mul3A_546, %add3A_547 : i32
      %dma_wait3A_549 = arith.constant 0 : i32
      %dma_wait3A_550 = arith.constant 0 : i32
      %dma_wait3A_551 = tpu.memref_slice %arg2[%dma_wait3A_549, %dma_wait3A_550] : memref<10000x64xi32, #tpu.memory_space<hbm>> -> memref<10000x64xi32, #tpu.memory_space<hbm>>
      tpu.wait_indirect_dma semaphore(%arg41 : memref<!tpu.dma_semaphore, #tpu.memory_space<semaphore_mem>>) src(%dma_wait3A_551 : memref<10000x64xi32, #tpu.memory_space<hbm>>) dst(%arg35 : memref<64x64xi32, #tpu.memory_space<vmem>>)
      %dma_wait3A_552 = arith.constant 0 : i32
      %dma_wait3A_553 = arith.constant 0 : i32
      %dma_wait3A_554 = tpu.memref_slice %arg8[%dma_wait3A_552, %dma_wait3A_553] : memref<10112x128xf32, #tpu.memory_space<vmem_shared>> -> memref<10112x128xf32, #tpu.memory_space<vmem_shared>>
      tpu.wait_indirect_dma semaphore(%arg43 : memref<!tpu.dma_semaphore, #tpu.memory_space<semaphore_mem>>) src(%arg37 : memref<64x128xf32, #tpu.memory_space<vmem>>) dst(%dma_wait3A_554 : memref<10112x128xf32, #tpu.memory_space<vmem_shared>>)
      %parallel_loop3A_555 = arith.constant 0 : i32
      %parallel_loop3A_556 = arith.constant 64 : i32
      %parallel_loop3A_557 = arith.constant 1 : i32
      scf.for %parallel_loop3A_597 = %parallel_loop3A_555 to %parallel_loop3A_556 step %parallel_loop3A_557  : i32 {
        %parallel_loop3A_598 = vector.broadcast %parallel_loop3A_597 : i32 to vector<16xi32>
        %parallel_loop3A_599 = tpu.vector_load_idx %arg31[%parallel_loop3A_598] : memref<64xf32, #tpu.memory_space<vmem>>[vector<16xi32>], vector<16xf32>,
        %parallel_loop3A_600 = arith.index_cast %parallel_loop3A_597 : i32 to index
        %parallel_loop3A_601 = arith.constant 0 : index
        %parallel_loop3A_602 = tpu.vector_load %arg35[%parallel_loop3A_600, %parallel_loop3A_601] {strides = array<i32>} : memref<64x64xi32, #tpu.memory_space<vmem>>, vector<16xi32>,
        %parallel_loop3A_603 = vector.bitcast %parallel_loop3A_602 : vector<16xi32> to vector<32xbf16>
        %parallel_loop3A_604 = tpu.unpack_subelements %parallel_loop3A_603, 0 {pack_format = #tpu.pack_format<interleaved>} : vector<32xbf16> -> vector<16xf32>
        %parallel_loop3A_605 = tpu.unpack_subelements %parallel_loop3A_603, 1 {pack_format = #tpu.pack_format<interleaved>} : vector<32xbf16> -> vector<16xf32>
        %parallel_loop3A_606 = arith.mulf %parallel_loop3A_604, %parallel_loop3A_599 : vector<16xf32>
        %parallel_loop3A_607 = arith.index_cast %parallel_loop3A_597 : i32 to index
        %parallel_loop3A_608 = arith.constant 0 : index
        %parallel_loop3A_609 = tpu.vector_load %arg37[%parallel_loop3A_607, %parallel_loop3A_608] {strides = array<i32>} : memref<64x128xf32, #tpu.memory_space<vmem>>, vector<16xf32>,
        tpu.vector_store %arg37[%parallel_loop3A_607, %parallel_loop3A_608], %parallel_loop3A_606 {strides = array<i32>} : memref<64x128xf32, #tpu.memory_space<vmem>>, vector<16xf32>,
        %parallel_loop3A_610 = arith.mulf %parallel_loop3A_605, %parallel_loop3A_599 : vector<16xf32>
        %parallel_loop3A_611 = arith.index_cast %parallel_loop3A_597 : i32 to index
        %parallel_loop3A_612 = arith.constant 16 : index
        %parallel_loop3A_613 = tpu.vector_load %arg37[%parallel_loop3A_611, %parallel_loop3A_612] {strides = array<i32>} : memref<64x128xf32, #tpu.memory_space<vmem>>, vector<16xf32>,
        tpu.vector_store %arg37[%parallel_loop3A_611, %parallel_loop3A_612], %parallel_loop3A_610 {strides = array<i32>} : memref<64x128xf32, #tpu.memory_space<vmem>>, vector<16xf32>,
        %parallel_loop3A_614 = arith.index_cast %parallel_loop3A_597 : i32 to index
        %parallel_loop3A_615 = arith.constant 16 : index
        %parallel_loop3A_616 = tpu.vector_load %arg35[%parallel_loop3A_614, %parallel_loop3A_615] {strides = array<i32>} : memref<64x64xi32, #tpu.memory_space<vmem>>, vector<16xi32>,
        %parallel_loop3A_617 = vector.bitcast %parallel_loop3A_616 : vector<16xi32> to vector<32xbf16>
        %parallel_loop3A_618 = tpu.unpack_subelements %parallel_loop3A_617, 0 {pack_format = #tpu.pack_format<interleaved>} : vector<32xbf16> -> vector<16xf32>
        %parallel_loop3A_619 = tpu.unpack_subelements %parallel_loop3A_617, 1 {pack_format = #tpu.pack_format<interleaved>} : vector<32xbf16> -> vector<16xf32>
        %parallel_loop3A_620 = arith.mulf %parallel_loop3A_618, %parallel_loop3A_599 : vector<16xf32>
        %parallel_loop3A_621 = arith.index_cast %parallel_loop3A_597 : i32 to index
        %parallel_loop3A_622 = arith.constant 32 : index
        %parallel_loop3A_623 = tpu.vector_load %arg37[%parallel_loop3A_621, %parallel_loop3A_622] {strides = array<i32>} : memref<64x128xf32, #tpu.memory_space<vmem>>, vector<16xf32>,
        tpu.vector_store %arg37[%parallel_loop3A_621, %parallel_loop3A_622], %parallel_loop3A_620 {strides = array<i32>} : memref<64x128xf32, #tpu.memory_space<vmem>>, vector<16xf32>,
        %parallel_loop3A_624 = arith.mulf %parallel_loop3A_619, %parallel_loop3A_599 : vector<16xf32>
        %parallel_loop3A_625 = arith.index_cast %parallel_loop3A_597 : i32 to index
        %parallel_loop3A_626 = arith.constant 48 : index
        %parallel_loop3A_627 = tpu.vector_load %arg37[%parallel_loop3A_625, %parallel_loop3A_626] {strides = array<i32>} : memref<64x128xf32, #tpu.memory_space<vmem>>, vector<16xf32>,
        tpu.vector_store %arg37[%parallel_loop3A_625, %parallel_loop3A_626], %parallel_loop3A_624 {strides = array<i32>} : memref<64x128xf32, #tpu.memory_space<vmem>>, vector<16xf32>,
        %parallel_loop3A_628 = arith.index_cast %parallel_loop3A_597 : i32 to index
        %parallel_loop3A_629 = arith.constant 32 : index
        %parallel_loop3A_630 = tpu.vector_load %arg35[%parallel_loop3A_628, %parallel_loop3A_629] {strides = array<i32>} : memref<64x64xi32, #tpu.memory_space<vmem>>, vector<16xi32>,
        %parallel_loop3A_631 = vector.bitcast %parallel_loop3A_630 : vector<16xi32> to vector<32xbf16>
        %parallel_loop3A_632 = tpu.unpack_subelements %parallel_loop3A_631, 0 {pack_format = #tpu.pack_format<interleaved>} : vector<32xbf16> -> vector<16xf32>
        %parallel_loop3A_633 = tpu.unpack_subelements %parallel_loop3A_631, 1 {pack_format = #tpu.pack_format<interleaved>} : vector<32xbf16> -> vector<16xf32>
        %parallel_loop3A_634 = arith.mulf %parallel_loop3A_632, %parallel_loop3A_599 : vector<16xf32>
        %parallel_loop3A_635 = arith.index_cast %parallel_loop3A_597 : i32 to index
        %parallel_loop3A_636 = arith.constant 64 : index
        %parallel_loop3A_637 = tpu.vector_load %arg37[%parallel_loop3A_635, %parallel_loop3A_636] {strides = array<i32>} : memref<64x128xf32, #tpu.memory_space<vmem>>, vector<16xf32>,
        tpu.vector_store %arg37[%parallel_loop3A_635, %parallel_loop3A_636], %parallel_loop3A_634 {strides = array<i32>} : memref<64x128xf32, #tpu.memory_space<vmem>>, vector<16xf32>,
        %parallel_loop3A_638 = arith.mulf %parallel_loop3A_633, %parallel_loop3A_599 : vector<16xf32>
        %parallel_loop3A_639 = arith.index_cast %parallel_loop3A_597 : i32 to index
        %parallel_loop3A_640 = arith.constant 80 : index
        %parallel_loop3A_641 = tpu.vector_load %arg37[%parallel_loop3A_639, %parallel_loop3A_640] {strides = array<i32>} : memref<64x128xf32, #tpu.memory_space<vmem>>, vector<16xf32>,
        tpu.vector_store %arg37[%parallel_loop3A_639, %parallel_loop3A_640], %parallel_loop3A_638 {strides = array<i32>} : memref<64x128xf32, #tpu.memory_space<vmem>>, vector<16xf32>,
        %parallel_loop3A_642 = arith.index_cast %parallel_loop3A_597 : i32 to index
        %parallel_loop3A_643 = arith.constant 48 : index
        %parallel_loop3A_644 = tpu.vector_load %arg35[%parallel_loop3A_642, %parallel_loop3A_643] {strides = array<i32>} : memref<64x64xi32, #tpu.memory_space<vmem>>, vector<16xi32>,
        %parallel_loop3A_645 = vector.bitcast %parallel_loop3A_644 : vector<16xi32> to vector<32xbf16>
        %parallel_loop3A_646 = tpu.unpack_subelements %parallel_loop3A_645, 0 {pack_format = #tpu.pack_format<interleaved>} : vector<32xbf16> -> vector<16xf32>
        %parallel_loop3A_647 = tpu.unpack_subelements %parallel_loop3A_645, 1 {pack_format = #tpu.pack_format<interleaved>} : vector<32xbf16> -> vector<16xf32>
        %parallel_loop3A_648 = arith.mulf %parallel_loop3A_646, %parallel_loop3A_599 : vector<16xf32>
        %parallel_loop3A_649 = arith.index_cast %parallel_loop3A_597 : i32 to index
        %parallel_loop3A_650 = arith.constant 96 : index
        %parallel_loop3A_651 = tpu.vector_load %arg37[%parallel_loop3A_649, %parallel_loop3A_650] {strides = array<i32>} : memref<64x128xf32, #tpu.memory_space<vmem>>, vector<16xf32>,
        tpu.vector_store %arg37[%parallel_loop3A_649, %parallel_loop3A_650], %parallel_loop3A_648 {strides = array<i32>} : memref<64x128xf32, #tpu.memory_space<vmem>>, vector<16xf32>,
        %parallel_loop3A_652 = arith.mulf %parallel_loop3A_647, %parallel_loop3A_599 : vector<16xf32>
        %parallel_loop3A_653 = arith.index_cast %parallel_loop3A_597 : i32 to index
        %parallel_loop3A_654 = arith.constant 112 : index
        %parallel_loop3A_655 = tpu.vector_load %arg37[%parallel_loop3A_653, %parallel_loop3A_654] {strides = array<i32>} : memref<64x128xf32, #tpu.memory_space<vmem>>, vector<16xf32>,
        tpu.vector_store %arg37[%parallel_loop3A_653, %parallel_loop3A_654], %parallel_loop3A_652 {strides = array<i32>} : memref<64x128xf32, #tpu.memory_space<vmem>>, vector<16xf32>,
      } {sc.loop_unroll_factor = 2 : i64, sc.parallel_access}
      %dma_start3A_558 = arith.constant 0 : i32
      %dma_start3A_559 = arith.constant 0 : i32
      %dma_start3A_560 = tpu.memref_slice %arg8[%dma_start3A_558, %dma_start3A_559] : memref<10112x128xf32, #tpu.memory_space<vmem_shared>> -> memref<10112x128xf32, #tpu.memory_space<vmem_shared>>
      tpu.enqueue_indirect_dma source(%arg37 : memref<64x128xf32, #tpu.memory_space<vmem>>) target(%dma_start3A_560 : memref<10112x128xf32, #tpu.memory_space<vmem_shared>>) offsets(%arg23 : memref<64xi32, #tpu.memory_space<vmem>>) semaphore(%arg43 : memref<!tpu.dma_semaphore, #tpu.memory_space<semaphore_mem>>) {add = true}
      %lt3A_561 = arith.constant 19 : i32
      %lt3A_562 = arith.cmpi slt, %scan3A_248, %lt3A_561 : i32
      %convert_element_type3A_563 = arith.extui %lt3A_562 : i1 to i32
      %cond3A_564 = arith.constant 0 : i32
      %cond3A_565 = arith.cmpi ne, %convert_element_type3A_563, %cond3A_564 : i32
      scf.if %cond3A_565 {
        %add3A_597 = arith.constant 3 : i32
        %add3A_598 = arith.addi %add3A_548, %add3A_597 : i32
        %add3A_599 = arith.addi %mul3A_2, %add3A_598 : i32
        %dma_wait3A_600 = arith.constant 0 : i32
        %dma_wait3A_601 = tpu.memref_slice %arg3[%add3A_599, %dma_wait3A_600] : memref<5120x64xi32, #tpu.memory_space<hbm>> -> memref<1x64xi32, #tpu.memory_space<hbm>>
        %dma_wait3A_602 = tpu.memref_squeeze %dma_wait3A_601 : memref<1x64xi32, #tpu.memory_space<hbm>> -> memref<64xi32, #tpu.memory_space<hbm>>
        %dma_wait3A_603 = arith.constant 0 : i32
        %dma_wait3A_604 = tpu.memref_slice %arg3[%add3A_599, %dma_wait3A_603] : memref<5120x64xi32, #tpu.memory_space<hbm>> -> memref<1x64xi32, #tpu.memory_space<hbm>>
        %dma_wait3A_605 = tpu.memref_squeeze %dma_wait3A_604 : memref<1x64xi32, #tpu.memory_space<hbm>> -> memref<64xi32, #tpu.memory_space<hbm>>
        tpu.wait_dma2 semaphore(%arg46 : memref<!tpu.dma_semaphore, #tpu.memory_space<semaphore_mem>>) src(%dma_wait3A_605 : memref<64xi32, #tpu.memory_space<hbm>>) dst(%arg10 : memref<64xi32, #tpu.memory_space<vmem>>)
        %add3A_606 = arith.addi %mul3A_2, %add3A_598 : i32
        %dma_wait3A_607 = arith.constant 0 : i32
        %dma_wait3A_608 = tpu.memref_slice %arg4[%add3A_606, %dma_wait3A_607] : memref<5120x64xi32, #tpu.memory_space<hbm>> -> memref<1x64xi32, #tpu.memory_space<hbm>>
        %dma_wait3A_609 = tpu.memref_squeeze %dma_wait3A_608 : memref<1x64xi32, #tpu.memory_space<hbm>> -> memref<64xi32, #tpu.memory_space<hbm>>
        %dma_wait3A_610 = arith.constant 0 : i32
        %dma_wait3A_611 = tpu.memref_slice %arg4[%add3A_606, %dma_wait3A_610] : memref<5120x64xi32, #tpu.memory_space<hbm>> -> memref<1x64xi32, #tpu.memory_space<hbm>>
        %dma_wait3A_612 = tpu.memref_squeeze %dma_wait3A_611 : memref<1x64xi32, #tpu.memory_space<hbm>> -> memref<64xi32, #tpu.memory_space<hbm>>
        tpu.wait_dma2 semaphore(%arg46 : memref<!tpu.dma_semaphore, #tpu.memory_space<semaphore_mem>>) src(%dma_wait3A_612 : memref<64xi32, #tpu.memory_space<hbm>>) dst(%arg18 : memref<64xi32, #tpu.memory_space<vmem>>)
        %add3A_613 = arith.addi %mul3A_2, %add3A_598 : i32
        %dma_wait3A_614 = arith.constant 0 : i32
        %dma_wait3A_615 = tpu.memref_slice %arg5[%add3A_613, %dma_wait3A_614] : memref<5120x64xf32, #tpu.memory_space<hbm>> -> memref<1x64xf32, #tpu.memory_space<hbm>>
        %dma_wait3A_616 = tpu.memref_squeeze %dma_wait3A_615 : memref<1x64xf32, #tpu.memory_space<hbm>> -> memref<64xf32, #tpu.memory_space<hbm>>
        %dma_wait3A_617 = arith.constant 0 : i32
        %dma_wait3A_618 = tpu.memref_slice %arg5[%add3A_613, %dma_wait3A_617] : memref<5120x64xf32, #tpu.memory_space<hbm>> -> memref<1x64xf32, #tpu.memory_space<hbm>>
        %dma_wait3A_619 = tpu.memref_squeeze %dma_wait3A_618 : memref<1x64xf32, #tpu.memory_space<hbm>> -> memref<64xf32, #tpu.memory_space<hbm>>
        tpu.wait_dma2 semaphore(%arg46 : memref<!tpu.dma_semaphore, #tpu.memory_space<semaphore_mem>>) src(%dma_wait3A_619 : memref<64xf32, #tpu.memory_space<hbm>>) dst(%arg26 : memref<64xf32, #tpu.memory_space<vmem>>)
        %dma_start3A_620 = arith.constant 0 : i32
        %dma_start3A_621 = arith.constant 0 : i32
        %dma_start3A_622 = tpu.memref_slice %arg2[%dma_start3A_620, %dma_start3A_621] : memref<10000x64xi32, #tpu.memory_space<hbm>> -> memref<10000x64xi32, #tpu.memory_space<hbm>>
        tpu.enqueue_indirect_dma source(%dma_start3A_622 : memref<10000x64xi32, #tpu.memory_space<hbm>>) target(%arg34 : memref<64x64xi32, #tpu.memory_space<vmem>>) offsets(%arg10 : memref<64xi32, #tpu.memory_space<vmem>>) semaphore(%arg40 : memref<!tpu.dma_semaphore, #tpu.memory_space<semaphore_mem>>)
      } else {
      }
      %lt3A_566 = arith.constant 19 : i32
      %lt3A_567 = arith.cmpi slt, %scan3A_248, %lt3A_566 : i32
      %convert_element_type3A_568 = arith.extui %lt3A_567 : i1 to i32
      %cond3A_569 = arith.constant 0 : i32
      %cond3A_570 = arith.cmpi ne, %convert_element_type3A_568, %cond3A_569 : i32
      scf.if %cond3A_570 {
        %add3A_597 = arith.constant 6 : i32
        %add3A_598 = arith.addi %add3A_548, %add3A_597 : i32
        %add3A_599 = arith.addi %mul3A_2, %add3A_598 : i32
        %dma_start3A_600 = arith.constant 0 : i32
        %dma_start3A_601 = tpu.memref_slice %arg3[%add3A_599, %dma_start3A_600] : memref<5120x64xi32, #tpu.memory_space<hbm>> -> memref<1x64xi32, #tpu.memory_space<hbm>>
        %dma_start3A_602 = tpu.memref_squeeze %dma_start3A_601 : memref<1x64xi32, #tpu.memory_space<hbm>> -> memref<64xi32, #tpu.memory_space<hbm>>
        %dma_start3A_603 = arith.constant 0 : i32
        %dma_start3A_604 = tpu.memref_slice %arg3[%add3A_599, %dma_start3A_603] : memref<5120x64xi32, #tpu.memory_space<hbm>> -> memref<1x64xi32, #tpu.memory_space<hbm>>
        %dma_start3A_605 = tpu.memref_squeeze %dma_start3A_604 : memref<1x64xi32, #tpu.memory_space<hbm>> -> memref<64xi32, #tpu.memory_space<hbm>>
        tpu.enqueue_dma source(%dma_start3A_605 : memref<64xi32, #tpu.memory_space<hbm>>) target(%arg13 : memref<64xi32, #tpu.memory_space<vmem>>) target_semaphore(%arg49 : memref<!tpu.dma_semaphore, #tpu.memory_space<semaphore_mem>>)
        %add3A_606 = arith.addi %mul3A_2, %add3A_598 : i32
        %dma_start3A_607 = arith.constant 0 : i32
        %dma_start3A_608 = tpu.memref_slice %arg4[%add3A_606, %dma_start3A_607] : memref<5120x64xi32, #tpu.memory_space<hbm>> -> memref<1x64xi32, #tpu.memory_space<hbm>>
        %dma_start3A_609 = tpu.memref_squeeze %dma_start3A_608 : memref<1x64xi32, #tpu.memory_space<hbm>> -> memref<64xi32, #tpu.memory_space<hbm>>
        %dma_start3A_610 = arith.constant 0 : i32
        %dma_start3A_611 = tpu.memref_slice %arg4[%add3A_606, %dma_start3A_610] : memref<5120x64xi32, #tpu.memory_space<hbm>> -> memref<1x64xi32, #tpu.memory_space<hbm>>
        %dma_start3A_612 = tpu.memref_squeeze %dma_start3A_611 : memref<1x64xi32, #tpu.memory_space<hbm>> -> memref<64xi32, #tpu.memory_space<hbm>>
        tpu.enqueue_dma source(%dma_start3A_612 : memref<64xi32, #tpu.memory_space<hbm>>) target(%arg21 : memref<64xi32, #tpu.memory_space<vmem>>) target_semaphore(%arg49 : memref<!tpu.dma_semaphore, #tpu.memory_space<semaphore_mem>>)
        %add3A_613 = arith.addi %mul3A_2, %add3A_598 : i32
        %dma_start3A_614 = arith.constant 0 : i32
        %dma_start3A_615 = tpu.memref_slice %arg5[%add3A_613, %dma_start3A_614] : memref<5120x64xf32, #tpu.memory_space<hbm>> -> memref<1x64xf32, #tpu.memory_space<hbm>>
        %dma_start3A_616 = tpu.memref_squeeze %dma_start3A_615 : memref<1x64xf32, #tpu.memory_space<hbm>> -> memref<64xf32, #tpu.memory_space<hbm>>
        %dma_start3A_617 = arith.constant 0 : i32
        %dma_start3A_618 = tpu.memref_slice %arg5[%add3A_613, %dma_start3A_617] : memref<5120x64xf32, #tpu.memory_space<hbm>> -> memref<1x64xf32, #tpu.memory_space<hbm>>
        %dma_start3A_619 = tpu.memref_squeeze %dma_start3A_618 : memref<1x64xf32, #tpu.memory_space<hbm>> -> memref<64xf32, #tpu.memory_space<hbm>>
        tpu.enqueue_dma source(%dma_start3A_619 : memref<64xf32, #tpu.memory_space<hbm>>) target(%arg29 : memref<64xf32, #tpu.memory_space<vmem>>) target_semaphore(%arg49 : memref<!tpu.dma_semaphore, #tpu.memory_space<semaphore_mem>>)
      } else {
      }
      %mul3A_571 = arith.constant 8 : i32
      %mul3A_572 = arith.muli %scan3A_248, %mul3A_571 : i32
      %add3A_573 = arith.constant 7 : i32
      %add3A_574 = arith.addi %mul3A_572, %add3A_573 : i32
      %dma_wait3A_575 = arith.constant 0 : i32
      %dma_wait3A_576 = arith.constant 0 : i32
      %dma_wait3A_577 = tpu.memref_slice %arg2[%dma_wait3A_575, %dma_wait3A_576] : memref<10000x64xi32, #tpu.memory_space<hbm>> -> memref<10000x64xi32, #tpu.memory_space<hbm>>
      tpu.wait_indirect_dma semaphore(%arg42 : memref<!tpu.dma_semaphore, #tpu.memory_space<semaphore_mem>>) src(%dma_wait3A_577 : memref<10000x64xi32, #tpu.memory_space<hbm>>) dst(%arg36 : memref<64x64xi32, #tpu.memory_space<vmem>>)
      %dma_wait3A_578 = arith.constant 0 : i32
      %dma_wait3A_579 = arith.constant 0 : i32
      %dma_wait3A_580 = tpu.memref_slice %arg8[%dma_wait3A_578, %dma_wait3A_579] : memref<10112x128xf32, #tpu.memory_space<vmem_shared>> -> memref<10112x128xf32, #tpu.memory_space<vmem_shared>>
      tpu.wait_indirect_dma semaphore(%arg44 : memref<!tpu.dma_semaphore, #tpu.memory_space<semaphore_mem>>) src(%arg38 : memref<64x128xf32, #tpu.memory_space<vmem>>) dst(%dma_wait3A_580 : memref<10112x128xf32, #tpu.memory_space<vmem_shared>>)
      %parallel_loop3A_581 = arith.constant 0 : i32
      %parallel_loop3A_582 = arith.constant 64 : i32
      %parallel_loop3A_583 = arith.constant 1 : i32
      scf.for %parallel_loop3A_597 = %parallel_loop3A_581 to %parallel_loop3A_582 step %parallel_loop3A_583  : i32 {
        %parallel_loop3A_598 = vector.broadcast %parallel_loop3A_597 : i32 to vector<16xi32>
        %parallel_loop3A_599 = tpu.vector_load_idx %arg32[%parallel_loop3A_598] : memref<64xf32, #tpu.memory_space<vmem>>[vector<16xi32>], vector<16xf32>,
        %parallel_loop3A_600 = arith.index_cast %parallel_loop3A_597 : i32 to index
        %parallel_loop3A_601 = arith.constant 0 : index
        %parallel_loop3A_602 = tpu.vector_load %arg36[%parallel_loop3A_600, %parallel_loop3A_601] {strides = array<i32>} : memref<64x64xi32, #tpu.memory_space<vmem>>, vector<16xi32>,
        %parallel_loop3A_603 = vector.bitcast %parallel_loop3A_602 : vector<16xi32> to vector<32xbf16>
        %parallel_loop3A_604 = tpu.unpack_subelements %parallel_loop3A_603, 0 {pack_format = #tpu.pack_format<interleaved>} : vector<32xbf16> -> vector<16xf32>
        %parallel_loop3A_605 = tpu.unpack_subelements %parallel_loop3A_603, 1 {pack_format = #tpu.pack_format<interleaved>} : vector<32xbf16> -> vector<16xf32>
        %parallel_loop3A_606 = arith.mulf %parallel_loop3A_604, %parallel_loop3A_599 : vector<16xf32>
        %parallel_loop3A_607 = arith.index_cast %parallel_loop3A_597 : i32 to index
        %parallel_loop3A_608 = arith.constant 0 : index
        %parallel_loop3A_609 = tpu.vector_load %arg38[%parallel_loop3A_607, %parallel_loop3A_608] {strides = array<i32>} : memref<64x128xf32, #tpu.memory_space<vmem>>, vector<16xf32>,
        tpu.vector_store %arg38[%parallel_loop3A_607, %parallel_loop3A_608], %parallel_loop3A_606 {strides = array<i32>} : memref<64x128xf32, #tpu.memory_space<vmem>>, vector<16xf32>,
        %parallel_loop3A_610 = arith.mulf %parallel_loop3A_605, %parallel_loop3A_599 : vector<16xf32>
        %parallel_loop3A_611 = arith.index_cast %parallel_loop3A_597 : i32 to index
        %parallel_loop3A_612 = arith.constant 16 : index
        %parallel_loop3A_613 = tpu.vector_load %arg38[%parallel_loop3A_611, %parallel_loop3A_612] {strides = array<i32>} : memref<64x128xf32, #tpu.memory_space<vmem>>, vector<16xf32>,
        tpu.vector_store %arg38[%parallel_loop3A_611, %parallel_loop3A_612], %parallel_loop3A_610 {strides = array<i32>} : memref<64x128xf32, #tpu.memory_space<vmem>>, vector<16xf32>,
        %parallel_loop3A_614 = arith.index_cast %parallel_loop3A_597 : i32 to index
        %parallel_loop3A_615 = arith.constant 16 : index
        %parallel_loop3A_616 = tpu.vector_load %arg36[%parallel_loop3A_614, %parallel_loop3A_615] {strides = array<i32>} : memref<64x64xi32, #tpu.memory_space<vmem>>, vector<16xi32>,
        %parallel_loop3A_617 = vector.bitcast %parallel_loop3A_616 : vector<16xi32> to vector<32xbf16>
        %parallel_loop3A_618 = tpu.unpack_subelements %parallel_loop3A_617, 0 {pack_format = #tpu.pack_format<interleaved>} : vector<32xbf16> -> vector<16xf32>
        %parallel_loop3A_619 = tpu.unpack_subelements %parallel_loop3A_617, 1 {pack_format = #tpu.pack_format<interleaved>} : vector<32xbf16> -> vector<16xf32>
        %parallel_loop3A_620 = arith.mulf %parallel_loop3A_618, %parallel_loop3A_599 : vector<16xf32>
        %parallel_loop3A_621 = arith.index_cast %parallel_loop3A_597 : i32 to index
        %parallel_loop3A_622 = arith.constant 32 : index
        %parallel_loop3A_623 = tpu.vector_load %arg38[%parallel_loop3A_621, %parallel_loop3A_622] {strides = array<i32>} : memref<64x128xf32, #tpu.memory_space<vmem>>, vector<16xf32>,
        tpu.vector_store %arg38[%parallel_loop3A_621, %parallel_loop3A_622], %parallel_loop3A_620 {strides = array<i32>} : memref<64x128xf32, #tpu.memory_space<vmem>>, vector<16xf32>,
        %parallel_loop3A_624 = arith.mulf %parallel_loop3A_619, %parallel_loop3A_599 : vector<16xf32>
        %parallel_loop3A_625 = arith.index_cast %parallel_loop3A_597 : i32 to index
        %parallel_loop3A_626 = arith.constant 48 : index
        %parallel_loop3A_627 = tpu.vector_load %arg38[%parallel_loop3A_625, %parallel_loop3A_626] {strides = array<i32>} : memref<64x128xf32, #tpu.memory_space<vmem>>, vector<16xf32>,
        tpu.vector_store %arg38[%parallel_loop3A_625, %parallel_loop3A_626], %parallel_loop3A_624 {strides = array<i32>} : memref<64x128xf32, #tpu.memory_space<vmem>>, vector<16xf32>,
        %parallel_loop3A_628 = arith.index_cast %parallel_loop3A_597 : i32 to index
        %parallel_loop3A_629 = arith.constant 32 : index
        %parallel_loop3A_630 = tpu.vector_load %arg36[%parallel_loop3A_628, %parallel_loop3A_629] {strides = array<i32>} : memref<64x64xi32, #tpu.memory_space<vmem>>, vector<16xi32>,
        %parallel_loop3A_631 = vector.bitcast %parallel_loop3A_630 : vector<16xi32> to vector<32xbf16>
        %parallel_loop3A_632 = tpu.unpack_subelements %parallel_loop3A_631, 0 {pack_format = #tpu.pack_format<interleaved>} : vector<32xbf16> -> vector<16xf32>
        %parallel_loop3A_633 = tpu.unpack_subelements %parallel_loop3A_631, 1 {pack_format = #tpu.pack_format<interleaved>} : vector<32xbf16> -> vector<16xf32>
        %parallel_loop3A_634 = arith.mulf %parallel_loop3A_632, %parallel_loop3A_599 : vector<16xf32>
        %parallel_loop3A_635 = arith.index_cast %parallel_loop3A_597 : i32 to index
        %parallel_loop3A_636 = arith.constant 64 : index
        %parallel_loop3A_637 = tpu.vector_load %arg38[%parallel_loop3A_635, %parallel_loop3A_636] {strides = array<i32>} : memref<64x128xf32, #tpu.memory_space<vmem>>, vector<16xf32>,
        tpu.vector_store %arg38[%parallel_loop3A_635, %parallel_loop3A_636], %parallel_loop3A_634 {strides = array<i32>} : memref<64x128xf32, #tpu.memory_space<vmem>>, vector<16xf32>,
        %parallel_loop3A_638 = arith.mulf %parallel_loop3A_633, %parallel_loop3A_599 : vector<16xf32>
        %parallel_loop3A_639 = arith.index_cast %parallel_loop3A_597 : i32 to index
        %parallel_loop3A_640 = arith.constant 80 : index
        %parallel_loop3A_641 = tpu.vector_load %arg38[%parallel_loop3A_639, %parallel_loop3A_640] {strides = array<i32>} : memref<64x128xf32, #tpu.memory_space<vmem>>, vector<16xf32>,
        tpu.vector_store %arg38[%parallel_loop3A_639, %parallel_loop3A_640], %parallel_loop3A_638 {strides = array<i32>} : memref<64x128xf32, #tpu.memory_space<vmem>>, vector<16xf32>,
        %parallel_loop3A_642 = arith.index_cast %parallel_loop3A_597 : i32 to index
        %parallel_loop3A_643 = arith.constant 48 : index
        %parallel_loop3A_644 = tpu.vector_load %arg36[%parallel_loop3A_642, %parallel_loop3A_643] {strides = array<i32>} : memref<64x64xi32, #tpu.memory_space<vmem>>, vector<16xi32>,
        %parallel_loop3A_645 = vector.bitcast %parallel_loop3A_644 : vector<16xi32> to vector<32xbf16>
        %parallel_loop3A_646 = tpu.unpack_subelements %parallel_loop3A_645, 0 {pack_format = #tpu.pack_format<interleaved>} : vector<32xbf16> -> vector<16xf32>
        %parallel_loop3A_647 = tpu.unpack_subelements %parallel_loop3A_645, 1 {pack_format = #tpu.pack_format<interleaved>} : vector<32xbf16> -> vector<16xf32>
        %parallel_loop3A_648 = arith.mulf %parallel_loop3A_646, %parallel_loop3A_599 : vector<16xf32>
        %parallel_loop3A_649 = arith.index_cast %parallel_loop3A_597 : i32 to index
        %parallel_loop3A_650 = arith.constant 96 : index
        %parallel_loop3A_651 = tpu.vector_load %arg38[%parallel_loop3A_649, %parallel_loop3A_650] {strides = array<i32>} : memref<64x128xf32, #tpu.memory_space<vmem>>, vector<16xf32>,
        tpu.vector_store %arg38[%parallel_loop3A_649, %parallel_loop3A_650], %parallel_loop3A_648 {strides = array<i32>} : memref<64x128xf32, #tpu.memory_space<vmem>>, vector<16xf32>,
        %parallel_loop3A_652 = arith.mulf %parallel_loop3A_647, %parallel_loop3A_599 : vector<16xf32>
        %parallel_loop3A_653 = arith.index_cast %parallel_loop3A_597 : i32 to index
        %parallel_loop3A_654 = arith.constant 112 : index
        %parallel_loop3A_655 = tpu.vector_load %arg38[%parallel_loop3A_653, %parallel_loop3A_654] {strides = array<i32>} : memref<64x128xf32, #tpu.memory_space<vmem>>, vector<16xf32>,
        tpu.vector_store %arg38[%parallel_loop3A_653, %parallel_loop3A_654], %parallel_loop3A_652 {strides = array<i32>} : memref<64x128xf32, #tpu.memory_space<vmem>>, vector<16xf32>,
      } {sc.loop_unroll_factor = 2 : i64, sc.parallel_access}
      %dma_start3A_584 = arith.constant 0 : i32
      %dma_start3A_585 = arith.constant 0 : i32
      %dma_start3A_586 = tpu.memref_slice %arg8[%dma_start3A_584, %dma_start3A_585] : memref<10112x128xf32, #tpu.memory_space<vmem_shared>> -> memref<10112x128xf32, #tpu.memory_space<vmem_shared>>
      tpu.enqueue_indirect_dma source(%arg38 : memref<64x128xf32, #tpu.memory_space<vmem>>) target(%dma_start3A_586 : memref<10112x128xf32, #tpu.memory_space<vmem_shared>>) offsets(%arg24 : memref<64xi32, #tpu.memory_space<vmem>>) semaphore(%arg44 : memref<!tpu.dma_semaphore, #tpu.memory_space<semaphore_mem>>) {add = true}
      %lt3A_587 = arith.constant 19 : i32
      %lt3A_588 = arith.cmpi slt, %scan3A_248, %lt3A_587 : i32
      %convert_element_type3A_589 = arith.extui %lt3A_588 : i1 to i32
      %cond3A_590 = arith.constant 0 : i32
      %cond3A_591 = arith.cmpi ne, %convert_element_type3A_589, %cond3A_590 : i32
      scf.if %cond3A_591 {
        %add3A_597 = arith.constant 3 : i32
        %add3A_598 = arith.addi %add3A_574, %add3A_597 : i32
        %add3A_599 = arith.addi %mul3A_2, %add3A_598 : i32
        %dma_wait3A_600 = arith.constant 0 : i32
        %dma_wait3A_601 = tpu.memref_slice %arg3[%add3A_599, %dma_wait3A_600] : memref<5120x64xi32, #tpu.memory_space<hbm>> -> memref<1x64xi32, #tpu.memory_space<hbm>>
        %dma_wait3A_602 = tpu.memref_squeeze %dma_wait3A_601 : memref<1x64xi32, #tpu.memory_space<hbm>> -> memref<64xi32, #tpu.memory_space<hbm>>
        %dma_wait3A_603 = arith.constant 0 : i32
        %dma_wait3A_604 = tpu.memref_slice %arg3[%add3A_599, %dma_wait3A_603] : memref<5120x64xi32, #tpu.memory_space<hbm>> -> memref<1x64xi32, #tpu.memory_space<hbm>>
        %dma_wait3A_605 = tpu.memref_squeeze %dma_wait3A_604 : memref<1x64xi32, #tpu.memory_space<hbm>> -> memref<64xi32, #tpu.memory_space<hbm>>
        tpu.wait_dma2 semaphore(%arg47 : memref<!tpu.dma_semaphore, #tpu.memory_space<semaphore_mem>>) src(%dma_wait3A_605 : memref<64xi32, #tpu.memory_space<hbm>>) dst(%arg11 : memref<64xi32, #tpu.memory_space<vmem>>)
        %add3A_606 = arith.addi %mul3A_2, %add3A_598 : i32
        %dma_wait3A_607 = arith.constant 0 : i32
        %dma_wait3A_608 = tpu.memref_slice %arg4[%add3A_606, %dma_wait3A_607] : memref<5120x64xi32, #tpu.memory_space<hbm>> -> memref<1x64xi32, #tpu.memory_space<hbm>>
        %dma_wait3A_609 = tpu.memref_squeeze %dma_wait3A_608 : memref<1x64xi32, #tpu.memory_space<hbm>> -> memref<64xi32, #tpu.memory_space<hbm>>
        %dma_wait3A_610 = arith.constant 0 : i32
        %dma_wait3A_611 = tpu.memref_slice %arg4[%add3A_606, %dma_wait3A_610] : memref<5120x64xi32, #tpu.memory_space<hbm>> -> memref<1x64xi32, #tpu.memory_space<hbm>>
        %dma_wait3A_612 = tpu.memref_squeeze %dma_wait3A_611 : memref<1x64xi32, #tpu.memory_space<hbm>> -> memref<64xi32, #tpu.memory_space<hbm>>
        tpu.wait_dma2 semaphore(%arg47 : memref<!tpu.dma_semaphore, #tpu.memory_space<semaphore_mem>>) src(%dma_wait3A_612 : memref<64xi32, #tpu.memory_space<hbm>>) dst(%arg19 : memref<64xi32, #tpu.memory_space<vmem>>)
        %add3A_613 = arith.addi %mul3A_2, %add3A_598 : i32
        %dma_wait3A_614 = arith.constant 0 : i32
        %dma_wait3A_615 = tpu.memref_slice %arg5[%add3A_613, %dma_wait3A_614] : memref<5120x64xf32, #tpu.memory_space<hbm>> -> memref<1x64xf32, #tpu.memory_space<hbm>>
        %dma_wait3A_616 = tpu.memref_squeeze %dma_wait3A_615 : memref<1x64xf32, #tpu.memory_space<hbm>> -> memref<64xf32, #tpu.memory_space<hbm>>
        %dma_wait3A_617 = arith.constant 0 : i32
        %dma_wait3A_618 = tpu.memref_slice %arg5[%add3A_613, %dma_wait3A_617] : memref<5120x64xf32, #tpu.memory_space<hbm>> -> memref<1x64xf32, #tpu.memory_space<hbm>>
        %dma_wait3A_619 = tpu.memref_squeeze %dma_wait3A_618 : memref<1x64xf32, #tpu.memory_space<hbm>> -> memref<64xf32, #tpu.memory_space<hbm>>
        tpu.wait_dma2 semaphore(%arg47 : memref<!tpu.dma_semaphore, #tpu.memory_space<semaphore_mem>>) src(%dma_wait3A_619 : memref<64xf32, #tpu.memory_space<hbm>>) dst(%arg27 : memref<64xf32, #tpu.memory_space<vmem>>)
        %dma_start3A_620 = arith.constant 0 : i32
        %dma_start3A_621 = arith.constant 0 : i32
        %dma_start3A_622 = tpu.memref_slice %arg2[%dma_start3A_620, %dma_start3A_621] : memref<10000x64xi32, #tpu.memory_space<hbm>> -> memref<10000x64xi32, #tpu.memory_space<hbm>>
        tpu.enqueue_indirect_dma source(%dma_start3A_622 : memref<10000x64xi32, #tpu.memory_space<hbm>>) target(%arg35 : memref<64x64xi32, #tpu.memory_space<vmem>>) offsets(%arg11 : memref<64xi32, #tpu.memory_space<vmem>>) semaphore(%arg41 : memref<!tpu.dma_semaphore, #tpu.memory_space<semaphore_mem>>)
      } else {
      }
      %lt3A_592 = arith.constant 19 : i32
      %lt3A_593 = arith.cmpi slt, %scan3A_248, %lt3A_592 : i32
      %convert_element_type3A_594 = arith.extui %lt3A_593 : i1 to i32
      %cond3A_595 = arith.constant 0 : i32
      %cond3A_596 = arith.cmpi ne, %convert_element_type3A_594, %cond3A_595 : i32
      scf.if %cond3A_596 {
        %add3A_597 = arith.constant 6 : i32
        %add3A_598 = arith.addi %add3A_574, %add3A_597 : i32
        %add3A_599 = arith.addi %mul3A_2, %add3A_598 : i32
        %dma_start3A_600 = arith.constant 0 : i32
        %dma_start3A_601 = tpu.memref_slice %arg3[%add3A_599, %dma_start3A_600] : memref<5120x64xi32, #tpu.memory_space<hbm>> -> memref<1x64xi32, #tpu.memory_space<hbm>>
        %dma_start3A_602 = tpu.memref_squeeze %dma_start3A_601 : memref<1x64xi32, #tpu.memory_space<hbm>> -> memref<64xi32, #tpu.memory_space<hbm>>
        %dma_start3A_603 = arith.constant 0 : i32
        %dma_start3A_604 = tpu.memref_slice %arg3[%add3A_599, %dma_start3A_603] : memref<5120x64xi32, #tpu.memory_space<hbm>> -> memref<1x64xi32, #tpu.memory_space<hbm>>
        %dma_start3A_605 = tpu.memref_squeeze %dma_start3A_604 : memref<1x64xi32, #tpu.memory_space<hbm>> -> memref<64xi32, #tpu.memory_space<hbm>>
        tpu.enqueue_dma source(%dma_start3A_605 : memref<64xi32, #tpu.memory_space<hbm>>) target(%arg14 : memref<64xi32, #tpu.memory_space<vmem>>) target_semaphore(%arg50 : memref<!tpu.dma_semaphore, #tpu.memory_space<semaphore_mem>>)
        %add3A_606 = arith.addi %mul3A_2, %add3A_598 : i32
        %dma_start3A_607 = arith.constant 0 : i32
        %dma_start3A_608 = tpu.memref_slice %arg4[%add3A_606, %dma_start3A_607] : memref<5120x64xi32, #tpu.memory_space<hbm>> -> memref<1x64xi32, #tpu.memory_space<hbm>>
        %dma_start3A_609 = tpu.memref_squeeze %dma_start3A_608 : memref<1x64xi32, #tpu.memory_space<hbm>> -> memref<64xi32, #tpu.memory_space<hbm>>
        %dma_start3A_610 = arith.constant 0 : i32
        %dma_start3A_611 = tpu.memref_slice %arg4[%add3A_606, %dma_start3A_610] : memref<5120x64xi32, #tpu.memory_space<hbm>> -> memref<1x64xi32, #tpu.memory_space<hbm>>
        %dma_start3A_612 = tpu.memref_squeeze %dma_start3A_611 : memref<1x64xi32, #tpu.memory_space<hbm>> -> memref<64xi32, #tpu.memory_space<hbm>>
        tpu.enqueue_dma source(%dma_start3A_612 : memref<64xi32, #tpu.memory_space<hbm>>) target(%arg22 : memref<64xi32, #tpu.memory_space<vmem>>) target_semaphore(%arg50 : memref<!tpu.dma_semaphore, #tpu.memory_space<semaphore_mem>>)
        %add3A_613 = arith.addi %mul3A_2, %add3A_598 : i32
        %dma_start3A_614 = arith.constant 0 : i32
        %dma_start3A_615 = tpu.memref_slice %arg5[%add3A_613, %dma_start3A_614] : memref<5120x64xf32, #tpu.memory_space<hbm>> -> memref<1x64xf32, #tpu.memory_space<hbm>>
        %dma_start3A_616 = tpu.memref_squeeze %dma_start3A_615 : memref<1x64xf32, #tpu.memory_space<hbm>> -> memref<64xf32, #tpu.memory_space<hbm>>
        %dma_start3A_617 = arith.constant 0 : i32
        %dma_start3A_618 = tpu.memref_slice %arg5[%add3A_613, %dma_start3A_617] : memref<5120x64xf32, #tpu.memory_space<hbm>> -> memref<1x64xf32, #tpu.memory_space<hbm>>
        %dma_start3A_619 = tpu.memref_squeeze %dma_start3A_618 : memref<1x64xf32, #tpu.memory_space<hbm>> -> memref<64xf32, #tpu.memory_space<hbm>>
        tpu.enqueue_dma source(%dma_start3A_619 : memref<64xf32, #tpu.memory_space<hbm>>) target(%arg30 : memref<64xf32, #tpu.memory_space<vmem>>) target_semaphore(%arg50 : memref<!tpu.dma_semaphore, #tpu.memory_space<semaphore_mem>>)
      } else {
      }
    }
    %scan3A_240 = arith.constant 20 : i32
    %dma_wait3A_241 = arith.constant 0 : i32
    %dma_wait3A_242 = arith.constant 0 : i32
    %dma_wait3A_243 = tpu.memref_slice %arg8[%dma_wait3A_241, %dma_wait3A_242] : memref<10112x128xf32, #tpu.memory_space<vmem_shared>> -> memref<10112x128xf32, #tpu.memory_space<vmem_shared>>
    tpu.wait_indirect_dma semaphore(%arg43 : memref<!tpu.dma_semaphore, #tpu.memory_space<semaphore_mem>>) src(%arg37 : memref<64x128xf32, #tpu.memory_space<vmem>>) dst(%dma_wait3A_243 : memref<10112x128xf32, #tpu.memory_space<vmem_shared>>)
    %dma_wait3A_244 = arith.constant 0 : i32
    %dma_wait3A_245 = arith.constant 0 : i32
    %dma_wait3A_246 = tpu.memref_slice %arg8[%dma_wait3A_244, %dma_wait3A_245] : memref<10112x128xf32, #tpu.memory_space<vmem_shared>> -> memref<10112x128xf32, #tpu.memory_space<vmem_shared>>
    tpu.wait_indirect_dma semaphore(%arg44 : memref<!tpu.dma_semaphore, #tpu.memory_space<semaphore_mem>>) src(%arg38 : memref<64x128xf32, #tpu.memory_space<vmem>>) dst(%dma_wait3A_246 : memref<10112x128xf32, #tpu.memory_space<vmem_shared>>)
    %barrier3A_247 = arith.constant 0 : index
    tpu.barrier barrier_id(%barrier3A_247)
    "tpu.region"() ({
      %run_scoped3A = tpu.sem_alloc : memref<!tpu.dma_semaphore, #tpu.memory_space<semaphore_mem>>
      %dma_start3A_248 = arith.constant 0 : i32
      %dma_start3A_249 = tpu.memref_slice %arg7[%arg0, %mul3A_4, %dma_start3A_248] : memref<2x10112x128xf32, #tpu.memory_space<hbm>> -> memref<1x632x128xf32, #tpu.memory_space<hbm>>
      %dma_start3A_250 = tpu.memref_squeeze %dma_start3A_249 : memref<1x632x128xf32, #tpu.memory_space<hbm>> -> memref<632x128xf32, #tpu.memory_space<hbm>>
      %dma_start3A_251 = arith.constant 0 : i32
      %dma_start3A_252 = tpu.memref_slice %arg8[%mul3A_4, %dma_start3A_251] : memref<10112x128xf32, #tpu.memory_space<vmem_shared>> -> memref<632x128xf32, #tpu.memory_space<vmem_shared>>
      tpu.enqueue_dma source(%dma_start3A_252 : memref<632x128xf32, #tpu.memory_space<vmem_shared>>) target(%dma_start3A_250 : memref<632x128xf32, #tpu.memory_space<hbm>>) target_semaphore(%run_scoped3A : memref<!tpu.dma_semaphore, #tpu.memory_space<semaphore_mem>>)
      %dma_wait3A_253 = arith.constant 0 : i32
      %dma_wait3A_254 = tpu.memref_slice %arg7[%arg0, %mul3A_4, %dma_wait3A_253] : memref<2x10112x128xf32, #tpu.memory_space<hbm>> -> memref<1x632x128xf32, #tpu.memory_space<hbm>>
      %dma_wait3A_255 = tpu.memref_squeeze %dma_wait3A_254 : memref<1x632x128xf32, #tpu.memory_space<hbm>> -> memref<632x128xf32, #tpu.memory_space<hbm>>
      %dma_wait3A_256 = arith.constant 0 : i32
      %dma_wait3A_257 = tpu.memref_slice %arg8[%mul3A_4, %dma_wait3A_256] : memref<10112x128xf32, #tpu.memory_space<vmem_shared>> -> memref<632x128xf32, #tpu.memory_space<vmem_shared>>
      tpu.wait_dma2 semaphore(%run_scoped3A : memref<!tpu.dma_semaphore, #tpu.memory_space<semaphore_mem>>) src(%dma_wait3A_257 : memref<632x128xf32, #tpu.memory_space<vmem_shared>>) dst(%dma_wait3A_255 : memref<632x128xf32, #tpu.memory_space<hbm>>)
      tpu.yield
    }) : () -> ()
    return
  }
}

module attributes {stable_mosaic.version = 14 : i64} {
  func.func @_coeff_body(%arg0: memref<5000x64xf32, #tpu.memory_space<vmem>>, %arg1: memref<5000x64xf32, #tpu.memory_space<vmem>>, %arg2: memref<4xf32, #tpu.memory_space<smem>>, %arg3: memref<5000x64xf32, #tpu.memory_space<vmem>>) attributes {dimension_semantics = [], scalar_prefetch = 0 : i64, scratch_operands = 0 : i64, tpu.core_type = #tpu.core_type<tc>} {
    %get3A = arith.constant 0 : index
    %get3A_0 = arith.constant 0 : index
    %get3A_1 = vector.load %arg0[%get3A, %get3A_0] : memref<5000x64xf32, #tpu.memory_space<vmem>>, vector<5000x64xf32>
    %get3A_2 = arith.constant 0 : index
    %get3A_3 = memref.load %arg2[%get3A_2] : memref<4xf32, #tpu.memory_space<smem>>
    %mul3A = vector.broadcast %get3A_3 : f32 to vector<5000x64xf32>
    %mul3A_4 = arith.mulf %get3A_1, %mul3A : vector<5000x64xf32>
    %get3A_5 = arith.constant 0 : index
    %get3A_6 = arith.constant 0 : index
    %get3A_7 = vector.load %arg1[%get3A_5, %get3A_6] : memref<5000x64xf32, #tpu.memory_space<vmem>>, vector<5000x64xf32>
    %get3A_8 = arith.constant 1 : index
    %get3A_9 = memref.load %arg2[%get3A_8] : memref<4xf32, #tpu.memory_space<smem>>
    %mul3A_10 = vector.broadcast %get3A_9 : f32 to vector<5000x64xf32>
    %mul3A_11 = arith.mulf %get3A_7, %mul3A_10 : vector<5000x64xf32>
    %add3A = arith.addf %mul3A_4, %mul3A_11 : vector<5000x64xf32>
    %get3A_12 = arith.constant 2 : index
    %get3A_13 = memref.load %arg2[%get3A_12] : memref<4xf32, #tpu.memory_space<smem>>
    %add3A_14 = vector.broadcast %get3A_13 : f32 to vector<5000x64xf32>
    %add3A_15 = arith.addf %add3A, %add3A_14 : vector<5000x64xf32>
    %get3A_16 = arith.constant 3 : index
    %get3A_17 = memref.load %arg2[%get3A_16] : memref<4xf32, #tpu.memory_space<smem>>
    %mul3A_18 = vector.broadcast %get3A_17 : f32 to vector<5000x64xf32>
    %mul3A_19 = arith.mulf %add3A_15, %mul3A_18 : vector<5000x64xf32>
    %swap3A = arith.constant 0 : index
    %swap3A_20 = arith.constant 0 : index
    %swap3A_21 = vector.load %arg3[%swap3A, %swap3A_20] : memref<5000x64xf32, #tpu.memory_space<vmem>>, vector<5000x64xf32>
    tpu.vector_store %arg3[%swap3A, %swap3A_20], %mul3A_19 {strides = array<i32>} : memref<5000x64xf32, #tpu.memory_space<vmem>>, vector<5000x64xf32>,
    return
  }
}

module attributes {stable_mosaic.version = 14 : i64} {
  func.func @_pack_body(%arg0: i32, %arg1: memref<1000x128xf32, #tpu.memory_space<vmem>>, %arg2: memref<1000x64xi32, #tpu.memory_space<vmem>>) attributes {dimension_semantics = [#tpu.dimension_semantics<arbitrary>], iteration_bounds = array<i64: 10>, scalar_prefetch = 0 : i64, scratch_operands = 0 : i64, tpu.core_type = #tpu.core_type<tc>, window_params = [{transform_indices = @transform_0, window_bounds = array<i64: 1000, 128>}, {transform_indices = @transform_1, window_bounds = array<i64: 1000, 64>}]} {
    %get3A = arith.constant 0 : index
    %get3A_0 = arith.constant 0 : index
    %get3A_1 = vector.load %arg1[%get3A, %get3A_0] : memref<1000x128xf32, #tpu.memory_space<vmem>>, vector<1000x128xf32>
    %slice3A = vector.extract_strided_slice %get3A_1 {offsets = [0, 0], sizes = [1000, 16], strides = [1, 1]} : vector<1000x128xf32> to vector<1000x16xf32>
    %slice3A_2 = vector.extract_strided_slice %get3A_1 {offsets = [0, 32], sizes = [1000, 16], strides = [1, 1]} : vector<1000x128xf32> to vector<1000x16xf32>
    %slice3A_3 = vector.extract_strided_slice %get3A_1 {offsets = [0, 64], sizes = [1000, 16], strides = [1, 1]} : vector<1000x128xf32> to vector<1000x16xf32>
    %slice3A_4 = vector.extract_strided_slice %get3A_1 {offsets = [0, 96], sizes = [1000, 16], strides = [1, 1]} : vector<1000x128xf32> to vector<1000x16xf32>
    %concatenate3A = tpu.concatenate %slice3A, %slice3A_2, %slice3A_3, %slice3A_4 in 1 : vector<1000x16xf32>, vector<1000x16xf32>, vector<1000x16xf32>, vector<1000x16xf32> -> vector<1000x64xf32>
    %slice3A_5 = vector.extract_strided_slice %get3A_1 {offsets = [0, 16], sizes = [1000, 16], strides = [1, 1]} : vector<1000x128xf32> to vector<1000x16xf32>
    %slice3A_6 = vector.extract_strided_slice %get3A_1 {offsets = [0, 48], sizes = [1000, 16], strides = [1, 1]} : vector<1000x128xf32> to vector<1000x16xf32>
    %slice3A_7 = vector.extract_strided_slice %get3A_1 {offsets = [0, 80], sizes = [1000, 16], strides = [1, 1]} : vector<1000x128xf32> to vector<1000x16xf32>
    %slice3A_8 = vector.extract_strided_slice %get3A_1 {offsets = [0, 112], sizes = [1000, 16], strides = [1, 1]} : vector<1000x128xf32> to vector<1000x16xf32>
    %concatenate3A_9 = tpu.concatenate %slice3A_5, %slice3A_6, %slice3A_7, %slice3A_8 in 1 : vector<1000x16xf32>, vector<1000x16xf32>, vector<1000x16xf32>, vector<1000x16xf32> -> vector<1000x64xf32>
    %convert_element_type3A = arith.truncf %concatenate3A : vector<1000x64xf32> to vector<1000x64xbf16>
    %bitcast_convert_type3A = tpu.bitcast %convert_element_type3A : vector<1000x64xbf16> -> vector<1000x64xi16>
    %convert_element_type3A_10 = arith.extui %bitcast_convert_type3A : vector<1000x64xi16> to vector<1000x64xi32>
    %convert_element_type3A_11 = arith.truncf %concatenate3A_9 : vector<1000x64xf32> to vector<1000x64xbf16>
    %bitcast_convert_type3A_12 = tpu.bitcast %convert_element_type3A_11 : vector<1000x64xbf16> -> vector<1000x64xi16>
    %convert_element_type3A_13 = arith.extui %bitcast_convert_type3A_12 : vector<1000x64xi16> to vector<1000x64xi32>
    %shift_left3A = arith.constant 16 : i32
    %shift_left3A_14 = vector.broadcast %shift_left3A : i32 to vector<1000x64xi32>
    %shift_left3A_15 = arith.shli %convert_element_type3A_13, %shift_left3A_14 : vector<1000x64xi32>
    %or3A = arith.ori %convert_element_type3A_10, %shift_left3A_15 : vector<1000x64xi32>
    %swap3A = arith.constant 0 : index
    %swap3A_16 = arith.constant 0 : index
    %swap3A_17 = vector.load %arg2[%swap3A, %swap3A_16] : memref<1000x64xi32, #tpu.memory_space<vmem>>, vector<1000x64xi32>
    tpu.vector_store %arg2[%swap3A, %swap3A_16], %or3A {strides = array<i32>} : memref<1000x64xi32, #tpu.memory_space<vmem>>, vector<1000x64xi32>,
    return
  }
  func.func @transform_0(%arg0: i32) -> (i32, i32) {
    %c0_i32 = arith.constant 0 : i32
    %c0_i32_0 = arith.constant 0 : i32
    return %arg0, %c0_i32 : i32, i32
  }
  func.func @transform_1(%arg0: i32) -> (i32, i32) {
    %c0_i32 = arith.constant 0 : i32
    %c0_i32_0 = arith.constant 0 : i32
    return %arg0, %c0_i32 : i32, i32
  }
}

module attributes {stable_mosaic.version = 14 : i64} {
  func.func @_combine_body(%arg0: i32, %arg1: memref<1000x128xf32, #tpu.memory_space<vmem>>, %arg2: memref<1000x128xf32, #tpu.memory_space<vmem>>, %arg3: memref<2x1000x128xf32, #tpu.memory_space<vmem>>, %arg4: memref<3xf32, #tpu.memory_space<smem>>, %arg5: memref<1000x128xf32, #tpu.memory_space<vmem>>) attributes {dimension_semantics = [#tpu.dimension_semantics<arbitrary>], iteration_bounds = array<i64: 10>, scalar_prefetch = 0 : i64, scratch_operands = 0 : i64, tpu.core_type = #tpu.core_type<tc>, window_params = [{transform_indices = @transform_0, window_bounds = array<i64: 1000, 128>}, {transform_indices = @transform_1, window_bounds = array<i64: 1000, 128>}, {transform_indices = @transform_2, window_bounds = array<i64: 2, 1000, 128>}, {transform_indices = @transform_3, window_bounds = array<i64: 3>}, {transform_indices = @transform_4, window_bounds = array<i64: 1000, 128>}]} {
    %get3A = arith.constant 0 : index
    %get3A_0 = arith.constant 0 : index
    %get3A_1 = vector.load %arg1[%get3A, %get3A_0] : memref<1000x128xf32, #tpu.memory_space<vmem>>, vector<1000x128xf32>
    %get3A_2 = arith.constant 0 : index
    %get3A_3 = memref.load %arg4[%get3A_2] : memref<3xf32, #tpu.memory_space<smem>>
    %mul3A = vector.broadcast %get3A_3 : f32 to vector<1000x128xf32>
    %mul3A_4 = arith.mulf %get3A_1, %mul3A : vector<1000x128xf32>
    %get3A_5 = arith.constant 0 : index
    %get3A_6 = arith.constant 0 : index
    %get3A_7 = vector.load %arg2[%get3A_5, %get3A_6] : memref<1000x128xf32, #tpu.memory_space<vmem>>, vector<1000x128xf32>
    %get3A_8 = arith.constant 1 : index
    %get3A_9 = memref.load %arg4[%get3A_8] : memref<3xf32, #tpu.memory_space<smem>>
    %mul3A_10 = vector.broadcast %get3A_9 : f32 to vector<1000x128xf32>
    %mul3A_11 = arith.mulf %get3A_7, %mul3A_10 : vector<1000x128xf32>
    %add3A = arith.addf %mul3A_4, %mul3A_11 : vector<1000x128xf32>
    %get3A_12 = arith.constant 0 : index
    %get3A_13 = arith.constant 0 : index
    %get3A_14 = arith.constant 0 : index
    %get3A_15 = vector.load %arg3[%get3A_12, %get3A_13, %get3A_14] : memref<2x1000x128xf32, #tpu.memory_space<vmem>>, vector<1x1000x128xf32>
    %get3A_16 = vector.shape_cast %get3A_15 : vector<1x1000x128xf32> to vector<1000x128xf32>
    %add3A_17 = arith.addf %add3A, %get3A_16 : vector<1000x128xf32>
    %get3A_18 = arith.constant 1 : index
    %get3A_19 = arith.constant 0 : index
    %get3A_20 = arith.constant 0 : index
    %get3A_21 = vector.load %arg3[%get3A_18, %get3A_19, %get3A_20] : memref<2x1000x128xf32, #tpu.memory_space<vmem>>, vector<1x1000x128xf32>
    %get3A_22 = vector.shape_cast %get3A_21 : vector<1x1000x128xf32> to vector<1000x128xf32>
    %add3A_23 = arith.addf %add3A_17, %get3A_22 : vector<1000x128xf32>
    %get3A_24 = arith.constant 2 : index
    %get3A_25 = memref.load %arg4[%get3A_24] : memref<3xf32, #tpu.memory_space<smem>>
    %add3A_26 = vector.broadcast %get3A_25 : f32 to vector<1000x128xf32>
    %add3A_27 = arith.addf %add3A_23, %add3A_26 : vector<1000x128xf32>
    %swap3A = arith.constant 0 : index
    %swap3A_28 = arith.constant 0 : index
    %swap3A_29 = vector.load %arg5[%swap3A, %swap3A_28] : memref<1000x128xf32, #tpu.memory_space<vmem>>, vector<1000x128xf32>
    tpu.vector_store %arg5[%swap3A, %swap3A_28], %add3A_27 {strides = array<i32>} : memref<1000x128xf32, #tpu.memory_space<vmem>>, vector<1000x128xf32>,
    return
  }
  func.func @transform_0(%arg0: i32) -> (i32, i32) {
    %c0_i32 = arith.constant 0 : i32
    %c0_i32_0 = arith.constant 0 : i32
    return %arg0, %c0_i32 : i32, i32
  }
  func.func @transform_1(%arg0: i32) -> (i32, i32) {
    %c0_i32 = arith.constant 0 : i32
    %c0_i32_0 = arith.constant 0 : i32
    return %arg0, %c0_i32 : i32, i32
  }
  func.func @transform_2(%arg0: i32) -> (i32, i32, i32) {
    %c0_i32 = arith.constant 0 : i32
    %c0_i32_0 = arith.constant 0 : i32
    %c0_i32_1 = arith.constant 0 : i32
    return %c0_i32, %arg0, %c0_i32_0 : i32, i32, i32
  }
  func.func @transform_3(%arg0: i32) -> i32 {
    %c0_i32 = arith.constant 0 : i32
    %c0_i32_0 = arith.constant 0 : i32
    return %c0_i32 : i32
  }
  func.func @transform_4(%arg0: i32) -> (i32, i32) {
    %c0_i32 = arith.constant 0 : i32
    %c0_i32_0 = arith.constant 0 : i32
    return %arg0, %c0_i32 : i32, i32
  }
}

</mosaic_0001>

<sc_bundles>
// kernel: kernel.6.cloned.1.call-start
scs
__scs_entry_jumppad:
0x0: {  	(pc) =	sbr.rel $0x88, $3  }
0x1: {  	(tag) =	ssettag $0x0;
	lr =	simm.s32 $0x1  }
0x2: {  	[smem:$0x3F97] =	sst lr;
	_ =	strace $0xD0000000  }
0x3: {  	_ = 	snop  }
0x4: {  	_ = 	snop  }
0x5: {  	_ = 	snop  }
0x6: {  	_ = 	snop  }
0x7: {  	_ = 	snop  }
__scs_overlays_trampoline_lowered:
0x8: {  	[smem:$0x3FA6] =	sst s0  }
0x9: {  	[smem:$0x3FA7] =	sst s1  }
0xa: {  	[smem:$0x3FA8] =	sst s2  }
0xb: {  	[smem:$0x3FA9] =	sst s3  }
0xc: {  	[smem:$0x3FAA] =	sst s4  }
0xd: {  	[smem:$0x3FAB] =	sst s5  }
0xe: {  	[smem:$0x3FAC] =	sst s6  }
0xf: {  	[smem:$0x3FAD] =	sst s7  }
0x10: {  	[smem:$0x3FAE] =	sst s8  }
0x11: {  	[smem:$0x3FAF] =	sst s9;
	s0 =	simm.s32 @!p0 $0x0  }
0x12: {  	s1 =	sld [smem:$0x3F95];
	s0 =	simm.s32 @p0 $0x1  }
0x13: {  	[smem:$0x3FB0] =	sst s0;
	s0 =	simm.s32 @!p1 $0x0  }
0x14: {  	s2 =	sld [smem:$0x3F94];
	s0 =	simm.s32 @p1 $0x1  }
0x15: {  	[smem:$0x3FB1] =	sst s0;
	s0 =	simm.s32 @!p2 $0x0  }
0x16: {  	s3 =	sld [smem:$0x3FDB];
	s0 =	simm.s32 @p2 $0x1  }
0x17: {  	s4 =	simm.s32 $0x1BF5;
	[smem:$0x3FB3] =	sst s0  }
0x18: {  	s0 =	sld [smem:$0x3F96];
	_ =	swait.ge [sflag:s4], $0x0  }
0x19: {  	s7 =	sld [smem:$0x3F97]  }
0x1a: {  	s8 =	sadd.s32 $0xFFFFE003, lr  }
0x1b: {  	s9 =	sadd.s32 $0xFFFFFEF7, lr;
	s5 =	simm.s32 $0xFFFFFFFF;
	p2 =	slt.u32 s8, $0xFFFFF086  }
0x1c: {  	p1 =	slt.u32 s9, $0xF7A;
	s5 =	simm.s32 @!p2 $0x0  }
0x1d: {  	s5 =	simm.s32 @p1 $0x1;
	p0 =	seq.s32 s7, s2  }
0x1e: {  	s7 =	smul.u32 @!p0 $0xF7A, s2;
	p2 =	seq.s32 @!p0 s5, $0x0  }
0x1f: {  	s9 =	smul.u32 $0xF7A, s1;
	s8 =	simm.s32 @!p0 $0x1BF5;
	p2 =	por !p2, p0  }
0x20: {  	[sflag:s8] =	ssyncset.s32 @!p0 $0xFFFFF086;
	s6 =	sadd.s32 @!p0 s3, s7;
	s7 =	simm.s32 @!p0 $0x108  }
0x21: {  	s3 =	sadd.s32 s3, s9;
	s6 =	sadd.s32 @!p0 $0x88, s6;
	s7 =	simm.s32 @p2 $0x1082  }
0x22: {  	[simem:s7], [sflag:s8] =	dma.local @!p0 [hbm:s6], $0xF7A  }
0x23: {  	s9 =	sor.u32 $0xD0000000, s2;
	s6 =	simm.s32 $0x108;
	_ =	swait.ge @!p0 [sflag:s8], $0x0  }
0x24: {  	s3 =	sadd.s32 $0x88, s3;
	s6 =	simm.s32 @!p1 $0x1082;
	[sflag:s4] =	ssyncset.s32 $0xFFFFF086  }
0x25: {  	[simem:s6], [sflag:s4] =	dma.local [hbm:s3], $0xF7A  }
0x26: {  	[smem:$0x3F97] =	sst s1;
	(tag) =	ssettag s2;
	_ =	strace s9  }
0x27: {  	s1 =	sld [smem:$0x3FA7]  }
0x28: {  	s2 =	sld [smem:$0x3FA8]  }
0x29: {  	s4 =	sld [smem:$0x3FAA]  }
0x2a: {  	p0 =	seq.s32 s5, $0x0;
	s5 =	sld [smem:$0x3FAB]  }
0x2b: {  	s6 =	sld [smem:$0x3FAC]  }
0x2c: {  	s7 =	sld [smem:$0x3FAD]  }
0x2d: {  	s3 =	simm.s32 $0x108;
	s8 =	sld [smem:$0x3FAE]  }
0x2e: {  	s3 =	simm.s32 @!p0 $0x1082;
	s9 =	sld [smem:$0x3FAF]  }
0x2f: {  	lr =	sadd.s32 s0, s3;
	s0 =	sld [smem:$0x3FA6]  }
0x30: {  	s3 =	sld [smem:$0x3FA9]  }
0x31: {  	[smem:$0x3FB2] =	sst s10  }
0x32: {  	s10 =	sld [smem:$0x3FB0];
	_ =	sdelay $0x3  }
0x33: {  	p0 =	seq.s32 s10, $0x1;
	s10 =	sld [smem:$0x3FB2];
	_ =	sdelay $0x3  }
0x34: {  	[smem:$0x3FB2] =	sst s10  }
0x35: {  	s10 =	sld [smem:$0x3FB1];
	_ =	sdelay $0x3  }
0x36: {  	p1 =	seq.s32 s10, $0x1;
	s10 =	sld [smem:$0x3FB2];
	_ =	sdelay $0x3  }
0x37: {  	[smem:$0x3FB2] =	sst s10  }
0x38: {  	s10 =	sld [smem:$0x3FB3]  }
0x39: {  	_ = 	snop;
	(pc) =	sbr.ind lr, $3  }
0x3a: {  	_ = 	snop  }
0x3b: {  	_ = 	snop  }
0x3c: {  	p2 =	seq.s32 s10, $0x1;
	s10 =	sld [smem:$0x3FB2]  }
0x3d: {  	_ =	shalt  }
0x3e: {  	_ =	shalt  }
0x3f: {  	_ =	shalt  }
0x40: {  	_ =	shalt  }
0x41: {  	_ =	shalt  }
0x42: {  	_ =	shalt  }
0x43: {  	_ =	shalt  }
0x44: {  	_ =	shalt  }
0x45: {  	_ =	shalt  }
0x46: {  	_ =	shalt  }
0x47: {  	_ =	shalt  }
0x48: {  	_ =	shalt  }
0x49: {  	_ =	shalt  }
0x4a: {  	_ =	shalt  }
0x4b: {  	_ =	shalt  }
0x4c: {  	_ =	shalt  }
0x4d: {  	_ =	shalt  }
0x4e: {  	_ =	shalt  }
0x4f: {  	_ =	shalt  }
0x50: {  	_ =	shalt  }
0x51: {  	_ =	shalt  }
0x52: {  	_ =	shalt  }
0x53: {  	_ =	shalt  }
0x54: {  	_ =	shalt  }
0x55: {  	_ =	shalt  }
0x56: {  	_ =	shalt  }
0x57: {  	_ =	shalt  }
0x58: {  	_ =	shalt  }
0x59: {  	_ =	shalt  }
0x5a: {  	_ =	shalt  }
0x5b: {  	_ =	shalt  }
0x5c: {  	_ =	shalt  }
0x5d: {  	_ =	shalt  }
0x5e: {  	_ =	shalt  }
0x5f: {  	_ =	shalt  }
0x60: {  	_ =	shalt  }
0x61: {  	_ =	shalt  }
0x62: {  	_ =	shalt  }
0x63: {  	_ =	shalt  }
0x64: {  	_ =	shalt  }
0x65: {  	_ =	shalt  }
0x66: {  	_ =	shalt  }
0x67: {  	_ =	shalt  }
0x68: {  	_ =	shalt  }
0x69: {  	_ =	shalt  }
0x6a: {  	_ =	shalt  }
0x6b: {  	_ =	shalt  }
0x6c: {  	_ =	shalt  }
0x6d: {  	_ =	shalt  }
0x6e: {  	_ =	shalt  }
0x6f: {  	_ =	shalt  }
0x70: {  	_ =	shalt  }
0x71: {  	_ =	shalt  }
0x72: {  	_ =	shalt  }
0x73: {  	_ =	shalt  }
0x74: {  	_ =	shalt  }
0x75: {  	_ =	shalt  }
0x76: {  	_ =	shalt  }
0x77: {  	_ =	shalt  }
0x78: {  	_ =	shalt  }
0x79: {  	_ =	shalt  }
0x7a: {  	_ =	shalt  }
0x7b: {  	_ =	shalt  }
0x7c: {  	_ =	shalt  }
0x7d: {  	_ =	shalt  }
0x7e: {  	_ =	shalt  }
0x7f: {  	_ =	shalt  }
0x80: {  	_ =	shalt  }
0x81: {  	_ =	shalt  }
0x82: {  	_ =	shalt  }
0x83: {  	_ =	shalt  }
0x84: {  	_ =	shalt  }
0x85: {  	_ =	shalt  }
0x86: {  	_ =	shalt  }
0x87: {  	_ =	shalt  }
.Lfunc_end0:
.L_simem_size_0:
called_computation_lowered:
.L_overlay_start_0:
0x88: {  	s2 =	sld [smem:$0x3FD9]  }
0x89: {  	s3 =	sld [smem:$0x3FFE];
	_ =	sdelay $0x1  }
0x8a: {  	s1 =	srdreg.scid  }
0x8b: {  	s0 =	sand.u32 $0x1, s1  }
0x8c: {  	s17 =	sshll.u32 s0, $0xA;
	s2 =	sadd.s32 s3, s2  }
0x8d: {  	s2 =	sadd.s32 s2, s17  }
0x8e: {  	[smem:$0x3FBE] =	sst s2  }
0x8f: {  	_ = 	snop  }
0x90: {  	s2 =	sld [smem:$0x3FD0];
	(tm) =	ssettm $0x1  }
0x91: {  	s18 =	sld [smem:$0x3FFB];
	_ =	sdelay $0x3  }
0x92: {  	_ =	strace s18  }
0x93: {  	s3 =	sld [smem:$0x3FFC];
	_ =	sdelay $0x3  }
0x94: {  	_ =	strace s3  }
0x95: {  	s3 =	sld [smem:$0x3FFD];
	_ =	sdelay $0x3  }
0x96: {  	_ =	strace s3  }
0x97: {  	_ =	strace $0x8FFFFFFF  }
0x98: {  	s19 =	sld [smem:$0x3FDB];
	_ =	sdelay $0x1  }
0x99: {  	s4 =	simm.s32 $_scs_section_size  }
0x9a: {  	s5 =	simm.s32 $_size__tile_overlayer_lowered;
	s6 =	simm.s32 $_tile_overlayer_lowered  }
0x9b: {  	s22 =	simm.s32 $0x1BFF;
	s21 =	sshll.u32 s6, $0x1;
	s3 =	sadd.s32 s4, s19  }
0x9c: {  	s7 =	simm.s32 $0x0;
	s20 =	sshll.u32 s5, $0x1;
	s5 =	sadd.s32 s21, s3  }
0x9d: {  	[timem:s7], [sflag:s22] =	dma.local [hbm:s5], s20  }
0x9e: {  	_ =	swait.ge [sflag:s22], s20  }
0x9f: {  	s4 =	ssub.s32 $0x0, s20;
	[sflag:s22] =	ssyncset.done $0x0  }
0xa0: {  	[sflag:s22] =	ssyncadd.s32 s4;
	_ =	sdelay $0x1  }
0xa1: {  	s23 =	simm.s32 $0x1B8B  }
0xa2: {  	_ =	swait.ge [sflag:s23], $0x1  }
0xa3: {  	[sflag:s23] =	ssyncset.done $0x0  }
0xa4: {  	s25 =	simm.s32 $0x1B8E;
	s24 =	sld [smem:$0x3FFE];
	[sflag:s23] =	ssyncadd.s32 $0xFFFFFFFF  }
0xa5: {  	s26 =	simm.s32 $execute0_lowered;
	[smem:$0x3FD2] =	sst s25  }
0xa6: {  	s5 =	sshll.u32 s26, $0x1;
	_ =	strace $0x80000046;
	[dreg:$0x1] =	wrdreg $0xFFFFFFFF  }
0xa7: {  	s28 =	simm.s32 $_size_execute0_lowered;
	s3 =	sadd.s32 s3, s5;
	[dreg:$0x0] =	wrdreg $0x0  }
0xa8: {  	s5 =	sshll.u32 s28, $0x1;
	[dreg:$0x2] =	wrdreg s3  }
0xa9: {  	[dreg:$0x3] =	wrdreg s5  }
0xaa: {  	[dreg:$0x4] =	wrdreg $0xC0  }
0xab: {  	_ =	task [dreg:s7], $0x5FFFF  }
0xac: {  	[dreg:$0x1] =	wrdreg $0xFFFFFFFF  }
0xad: {  	[dreg:$0x0] =	wrdreg $0x60  }
0xae: {  	[dreg:$0x2] =	wrdreg s2  }
0xaf: {  	[dreg:$0x3] =	wrdreg s24  }
0xb0: {  	[dreg:$0x4] =	wrdreg $0x0  }
0xb1: {  	[dreg:$0x5] =	wrdreg $0x9  }
0xb2: {  	_ =	task.clear_ibuf [dreg:s7], $0x6FFFF;
	_ =	strace $0x90000046  }
0xb3: {  	s29 =	simm.s32 $0x9;
	_ =	strace $0x80000048  }
0xb4: {  	_ =	swait.ge [sflag:s29], $0x1  }
0xb5: {  	[sflag:s29] =	ssyncadd.s32 $0xFFFFFFFF  }
0xb6: {  	_ =	strace $0x90000048  }
0xb7: {  	_ =	sfence  }
0xb8: {  	s30 =	sld [smem:$0x0];
	_ =	sdelay $0x2  }
0xb9: {  	s31 =	sshll.u32 s1, $0xD;
	s1 =	sshrl.u32 s1, $0x2  }
0xba: {  	s3 =	sand.u32 $0x4000, s31;
	s1 =	sadd.s32 s1, s30  }
0xbb: {  	s0 =	sor.u32 s3, s0;
	s1 =	sshll.u32 s1, $0x11  }
0xbc: {  	s0 =	sor.u32 s1, s0  }
0xbd: {  	s0 =	sadd.s32 $0x8F2B, s0  }
0xbe: {  	[sflag:s0] =	ssyncadd.remote.s32 $0x1  }
0xbf: {  	_ =	sfence.sel $0xFFFF  }
0xc0: {  	[dreg:$0x0] =	wrdreg $0xFFFFFFFF;
	(pc) =	sbr.abs _section_cstart, $3  }
0xc1: {  	[dreg:$0x1] =	wrdreg $0xFFFFFFFF  }
0xc2: {  	_ =	task.clear_ibuf [dreg:s7], $0x2FFFF;
	_ =	strace $0x9FFFFFFF  }
0xc3: {  	(tm) =	ssettm $0x7FFFFFFF  }
tec
execute0_lowered:
.L_overlay_start_1:
0x0: {  	(tag) =	ssettag $0x1  }
0x1: {  	s0 =	rddreg [dreg:$0x1]  }
0x2: {  	s12 =	rddreg [dreg:$0x2]  }
0x3: {  	s1 =	simm.s32 $0x0;
	s9 =	stileid.u32;
	s2 =	srdreg.scid  }
0x4: {  	[smem:$0x7FF] =	sst s1;
	s3 =	smul.u32 $0x13C00, s9  }
0x5: {  	s2 =	sand.u32 $0x1, s2;
	s5 =	sadd.s32 $0xBC00, s0;
	s6 =	sadd.s32 $0x15C00, s0  }
0x6: {  	s7 =	sadd.s32 $0x1C00, s0;
	_ =	strace $0x80000047;
	s8 =	sshll.u32 s2, $0x4  }
0x7: {  	s4 =	smul.u32 $0x13C000, s2;
	s2 =	ssub.s32 $0x2, s2;
	s8 =	sor.u32 s9, s8  }
0x8: {  	s13 =	sshrl.u32 s3, $0x3;
	s14 =	sshrl.u32 s2, $0x1;
	s10 =	smul.u32 $0x500, s8  }
0x9: {  	s4 =	sadd.s32 s3, s4;
	s9 =	sadd.s32 s13, s0;
	s3 =	sadd.s32 s3, s12  }
0xa: {  	s2 =	ssub.s32 s2, s14;
	[dreg:$0x16] =	wrdreg s3;
	s13 =	sadd.s32 s6, s10  }
0xb: {  	s11 =	sor.u32 $0x8, s10;
	s14 =	sadd.s32 s7, s10;
	[dreg:$0x11] =	wrdreg s13  }
0xc: {  	s15 =	sadd.s32 s5, s11;
	[dreg:$0x12] =	wrdreg s14  }
0xd: {  	s16 =	sadd.s32 s6, s11;
	[dreg:$0x4] =	wrdreg s15  }
0xe: {  	s18 =	sor.u32 $0x10, s10;
	s17 =	sadd.s32 s7, s11;
	[dreg:$0x5] =	wrdreg s16  }
0xf: {  	s19 =	sadd.s32 s5, s18;
	[dreg:$0x6] =	wrdreg s17  }
0x10: {  	s20 =	sadd.s32 s6, s18;
	[dreg:$0x7] =	wrdreg s19  }
0x11: {  	s21 =	sor.u32 $0x18, s10;
	s22 =	sadd.s32 s7, s18;
	[dreg:$0x8] =	wrdreg s20  }
0x12: {  	s23 =	sadd.s32 s5, s21;
	[dreg:$0x9] =	wrdreg s22  }
0x13: {  	s31 =	simm.s32 $0xB;
	s25 =	sadd.s32 s6, s21;
	[dreg:$0xa] =	wrdreg s23  }
0x14: {  	s24 =	sor.u32 $0x20, s10;
	s26 =	sadd.s32 s7, s21;
	[dreg:$0xb] =	wrdreg s25  }
0x15: {  	s4 =	sshrl.u32 s4, $0x3;
	s29 =	sadd.s32 s5, s24;
	[dreg:$0xc] =	wrdreg s26  }
0x16: {  	s0 =	sadd.s32 s4, s0;
	s30 =	sadd.s32 s6, s24;
	[dreg:$0xd] =	wrdreg s29  }
0x17: {  	s4 =	smul.u32 $0xA0, s8;
	s8 =	sadd.s32 s7, s24;
	[dreg:$0xe] =	wrdreg s30  }
0x18: {  	s28 =	simm.s32 $0xC;
	s11 =	sadd.s32 s5, s10;
	[dreg:$0xf] =	wrdreg s8  }
0x19: {  	s1 =	smov.u32 s12;
	s0 =	sadd.s32 $0x47400, s0;
	[dreg:$0x10] =	wrdreg s11  }
0x1a: {  	s12 =	simm.s32 $0x40;
	s19 =	sadd.s32 $0x1FC00, s9;
	[smem:$0x7FC] =	sst s0  }
0x1b: {  	s3 =	simm.s32 $0x0;
	s20 =	sor.u32 $0x6, s4;
	[dreg:$0x17] =	wrdreg s19  }
0x1c: {  	s14 =	simm.s32 $0x14000;
	s21 =	sor.u32 $0x7, s4;
	[dreg:$0x18] =	wrdreg s20  }
0x1d: {  	s13 =	simm.s32 $0xD;
	s22 =	sor.u32 $0x8, s4;
	[dreg:$0x19] =	wrdreg s21  }
0x1e: {  	s15 =	sor.u32 $0x28, s10;
	s23 =	sor.u32 $0x9, s4;
	[dreg:$0x1a] =	wrdreg s22  }
0x1f: {  	s24 =	sor.u32 $0xA, s4;
	s25 =	sor.u32 $0xB, s4;
	[dreg:$0x1b] =	wrdreg s23  }
0x20: {  	s26 =	sor.u32 $0xC, s4;
	s29 =	sor.u32 $0xD, s4;
	[dreg:$0x1c] =	wrdreg s24  }
0x21: {  	s30 =	smax.u32 s2, $0x1;
	s11 =	simm.s32 $0x14140;
	[dreg:$0x1d] =	wrdreg s25  }
0x22: {  	s10 =	simm.s32 $0x14180;
	s8 =	simm.s32 $0x141C0;
	[dreg:$0x1e] =	wrdreg s26  }
0x23: {  	s16 =	sadd.s32 s5, s15;
	s17 =	sadd.s32 s6, s15;
	[dreg:$0x1f] =	wrdreg s29  }
.Ltmp0:
0x24: {  	s18 =	sadd.s32 s7, s15;
	[smem:$0x7FD] =	sst s30;
	(pc) =	sbr.rel .LBB2_1-.Ltmp0, $4  }
0x25: {  	s19 =	simm.s32 $0x14080;
	s22 =	simm.s32 $0x140C0;
	s25 =	simm.s32 $0x14100  }
0x26: {  	s23 =	simm.s32 $0xA;
	s26 =	simm.s32 $0x5;
	[dreg:$0x13] =	wrdreg s16  }
0x27: {  	s24 =	simm.s32 $0x6;
	s15 =	simm.s32 $0xE;
	[dreg:$0x14] =	wrdreg s17  }
0x28: {  	[dreg:$0x15] =	wrdreg s18;
	s16 =	simm.s32 $0x14040;
	s17 =	simm.s32 $0x9  }
.LBB2_20:
0x29: {  	_ =	swait.ge [sflag:s26], $0x2000  }
0x2a: {  	[sflag:s26] =	ssyncset.done $0x0  }
0x2b: {  	[sflag:s26] =	ssyncadd.s32 $0xFFFFE000  }
0x2c: {  	_ =	swait.ge [sflag:s24], $0x2000  }
0x2d: {  	[sflag:s24] =	ssyncset.done $0x0  }
0x2e: {  	[sflag:s24] =	ssyncadd.s32 $0xFFFFE000  }
0x2f: {  	[bflag:$0x0] =	sbarrier.arrive $0xFFFF  }
0x30: {  	s0 =	sld [smem:$0x7FA]  }
0x31: {  	s2 =	sld [smem:$0x7FC]  }
0x32: {  	s3 =	sld [smem:$0x7FB];
	_ =	sdelay $0x1  }
0x33: {  	s21 =	simm.s32 $0x10;
	s0 =	sor.u32 $0x1C10, s0  }
0x34: {  	[hbm:s2], [sflag:s0] =	dma.local [spmem:s3], $0x2780  }
0x35: {  	_ =	swait.ge [sflag:s21], $0x2780  }
0x36: {  	s29 =	sld [smem:$0x7F9]  }
0x37: {  	s30 =	sld [smem:$0x7FD];
	_ =	sdelay $0x1  }
0x38: {  	s3 =	sadd.s32 $0x1, s29  }
0x39: {  	p0 =	sne.s32 s3, s30  }
.Ltmp1:
0x3a: {  	_ = 	snop;
	(pc) =	sbr.rel @!p0 .LBB2_21-.Ltmp1, $3  }
0x3b: {  	_ =	sdelay $0x1  }
0x3c: {  	[sflag:s21] =	ssyncset.done $0x0  }
0x3d: {  	[sflag:s21] =	ssyncadd.s32 $0xFFFFD880  }
.LBB2_1:
0x3e: {  	[smem:$0x7F9] =	sst s3  }
0x3f: {  	s0 =	simm.s32 $0x0;
	s2 =	rddreg [dreg:$0x10];
	s3 =	simm.s32 $0x13C00  }
0x40: {  	[tilespmem:s3], [sflag:$0x7] =	stream.linear.gather [hbm4b:s2+s0], $0x40, $0x38;
	[tilespmem:$0x1C200] =	vst v63  }
0x41: {  	s30 =	rddreg [dreg:$0x11];
	s4 =	simm.s32 $0x13E00  }
0x42: {  	[tilespmem:s4], [sflag:$0x7] =	stream.linear.gather [hbm4b:s30+s0], $0x40, $0x38;
	[tilespmem:$0x1C200] =	vst v63  }
0x43: {  	s9 =	rddreg [dreg:$0x12]  }
0x44: {  	[tilespmem:s14], [sflag:$0x7] =	stream.linear.gather [hbm4b:s9+s0], $0x40, $0x38;
	[tilespmem:$0x1C200] =	vst v63  }
0x45: {  	s18 =	rddreg [dreg:$0x4];
	s4 =	simm.s32 $0x13C40  }
0x46: {  	[tilespmem:s4], [sflag:$0x8] =	stream.linear.gather [hbm4b:s18+s0], $0x40, $0x38;
	[tilespmem:$0x1C200] =	vst v63  }
0x47: {  	s20 =	rddreg [dreg:$0x5];
	s9 =	simm.s32 $0x13E40  }
0x48: {  	[tilespmem:s9], [sflag:$0x8] =	stream.linear.gather [hbm4b:s20+s0], $0x40, $0x38;
	[tilespmem:$0x1C200] =	vst v63  }
0x49: {  	s21 =	rddreg [dreg:$0x6]  }
0x4a: {  	[tilespmem:s16], [sflag:$0x8] =	stream.linear.gather [hbm4b:s21+s0], $0x40, $0x38;
	[tilespmem:$0x1C200] =	vst v63  }
0x4b: {  	s29 =	rddreg [dreg:$0x7];
	s9 =	simm.s32 $0x13C80  }
0x4c: {  	[tilespmem:s9], [sflag:$0x9] =	stream.linear.gather [hbm4b:s29+s0], $0x40, $0x38;
	[tilespmem:$0x1C200] =	vst v63  }
0x4d: {  	s30 =	rddreg [dreg:$0x8];
	s18 =	simm.s32 $0x13E80  }
0x4e: {  	[tilespmem:s18], [sflag:$0x9] =	stream.linear.gather [hbm4b:s30+s0], $0x40, $0x38;
	[tilespmem:$0x1C200] =	vst v63  }
0x4f: {  	s18 =	rddreg [dreg:$0x9]  }
0x50: {  	[tilespmem:s19], [sflag:$0x9] =	stream.linear.gather [hbm4b:s18+s0], $0x40, $0x38;
	[tilespmem:$0x1C200] =	vst v63  }
0x51: {  	s20 =	rddreg [dreg:$0xa];
	s21 =	simm.s32 $0x13CC0  }
0x52: {  	[tilespmem:s21], [sflag:$0xA] =	stream.linear.gather [hbm4b:s20+s0], $0x40, $0x38;
	[tilespmem:$0x1C200] =	vst v63  }
0x53: {  	s29 =	rddreg [dreg:$0xb];
	s30 =	simm.s32 $0x13EC0  }
0x54: {  	[tilespmem:s30], [sflag:$0xA] =	stream.linear.gather [hbm4b:s29+s0], $0x40, $0x38;
	[tilespmem:$0x1C200] =	vst v63  }
0x55: {  	s18 =	rddreg [dreg:$0xc]  }
0x56: {  	[tilespmem:s22], [sflag:$0xA] =	stream.linear.gather [hbm4b:s18+s0], $0x40, $0x38;
	[tilespmem:$0x1C200] =	vst v63  }
0x57: {  	s20 =	rddreg [dreg:$0xd];
	s21 =	simm.s32 $0x13D00  }
0x58: {  	[tilespmem:s21], [sflag:$0xB] =	stream.linear.gather [hbm4b:s20+s0], $0x40, $0x38;
	[tilespmem:$0x1C200] =	vst v63  }
0x59: {  	s29 =	rddreg [dreg:$0xe];
	s30 =	simm.s32 $0x13F00  }
0x5a: {  	[tilespmem:s30], [sflag:$0xB] =	stream.linear.gather [hbm4b:s29+s0], $0x40, $0x38;
	[tilespmem:$0x1C200] =	vst v63  }
0x5b: {  	s18 =	rddreg [dreg:$0xf]  }
0x5c: {  	[tilespmem:s25], [sflag:$0xB] =	stream.linear.gather [hbm4b:s18+s0], $0x40, $0x38;
	[tilespmem:$0x1C200] =	vst v63  }
0x5d: {  	s20 =	rddreg [dreg:$0x13];
	s21 =	simm.s32 $0x13D40  }
0x5e: {  	[tilespmem:s21], [sflag:$0xC] =	stream.linear.gather [hbm4b:s20+s0], $0x40, $0x38;
	[tilespmem:$0x1C200] =	vst v63  }
0x5f: {  	s29 =	rddreg [dreg:$0x14];
	s30 =	simm.s32 $0x13F40  }
0x60: {  	[tilespmem:s30], [sflag:$0xC] =	stream.linear.gather [hbm4b:s29+s0], $0x40, $0x38;
	[tilespmem:$0x1C200] =	vst v63  }
0x61: {  	s20 =	rddreg [dreg:$0x15];
	s21 =	simm.s32 $0x7  }
0x62: {  	[tilespmem:s11], [sflag:$0xC] =	stream.linear.gather [hbm4b:s20+s0], $0x40, $0x38;
	[tilespmem:$0x1C200] =	vst v63  }
0x63: {  	_ =	swait.ge [sflag:s21], $0x40  }
0x64: {  	[sflag:s21] =	ssyncset.done $0x0  }
0x65: {  	[sflag:s21] =	ssyncadd.s32 $0xFFFFFFC0  }
0x66: {  	_ =	swait.ge [sflag:s21], $0x40  }
0x67: {  	[sflag:s21] =	ssyncset.done $0x0  }
0x68: {  	[sflag:s21] =	ssyncadd.s32 $0xFFFFFFC0  }
0x69: {  	_ =	swait.ge [sflag:s21], $0x40  }
0x6a: {  	[sflag:s21] =	ssyncset.done $0x0  }
0x6b: {  	[sflag:s21] =	ssyncadd.s32 $0xFFFFFFC0  }
0x6c: {  	s29 =	simm.s32 $0x14200;
	s30 =	simm.s32 $0x8;
	s0 =	rddreg [dreg:$0x0]  }
0x6d: {  	[tilespmem:s29], [sflag:$0x1] =	stream.indirect.gather [hbm4b:s0+s12], $0x40, s3, s12, $0xb8;
	[tilespmem:$0x1C200] =	vst v63  }
0x6e: {  	_ =	swait.ge [sflag:s30], $0x40  }
0x6f: {  	[sflag:s30] =	ssyncset.done $0x0  }
0x70: {  	[sflag:s30] =	ssyncadd.s32 $0xFFFFFFC0  }
0x71: {  	_ =	swait.ge [sflag:s30], $0x40  }
0x72: {  	[sflag:s30] =	ssyncset.done $0x0  }
0x73: {  	[sflag:s30] =	ssyncadd.s32 $0xFFFFFFC0  }
0x74: {  	_ =	swait.ge [sflag:s30], $0x40  }
0x75: {  	[sflag:s30] =	ssyncset.done $0x0  }
0x76: {  	s3 =	simm.s32 $0x15200;
	[sflag:s30] =	ssyncadd.s32 $0xFFFFFFC0  }
0x77: {  	[tilespmem:s3], [sflag:$0x2] =	stream.indirect.gather [hbm4b:s0+s12], $0x40, s4, s12, $0xb8;
	[tilespmem:$0x1C200] =	vst v63  }
0x78: {  	_ =	swait.ge [sflag:s17], $0x40  }
0x79: {  	[sflag:s17] =	ssyncset.done $0x0  }
0x7a: {  	[sflag:s17] =	ssyncadd.s32 $0xFFFFFFC0  }
0x7b: {  	_ =	swait.ge [sflag:s17], $0x40  }
0x7c: {  	[sflag:s17] =	ssyncset.done $0x0  }
0x7d: {  	[sflag:s17] =	ssyncadd.s32 $0xFFFFFFC0  }
0x7e: {  	s18 =	stileid.u32;
	_ =	swait.ge [sflag:s17], $0x40  }
0x7f: {  	s4 =	simm.s32 $0x16200;
	[sflag:s17] =	ssyncset.done $0x0;
	s20 =	rddreg [dreg:$0x16]  }
0x80: {  	s29 =	rddreg [dreg:$0x17];
	[sflag:s17] =	ssyncadd.s32 $0xFFFFFFC0;
	s21 =	sshrl.u32 s20, $0x3  }
0x81: {  	[tilespmem:s4], [sflag:$0x3] =	stream.indirect.gather [hbm4b:s0+s12], $0x40, s9, s12, $0xb8;
	[tilespmem:$0x1C200] =	vst v63  }
0x82: {  	s0 =	sshll.u32 s18, $0x6;
	[smem:$0x7FB] =	sst s21  }
0x83: {  	s30 =	simm.s32 $0xF;
	[smem:$0x7FA] =	sst s0;
	s0 =	sor.u32 $0x1C0F, s0  }
0x84: {  	[spmem:s21], [sflag:s0] =	dma.local [hbm:s29], $0x2780  }
0x85: {  	_ =	swait.ge [sflag:s30], $0x2780  }
0x86: {  	[sflag:s30] =	ssyncset.done $0x0  }
0x87: {  	[sflag:s30] =	ssyncadd.s32 $0xFFFFD880  }
0x88: {  	s0 =	simm.s32 $0x0;
	[bflag:$0x0] =	sbarrier.arrive $0xFFFF  }
.LBB2_2:
0x89: {  	s2 =	simm.s32 $0x0  }
0x8a: {  	s20 =	simm.s32 $0x1;
	v0 =	vmov s2  }
0x8b: {  	_ =	swait.ge [sflag:s20], $0x1000;
	v0 =	vand.u32 $0xFFFFFFFE, v0  }
0x8c: {  	p0 =	seq.s32 s0, $0x0;
	[sflag:s20] =	ssyncset.done $0x0;
	v0 =	vbroadcast v0, $0x0  }
0x8d: {  	s2 =	simm.s32 @!p0 $0x5;
	[sflag:s20] =	ssyncadd.s32 $0xFFFFF000  }
0x8e: {  	_ =	swait.ge @!p0 [sflag:s2], $0x2000  }
0x8f: {  	[sflag:s2] =	ssyncset.done @!p0 $0x0  }
0x90: {  	s3 =	simm.s32 $0x1;
	[sflag:s2] =	ssyncadd.s32 @!p0 $0xFFFFE000;
	s2 =	simm.s32 $0x14240  }
0x91: {  	v1 =	vmov s3;
	v3 =	vld [tilespmem:s2+$0xFFFFFFC0]  }
0x92: {  	v5 =	vld.idx.msk [tilespmem:v0+s14+$0x0], $0xffff;
	_ =	sdelay $0x2  }
0x93: {  	v0 =	vld [tilespmem:s2+$0x0]  }
0x94: {  	v2 =	vld.idx.msk [tilespmem:v1+s14+$0x0], $0xffff;
	v1 =	vunpack.i.l.bf16.f32 v3  }
0x95: {  	v3 =	vunpack.i.u.bf16.f32 v3;
	v1 =	vmul.f32 v1, v5  }
0x96: {  	s20 =	simm.s32 $0x18280;
	v3 =	vmul.f32 v3, v5  }
0x97: {  	s21 =	simm.s32 $0x2;
	[tilespmem:s20+$0xFFFFFF80] =	vst v1  }
0x98: {  	v4 =	vmov s21;
	v1 =	vunpack.i.l.bf16.f32 v0;
	[tilespmem:s20+$0xFFFFFF90] =	vst v3  }
0x99: {  	v0 =	vunpack.i.u.bf16.f32 v0;
	v3 =	vand.u32 $0xFFFFFFFE, v4;
	v1 =	vmul.f32 v1, v2;
	v4 =	vld [tilespmem:s2+$0xFFFFFFD0]  }
0x9a: {  	v0 =	vmul.f32 v0, v2;
	v3 =	vbroadcast v3, $0x0  }
0x9b: {  	[tilespmem:s20+$0x0] =	vst v1  }
0x9c: {  	s4 =	simm.s32 $0x3;
	[tilespmem:s20+$0x10] =	vst v0  }
0x9d: {  	v0 =	vmov s4;
	v6 =	vld [tilespmem:s2+$0x10]  }
0x9e: {  	s30 =	simm.s32 $0x142C0;
	v1 =	vunpack.i.l.bf16.f32 v4  }
0x9f: {  	v7 =	vld [tilespmem:s30+$0xFFFFFFC0];
	v4 =	vunpack.i.u.bf16.f32 v4;
	v8 =	vmul.f32 v1, v5  }
0xa0: {  	v1 =	vld.idx.msk [tilespmem:v3+s14+$0x0], $0xffff;
	v3 =	vmul.f32 v4, v5  }
0xa1: {  	v4 =	vld [tilespmem:s30+$0x0];
	[tilespmem:s20+$0xFFFFFFA0] =	vst v8  }
0xa2: {  	v0 =	vld.idx.msk [tilespmem:v0+s14+$0x0], $0xffff;
	v8 =	vunpack.i.l.bf16.f32 v6;
	[tilespmem:s20+$0xFFFFFFB0] =	vst v3  }
0xa3: {  	v3 =	vunpack.i.u.bf16.f32 v6;
	v6 =	vmul.f32 v8, v2;
	v8 =	vld [tilespmem:s2+$0xFFFFFFE0]  }
0xa4: {  	v9 =	vunpack.i.l.bf16.f32 v7;
	v3 =	vmul.f32 v3, v2  }
0xa5: {  	[tilespmem:s20+$0x20] =	vst v6;
	v6 =	vunpack.i.u.bf16.f32 v7;
	v7 =	vmul.f32 v9, v1  }
0xa6: {  	s9 =	simm.s32 $0x4;
	s21 =	simm.s32 $0x18380;
	[tilespmem:s20+$0x30] =	vst v3;
	v3 =	vmul.f32 v6, v1;
	v6 =	vunpack.i.l.bf16.f32 v4  }
0xa7: {  	v10 =	vmov s9;
	v4 =	vunpack.i.u.bf16.f32 v4;
	v9 =	vld [tilespmem:s2+$0x20];
	[tilespmem:s21+$0xFFFFFF80] =	vst v7;
	v6 =	vmul.f32 v6, v0  }
0xa8: {  	v4 =	vmul.f32 v4, v0;
	v7 =	vand.u32 $0xFFFFFFFE, v10;
	[tilespmem:s21+$0xFFFFFF90] =	vst v3;
	v3 =	vunpack.i.l.bf16.f32 v8  }
0xa9: {  	v7 =	vbroadcast v7, $0x0;
	v10 =	vld [tilespmem:s30+$0xFFFFFFD0];
	[tilespmem:s21+$0x0] =	vst v6;
	v6 =	vunpack.i.u.bf16.f32 v8;
	v3 =	vmul.f32 v3, v5  }
0xaa: {  	[tilespmem:s21+$0x10] =	vst v4;
	v4 =	vmul.f32 v6, v5  }
0xab: {  	s18 =	simm.s32 $0x5;
	v6 =	vld [tilespmem:s30+$0x10];
	[tilespmem:s20+$0xFFFFFFC0] =	vst v3  }
0xac: {  	v8 =	vmov s18;
	v3 =	vunpack.i.l.bf16.f32 v9;
	[tilespmem:s20+$0xFFFFFFD0] =	vst v4  }
0xad: {  	s18 =	simm.s32 $0x14340;
	v4 =	vunpack.i.u.bf16.f32 v9;
	v3 =	vmul.f32 v3, v2;
	v9 =	vld [tilespmem:s2+$0xFFFFFFF0]  }
0xae: {  	v11 =	vld [tilespmem:s18+$0xFFFFFFC0];
	v4 =	vmul.f32 v4, v2;
	v12 =	vunpack.i.l.bf16.f32 v10  }
0xaf: {  	[tilespmem:s20+$0x40] =	vst v3;
	v3 =	vld.idx.msk [tilespmem:v7+s14+$0x0], $0xffff;
	v7 =	vunpack.i.u.bf16.f32 v10;
	v10 =	vmul.f32 v12, v1  }
0xb0: {  	[tilespmem:s20+$0x50] =	vst v4;
	v12 =	vld [tilespmem:s18+$0x0];
	v7 =	vmul.f32 v7, v1;
	v13 =	vunpack.i.l.bf16.f32 v6  }
0xb1: {  	v4 =	vld.idx.msk [tilespmem:v8+s14+$0x0], $0xffff;
	v6 =	vunpack.i.u.bf16.f32 v6;
	v8 =	vmul.f32 v13, v0;
	[tilespmem:s21+$0xFFFFFFA0] =	vst v10  }
0xb2: {  	v6 =	vmul.f32 v6, v0;
	v10 =	vld [tilespmem:s2+$0x30];
	[tilespmem:s21+$0xFFFFFFB0] =	vst v7;
	v7 =	vunpack.i.u.bf16.f32 v9  }
0xb3: {  	v9 =	vunpack.i.l.bf16.f32 v9;
	v13 =	vld [tilespmem:s30+$0xFFFFFFE0];
	[tilespmem:s21+$0x20] =	vst v8;
	v7 =	vmul.f32 v7, v5  }
0xb4: {  	s4 =	simm.s32 $0x7;
	[tilespmem:s21+$0x30] =	vst v6;
	v6 =	vunpack.i.u.bf16.f32 v11;
	v8 =	vmul.f32 v9, v5;
	v9 =	vunpack.i.l.bf16.f32 v11  }
0xb5: {  	v5 =	vmov s4;
	v14 =	vld [tilespmem:s30+$0x20];
	v9 =	vmul.f32 v9, v3;
	v11 =	vunpack.i.u.bf16.f32 v12;
	[tilespmem:s20+$0xFFFFFFF0] =	vst v7  }
0xb6: {  	s29 =	simm.s32 $0x18480;
	s9 =	simm.s32 $0x6;
	v7 =	vmul.f32 v6, v3;
	v6 =	vunpack.i.l.bf16.f32 v12;
	v11 =	vmul.f32 v11, v4;
	[tilespmem:s20+$0xFFFFFFE0] =	vst v8  }
0xb7: {  	v8 =	vmov s9;
	[tilespmem:s29+$0xFFFFFF80] =	vst v9;
	v12 =	vmul.f32 v6, v4;
	v6 =	vunpack.i.u.bf16.f32 v10  }
0xb8: {  	v9 =	vand.u32 $0xFFFFFFFE, v8;
	v8 =	vunpack.i.l.bf16.f32 v10;
	[tilespmem:s29+$0xFFFFFF90] =	vst v7;
	v7 =	vunpack.i.l.bf16.f32 v13  }
0xb9: {  	v9 =	vbroadcast v9, $0x0;
	[tilespmem:s29+$0x0] =	vst v12;
	v12 =	vunpack.i.u.bf16.f32 v13;
	v10 =	vmul.f32 v7, v1;
	v7 =	vld [tilespmem:s18+$0xFFFFFFD0]  }
0xba: {  	s3 =	simm.s32 $0x8;
	s2 =	sshll.u32 s0, $0x3;
	s9 =	simm.s32 $0x14340;
	[tilespmem:s29+$0x10] =	vst v11;
	v13 =	vunpack.i.l.bf16.f32 v14;
	v11 =	vmul.f32 v12, v1;
	v12 =	vunpack.i.u.bf16.f32 v14  }
.LBB2_3:
0xbb: {  	p1 =	slt.u32 s3, $0x3E;
	v14 =	vld [tilespmem:s18+$0x10];
	[tilespmem:s21+$0xFFFFFFC0] =	vst v10;
	v10 =	vmul.f32 v13, v0;
	v12 =	vmul.f32 v12, v0  }
0xbc: {  	v8 =	vmul.f32 v8, v2;
	v6 =	vmul.f32 v6, v2;
	v2 =	vmov v0;
	v5 =	vld.idx.msk [tilespmem:v5+s14+$0x0], $0xffff;
	[tilespmem:s21+$0xFFFFFFD0] =	vst v11  }
0xbd: {  	s18 =	sadd.s32 $0x80, s18;
	v0 =	vmov v4;
	v11 =	vld [tilespmem:s30+$0xFFFFFFF0];
	[tilespmem:s21+$0x40] =	vst v10  }
0xbe: {  	v10 =	vld [tilespmem:s18+$0xFFFFFFC0];
	v4 =	vunpack.i.l.bf16.f32 v7;
	[tilespmem:s21+$0x50] =	vst v12  }
0xbf: {  	v7 =	vunpack.i.u.bf16.f32 v7;
	v9 =	vld.idx.msk [tilespmem:v9+s14+$0x0], $0xffff;
	v15 =	vmul.f32 v4, v3;
	[tilespmem:s20+$0x60] =	vst v8  }
0xc0: {  	v7 =	vmul.f32 v7, v3;
	v8 =	vld [tilespmem:s18+$0x0];
	v12 =	vunpack.i.u.bf16.f32 v14;
	v13 =	vunpack.i.l.bf16.f32 v14;
	[tilespmem:s20+$0x70] =	vst v6;
	s20 =	smov.u32 s21;
	s21 =	smov.u32 s29  }
0xc1: {  	[tilespmem:s29+$0xFFFFFFA0] =	vst v15;
	v6 =	vmul.f32 v13, v0;
	v12 =	vmul.f32 v12, v0;
	v13 =	vld [tilespmem:s30+$0x30];
	s30 =	smov.u32 s9;
	s9 =	smov.u32 s18  }
0xc2: {  	v4 =	vmov v5;
	[tilespmem:s29+$0xFFFFFFB0] =	vst v7;
	v7 =	vunpack.i.u.bf16.f32 v11;
	v11 =	vunpack.i.l.bf16.f32 v11  }
0xc3: {  	s4 =	sadd.s32 $0x1, s3;
	v14 =	vld [tilespmem:s30+$0xFFFFFFE0];
	[tilespmem:s29+$0x20] =	vst v6;
	v6 =	vmul.f32 v11, v1;
	v7 =	vmul.f32 v7, v1;
	v1 =	vmov v3  }
0xc4: {  	v5 =	vmov s4;
	v16 =	vunpack.i.l.bf16.f32 v10;
	[tilespmem:s29+$0x30] =	vst v12  }
0xc5: {  	v10 =	vunpack.i.u.bf16.f32 v10;
	v11 =	vmul.f32 v16, v9;
	v3 =	vmovc v9;
	v12 =	vunpack.i.u.bf16.f32 v8;
	v15 =	vld [tilespmem:s30+$0x20];
	[tilespmem:s20+$0xFFFFFFF0] =	vst v7  }
.Ltmp2:
0xc6: {  	s29 =	sadd.s32 $0x100, s29;
	v7 =	vmul.f32 v10, v3;
	v8 =	vunpack.i.l.bf16.f32 v8;
	v12 =	vmul.f32 v12, v4;
	[tilespmem:s20+$0xFFFFFFE0] =	vst v6;
	(pc) =	sbr.rel @p1 .LBB2_3-.Ltmp2, $4  }
0xc7: {  	v9 =	vmov s3;
	v10 =	vmul.f32 v8, v4;
	v6 =	vunpack.i.u.bf16.f32 v13;
	[tilespmem:s29+$0xFFFFFF80] =	vst v11  }
0xc8: {  	v9 =	vand.u32 $0xFFFFFFFE, v9;
	v8 =	vunpack.i.l.bf16.f32 v13;
	[tilespmem:s29+$0xFFFFFF90] =	vst v7;
	v11 =	vunpack.i.l.bf16.f32 v14  }
0xc9: {  	v9 =	vbroadcast v9, $0x0;
	v13 =	vunpack.i.u.bf16.f32 v14;
	v7 =	vld [tilespmem:s18+$0xFFFFFFD0];
	[tilespmem:s29+$0x0] =	vst v10;
	v10 =	vmul.f32 v11, v1  }
0xca: {  	s3 =	sadd.s32 $0x2, s3;
	v11 =	vmul.f32 v13, v1;
	[tilespmem:s29+$0x10] =	vst v12;
	v12 =	vunpack.i.u.bf16.f32 v15;
	v13 =	vunpack.i.l.bf16.f32 v15  }
0xcb: {  	_ =	sdelay $0x1  }
0xcc: {  	s3 =	sadd.s32 $0x80, s18  }
0xcd: {  	v14 =	vld [tilespmem:s3+$0xFFFFFFC0]  }
0xce: {  	v9 =	vld.idx.msk [tilespmem:v9+s14+$0x0], $0xffff  }
0xcf: {  	v15 =	vld [tilespmem:s3+$0x0]  }
0xd0: {  	v5 =	vld.idx.msk [tilespmem:v5+s14+$0x0], $0xffff  }
0xd1: {  	[tilespmem:s21+$0xFFFFFFC0] =	vst v10;
	v10 =	vmul.f32 v13, v0  }
0xd2: {  	v12 =	vmul.f32 v12, v0;
	[tilespmem:s21+$0xFFFFFFD0] =	vst v11;
	v11 =	vunpack.i.l.bf16.f32 v14  }
0xd3: {  	[tilespmem:s21+$0x40] =	vst v10;
	v10 =	vunpack.i.u.bf16.f32 v14;
	v11 =	vmul.f32 v11, v9  }
0xd4: {  	s4 =	sadd.s32 $0x100, s29;
	[tilespmem:s21+$0x50] =	vst v12;
	v12 =	vunpack.i.l.bf16.f32 v15;
	v10 =	vmul.f32 v10, v9  }
0xd5: {  	v13 =	vld [tilespmem:s18+$0x10];
	v14 =	vunpack.i.u.bf16.f32 v15;
	[tilespmem:s4+$0xFFFFFF80] =	vst v11;
	v11 =	vmul.f32 v12, v5  }
0xd6: {  	v12 =	vmul.f32 v14, v5;
	[tilespmem:s4+$0xFFFFFF90] =	vst v10  }
0xd7: {  	v8 =	vmul.f32 v8, v2;
	v10 =	vld [tilespmem:s3+$0xFFFFFFD0];
	[tilespmem:s4+$0x0] =	vst v11  }
0xd8: {  	v2 =	vmul.f32 v6, v2;
	v6 =	vunpack.i.l.bf16.f32 v7;
	[tilespmem:s4+$0x10] =	vst v12  }
0xd9: {  	[tilespmem:s20+$0x60] =	vst v8;
	v7 =	vunpack.i.u.bf16.f32 v7;
	v6 =	vmul.f32 v6, v3;
	v8 =	vld [tilespmem:s3+$0x10]  }
0xda: {  	[tilespmem:s20+$0x70] =	vst v2;
	v7 =	vmul.f32 v7, v3;
	v11 =	vunpack.i.l.bf16.f32 v13  }
0xdb: {  	v2 =	vld [tilespmem:s30+$0xFFFFFFF0];
	[tilespmem:s29+$0xFFFFFFA0] =	vst v6;
	v12 =	vunpack.i.u.bf16.f32 v13;
	v6 =	vmul.f32 v11, v4  }
0xdc: {  	[tilespmem:s29+$0xFFFFFFB0] =	vst v7;
	v11 =	vmul.f32 v12, v4;
	v7 =	vunpack.i.l.bf16.f32 v10  }
0xdd: {  	v12 =	vld [tilespmem:s9+$0xFFFFFFE0];
	[tilespmem:s29+$0x20] =	vst v6;
	v6 =	vunpack.i.u.bf16.f32 v10;
	v7 =	vmul.f32 v7, v9  }
0xde: {  	[tilespmem:s29+$0x30] =	vst v11;
	v6 =	vmul.f32 v6, v9;
	v10 =	vunpack.i.l.bf16.f32 v8  }
0xdf: {  	v11 =	vld [tilespmem:s9+$0x20];
	v8 =	vunpack.i.u.bf16.f32 v8;
	[tilespmem:s4+$0xFFFFFFA0] =	vst v7;
	v7 =	vmul.f32 v10, v5  }
0xe0: {  	v10 =	vunpack.i.u.bf16.f32 v2;
	v8 =	vmul.f32 v8, v5;
	[tilespmem:s4+$0xFFFFFFB0] =	vst v6  }
0xe1: {  	v2 =	vunpack.i.l.bf16.f32 v2;
	v6 =	vmul.f32 v10, v1;
	v10 =	vld [tilespmem:s3+$0xFFFFFFE0];
	[tilespmem:s4+$0x20] =	vst v7  }
0xe2: {  	v1 =	vmul.f32 v2, v1;
	v2 =	vunpack.i.l.bf16.f32 v12;
	[tilespmem:s4+$0x30] =	vst v8  }
0xe3: {  	v2 =	vmul.f32 v2, v3;
	[tilespmem:s21+$0xFFFFFFF0] =	vst v6;
	v6 =	vunpack.i.u.bf16.f32 v12;
	v7 =	vld [tilespmem:s3+$0x20]  }
0xe4: {  	[tilespmem:s21+$0xFFFFFFE0] =	vst v1;
	v1 =	vmul.f32 v6, v3;
	v6 =	vunpack.i.l.bf16.f32 v11  }
0xe5: {  	v8 =	vld [tilespmem:s30+$0x30];
	v11 =	vunpack.i.u.bf16.f32 v11;
	[tilespmem:s29+$0xFFFFFFC0] =	vst v2;
	v2 =	vmul.f32 v6, v4  }
0xe6: {  	v6 =	vmul.f32 v11, v4;
	[tilespmem:s29+$0xFFFFFFD0] =	vst v1;
	v1 =	vunpack.i.l.bf16.f32 v10  }
0xe7: {  	v11 =	vld [tilespmem:s9+$0xFFFFFFF0];
	[tilespmem:s29+$0x40] =	vst v2;
	v2 =	vunpack.i.u.bf16.f32 v10;
	v1 =	vmul.f32 v1, v9  }
0xe8: {  	[tilespmem:s29+$0x50] =	vst v6;
	v2 =	vmul.f32 v2, v9;
	v6 =	vunpack.i.l.bf16.f32 v7  }
0xe9: {  	v10 =	vld [tilespmem:s9+$0x30];
	v7 =	vunpack.i.u.bf16.f32 v7;
	[tilespmem:s4+$0xFFFFFFC0] =	vst v1;
	v1 =	vmul.f32 v6, v5  }
0xea: {  	v6 =	vunpack.i.l.bf16.f32 v8;
	v7 =	vmul.f32 v7, v5;
	[tilespmem:s4+$0xFFFFFFD0] =	vst v2  }
0xeb: {  	v2 =	vunpack.i.u.bf16.f32 v8;
	v6 =	vmul.f32 v6, v0;
	v8 =	vld [tilespmem:s3+$0xFFFFFFF0];
	[tilespmem:s4+$0x40] =	vst v1  }
0xec: {  	v0 =	vmul.f32 v2, v0;
	[tilespmem:s4+$0x50] =	vst v7;
	v1 =	vunpack.i.u.bf16.f32 v11  }
0xed: {  	[tilespmem:s21+$0x60] =	vst v6;
	v2 =	vunpack.i.l.bf16.f32 v11;
	v6 =	vld [tilespmem:s3+$0x30];
	v1 =	vmul.f32 v1, v3  }
0xee: {  	[tilespmem:s21+$0x70] =	vst v0;
	v0 =	vmul.f32 v2, v3;
	v2 =	vunpack.i.l.bf16.f32 v10  }
0xef: {  	v2 =	vmul.f32 v2, v4;
	[tilespmem:s29+$0xFFFFFFF0] =	vst v1;
	v1 =	vunpack.i.u.bf16.f32 v10  }
0xf0: {  	[tilespmem:s29+$0xFFFFFFE0] =	vst v0;
	v0 =	vmul.f32 v1, v4;
	v1 =	vunpack.i.u.bf16.f32 v8  }
0xf1: {  	[tilespmem:s29+$0x60] =	vst v2;
	v2 =	vunpack.i.l.bf16.f32 v8;
	v1 =	vmul.f32 v1, v9  }
0xf2: {  	[tilespmem:s29+$0x70] =	vst v0;
	v0 =	vmul.f32 v2, v9;
	v2 =	vunpack.i.l.bf16.f32 v6  }
0xf3: {  	[tilespmem:s4+$0xFFFFFFF0] =	vst v1;
	v1 =	vunpack.i.u.bf16.f32 v6;
	v2 =	vmul.f32 v2, v5  }
0xf4: {  	[tilespmem:s4+$0xFFFFFFE0] =	vst v0;
	v0 =	vmul.f32 v1, v5  }
0xf5: {  	[tilespmem:s4+$0x60] =	vst v2  }
0xf6: {  	s9 =	simm.s32 $0x18200;
	[tilespmem:s4+$0x70] =	vst v0;
	s4 =	simm.s32 $0x13E00  }
0xf7: {  	[spmem:s1] =	stream.indirect.scatter.add.f32 [tilespmem:s9], [sflag:$0x5], $0x80, s4, s12, $0xb8;
	[tilespmem:$0x1C200] =	vst v63  }
0xf8: {  	_ =	swait.ge [sflag:s23], $0x40  }
0xf9: {  	[sflag:s23] =	ssyncset.done $0x0  }
0xfa: {  	[sflag:s23] =	ssyncadd.s32 $0xFFFFFFC0  }
0xfb: {  	_ =	swait.ge [sflag:s23], $0x40  }
0xfc: {  	[sflag:s23] =	ssyncset.done $0x0  }
0xfd: {  	[sflag:s23] =	ssyncadd.s32 $0xFFFFFFC0  }
0xfe: {  	_ =	swait.ge [sflag:s23], $0x40  }
0xff: {  	[sflag:s23] =	ssyncset.done $0x0  }
0x100: {  	[sflag:s23] =	ssyncadd.s32 $0xFFFFFFC0  }
0x101: {  	s20 =	simm.s32 $0x13CC0;
	s21 =	simm.s32 $0x17200;
	s18 =	rddreg [dreg:$0x0]  }
0x102: {  	[tilespmem:s21], [sflag:$0x4] =	stream.indirect.gather [hbm4b:s18+s12], $0x40, s20, s12, $0xb8;
	[tilespmem:$0x1C200] =	vst v63  }
0x103: {  	s18 =	rddreg [dreg:$0x18]  }
0x104: {  	s3 =	sadd.s32 s2, s18  }
0x105: {  	s3 =	sshll.u32 s3, $0x3  }
0x106: {  	s3 =	sand.u32 $0x1FFFFFF0, s3  }
0x107: {  	s9 =	simm.s32 $0x0;
	s21 =	simm.s32 $0x13D80;
	s20 =	sadd.s32 s5, s3  }
0x108: {  	[tilespmem:s21], [sflag:$0xD] =	stream.linear.gather [hbm4b:s20+s9], $0x40, $0x38;
	[tilespmem:$0x1C200] =	vst v63  }
0x109: {  	s18 =	sadd.s32 s6, s3;
	s20 =	simm.s32 $0x13F80  }
0x10a: {  	[tilespmem:s20], [sflag:$0xD] =	stream.linear.gather [hbm4b:s18+s9], $0x40, $0x38;
	[tilespmem:$0x1C200] =	vst v63  }
0x10b: {  	s4 =	simm.s32 $0x2;
	s3 =	sadd.s32 s7, s3;
	s21 =	simm.s32 $0x0  }
0x10c: {  	v0 =	vmov s21;
	[tilespmem:s10], [sflag:$0xD] =	stream.linear.gather [hbm4b:s3+s9], $0x40, $0x38;
	[tilespmem:$0x1C200] =	vst v63  }
0x10d: {  	v0 =	vand.u32 $0xFFFFFFFE, v0;
	_ =	swait.ge [sflag:s4], $0x1000  }
0x10e: {  	v0 =	vbroadcast v0, $0x0;
	[sflag:s4] =	ssyncset.done $0x0  }
0x10f: {  	s3 =	simm.s32 @!p0 $0x6;
	[sflag:s4] =	ssyncadd.s32 $0xFFFFF000  }
0x110: {  	_ =	swait.ge @!p0 [sflag:s3], $0x2000  }
0x111: {  	[sflag:s3] =	ssyncset.done @!p0 $0x0  }
0x112: {  	s9 =	simm.s32 $0x1;
	[sflag:s3] =	ssyncadd.s32 @!p0 $0xFFFFE000;
	s3 =	simm.s32 $0x15240  }
0x113: {  	v1 =	vmov s9;
	v3 =	vld [tilespmem:s3+$0xFFFFFFC0]  }
0x114: {  	v5 =	vld.idx.msk [tilespmem:v0+s16+$0x0], $0xffff;
	_ =	sdelay $0x2  }
0x115: {  	v0 =	vld [tilespmem:s3+$0x0]  }
0x116: {  	v2 =	vld.idx.msk [tilespmem:v1+s16+$0x0], $0xffff;
	v1 =	vunpack.i.l.bf16.f32 v3  }
0x117: {  	v3 =	vunpack.i.u.bf16.f32 v3;
	v1 =	vmul.f32 v1, v5  }
0x118: {  	s20 =	simm.s32 $0x1A280;
	v3 =	vmul.f32 v3, v5  }
0x119: {  	s18 =	simm.s32 $0x2;
	[tilespmem:s20+$0xFFFFFF80] =	vst v1  }
0x11a: {  	v4 =	vmov s18;
	v1 =	vunpack.i.l.bf16.f32 v0;
	[tilespmem:s20+$0xFFFFFF90] =	vst v3  }
0x11b: {  	v0 =	vunpack.i.u.bf16.f32 v0;
	v3 =	vand.u32 $0xFFFFFFFE, v4;
	v1 =	vmul.f32 v1, v2;
	v4 =	vld [tilespmem:s3+$0xFFFFFFD0]  }
0x11c: {  	v0 =	vmul.f32 v0, v2;
	v3 =	vbroadcast v3, $0x0  }
0x11d: {  	[tilespmem:s20+$0x0] =	vst v1  }
0x11e: {  	s21 =	simm.s32 $0x3;
	[tilespmem:s20+$0x10] =	vst v0  }
0x11f: {  	v0 =	vmov s21;
	v6 =	vld [tilespmem:s3+$0x10]  }
0x120: {  	s30 =	simm.s32 $0x152C0;
	v1 =	vunpack.i.l.bf16.f32 v4  }
0x121: {  	v7 =	vld [tilespmem:s30+$0xFFFFFFC0];
	v4 =	vunpack.i.u.bf16.f32 v4;
	v8 =	vmul.f32 v1, v5  }
0x122: {  	v1 =	vld.idx.msk [tilespmem:v3+s16+$0x0], $0xffff;
	v3 =	vmul.f32 v4, v5  }
0x123: {  	v4 =	vld [tilespmem:s30+$0x0];
	[tilespmem:s20+$0xFFFFFFA0] =	vst v8  }
0x124: {  	v0 =	vld.idx.msk [tilespmem:v0+s16+$0x0], $0xffff;
	v8 =	vunpack.i.l.bf16.f32 v6;
	[tilespmem:s20+$0xFFFFFFB0] =	vst v3  }
0x125: {  	v3 =	vunpack.i.u.bf16.f32 v6;
	v6 =	vmul.f32 v8, v2;
	v8 =	vld [tilespmem:s3+$0xFFFFFFE0]  }
0x126: {  	v9 =	vunpack.i.l.bf16.f32 v7;
	v3 =	vmul.f32 v3, v2  }
0x127: {  	[tilespmem:s20+$0x20] =	vst v6;
	v6 =	vunpack.i.u.bf16.f32 v7;
	v7 =	vmul.f32 v9, v1  }
0x128: {  	s9 =	simm.s32 $0x4;
	s21 =	simm.s32 $0x1A380;
	[tilespmem:s20+$0x30] =	vst v3;
	v3 =	vmul.f32 v6, v1;
	v6 =	vunpack.i.l.bf16.f32 v4  }
0x129: {  	v10 =	vmov s9;
	v4 =	vunpack.i.u.bf16.f32 v4;
	v9 =	vld [tilespmem:s3+$0x20];
	[tilespmem:s21+$0xFFFFFF80] =	vst v7;
	v6 =	vmul.f32 v6, v0  }
0x12a: {  	v4 =	vmul.f32 v4, v0;
	v7 =	vand.u32 $0xFFFFFFFE, v10;
	[tilespmem:s21+$0xFFFFFF90] =	vst v3;
	v3 =	vunpack.i.l.bf16.f32 v8  }
0x12b: {  	v7 =	vbroadcast v7, $0x0;
	v10 =	vld [tilespmem:s30+$0xFFFFFFD0];
	[tilespmem:s21+$0x0] =	vst v6;
	v6 =	vunpack.i.u.bf16.f32 v8;
	v3 =	vmul.f32 v3, v5  }
0x12c: {  	[tilespmem:s21+$0x10] =	vst v4;
	v4 =	vmul.f32 v6, v5  }
0x12d: {  	s18 =	simm.s32 $0x5;
	v6 =	vld [tilespmem:s30+$0x10];
	[tilespmem:s20+$0xFFFFFFC0] =	vst v3  }
0x12e: {  	v8 =	vmov s18;
	v3 =	vunpack.i.l.bf16.f32 v9;
	[tilespmem:s20+$0xFFFFFFD0] =	vst v4  }
0x12f: {  	s18 =	simm.s32 $0x15340;
	v4 =	vunpack.i.u.bf16.f32 v9;
	v3 =	vmul.f32 v3, v2;
	v9 =	vld [tilespmem:s3+$0xFFFFFFF0]  }
0x130: {  	v11 =	vld [tilespmem:s18+$0xFFFFFFC0];
	v4 =	vmul.f32 v4, v2;
	v12 =	vunpack.i.l.bf16.f32 v10  }
0x131: {  	[tilespmem:s20+$0x40] =	vst v3;
	v3 =	vld.idx.msk [tilespmem:v7+s16+$0x0], $0xffff;
	v7 =	vunpack.i.u.bf16.f32 v10;
	v10 =	vmul.f32 v12, v1  }
0x132: {  	[tilespmem:s20+$0x50] =	vst v4;
	v12 =	vld [tilespmem:s18+$0x0];
	v7 =	vmul.f32 v7, v1;
	v13 =	vunpack.i.l.bf16.f32 v6  }
0x133: {  	v4 =	vld.idx.msk [tilespmem:v8+s16+$0x0], $0xffff;
	v6 =	vunpack.i.u.bf16.f32 v6;
	v8 =	vmul.f32 v13, v0;
	[tilespmem:s21+$0xFFFFFFA0] =	vst v10  }
0x134: {  	v6 =	vmul.f32 v6, v0;
	v10 =	vld [tilespmem:s3+$0x30];
	[tilespmem:s21+$0xFFFFFFB0] =	vst v7;
	v7 =	vunpack.i.u.bf16.f32 v9  }
0x135: {  	v9 =	vunpack.i.l.bf16.f32 v9;
	v13 =	vld [tilespmem:s30+$0xFFFFFFE0];
	[tilespmem:s21+$0x20] =	vst v8;
	v7 =	vmul.f32 v7, v5  }
0x136: {  	s4 =	simm.s32 $0x7;
	[tilespmem:s21+$0x30] =	vst v6;
	v6 =	vunpack.i.u.bf16.f32 v11;
	v8 =	vmul.f32 v9, v5;
	v9 =	vunpack.i.l.bf16.f32 v11  }
0x137: {  	v5 =	vmov s4;
	v14 =	vld [tilespmem:s30+$0x20];
	v9 =	vmul.f32 v9, v3;
	v11 =	vunpack.i.u.bf16.f32 v12;
	[tilespmem:s20+$0xFFFFFFF0] =	vst v7  }
0x138: {  	s29 =	simm.s32 $0x1A480;
	s9 =	simm.s32 $0x6;
	v7 =	vmul.f32 v6, v3;
	v6 =	vunpack.i.l.bf16.f32 v12;
	v11 =	vmul.f32 v11, v4;
	[tilespmem:s20+$0xFFFFFFE0] =	vst v8  }
0x139: {  	v8 =	vmov s9;
	[tilespmem:s29+$0xFFFFFF80] =	vst v9;
	v12 =	vmul.f32 v6, v4;
	v6 =	vunpack.i.u.bf16.f32 v10  }
0x13a: {  	v9 =	vand.u32 $0xFFFFFFFE, v8;
	v8 =	vunpack.i.l.bf16.f32 v10;
	[tilespmem:s29+$0xFFFFFF90] =	vst v7;
	v7 =	vunpack.i.l.bf16.f32 v13  }
0x13b: {  	v9 =	vbroadcast v9, $0x0;
	[tilespmem:s29+$0x0] =	vst v12;
	v12 =	vunpack.i.u.bf16.f32 v13;
	v10 =	vmul.f32 v7, v1;
	v7 =	vld [tilespmem:s18+$0xFFFFFFD0]  }
0x13c: {  	s3 =	simm.s32 $0x8;
	s9 =	simm.s32 $0x15340;
	[tilespmem:s29+$0x10] =	vst v11;
	v13 =	vunpack.i.l.bf16.f32 v14;
	v11 =	vmul.f32 v12, v1;
	v12 =	vunpack.i.u.bf16.f32 v14  }
.LBB2_5:
0x13d: {  	p0 =	slt.u32 s3, $0x3E;
	v14 =	vld [tilespmem:s18+$0x10];
	[tilespmem:s21+$0xFFFFFFC0] =	vst v10;
	v10 =	vmul.f32 v13, v0;
	v12 =	vmul.f32 v12, v0  }
0x13e: {  	v8 =	vmul.f32 v8, v2;
	v6 =	vmul.f32 v6, v2;
	v2 =	vmov v0;
	v5 =	vld.idx.msk [tilespmem:v5+s16+$0x0], $0xffff;
	[tilespmem:s21+$0xFFFFFFD0] =	vst v11  }
0x13f: {  	s18 =	sadd.s32 $0x80, s18;
	v0 =	vmov v4;
	v11 =	vld [tilespmem:s30+$0xFFFFFFF0];
	[tilespmem:s21+$0x40] =	vst v10  }
0x140: {  	v10 =	vld [tilespmem:s18+$0xFFFFFFC0];
	v4 =	vunpack.i.l.bf16.f32 v7;
	[tilespmem:s21+$0x50] =	vst v12  }
0x141: {  	v7 =	vunpack.i.u.bf16.f32 v7;
	v9 =	vld.idx.msk [tilespmem:v9+s16+$0x0], $0xffff;
	v15 =	vmul.f32 v4, v3;
	[tilespmem:s20+$0x60] =	vst v8  }
0x142: {  	v7 =	vmul.f32 v7, v3;
	v8 =	vld [tilespmem:s18+$0x0];
	v12 =	vunpack.i.u.bf16.f32 v14;
	v13 =	vunpack.i.l.bf16.f32 v14;
	[tilespmem:s20+$0x70] =	vst v6;
	s20 =	smov.u32 s21;
	s21 =	smov.u32 s29  }
0x143: {  	[tilespmem:s29+$0xFFFFFFA0] =	vst v15;
	v6 =	vmul.f32 v13, v0;
	v12 =	vmul.f32 v12, v0;
	v13 =	vld [tilespmem:s30+$0x30];
	s30 =	smov.u32 s9;
	s9 =	smov.u32 s18  }
0x144: {  	v4 =	vmov v5;
	[tilespmem:s29+$0xFFFFFFB0] =	vst v7;
	v7 =	vunpack.i.u.bf16.f32 v11;
	v11 =	vunpack.i.l.bf16.f32 v11  }
0x145: {  	s4 =	sadd.s32 $0x1, s3;
	v14 =	vld [tilespmem:s30+$0xFFFFFFE0];
	[tilespmem:s29+$0x20] =	vst v6;
	v6 =	vmul.f32 v11, v1;
	v7 =	vmul.f32 v7, v1;
	v1 =	vmov v3  }
0x146: {  	v5 =	vmov s4;
	v16 =	vunpack.i.l.bf16.f32 v10;
	[tilespmem:s29+$0x30] =	vst v12  }
0x147: {  	v10 =	vunpack.i.u.bf16.f32 v10;
	v11 =	vmul.f32 v16, v9;
	v3 =	vmovc v9;
	v12 =	vunpack.i.u.bf16.f32 v8;
	v15 =	vld [tilespmem:s30+$0x20];
	[tilespmem:s20+$0xFFFFFFF0] =	vst v7  }
.Ltmp3:
0x148: {  	s29 =	sadd.s32 $0x100, s29;
	v7 =	vmul.f32 v10, v3;
	v8 =	vunpack.i.l.bf16.f32 v8;
	v12 =	vmul.f32 v12, v4;
	[tilespmem:s20+$0xFFFFFFE0] =	vst v6;
	(pc) =	sbr.rel @p0 .LBB2_5-.Ltmp3, $4  }
0x149: {  	v9 =	vmov s3;
	v10 =	vmul.f32 v8, v4;
	v6 =	vunpack.i.u.bf16.f32 v13;
	[tilespmem:s29+$0xFFFFFF80] =	vst v11  }
0x14a: {  	v9 =	vand.u32 $0xFFFFFFFE, v9;
	v8 =	vunpack.i.l.bf16.f32 v13;
	[tilespmem:s29+$0xFFFFFF90] =	vst v7;
	v11 =	vunpack.i.l.bf16.f32 v14  }
0x14b: {  	v9 =	vbroadcast v9, $0x0;
	v13 =	vunpack.i.u.bf16.f32 v14;
	v7 =	vld [tilespmem:s18+$0xFFFFFFD0];
	[tilespmem:s29+$0x0] =	vst v10;
	v10 =	vmul.f32 v11, v1  }
0x14c: {  	s3 =	sadd.s32 $0x2, s3;
	v11 =	vmul.f32 v13, v1;
	[tilespmem:s29+$0x10] =	vst v12;
	v12 =	vunpack.i.u.bf16.f32 v15;
	v13 =	vunpack.i.l.bf16.f32 v15  }
0x14d: {  	_ =	sdelay $0x1  }
0x14e: {  	s3 =	sadd.s32 $0x80, s18  }
0x14f: {  	v14 =	vld [tilespmem:s3+$0xFFFFFFC0]  }
0x150: {  	v9 =	vld.idx.msk [tilespmem:v9+s16+$0x0], $0xffff  }
0x151: {  	v15 =	vld [tilespmem:s3+$0x0]  }
0x152: {  	v5 =	vld.idx.msk [tilespmem:v5+s16+$0x0], $0xffff  }
0x153: {  	[tilespmem:s21+$0xFFFFFFC0] =	vst v10;
	v10 =	vmul.f32 v13, v0  }
0x154: {  	v12 =	vmul.f32 v12, v0;
	[tilespmem:s21+$0xFFFFFFD0] =	vst v11;
	v11 =	vunpack.i.l.bf16.f32 v14  }
0x155: {  	[tilespmem:s21+$0x40] =	vst v10;
	v10 =	vunpack.i.u.bf16.f32 v14;
	v11 =	vmul.f32 v11, v9  }
0x156: {  	s4 =	sadd.s32 $0x100, s29;
	[tilespmem:s21+$0x50] =	vst v12;
	v12 =	vunpack.i.l.bf16.f32 v15;
	v10 =	vmul.f32 v10, v9  }
0x157: {  	v13 =	vld [tilespmem:s18+$0x10];
	v14 =	vunpack.i.u.bf16.f32 v15;
	[tilespmem:s4+$0xFFFFFF80] =	vst v11;
	v11 =	vmul.f32 v12, v5  }
0x158: {  	v12 =	vmul.f32 v14, v5;
	[tilespmem:s4+$0xFFFFFF90] =	vst v10  }
0x159: {  	v8 =	vmul.f32 v8, v2;
	v10 =	vld [tilespmem:s3+$0xFFFFFFD0];
	[tilespmem:s4+$0x0] =	vst v11  }
0x15a: {  	v2 =	vmul.f32 v6, v2;
	v6 =	vunpack.i.l.bf16.f32 v7;
	[tilespmem:s4+$0x10] =	vst v12  }
0x15b: {  	[tilespmem:s20+$0x60] =	vst v8;
	v7 =	vunpack.i.u.bf16.f32 v7;
	v6 =	vmul.f32 v6, v3;
	v8 =	vld [tilespmem:s3+$0x10]  }
0x15c: {  	[tilespmem:s20+$0x70] =	vst v2;
	v7 =	vmul.f32 v7, v3;
	v11 =	vunpack.i.l.bf16.f32 v13  }
0x15d: {  	v2 =	vld [tilespmem:s30+$0xFFFFFFF0];
	[tilespmem:s29+$0xFFFFFFA0] =	vst v6;
	v12 =	vunpack.i.u.bf16.f32 v13;
	v6 =	vmul.f32 v11, v4  }
0x15e: {  	[tilespmem:s29+$0xFFFFFFB0] =	vst v7;
	v11 =	vmul.f32 v12, v4;
	v7 =	vunpack.i.l.bf16.f32 v10  }
0x15f: {  	v12 =	vld [tilespmem:s9+$0xFFFFFFE0];
	[tilespmem:s29+$0x20] =	vst v6;
	v6 =	vunpack.i.u.bf16.f32 v10;
	v7 =	vmul.f32 v7, v9  }
0x160: {  	[tilespmem:s29+$0x30] =	vst v11;
	v6 =	vmul.f32 v6, v9;
	v10 =	vunpack.i.l.bf16.f32 v8  }
0x161: {  	v11 =	vld [tilespmem:s9+$0x20];
	v8 =	vunpack.i.u.bf16.f32 v8;
	[tilespmem:s4+$0xFFFFFFA0] =	vst v7;
	v7 =	vmul.f32 v10, v5  }
0x162: {  	v10 =	vunpack.i.u.bf16.f32 v2;
	v8 =	vmul.f32 v8, v5;
	[tilespmem:s4+$0xFFFFFFB0] =	vst v6  }
0x163: {  	v2 =	vunpack.i.l.bf16.f32 v2;
	v6 =	vmul.f32 v10, v1;
	v10 =	vld [tilespmem:s3+$0xFFFFFFE0];
	[tilespmem:s4+$0x20] =	vst v7  }
0x164: {  	v1 =	vmul.f32 v2, v1;
	v2 =	vunpack.i.l.bf16.f32 v12;
	[tilespmem:s4+$0x30] =	vst v8  }
0x165: {  	v2 =	vmul.f32 v2, v3;
	[tilespmem:s21+$0xFFFFFFF0] =	vst v6;
	v6 =	vunpack.i.u.bf16.f32 v12;
	v7 =	vld [tilespmem:s3+$0x20]  }
0x166: {  	[tilespmem:s21+$0xFFFFFFE0] =	vst v1;
	v1 =	vmul.f32 v6, v3;
	v6 =	vunpack.i.l.bf16.f32 v11  }
0x167: {  	v8 =	vld [tilespmem:s30+$0x30];
	v11 =	vunpack.i.u.bf16.f32 v11;
	[tilespmem:s29+$0xFFFFFFC0] =	vst v2;
	v2 =	vmul.f32 v6, v4  }
0x168: {  	v6 =	vmul.f32 v11, v4;
	[tilespmem:s29+$0xFFFFFFD0] =	vst v1;
	v1 =	vunpack.i.l.bf16.f32 v10  }
0x169: {  	v11 =	vld [tilespmem:s9+$0xFFFFFFF0];
	[tilespmem:s29+$0x40] =	vst v2;
	v2 =	vunpack.i.u.bf16.f32 v10;
	v1 =	vmul.f32 v1, v9  }
0x16a: {  	[tilespmem:s29+$0x50] =	vst v6;
	v2 =	vmul.f32 v2, v9;
	v6 =	vunpack.i.l.bf16.f32 v7  }
0x16b: {  	v10 =	vld [tilespmem:s9+$0x30];
	v7 =	vunpack.i.u.bf16.f32 v7;
	[tilespmem:s4+$0xFFFFFFC0] =	vst v1;
	v1 =	vmul.f32 v6, v5  }
0x16c: {  	v6 =	vunpack.i.l.bf16.f32 v8;
	v7 =	vmul.f32 v7, v5;
	[tilespmem:s4+$0xFFFFFFD0] =	vst v2  }
0x16d: {  	v2 =	vunpack.i.u.bf16.f32 v8;
	v6 =	vmul.f32 v6, v0;
	v8 =	vld [tilespmem:s3+$0xFFFFFFF0];
	[tilespmem:s4+$0x40] =	vst v1  }
0x16e: {  	v0 =	vmul.f32 v2, v0;
	[tilespmem:s4+$0x50] =	vst v7;
	v1 =	vunpack.i.u.bf16.f32 v11  }
0x16f: {  	[tilespmem:s21+$0x60] =	vst v6;
	v2 =	vunpack.i.l.bf16.f32 v11;
	v6 =	vld [tilespmem:s3+$0x30];
	v1 =	vmul.f32 v1, v3  }
0x170: {  	[tilespmem:s21+$0x70] =	vst v0;
	v0 =	vmul.f32 v2, v3;
	v2 =	vunpack.i.l.bf16.f32 v10  }
0x171: {  	v2 =	vmul.f32 v2, v4;
	[tilespmem:s29+$0xFFFFFFF0] =	vst v1;
	v1 =	vunpack.i.u.bf16.f32 v10  }
0x172: {  	[tilespmem:s29+$0xFFFFFFE0] =	vst v0;
	v0 =	vmul.f32 v1, v4;
	v1 =	vunpack.i.u.bf16.f32 v8  }
0x173: {  	[tilespmem:s29+$0x60] =	vst v2;
	v2 =	vunpack.i.l.bf16.f32 v8;
	v1 =	vmul.f32 v1, v9  }
0x174: {  	[tilespmem:s29+$0x70] =	vst v0;
	v0 =	vmul.f32 v2, v9;
	v2 =	vunpack.i.l.bf16.f32 v6  }
0x175: {  	[tilespmem:s4+$0xFFFFFFF0] =	vst v1;
	v1 =	vunpack.i.u.bf16.f32 v6;
	v2 =	vmul.f32 v2, v5  }
0x176: {  	[tilespmem:s4+$0xFFFFFFE0] =	vst v0;
	v0 =	vmul.f32 v1, v5  }
0x177: {  	[tilespmem:s4+$0x60] =	vst v2  }
0x178: {  	s9 =	simm.s32 $0x1A200;
	[tilespmem:s4+$0x70] =	vst v0;
	s4 =	simm.s32 $0x13E40  }
0x179: {  	[spmem:s1] =	stream.indirect.scatter.add.f32 [tilespmem:s9], [sflag:$0x6], $0x80, s4, s12, $0xb8;
	[tilespmem:$0x1C200] =	vst v63  }
0x17a: {  	_ =	swait.ge [sflag:s31], $0x40  }
0x17b: {  	[sflag:s31] =	ssyncset.done $0x0  }
0x17c: {  	[sflag:s31] =	ssyncadd.s32 $0xFFFFFFC0  }
0x17d: {  	_ =	swait.ge [sflag:s31], $0x40  }
0x17e: {  	[sflag:s31] =	ssyncset.done $0x0  }
0x17f: {  	[sflag:s31] =	ssyncadd.s32 $0xFFFFFFC0  }
0x180: {  	_ =	swait.ge [sflag:s31], $0x40  }
0x181: {  	[sflag:s31] =	ssyncset.done $0x0  }
0x182: {  	[sflag:s31] =	ssyncadd.s32 $0xFFFFFFC0  }
0x183: {  	s20 =	simm.s32 $0x13D00;
	s21 =	simm.s32 $0x14200;
	s18 =	rddreg [dreg:$0x0]  }
0x184: {  	[tilespmem:s21], [sflag:$0x1] =	stream.indirect.gather [hbm4b:s18+s12], $0x40, s20, s12, $0xb8;
	[tilespmem:$0x1C200] =	vst v63  }
0x185: {  	s18 =	rddreg [dreg:$0x19]  }
0x186: {  	s3 =	sadd.s32 s2, s18  }
0x187: {  	s3 =	sshll.u32 s3, $0x3  }
0x188: {  	s3 =	sand.u32 $0x1FFFFFF8, s3  }
0x189: {  	s9 =	simm.s32 $0x0;
	s21 =	simm.s32 $0x13DC0;
	s20 =	sadd.s32 s5, s3  }
0x18a: {  	[tilespmem:s21], [sflag:$0xE] =	stream.linear.gather [hbm4b:s20+s9], $0x40, $0x38;
	[tilespmem:$0x1C200] =	vst v63  }
0x18b: {  	s20 =	sadd.s32 s6, s3;
	s21 =	simm.s32 $0x13FC0  }
0x18c: {  	[tilespmem:s21], [sflag:$0xE] =	stream.linear.gather [hbm4b:s20+s9], $0x40, $0x38;
	[tilespmem:$0x1C200] =	vst v63  }
0x18d: {  	s4 =	simm.s32 $0x3;
	s3 =	sadd.s32 s7, s3  }
0x18e: {  	v0 =	vmov s9;
	[tilespmem:s8], [sflag:$0xE] =	stream.linear.gather [hbm4b:s3+s9], $0x40, $0x38;
	[tilespmem:$0x1C200] =	vst v63  }
0x18f: {  	v0 =	vand.u32 $0xFFFFFFFE, v0;
	_ =	swait.ge [sflag:s4], $0x1000  }
0x190: {  	v0 =	vbroadcast v0, $0x0;
	[sflag:s4] =	ssyncset.done $0x0  }
0x191: {  	[sflag:s4] =	ssyncadd.s32 $0xFFFFF000  }
0x192: {  	_ =	swait.ge [sflag:s26], $0x2000  }
0x193: {  	[sflag:s26] =	ssyncset.done $0x0  }
0x194: {  	s3 =	simm.s32 $0x16240;
	s9 =	simm.s32 $0x1;
	[sflag:s26] =	ssyncadd.s32 $0xFFFFE000  }
0x195: {  	v1 =	vmov s9;
	v3 =	vld [tilespmem:s3+$0xFFFFFFC0]  }
0x196: {  	v5 =	vld.idx.msk [tilespmem:v0+s19+$0x0], $0xffff;
	_ =	sdelay $0x2  }
0x197: {  	v0 =	vld [tilespmem:s3+$0x0]  }
0x198: {  	v2 =	vld.idx.msk [tilespmem:v1+s19+$0x0], $0xffff;
	v1 =	vunpack.i.l.bf16.f32 v3  }
0x199: {  	v3 =	vunpack.i.u.bf16.f32 v3;
	v1 =	vmul.f32 v1, v5  }
0x19a: {  	s20 =	simm.s32 $0x18280;
	v3 =	vmul.f32 v3, v5  }
0x19b: {  	s18 =	simm.s32 $0x2;
	[tilespmem:s20+$0xFFFFFF80] =	vst v1  }
0x19c: {  	v4 =	vmov s18;
	v1 =	vunpack.i.l.bf16.f32 v0;
	[tilespmem:s20+$0xFFFFFF90] =	vst v3  }
0x19d: {  	v0 =	vunpack.i.u.bf16.f32 v0;
	v3 =	vand.u32 $0xFFFFFFFE, v4;
	v1 =	vmul.f32 v1, v2;
	v4 =	vld [tilespmem:s3+$0xFFFFFFD0]  }
0x19e: {  	v0 =	vmul.f32 v0, v2;
	v3 =	vbroadcast v3, $0x0  }
0x19f: {  	[tilespmem:s20+$0x0] =	vst v1  }
0x1a0: {  	s21 =	simm.s32 $0x3;
	[tilespmem:s20+$0x10] =	vst v0  }
0x1a1: {  	v0 =	vmov s21;
	v6 =	vld [tilespmem:s3+$0x10]  }
0x1a2: {  	s30 =	simm.s32 $0x162C0;
	v1 =	vunpack.i.l.bf16.f32 v4  }
0x1a3: {  	v7 =	vld [tilespmem:s30+$0xFFFFFFC0];
	v4 =	vunpack.i.u.bf16.f32 v4;
	v8 =	vmul.f32 v1, v5  }
0x1a4: {  	v1 =	vld.idx.msk [tilespmem:v3+s19+$0x0], $0xffff;
	v3 =	vmul.f32 v4, v5  }
0x1a5: {  	v4 =	vld [tilespmem:s30+$0x0];
	[tilespmem:s20+$0xFFFFFFA0] =	vst v8  }
0x1a6: {  	v0 =	vld.idx.msk [tilespmem:v0+s19+$0x0], $0xffff;
	v8 =	vunpack.i.l.bf16.f32 v6;
	[tilespmem:s20+$0xFFFFFFB0] =	vst v3  }
0x1a7: {  	v3 =	vunpack.i.u.bf16.f32 v6;
	v6 =	vmul.f32 v8, v2;
	v8 =	vld [tilespmem:s3+$0xFFFFFFE0]  }
0x1a8: {  	v9 =	vunpack.i.l.bf16.f32 v7;
	v3 =	vmul.f32 v3, v2  }
0x1a9: {  	[tilespmem:s20+$0x20] =	vst v6;
	v6 =	vunpack.i.u.bf16.f32 v7;
	v7 =	vmul.f32 v9, v1  }
0x1aa: {  	s9 =	simm.s32 $0x4;
	s21 =	simm.s32 $0x18380;
	[tilespmem:s20+$0x30] =	vst v3;
	v3 =	vmul.f32 v6, v1;
	v6 =	vunpack.i.l.bf16.f32 v4  }
0x1ab: {  	v10 =	vmov s9;
	v4 =	vunpack.i.u.bf16.f32 v4;
	v9 =	vld [tilespmem:s3+$0x20];
	[tilespmem:s21+$0xFFFFFF80] =	vst v7;
	v6 =	vmul.f32 v6, v0  }
0x1ac: {  	v4 =	vmul.f32 v4, v0;
	v7 =	vand.u32 $0xFFFFFFFE, v10;
	[tilespmem:s21+$0xFFFFFF90] =	vst v3;
	v3 =	vunpack.i.l.bf16.f32 v8  }
0x1ad: {  	v7 =	vbroadcast v7, $0x0;
	v10 =	vld [tilespmem:s30+$0xFFFFFFD0];
	[tilespmem:s21+$0x0] =	vst v6;
	v6 =	vunpack.i.u.bf16.f32 v8;
	v3 =	vmul.f32 v3, v5  }
0x1ae: {  	[tilespmem:s21+$0x10] =	vst v4;
	v4 =	vmul.f32 v6, v5  }
0x1af: {  	s18 =	simm.s32 $0x5;
	v6 =	vld [tilespmem:s30+$0x10];
	[tilespmem:s20+$0xFFFFFFC0] =	vst v3  }
0x1b0: {  	v8 =	vmov s18;
	v3 =	vunpack.i.l.bf16.f32 v9;
	[tilespmem:s20+$0xFFFFFFD0] =	vst v4  }
0x1b1: {  	s18 =	simm.s32 $0x16340;
	v4 =	vunpack.i.u.bf16.f32 v9;
	v3 =	vmul.f32 v3, v2;
	v9 =	vld [tilespmem:s3+$0xFFFFFFF0]  }
0x1b2: {  	v11 =	vld [tilespmem:s18+$0xFFFFFFC0];
	v4 =	vmul.f32 v4, v2;
	v12 =	vunpack.i.l.bf16.f32 v10  }
0x1b3: {  	[tilespmem:s20+$0x40] =	vst v3;
	v3 =	vld.idx.msk [tilespmem:v7+s19+$0x0], $0xffff;
	v7 =	vunpack.i.u.bf16.f32 v10;
	v10 =	vmul.f32 v12, v1  }
0x1b4: {  	[tilespmem:s20+$0x50] =	vst v4;
	v12 =	vld [tilespmem:s18+$0x0];
	v7 =	vmul.f32 v7, v1;
	v13 =	vunpack.i.l.bf16.f32 v6  }
0x1b5: {  	v4 =	vld.idx.msk [tilespmem:v8+s19+$0x0], $0xffff;
	v6 =	vunpack.i.u.bf16.f32 v6;
	v8 =	vmul.f32 v13, v0;
	[tilespmem:s21+$0xFFFFFFA0] =	vst v10  }
0x1b6: {  	v6 =	vmul.f32 v6, v0;
	v10 =	vld [tilespmem:s3+$0x30];
	[tilespmem:s21+$0xFFFFFFB0] =	vst v7;
	v7 =	vunpack.i.u.bf16.f32 v9  }
0x1b7: {  	v9 =	vunpack.i.l.bf16.f32 v9;
	v13 =	vld [tilespmem:s30+$0xFFFFFFE0];
	[tilespmem:s21+$0x20] =	vst v8;
	v7 =	vmul.f32 v7, v5  }
0x1b8: {  	s4 =	simm.s32 $0x7;
	[tilespmem:s21+$0x30] =	vst v6;
	v6 =	vunpack.i.u.bf16.f32 v11;
	v8 =	vmul.f32 v9, v5;
	v9 =	vunpack.i.l.bf16.f32 v11  }
0x1b9: {  	v5 =	vmov s4;
	v14 =	vld [tilespmem:s30+$0x20];
	v9 =	vmul.f32 v9, v3;
	v11 =	vunpack.i.u.bf16.f32 v12;
	[tilespmem:s20+$0xFFFFFFF0] =	vst v7  }
0x1ba: {  	s29 =	simm.s32 $0x18480;
	s9 =	simm.s32 $0x6;
	v7 =	vmul.f32 v6, v3;
	v6 =	vunpack.i.l.bf16.f32 v12;
	v11 =	vmul.f32 v11, v4;
	[tilespmem:s20+$0xFFFFFFE0] =	vst v8  }
0x1bb: {  	v8 =	vmov s9;
	[tilespmem:s29+$0xFFFFFF80] =	vst v9;
	v12 =	vmul.f32 v6, v4;
	v6 =	vunpack.i.u.bf16.f32 v10  }
0x1bc: {  	v9 =	vand.u32 $0xFFFFFFFE, v8;
	v8 =	vunpack.i.l.bf16.f32 v10;
	[tilespmem:s29+$0xFFFFFF90] =	vst v7;
	v7 =	vunpack.i.l.bf16.f32 v13  }
0x1bd: {  	v9 =	vbroadcast v9, $0x0;
	[tilespmem:s29+$0x0] =	vst v12;
	v12 =	vunpack.i.u.bf16.f32 v13;
	v10 =	vmul.f32 v7, v1;
	v7 =	vld [tilespmem:s18+$0xFFFFFFD0]  }
0x1be: {  	s3 =	simm.s32 $0x8;
	s9 =	simm.s32 $0x16340;
	[tilespmem:s29+$0x10] =	vst v11;
	v13 =	vunpack.i.l.bf16.f32 v14;
	v11 =	vmul.f32 v12, v1;
	v12 =	vunpack.i.u.bf16.f32 v14  }
.LBB2_7:
0x1bf: {  	p0 =	slt.u32 s3, $0x3E;
	v14 =	vld [tilespmem:s18+$0x10];
	[tilespmem:s21+$0xFFFFFFC0] =	vst v10;
	v10 =	vmul.f32 v13, v0;
	v12 =	vmul.f32 v12, v0  }
0x1c0: {  	v8 =	vmul.f32 v8, v2;
	v6 =	vmul.f32 v6, v2;
	v2 =	vmov v0;
	v5 =	vld.idx.msk [tilespmem:v5+s19+$0x0], $0xffff;
	[tilespmem:s21+$0xFFFFFFD0] =	vst v11  }
0x1c1: {  	s18 =	sadd.s32 $0x80, s18;
	v0 =	vmov v4;
	v11 =	vld [tilespmem:s30+$0xFFFFFFF0];
	[tilespmem:s21+$0x40] =	vst v10  }
0x1c2: {  	v10 =	vld [tilespmem:s18+$0xFFFFFFC0];
	v4 =	vunpack.i.l.bf16.f32 v7;
	[tilespmem:s21+$0x50] =	vst v12  }
0x1c3: {  	v7 =	vunpack.i.u.bf16.f32 v7;
	v9 =	vld.idx.msk [tilespmem:v9+s19+$0x0], $0xffff;
	v15 =	vmul.f32 v4, v3;
	[tilespmem:s20+$0x60] =	vst v8  }
0x1c4: {  	v7 =	vmul.f32 v7, v3;
	v8 =	vld [tilespmem:s18+$0x0];
	v12 =	vunpack.i.u.bf16.f32 v14;
	v13 =	vunpack.i.l.bf16.f32 v14;
	[tilespmem:s20+$0x70] =	vst v6;
	s20 =	smov.u32 s21;
	s21 =	smov.u32 s29  }
0x1c5: {  	[tilespmem:s29+$0xFFFFFFA0] =	vst v15;
	v6 =	vmul.f32 v13, v0;
	v12 =	vmul.f32 v12, v0;
	v13 =	vld [tilespmem:s30+$0x30];
	s30 =	smov.u32 s9;
	s9 =	smov.u32 s18  }
0x1c6: {  	v4 =	vmov v5;
	[tilespmem:s29+$0xFFFFFFB0] =	vst v7;
	v7 =	vunpack.i.u.bf16.f32 v11;
	v11 =	vunpack.i.l.bf16.f32 v11  }
0x1c7: {  	s4 =	sadd.s32 $0x1, s3;
	v14 =	vld [tilespmem:s30+$0xFFFFFFE0];
	[tilespmem:s29+$0x20] =	vst v6;
	v6 =	vmul.f32 v11, v1;
	v7 =	vmul.f32 v7, v1;
	v1 =	vmov v3  }
0x1c8: {  	v5 =	vmov s4;
	v16 =	vunpack.i.l.bf16.f32 v10;
	[tilespmem:s29+$0x30] =	vst v12  }
0x1c9: {  	v10 =	vunpack.i.u.bf16.f32 v10;
	v11 =	vmul.f32 v16, v9;
	v3 =	vmovc v9;
	v12 =	vunpack.i.u.bf16.f32 v8;
	v15 =	vld [tilespmem:s30+$0x20];
	[tilespmem:s20+$0xFFFFFFF0] =	vst v7  }
.Ltmp4:
0x1ca: {  	s29 =	sadd.s32 $0x100, s29;
	v7 =	vmul.f32 v10, v3;
	v8 =	vunpack.i.l.bf16.f32 v8;
	v12 =	vmul.f32 v12, v4;
	[tilespmem:s20+$0xFFFFFFE0] =	vst v6;
	(pc) =	sbr.rel @p0 .LBB2_7-.Ltmp4, $4  }
0x1cb: {  	v9 =	vmov s3;
	v10 =	vmul.f32 v8, v4;
	v6 =	vunpack.i.u.bf16.f32 v13;
	[tilespmem:s29+$0xFFFFFF80] =	vst v11  }
0x1cc: {  	v9 =	vand.u32 $0xFFFFFFFE, v9;
	v8 =	vunpack.i.l.bf16.f32 v13;
	[tilespmem:s29+$0xFFFFFF90] =	vst v7;
	v11 =	vunpack.i.l.bf16.f32 v14  }
0x1cd: {  	v9 =	vbroadcast v9, $0x0;
	v13 =	vunpack.i.u.bf16.f32 v14;
	v7 =	vld [tilespmem:s18+$0xFFFFFFD0];
	[tilespmem:s29+$0x0] =	vst v10;
	v10 =	vmul.f32 v11, v1  }
0x1ce: {  	s3 =	sadd.s32 $0x2, s3;
	v11 =	vmul.f32 v13, v1;
	[tilespmem:s29+$0x10] =	vst v12;
	v12 =	vunpack.i.u.bf16.f32 v15;
	v13 =	vunpack.i.l.bf16.f32 v15  }
0x1cf: {  	_ =	sdelay $0x1  }
0x1d0: {  	s3 =	sadd.s32 $0x80, s18  }
0x1d1: {  	v14 =	vld [tilespmem:s3+$0xFFFFFFC0]  }
0x1d2: {  	v9 =	vld.idx.msk [tilespmem:v9+s19+$0x0], $0xffff  }
0x1d3: {  	v15 =	vld [tilespmem:s3+$0x0]  }
0x1d4: {  	v5 =	vld.idx.msk [tilespmem:v5+s19+$0x0], $0xffff  }
0x1d5: {  	[tilespmem:s21+$0xFFFFFFC0] =	vst v10;
	v10 =	vmul.f32 v13, v0  }
0x1d6: {  	v12 =	vmul.f32 v12, v0;
	[tilespmem:s21+$0xFFFFFFD0] =	vst v11;
	v11 =	vunpack.i.l.bf16.f32 v14  }
0x1d7: {  	[tilespmem:s21+$0x40] =	vst v10;
	v10 =	vunpack.i.u.bf16.f32 v14;
	v11 =	vmul.f32 v11, v9  }
0x1d8: {  	s4 =	sadd.s32 $0x100, s29;
	[tilespmem:s21+$0x50] =	vst v12;
	v12 =	vunpack.i.l.bf16.f32 v15;
	v10 =	vmul.f32 v10, v9  }
0x1d9: {  	v13 =	vld [tilespmem:s18+$0x10];
	v14 =	vunpack.i.u.bf16.f32 v15;
	[tilespmem:s4+$0xFFFFFF80] =	vst v11;
	v11 =	vmul.f32 v12, v5  }
0x1da: {  	v12 =	vmul.f32 v14, v5;
	[tilespmem:s4+$0xFFFFFF90] =	vst v10  }
0x1db: {  	v8 =	vmul.f32 v8, v2;
	v10 =	vld [tilespmem:s3+$0xFFFFFFD0];
	[tilespmem:s4+$0x0] =	vst v11  }
0x1dc: {  	v2 =	vmul.f32 v6, v2;
	v6 =	vunpack.i.l.bf16.f32 v7;
	[tilespmem:s4+$0x10] =	vst v12  }
0x1dd: {  	[tilespmem:s20+$0x60] =	vst v8;
	v7 =	vunpack.i.u.bf16.f32 v7;
	v6 =	vmul.f32 v6, v3;
	v8 =	vld [tilespmem:s3+$0x10]  }
0x1de: {  	[tilespmem:s20+$0x70] =	vst v2;
	v7 =	vmul.f32 v7, v3;
	v11 =	vunpack.i.l.bf16.f32 v13  }
0x1df: {  	v2 =	vld [tilespmem:s30+$0xFFFFFFF0];
	[tilespmem:s29+$0xFFFFFFA0] =	vst v6;
	v12 =	vunpack.i.u.bf16.f32 v13;
	v6 =	vmul.f32 v11, v4  }
0x1e0: {  	[tilespmem:s29+$0xFFFFFFB0] =	vst v7;
	v11 =	vmul.f32 v12, v4;
	v7 =	vunpack.i.l.bf16.f32 v10  }
0x1e1: {  	v12 =	vld [tilespmem:s9+$0xFFFFFFE0];
	[tilespmem:s29+$0x20] =	vst v6;
	v6 =	vunpack.i.u.bf16.f32 v10;
	v7 =	vmul.f32 v7, v9  }
0x1e2: {  	[tilespmem:s29+$0x30] =	vst v11;
	v6 =	vmul.f32 v6, v9;
	v10 =	vunpack.i.l.bf16.f32 v8  }
0x1e3: {  	v11 =	vld [tilespmem:s9+$0x20];
	v8 =	vunpack.i.u.bf16.f32 v8;
	[tilespmem:s4+$0xFFFFFFA0] =	vst v7;
	v7 =	vmul.f32 v10, v5  }
0x1e4: {  	v10 =	vunpack.i.u.bf16.f32 v2;
	v8 =	vmul.f32 v8, v5;
	[tilespmem:s4+$0xFFFFFFB0] =	vst v6  }
0x1e5: {  	v2 =	vunpack.i.l.bf16.f32 v2;
	v6 =	vmul.f32 v10, v1;
	v10 =	vld [tilespmem:s3+$0xFFFFFFE0];
	[tilespmem:s4+$0x20] =	vst v7  }
0x1e6: {  	v1 =	vmul.f32 v2, v1;
	v2 =	vunpack.i.l.bf16.f32 v12;
	[tilespmem:s4+$0x30] =	vst v8  }
0x1e7: {  	v2 =	vmul.f32 v2, v3;
	[tilespmem:s21+$0xFFFFFFF0] =	vst v6;
	v6 =	vunpack.i.u.bf16.f32 v12;
	v7 =	vld [tilespmem:s3+$0x20]  }
0x1e8: {  	[tilespmem:s21+$0xFFFFFFE0] =	vst v1;
	v1 =	vmul.f32 v6, v3;
	v6 =	vunpack.i.l.bf16.f32 v11  }
0x1e9: {  	v8 =	vld [tilespmem:s30+$0x30];
	v11 =	vunpack.i.u.bf16.f32 v11;
	[tilespmem:s29+$0xFFFFFFC0] =	vst v2;
	v2 =	vmul.f32 v6, v4  }
0x1ea: {  	v6 =	vmul.f32 v11, v4;
	[tilespmem:s29+$0xFFFFFFD0] =	vst v1;
	v1 =	vunpack.i.l.bf16.f32 v10  }
0x1eb: {  	v11 =	vld [tilespmem:s9+$0xFFFFFFF0];
	[tilespmem:s29+$0x40] =	vst v2;
	v2 =	vunpack.i.u.bf16.f32 v10;
	v1 =	vmul.f32 v1, v9  }
0x1ec: {  	[tilespmem:s29+$0x50] =	vst v6;
	v2 =	vmul.f32 v2, v9;
	v6 =	vunpack.i.l.bf16.f32 v7  }
0x1ed: {  	v10 =	vld [tilespmem:s9+$0x30];
	v7 =	vunpack.i.u.bf16.f32 v7;
	[tilespmem:s4+$0xFFFFFFC0] =	vst v1;
	v1 =	vmul.f32 v6, v5  }
0x1ee: {  	v6 =	vunpack.i.l.bf16.f32 v8;
	v7 =	vmul.f32 v7, v5;
	[tilespmem:s4+$0xFFFFFFD0] =	vst v2  }
0x1ef: {  	v2 =	vunpack.i.u.bf16.f32 v8;
	v6 =	vmul.f32 v6, v0;
	v8 =	vld [tilespmem:s3+$0xFFFFFFF0];
	[tilespmem:s4+$0x40] =	vst v1  }
0x1f0: {  	v0 =	vmul.f32 v2, v0;
	[tilespmem:s4+$0x50] =	vst v7;
	v1 =	vunpack.i.u.bf16.f32 v11  }
0x1f1: {  	[tilespmem:s21+$0x60] =	vst v6;
	v2 =	vunpack.i.l.bf16.f32 v11;
	v6 =	vld [tilespmem:s3+$0x30];
	v1 =	vmul.f32 v1, v3  }
0x1f2: {  	[tilespmem:s21+$0x70] =	vst v0;
	v0 =	vmul.f32 v2, v3;
	v2 =	vunpack.i.l.bf16.f32 v10  }
0x1f3: {  	v2 =	vmul.f32 v2, v4;
	[tilespmem:s29+$0xFFFFFFF0] =	vst v1;
	v1 =	vunpack.i.u.bf16.f32 v10  }
0x1f4: {  	[tilespmem:s29+$0xFFFFFFE0] =	vst v0;
	v0 =	vmul.f32 v1, v4;
	v1 =	vunpack.i.u.bf16.f32 v8  }
0x1f5: {  	[tilespmem:s29+$0x60] =	vst v2;
	v2 =	vunpack.i.l.bf16.f32 v8;
	v1 =	vmul.f32 v1, v9  }
0x1f6: {  	[tilespmem:s29+$0x70] =	vst v0;
	v0 =	vmul.f32 v2, v9;
	v2 =	vunpack.i.l.bf16.f32 v6  }
0x1f7: {  	[tilespmem:s4+$0xFFFFFFF0] =	vst v1;
	v1 =	vunpack.i.u.bf16.f32 v6;
	v2 =	vmul.f32 v2, v5  }
0x1f8: {  	[tilespmem:s4+$0xFFFFFFE0] =	vst v0;
	v0 =	vmul.f32 v1, v5  }
0x1f9: {  	[tilespmem:s4+$0x60] =	vst v2  }
0x1fa: {  	s20 =	simm.s32 $0x13E80;
	s21 =	simm.s32 $0x18200;
	[tilespmem:s4+$0x70] =	vst v0  }
0x1fb: {  	[spmem:s1] =	stream.indirect.scatter.add.f32 [tilespmem:s21], [sflag:$0x5], $0x80, s20, s12, $0xb8;
	[tilespmem:$0x1C200] =	vst v63  }
0x1fc: {  	_ =	swait.ge [sflag:s28], $0x40  }
0x1fd: {  	[sflag:s28] =	ssyncset.done $0x0  }
0x1fe: {  	[sflag:s28] =	ssyncadd.s32 $0xFFFFFFC0  }
0x1ff: {  	_ =	swait.ge [sflag:s28], $0x40  }
0x200: {  	[sflag:s28] =	ssyncset.done $0x0  }
0x201: {  	[sflag:s28] =	ssyncadd.s32 $0xFFFFFFC0  }
0x202: {  	_ =	swait.ge [sflag:s28], $0x40  }
0x203: {  	p0 =	seq.s32 s0, $0x13;
	[sflag:s28] =	ssyncset.done $0x0;
	s3 =	rddreg [dreg:$0x1a]  }
0x204: {  	s18 =	simm.s32 $0x13D40;
	[sflag:s28] =	ssyncadd.s32 $0xFFFFFFC0;
	s3 =	sadd.s32 @!p0 s2, s3  }
0x205: {  	s20 =	simm.s32 $0x15200;
	s9 =	rddreg [dreg:$0x0];
	s3 =	sshll.u32 @!p0 s3, $0x3  }
0x206: {  	[tilespmem:s20], [sflag:$0x2] =	stream.indirect.gather [hbm4b:s9+s12], $0x40, s18, s12, $0xb8;
	[tilespmem:$0x1C200] =	vst v63  }
0x207: {  	s3 =	sand.u32 @!p0 $0x1FFFFFC0, s3  }
0x208: {  	s9 =	simm.s32 @!p0 $0x0;
	s18 =	simm.s32 @!p0 $0x13C00;
	s4 =	sadd.s32 @!p0 s5, s3  }
0x209: {  	[tilespmem:s18], [sflag:$0x7] =	stream.linear.gather @!p0 [hbm4b:s4+s9], $0x40, $0x38;
	[tilespmem:$0x1C200] =	vst v63  }
0x20a: {  	s4 =	sadd.s32 @!p0 s6, s3;
	s18 =	simm.s32 @!p0 $0x13E00  }
0x20b: {  	[tilespmem:s18], [sflag:$0x7] =	stream.linear.gather @!p0 [hbm4b:s4+s9], $0x40, $0x38;
	[tilespmem:$0x1C200] =	vst v63  }
0x20c: {  	s21 =	simm.s32 $0x0;
	s3 =	sadd.s32 @!p0 s7, s3;
	s4 =	simm.s32 @!p0 $0x14000  }
0x20d: {  	[tilespmem:s4], [sflag:$0x7] =	stream.linear.gather @!p0 [hbm4b:s3+s9], $0x40, $0x38;
	[tilespmem:$0x1C200] =	vst v63  }
0x20e: {  	v0 =	vmov s21;
	s4 =	simm.s32 $0x4  }
0x20f: {  	v0 =	vand.u32 $0xFFFFFFFE, v0;
	_ =	swait.ge [sflag:s4], $0x1000  }
0x210: {  	v0 =	vbroadcast v0, $0x0;
	[sflag:s4] =	ssyncset.done $0x0  }
0x211: {  	[sflag:s4] =	ssyncadd.s32 $0xFFFFF000  }
0x212: {  	_ =	swait.ge [sflag:s24], $0x2000  }
0x213: {  	[sflag:s24] =	ssyncset.done $0x0  }
0x214: {  	s3 =	simm.s32 $0x17240;
	s9 =	simm.s32 $0x1;
	[sflag:s24] =	ssyncadd.s32 $0xFFFFE000  }
0x215: {  	v1 =	vmov s9;
	v3 =	vld [tilespmem:s3+$0xFFFFFFC0]  }
0x216: {  	v5 =	vld.idx.msk [tilespmem:v0+s22+$0x0], $0xffff;
	_ =	sdelay $0x2  }
0x217: {  	v0 =	vld [tilespmem:s3+$0x0]  }
0x218: {  	v2 =	vld.idx.msk [tilespmem:v1+s22+$0x0], $0xffff;
	v1 =	vunpack.i.l.bf16.f32 v3  }
0x219: {  	v3 =	vunpack.i.u.bf16.f32 v3;
	v1 =	vmul.f32 v1, v5  }
0x21a: {  	s20 =	simm.s32 $0x1A280;
	v3 =	vmul.f32 v3, v5  }
0x21b: {  	s18 =	simm.s32 $0x2;
	[tilespmem:s20+$0xFFFFFF80] =	vst v1  }
0x21c: {  	v4 =	vmov s18;
	v1 =	vunpack.i.l.bf16.f32 v0;
	[tilespmem:s20+$0xFFFFFF90] =	vst v3  }
0x21d: {  	v0 =	vunpack.i.u.bf16.f32 v0;
	v3 =	vand.u32 $0xFFFFFFFE, v4;
	v1 =	vmul.f32 v1, v2;
	v4 =	vld [tilespmem:s3+$0xFFFFFFD0]  }
0x21e: {  	v0 =	vmul.f32 v0, v2;
	v3 =	vbroadcast v3, $0x0  }
0x21f: {  	[tilespmem:s20+$0x0] =	vst v1  }
0x220: {  	s21 =	simm.s32 $0x3;
	[tilespmem:s20+$0x10] =	vst v0  }
0x221: {  	v0 =	vmov s21;
	v6 =	vld [tilespmem:s3+$0x10]  }
0x222: {  	s30 =	simm.s32 $0x172C0;
	v1 =	vunpack.i.l.bf16.f32 v4  }
0x223: {  	v7 =	vld [tilespmem:s30+$0xFFFFFFC0];
	v4 =	vunpack.i.u.bf16.f32 v4;
	v8 =	vmul.f32 v1, v5  }
0x224: {  	v1 =	vld.idx.msk [tilespmem:v3+s22+$0x0], $0xffff;
	v3 =	vmul.f32 v4, v5  }
0x225: {  	v4 =	vld [tilespmem:s30+$0x0];
	[tilespmem:s20+$0xFFFFFFA0] =	vst v8  }
0x226: {  	v0 =	vld.idx.msk [tilespmem:v0+s22+$0x0], $0xffff;
	v8 =	vunpack.i.l.bf16.f32 v6;
	[tilespmem:s20+$0xFFFFFFB0] =	vst v3  }
0x227: {  	v3 =	vunpack.i.u.bf16.f32 v6;
	v6 =	vmul.f32 v8, v2;
	v8 =	vld [tilespmem:s3+$0xFFFFFFE0]  }
0x228: {  	v9 =	vunpack.i.l.bf16.f32 v7;
	v3 =	vmul.f32 v3, v2  }
0x229: {  	[tilespmem:s20+$0x20] =	vst v6;
	v6 =	vunpack.i.u.bf16.f32 v7;
	v7 =	vmul.f32 v9, v1  }
0x22a: {  	s9 =	simm.s32 $0x4;
	s21 =	simm.s32 $0x1A380;
	[tilespmem:s20+$0x30] =	vst v3;
	v3 =	vmul.f32 v6, v1;
	v6 =	vunpack.i.l.bf16.f32 v4  }
0x22b: {  	v10 =	vmov s9;
	v4 =	vunpack.i.u.bf16.f32 v4;
	v9 =	vld [tilespmem:s3+$0x20];
	[tilespmem:s21+$0xFFFFFF80] =	vst v7;
	v6 =	vmul.f32 v6, v0  }
0x22c: {  	v4 =	vmul.f32 v4, v0;
	v7 =	vand.u32 $0xFFFFFFFE, v10;
	[tilespmem:s21+$0xFFFFFF90] =	vst v3;
	v3 =	vunpack.i.l.bf16.f32 v8  }
0x22d: {  	v7 =	vbroadcast v7, $0x0;
	v10 =	vld [tilespmem:s30+$0xFFFFFFD0];
	[tilespmem:s21+$0x0] =	vst v6;
	v6 =	vunpack.i.u.bf16.f32 v8;
	v3 =	vmul.f32 v3, v5  }
0x22e: {  	[tilespmem:s21+$0x10] =	vst v4;
	v4 =	vmul.f32 v6, v5  }
0x22f: {  	s18 =	simm.s32 $0x5;
	v6 =	vld [tilespmem:s30+$0x10];
	[tilespmem:s20+$0xFFFFFFC0] =	vst v3  }
0x230: {  	v8 =	vmov s18;
	v3 =	vunpack.i.l.bf16.f32 v9;
	[tilespmem:s20+$0xFFFFFFD0] =	vst v4  }
0x231: {  	s18 =	simm.s32 $0x17340;
	v4 =	vunpack.i.u.bf16.f32 v9;
	v3 =	vmul.f32 v3, v2;
	v9 =	vld [tilespmem:s3+$0xFFFFFFF0]  }
0x232: {  	v11 =	vld [tilespmem:s18+$0xFFFFFFC0];
	v4 =	vmul.f32 v4, v2;
	v12 =	vunpack.i.l.bf16.f32 v10  }
0x233: {  	[tilespmem:s20+$0x40] =	vst v3;
	v3 =	vld.idx.msk [tilespmem:v7+s22+$0x0], $0xffff;
	v7 =	vunpack.i.u.bf16.f32 v10;
	v10 =	vmul.f32 v12, v1  }
0x234: {  	[tilespmem:s20+$0x50] =	vst v4;
	v12 =	vld [tilespmem:s18+$0x0];
	v7 =	vmul.f32 v7, v1;
	v13 =	vunpack.i.l.bf16.f32 v6  }
0x235: {  	v4 =	vld.idx.msk [tilespmem:v8+s22+$0x0], $0xffff;
	v6 =	vunpack.i.u.bf16.f32 v6;
	v8 =	vmul.f32 v13, v0;
	[tilespmem:s21+$0xFFFFFFA0] =	vst v10  }
0x236: {  	v6 =	vmul.f32 v6, v0;
	v10 =	vld [tilespmem:s3+$0x30];
	[tilespmem:s21+$0xFFFFFFB0] =	vst v7;
	v7 =	vunpack.i.u.bf16.f32 v9  }
0x237: {  	v9 =	vunpack.i.l.bf16.f32 v9;
	v13 =	vld [tilespmem:s30+$0xFFFFFFE0];
	[tilespmem:s21+$0x20] =	vst v8;
	v7 =	vmul.f32 v7, v5  }
0x238: {  	s4 =	simm.s32 $0x7;
	[tilespmem:s21+$0x30] =	vst v6;
	v6 =	vunpack.i.u.bf16.f32 v11;
	v8 =	vmul.f32 v9, v5;
	v9 =	vunpack.i.l.bf16.f32 v11  }
0x239: {  	v5 =	vmov s4;
	v14 =	vld [tilespmem:s30+$0x20];
	v9 =	vmul.f32 v9, v3;
	v11 =	vunpack.i.u.bf16.f32 v12;
	[tilespmem:s20+$0xFFFFFFF0] =	vst v7  }
0x23a: {  	s29 =	simm.s32 $0x1A480;
	s9 =	simm.s32 $0x6;
	v7 =	vmul.f32 v6, v3;
	v6 =	vunpack.i.l.bf16.f32 v12;
	v11 =	vmul.f32 v11, v4;
	[tilespmem:s20+$0xFFFFFFE0] =	vst v8  }
0x23b: {  	v8 =	vmov s9;
	[tilespmem:s29+$0xFFFFFF80] =	vst v9;
	v12 =	vmul.f32 v6, v4;
	v6 =	vunpack.i.u.bf16.f32 v10  }
0x23c: {  	v9 =	vand.u32 $0xFFFFFFFE, v8;
	v8 =	vunpack.i.l.bf16.f32 v10;
	[tilespmem:s29+$0xFFFFFF90] =	vst v7;
	v7 =	vunpack.i.l.bf16.f32 v13  }
0x23d: {  	v9 =	vbroadcast v9, $0x0;
	[tilespmem:s29+$0x0] =	vst v12;
	v12 =	vunpack.i.u.bf16.f32 v13;
	v10 =	vmul.f32 v7, v1;
	v7 =	vld [tilespmem:s18+$0xFFFFFFD0]  }
0x23e: {  	s3 =	simm.s32 $0x8;
	s9 =	simm.s32 $0x17340;
	[tilespmem:s29+$0x10] =	vst v11;
	v13 =	vunpack.i.l.bf16.f32 v14;
	v11 =	vmul.f32 v12, v1;
	v12 =	vunpack.i.u.bf16.f32 v14  }
.LBB2_9:
0x23f: {  	p1 =	slt.u32 s3, $0x3E;
	v14 =	vld [tilespmem:s18+$0x10];
	[tilespmem:s21+$0xFFFFFFC0] =	vst v10;
	v10 =	vmul.f32 v13, v0;
	v12 =	vmul.f32 v12, v0  }
0x240: {  	v8 =	vmul.f32 v8, v2;
	v6 =	vmul.f32 v6, v2;
	v2 =	vmov v0;
	v5 =	vld.idx.msk [tilespmem:v5+s22+$0x0], $0xffff;
	[tilespmem:s21+$0xFFFFFFD0] =	vst v11  }
0x241: {  	s18 =	sadd.s32 $0x80, s18;
	v0 =	vmov v4;
	v11 =	vld [tilespmem:s30+$0xFFFFFFF0];
	[tilespmem:s21+$0x40] =	vst v10  }
0x242: {  	v10 =	vld [tilespmem:s18+$0xFFFFFFC0];
	v4 =	vunpack.i.l.bf16.f32 v7;
	[tilespmem:s21+$0x50] =	vst v12  }
0x243: {  	v7 =	vunpack.i.u.bf16.f32 v7;
	v9 =	vld.idx.msk [tilespmem:v9+s22+$0x0], $0xffff;
	v15 =	vmul.f32 v4, v3;
	[tilespmem:s20+$0x60] =	vst v8  }
0x244: {  	v7 =	vmul.f32 v7, v3;
	v8 =	vld [tilespmem:s18+$0x0];
	v12 =	vunpack.i.u.bf16.f32 v14;
	v13 =	vunpack.i.l.bf16.f32 v14;
	[tilespmem:s20+$0x70] =	vst v6;
	s20 =	smov.u32 s21;
	s21 =	smov.u32 s29  }
0x245: {  	[tilespmem:s29+$0xFFFFFFA0] =	vst v15;
	v6 =	vmul.f32 v13, v0;
	v12 =	vmul.f32 v12, v0;
	v13 =	vld [tilespmem:s30+$0x30];
	s30 =	smov.u32 s9;
	s9 =	smov.u32 s18  }
0x246: {  	v4 =	vmov v5;
	[tilespmem:s29+$0xFFFFFFB0] =	vst v7;
	v7 =	vunpack.i.u.bf16.f32 v11;
	v11 =	vunpack.i.l.bf16.f32 v11  }
0x247: {  	s4 =	sadd.s32 $0x1, s3;
	v14 =	vld [tilespmem:s30+$0xFFFFFFE0];
	[tilespmem:s29+$0x20] =	vst v6;
	v6 =	vmul.f32 v11, v1;
	v7 =	vmul.f32 v7, v1;
	v1 =	vmov v3  }
0x248: {  	v5 =	vmov s4;
	v16 =	vunpack.i.l.bf16.f32 v10;
	[tilespmem:s29+$0x30] =	vst v12  }
0x249: {  	v10 =	vunpack.i.u.bf16.f32 v10;
	v11 =	vmul.f32 v16, v9;
	v3 =	vmovc v9;
	v12 =	vunpack.i.u.bf16.f32 v8;
	v15 =	vld [tilespmem:s30+$0x20];
	[tilespmem:s20+$0xFFFFFFF0] =	vst v7  }
.Ltmp5:
0x24a: {  	s29 =	sadd.s32 $0x100, s29;
	v7 =	vmul.f32 v10, v3;
	v8 =	vunpack.i.l.bf16.f32 v8;
	v12 =	vmul.f32 v12, v4;
	[tilespmem:s20+$0xFFFFFFE0] =	vst v6;
	(pc) =	sbr.rel @p1 .LBB2_9-.Ltmp5, $4  }
0x24b: {  	v9 =	vmov s3;
	v10 =	vmul.f32 v8, v4;
	v6 =	vunpack.i.u.bf16.f32 v13;
	[tilespmem:s29+$0xFFFFFF80] =	vst v11  }
0x24c: {  	v9 =	vand.u32 $0xFFFFFFFE, v9;
	v8 =	vunpack.i.l.bf16.f32 v13;
	[tilespmem:s29+$0xFFFFFF90] =	vst v7;
	v11 =	vunpack.i.l.bf16.f32 v14  }
0x24d: {  	v9 =	vbroadcast v9, $0x0;
	v13 =	vunpack.i.u.bf16.f32 v14;
	v7 =	vld [tilespmem:s18+$0xFFFFFFD0];
	[tilespmem:s29+$0x0] =	vst v10;
	v10 =	vmul.f32 v11, v1  }
0x24e: {  	s3 =	sadd.s32 $0x2, s3;
	v11 =	vmul.f32 v13, v1;
	[tilespmem:s29+$0x10] =	vst v12;
	v12 =	vunpack.i.u.bf16.f32 v15;
	v13 =	vunpack.i.l.bf16.f32 v15  }
0x24f: {  	_ =	sdelay $0x1  }
0x250: {  	s3 =	sadd.s32 $0x80, s18  }
0x251: {  	v14 =	vld [tilespmem:s3+$0xFFFFFFC0]  }
0x252: {  	v9 =	vld.idx.msk [tilespmem:v9+s22+$0x0], $0xffff  }
0x253: {  	v15 =	vld [tilespmem:s3+$0x0]  }
0x254: {  	v5 =	vld.idx.msk [tilespmem:v5+s22+$0x0], $0xffff  }
0x255: {  	[tilespmem:s21+$0xFFFFFFC0] =	vst v10;
	v10 =	vmul.f32 v13, v0  }
0x256: {  	v12 =	vmul.f32 v12, v0;
	[tilespmem:s21+$0xFFFFFFD0] =	vst v11;
	v11 =	vunpack.i.l.bf16.f32 v14  }
0x257: {  	[tilespmem:s21+$0x40] =	vst v10;
	v10 =	vunpack.i.u.bf16.f32 v14;
	v11 =	vmul.f32 v11, v9  }
0x258: {  	s4 =	sadd.s32 $0x100, s29;
	[tilespmem:s21+$0x50] =	vst v12;
	v12 =	vunpack.i.l.bf16.f32 v15;
	v10 =	vmul.f32 v10, v9  }
0x259: {  	v13 =	vld [tilespmem:s18+$0x10];
	v14 =	vunpack.i.u.bf16.f32 v15;
	[tilespmem:s4+$0xFFFFFF80] =	vst v11;
	v11 =	vmul.f32 v12, v5  }
0x25a: {  	v12 =	vmul.f32 v14, v5;
	[tilespmem:s4+$0xFFFFFF90] =	vst v10  }
0x25b: {  	v8 =	vmul.f32 v8, v2;
	v10 =	vld [tilespmem:s3+$0xFFFFFFD0];
	[tilespmem:s4+$0x0] =	vst v11  }
0x25c: {  	v2 =	vmul.f32 v6, v2;
	v6 =	vunpack.i.l.bf16.f32 v7;
	[tilespmem:s4+$0x10] =	vst v12  }
0x25d: {  	[tilespmem:s20+$0x60] =	vst v8;
	v7 =	vunpack.i.u.bf16.f32 v7;
	v6 =	vmul.f32 v6, v3;
	v8 =	vld [tilespmem:s3+$0x10]  }
0x25e: {  	[tilespmem:s20+$0x70] =	vst v2;
	v7 =	vmul.f32 v7, v3;
	v11 =	vunpack.i.l.bf16.f32 v13  }
0x25f: {  	v2 =	vld [tilespmem:s30+$0xFFFFFFF0];
	[tilespmem:s29+$0xFFFFFFA0] =	vst v6;
	v12 =	vunpack.i.u.bf16.f32 v13;
	v6 =	vmul.f32 v11, v4  }
0x260: {  	[tilespmem:s29+$0xFFFFFFB0] =	vst v7;
	v11 =	vmul.f32 v12, v4;
	v7 =	vunpack.i.l.bf16.f32 v10  }
0x261: {  	v12 =	vld [tilespmem:s9+$0xFFFFFFE0];
	[tilespmem:s29+$0x20] =	vst v6;
	v6 =	vunpack.i.u.bf16.f32 v10;
	v7 =	vmul.f32 v7, v9  }
0x262: {  	[tilespmem:s29+$0x30] =	vst v11;
	v6 =	vmul.f32 v6, v9;
	v10 =	vunpack.i.l.bf16.f32 v8  }
0x263: {  	v11 =	vld [tilespmem:s9+$0x20];
	v8 =	vunpack.i.u.bf16.f32 v8;
	[tilespmem:s4+$0xFFFFFFA0] =	vst v7;
	v7 =	vmul.f32 v10, v5  }
0x264: {  	v10 =	vunpack.i.u.bf16.f32 v2;
	v8 =	vmul.f32 v8, v5;
	[tilespmem:s4+$0xFFFFFFB0] =	vst v6  }
0x265: {  	v2 =	vunpack.i.l.bf16.f32 v2;
	v6 =	vmul.f32 v10, v1;
	v10 =	vld [tilespmem:s3+$0xFFFFFFE0];
	[tilespmem:s4+$0x20] =	vst v7  }
0x266: {  	v1 =	vmul.f32 v2, v1;
	v2 =	vunpack.i.l.bf16.f32 v12;
	[tilespmem:s4+$0x30] =	vst v8  }
0x267: {  	v2 =	vmul.f32 v2, v3;
	[tilespmem:s21+$0xFFFFFFF0] =	vst v6;
	v6 =	vunpack.i.u.bf16.f32 v12;
	v7 =	vld [tilespmem:s3+$0x20]  }
0x268: {  	[tilespmem:s21+$0xFFFFFFE0] =	vst v1;
	v1 =	vmul.f32 v6, v3;
	v6 =	vunpack.i.l.bf16.f32 v11  }
0x269: {  	v8 =	vld [tilespmem:s30+$0x30];
	v11 =	vunpack.i.u.bf16.f32 v11;
	[tilespmem:s29+$0xFFFFFFC0] =	vst v2;
	v2 =	vmul.f32 v6, v4  }
0x26a: {  	v6 =	vmul.f32 v11, v4;
	[tilespmem:s29+$0xFFFFFFD0] =	vst v1;
	v1 =	vunpack.i.l.bf16.f32 v10  }
0x26b: {  	v11 =	vld [tilespmem:s9+$0xFFFFFFF0];
	[tilespmem:s29+$0x40] =	vst v2;
	v2 =	vunpack.i.u.bf16.f32 v10;
	v1 =	vmul.f32 v1, v9  }
0x26c: {  	[tilespmem:s29+$0x50] =	vst v6;
	v2 =	vmul.f32 v2, v9;
	v6 =	vunpack.i.l.bf16.f32 v7  }
0x26d: {  	v10 =	vld [tilespmem:s9+$0x30];
	v7 =	vunpack.i.u.bf16.f32 v7;
	[tilespmem:s4+$0xFFFFFFC0] =	vst v1;
	v1 =	vmul.f32 v6, v5  }
0x26e: {  	v6 =	vunpack.i.l.bf16.f32 v8;
	v7 =	vmul.f32 v7, v5;
	[tilespmem:s4+$0xFFFFFFD0] =	vst v2  }
0x26f: {  	v2 =	vunpack.i.u.bf16.f32 v8;
	v6 =	vmul.f32 v6, v0;
	v8 =	vld [tilespmem:s3+$0xFFFFFFF0];
	[tilespmem:s4+$0x40] =	vst v1  }
0x270: {  	v0 =	vmul.f32 v2, v0;
	[tilespmem:s4+$0x50] =	vst v7;
	v1 =	vunpack.i.u.bf16.f32 v11  }
0x271: {  	[tilespmem:s21+$0x60] =	vst v6;
	v2 =	vunpack.i.l.bf16.f32 v11;
	v6 =	vld [tilespmem:s3+$0x30];
	v1 =	vmul.f32 v1, v3  }
0x272: {  	[tilespmem:s21+$0x70] =	vst v0;
	v0 =	vmul.f32 v2, v3;
	v2 =	vunpack.i.l.bf16.f32 v10  }
0x273: {  	v2 =	vmul.f32 v2, v4;
	[tilespmem:s29+$0xFFFFFFF0] =	vst v1;
	v1 =	vunpack.i.u.bf16.f32 v10  }
0x274: {  	[tilespmem:s29+$0xFFFFFFE0] =	vst v0;
	v0 =	vmul.f32 v1, v4;
	v1 =	vunpack.i.u.bf16.f32 v8  }
0x275: {  	[tilespmem:s29+$0x60] =	vst v2;
	v2 =	vunpack.i.l.bf16.f32 v8;
	v1 =	vmul.f32 v1, v9  }
0x276: {  	[tilespmem:s29+$0x70] =	vst v0;
	v0 =	vmul.f32 v2, v9;
	v2 =	vunpack.i.l.bf16.f32 v6  }
0x277: {  	[tilespmem:s4+$0xFFFFFFF0] =	vst v1;
	v1 =	vunpack.i.u.bf16.f32 v6;
	v2 =	vmul.f32 v2, v5  }
0x278: {  	[tilespmem:s4+$0xFFFFFFE0] =	vst v0;
	v0 =	vmul.f32 v1, v5  }
0x279: {  	[tilespmem:s4+$0x60] =	vst v2  }
0x27a: {  	s20 =	simm.s32 $0x13EC0;
	s21 =	simm.s32 $0x1A200;
	[tilespmem:s4+$0x70] =	vst v0  }
0x27b: {  	[spmem:s1] =	stream.indirect.scatter.add.f32 [tilespmem:s21], [sflag:$0x6], $0x80, s20, s12, $0xb8;
	[tilespmem:$0x1C200] =	vst v63  }
0x27c: {  	_ =	swait.ge [sflag:s13], $0x40  }
0x27d: {  	[sflag:s13] =	ssyncset.done $0x0  }
0x27e: {  	[sflag:s13] =	ssyncadd.s32 $0xFFFFFFC0  }
0x27f: {  	_ =	swait.ge [sflag:s13], $0x40  }
0x280: {  	[sflag:s13] =	ssyncset.done $0x0  }
0x281: {  	[sflag:s13] =	ssyncadd.s32 $0xFFFFFFC0  }
0x282: {  	_ =	swait.ge [sflag:s13], $0x40  }
0x283: {  	[sflag:s13] =	ssyncset.done $0x0;
	s3 =	rddreg [dreg:$0x1b]  }
0x284: {  	s18 =	simm.s32 $0x16200;
	[sflag:s13] =	ssyncadd.s32 $0xFFFFFFC0;
	s3 =	sadd.s32 @!p0 s2, s3  }
0x285: {  	s20 =	simm.s32 $0x13D80;
	s9 =	rddreg [dreg:$0x0];
	s3 =	sshll.u32 @!p0 s3, $0x3  }
0x286: {  	[tilespmem:s18], [sflag:$0x3] =	stream.indirect.gather [hbm4b:s9+s12], $0x40, s20, s12, $0xb8;
	[tilespmem:$0x1C200] =	vst v63  }
0x287: {  	s3 =	sand.u32 @!p0 $0x1FFFFFC8, s3  }
0x288: {  	s9 =	simm.s32 @!p0 $0x0;
	s18 =	simm.s32 @!p0 $0x13C40;
	s4 =	sadd.s32 @!p0 s5, s3  }
0x289: {  	[tilespmem:s18], [sflag:$0x8] =	stream.linear.gather @!p0 [hbm4b:s4+s9], $0x40, $0x38;
	[tilespmem:$0x1C200] =	vst v63  }
0x28a: {  	s4 =	sadd.s32 @!p0 s6, s3;
	s18 =	simm.s32 @!p0 $0x13E40  }
0x28b: {  	[tilespmem:s18], [sflag:$0x8] =	stream.linear.gather @!p0 [hbm4b:s4+s9], $0x40, $0x38;
	[tilespmem:$0x1C200] =	vst v63  }
0x28c: {  	s21 =	simm.s32 $0x0;
	s3 =	sadd.s32 @!p0 s7, s3;
	s4 =	simm.s32 @!p0 $0x14040  }
0x28d: {  	[tilespmem:s4], [sflag:$0x8] =	stream.linear.gather @!p0 [hbm4b:s3+s9], $0x40, $0x38;
	[tilespmem:$0x1C200] =	vst v63  }
0x28e: {  	v0 =	vmov s21;
	s4 =	simm.s32 $0x1  }
0x28f: {  	v0 =	vand.u32 $0xFFFFFFFE, v0;
	_ =	swait.ge [sflag:s4], $0x1000  }
0x290: {  	v0 =	vbroadcast v0, $0x0;
	[sflag:s4] =	ssyncset.done $0x0  }
0x291: {  	[sflag:s4] =	ssyncadd.s32 $0xFFFFF000  }
0x292: {  	_ =	swait.ge [sflag:s26], $0x2000  }
0x293: {  	[sflag:s26] =	ssyncset.done $0x0  }
0x294: {  	s3 =	simm.s32 $0x14240;
	s9 =	simm.s32 $0x1;
	[sflag:s26] =	ssyncadd.s32 $0xFFFFE000  }
0x295: {  	v1 =	vmov s9;
	v3 =	vld [tilespmem:s3+$0xFFFFFFC0]  }
0x296: {  	v5 =	vld.idx.msk [tilespmem:v0+s25+$0x0], $0xffff;
	_ =	sdelay $0x2  }
0x297: {  	v0 =	vld [tilespmem:s3+$0x0]  }
0x298: {  	v2 =	vld.idx.msk [tilespmem:v1+s25+$0x0], $0xffff;
	v1 =	vunpack.i.l.bf16.f32 v3  }
0x299: {  	v3 =	vunpack.i.u.bf16.f32 v3;
	v1 =	vmul.f32 v1, v5  }
0x29a: {  	s20 =	simm.s32 $0x18280;
	v3 =	vmul.f32 v3, v5  }
0x29b: {  	s18 =	simm.s32 $0x2;
	[tilespmem:s20+$0xFFFFFF80] =	vst v1  }
0x29c: {  	v4 =	vmov s18;
	v1 =	vunpack.i.l.bf16.f32 v0;
	[tilespmem:s20+$0xFFFFFF90] =	vst v3  }
0x29d: {  	v0 =	vunpack.i.u.bf16.f32 v0;
	v3 =	vand.u32 $0xFFFFFFFE, v4;
	v1 =	vmul.f32 v1, v2;
	v4 =	vld [tilespmem:s3+$0xFFFFFFD0]  }
0x29e: {  	v0 =	vmul.f32 v0, v2;
	v3 =	vbroadcast v3, $0x0  }
0x29f: {  	[tilespmem:s20+$0x0] =	vst v1  }
0x2a0: {  	s21 =	simm.s32 $0x3;
	[tilespmem:s20+$0x10] =	vst v0  }
0x2a1: {  	v0 =	vmov s21;
	v6 =	vld [tilespmem:s3+$0x10]  }
0x2a2: {  	s30 =	simm.s32 $0x142C0;
	v1 =	vunpack.i.l.bf16.f32 v4  }
0x2a3: {  	v7 =	vld [tilespmem:s30+$0xFFFFFFC0];
	v4 =	vunpack.i.u.bf16.f32 v4;
	v8 =	vmul.f32 v1, v5  }
0x2a4: {  	v1 =	vld.idx.msk [tilespmem:v3+s25+$0x0], $0xffff;
	v3 =	vmul.f32 v4, v5  }
0x2a5: {  	v4 =	vld [tilespmem:s30+$0x0];
	[tilespmem:s20+$0xFFFFFFA0] =	vst v8  }
0x2a6: {  	v0 =	vld.idx.msk [tilespmem:v0+s25+$0x0], $0xffff;
	v8 =	vunpack.i.l.bf16.f32 v6;
	[tilespmem:s20+$0xFFFFFFB0] =	vst v3  }
0x2a7: {  	v3 =	vunpack.i.u.bf16.f32 v6;
	v6 =	vmul.f32 v8, v2;
	v8 =	vld [tilespmem:s3+$0xFFFFFFE0]  }
0x2a8: {  	v9 =	vunpack.i.l.bf16.f32 v7;
	v3 =	vmul.f32 v3, v2  }
0x2a9: {  	[tilespmem:s20+$0x20] =	vst v6;
	v6 =	vunpack.i.u.bf16.f32 v7;
	v7 =	vmul.f32 v9, v1  }
0x2aa: {  	s9 =	simm.s32 $0x4;
	s21 =	simm.s32 $0x18380;
	[tilespmem:s20+$0x30] =	vst v3;
	v3 =	vmul.f32 v6, v1;
	v6 =	vunpack.i.l.bf16.f32 v4  }
0x2ab: {  	v10 =	vmov s9;
	v4 =	vunpack.i.u.bf16.f32 v4;
	v9 =	vld [tilespmem:s3+$0x20];
	[tilespmem:s21+$0xFFFFFF80] =	vst v7;
	v6 =	vmul.f32 v6, v0  }
0x2ac: {  	v4 =	vmul.f32 v4, v0;
	v7 =	vand.u32 $0xFFFFFFFE, v10;
	[tilespmem:s21+$0xFFFFFF90] =	vst v3;
	v3 =	vunpack.i.l.bf16.f32 v8  }
0x2ad: {  	v7 =	vbroadcast v7, $0x0;
	v10 =	vld [tilespmem:s30+$0xFFFFFFD0];
	[tilespmem:s21+$0x0] =	vst v6;
	v6 =	vunpack.i.u.bf16.f32 v8;
	v3 =	vmul.f32 v3, v5  }
0x2ae: {  	[tilespmem:s21+$0x10] =	vst v4;
	v4 =	vmul.f32 v6, v5  }
0x2af: {  	s18 =	simm.s32 $0x5;
	v6 =	vld [tilespmem:s30+$0x10];
	[tilespmem:s20+$0xFFFFFFC0] =	vst v3  }
0x2b0: {  	v8 =	vmov s18;
	v3 =	vunpack.i.l.bf16.f32 v9;
	[tilespmem:s20+$0xFFFFFFD0] =	vst v4  }
0x2b1: {  	s18 =	simm.s32 $0x14340;
	v4 =	vunpack.i.u.bf16.f32 v9;
	v3 =	vmul.f32 v3, v2;
	v9 =	vld [tilespmem:s3+$0xFFFFFFF0]  }
0x2b2: {  	v11 =	vld [tilespmem:s18+$0xFFFFFFC0];
	v4 =	vmul.f32 v4, v2;
	v12 =	vunpack.i.l.bf16.f32 v10  }
0x2b3: {  	[tilespmem:s20+$0x40] =	vst v3;
	v3 =	vld.idx.msk [tilespmem:v7+s25+$0x0], $0xffff;
	v7 =	vunpack.i.u.bf16.f32 v10;
	v10 =	vmul.f32 v12, v1  }
0x2b4: {  	[tilespmem:s20+$0x50] =	vst v4;
	v12 =	vld [tilespmem:s18+$0x0];
	v7 =	vmul.f32 v7, v1;
	v13 =	vunpack.i.l.bf16.f32 v6  }
0x2b5: {  	v4 =	vld.idx.msk [tilespmem:v8+s25+$0x0], $0xffff;
	v6 =	vunpack.i.u.bf16.f32 v6;
	v8 =	vmul.f32 v13, v0;
	[tilespmem:s21+$0xFFFFFFA0] =	vst v10  }
0x2b6: {  	v6 =	vmul.f32 v6, v0;
	v10 =	vld [tilespmem:s3+$0x30];
	[tilespmem:s21+$0xFFFFFFB0] =	vst v7;
	v7 =	vunpack.i.u.bf16.f32 v9  }
0x2b7: {  	v9 =	vunpack.i.l.bf16.f32 v9;
	v13 =	vld [tilespmem:s30+$0xFFFFFFE0];
	[tilespmem:s21+$0x20] =	vst v8;
	v7 =	vmul.f32 v7, v5  }
0x2b8: {  	s4 =	simm.s32 $0x7;
	[tilespmem:s21+$0x30] =	vst v6;
	v6 =	vunpack.i.u.bf16.f32 v11;
	v8 =	vmul.f32 v9, v5;
	v9 =	vunpack.i.l.bf16.f32 v11  }
0x2b9: {  	v5 =	vmov s4;
	v14 =	vld [tilespmem:s30+$0x20];
	v9 =	vmul.f32 v9, v3;
	v11 =	vunpack.i.u.bf16.f32 v12;
	[tilespmem:s20+$0xFFFFFFF0] =	vst v7  }
0x2ba: {  	s29 =	simm.s32 $0x18480;
	s9 =	simm.s32 $0x6;
	v7 =	vmul.f32 v6, v3;
	v6 =	vunpack.i.l.bf16.f32 v12;
	v11 =	vmul.f32 v11, v4;
	[tilespmem:s20+$0xFFFFFFE0] =	vst v8  }
0x2bb: {  	v8 =	vmov s9;
	[tilespmem:s29+$0xFFFFFF80] =	vst v9;
	v12 =	vmul.f32 v6, v4;
	v6 =	vunpack.i.u.bf16.f32 v10  }
0x2bc: {  	v9 =	vand.u32 $0xFFFFFFFE, v8;
	v8 =	vunpack.i.l.bf16.f32 v10;
	[tilespmem:s29+$0xFFFFFF90] =	vst v7;
	v7 =	vunpack.i.l.bf16.f32 v13  }
0x2bd: {  	v9 =	vbroadcast v9, $0x0;
	[tilespmem:s29+$0x0] =	vst v12;
	v12 =	vunpack.i.u.bf16.f32 v13;
	v10 =	vmul.f32 v7, v1;
	v7 =	vld [tilespmem:s18+$0xFFFFFFD0]  }
0x2be: {  	s3 =	simm.s32 $0x8;
	s9 =	simm.s32 $0x14340;
	[tilespmem:s29+$0x10] =	vst v11;
	v13 =	vunpack.i.l.bf16.f32 v14;
	v11 =	vmul.f32 v12, v1;
	v12 =	vunpack.i.u.bf16.f32 v14  }
.LBB2_11:
0x2bf: {  	p1 =	slt.u32 s3, $0x3E;
	v14 =	vld [tilespmem:s18+$0x10];
	[tilespmem:s21+$0xFFFFFFC0] =	vst v10;
	v10 =	vmul.f32 v13, v0;
	v12 =	vmul.f32 v12, v0  }
0x2c0: {  	v8 =	vmul.f32 v8, v2;
	v6 =	vmul.f32 v6, v2;
	v2 =	vmov v0;
	v5 =	vld.idx.msk [tilespmem:v5+s25+$0x0], $0xffff;
	[tilespmem:s21+$0xFFFFFFD0] =	vst v11  }
0x2c1: {  	s18 =	sadd.s32 $0x80, s18;
	v0 =	vmov v4;
	v11 =	vld [tilespmem:s30+$0xFFFFFFF0];
	[tilespmem:s21+$0x40] =	vst v10  }
0x2c2: {  	v10 =	vld [tilespmem:s18+$0xFFFFFFC0];
	v4 =	vunpack.i.l.bf16.f32 v7;
	[tilespmem:s21+$0x50] =	vst v12  }
0x2c3: {  	v7 =	vunpack.i.u.bf16.f32 v7;
	v9 =	vld.idx.msk [tilespmem:v9+s25+$0x0], $0xffff;
	v15 =	vmul.f32 v4, v3;
	[tilespmem:s20+$0x60] =	vst v8  }
0x2c4: {  	v7 =	vmul.f32 v7, v3;
	v8 =	vld [tilespmem:s18+$0x0];
	v12 =	vunpack.i.u.bf16.f32 v14;
	v13 =	vunpack.i.l.bf16.f32 v14;
	[tilespmem:s20+$0x70] =	vst v6;
	s20 =	smov.u32 s21;
	s21 =	smov.u32 s29  }
0x2c5: {  	[tilespmem:s29+$0xFFFFFFA0] =	vst v15;
	v6 =	vmul.f32 v13, v0;
	v12 =	vmul.f32 v12, v0;
	v13 =	vld [tilespmem:s30+$0x30];
	s30 =	smov.u32 s9;
	s9 =	smov.u32 s18  }
0x2c6: {  	v4 =	vmov v5;
	[tilespmem:s29+$0xFFFFFFB0] =	vst v7;
	v7 =	vunpack.i.u.bf16.f32 v11;
	v11 =	vunpack.i.l.bf16.f32 v11  }
0x2c7: {  	s4 =	sadd.s32 $0x1, s3;
	v14 =	vld [tilespmem:s30+$0xFFFFFFE0];
	[tilespmem:s29+$0x20] =	vst v6;
	v6 =	vmul.f32 v11, v1;
	v7 =	vmul.f32 v7, v1;
	v1 =	vmov v3  }
0x2c8: {  	v5 =	vmov s4;
	v16 =	vunpack.i.l.bf16.f32 v10;
	[tilespmem:s29+$0x30] =	vst v12  }
0x2c9: {  	v10 =	vunpack.i.u.bf16.f32 v10;
	v11 =	vmul.f32 v16, v9;
	v3 =	vmovc v9;
	v12 =	vunpack.i.u.bf16.f32 v8;
	v15 =	vld [tilespmem:s30+$0x20];
	[tilespmem:s20+$0xFFFFFFF0] =	vst v7  }
.Ltmp6:
0x2ca: {  	s29 =	sadd.s32 $0x100, s29;
	v7 =	vmul.f32 v10, v3;
	v8 =	vunpack.i.l.bf16.f32 v8;
	v12 =	vmul.f32 v12, v4;
	[tilespmem:s20+$0xFFFFFFE0] =	vst v6;
	(pc) =	sbr.rel @p1 .LBB2_11-.Ltmp6, $4  }
0x2cb: {  	v9 =	vmov s3;
	v10 =	vmul.f32 v8, v4;
	v6 =	vunpack.i.u.bf16.f32 v13;
	[tilespmem:s29+$0xFFFFFF80] =	vst v11  }
0x2cc: {  	v9 =	vand.u32 $0xFFFFFFFE, v9;
	v8 =	vunpack.i.l.bf16.f32 v13;
	[tilespmem:s29+$0xFFFFFF90] =	vst v7;
	v11 =	vunpack.i.l.bf16.f32 v14  }
0x2cd: {  	v9 =	vbroadcast v9, $0x0;
	v13 =	vunpack.i.u.bf16.f32 v14;
	v7 =	vld [tilespmem:s18+$0xFFFFFFD0];
	[tilespmem:s29+$0x0] =	vst v10;
	v10 =	vmul.f32 v11, v1  }
0x2ce: {  	s3 =	sadd.s32 $0x2, s3;
	v11 =	vmul.f32 v13, v1;
	[tilespmem:s29+$0x10] =	vst v12;
	v12 =	vunpack.i.u.bf16.f32 v15;
	v13 =	vunpack.i.l.bf16.f32 v15  }
0x2cf: {  	_ =	sdelay $0x1  }
0x2d0: {  	s3 =	sadd.s32 $0x80, s18  }
0x2d1: {  	v14 =	vld [tilespmem:s3+$0xFFFFFFC0]  }
0x2d2: {  	v9 =	vld.idx.msk [tilespmem:v9+s25+$0x0], $0xffff  }
0x2d3: {  	v15 =	vld [tilespmem:s3+$0x0]  }
0x2d4: {  	v5 =	vld.idx.msk [tilespmem:v5+s25+$0x0], $0xffff  }
0x2d5: {  	[tilespmem:s21+$0xFFFFFFC0] =	vst v10;
	v10 =	vmul.f32 v13, v0  }
0x2d6: {  	v12 =	vmul.f32 v12, v0;
	[tilespmem:s21+$0xFFFFFFD0] =	vst v11;
	v11 =	vunpack.i.l.bf16.f32 v14  }
0x2d7: {  	[tilespmem:s21+$0x40] =	vst v10;
	v10 =	vunpack.i.u.bf16.f32 v14;
	v11 =	vmul.f32 v11, v9  }
0x2d8: {  	s4 =	sadd.s32 $0x100, s29;
	[tilespmem:s21+$0x50] =	vst v12;
	v12 =	vunpack.i.l.bf16.f32 v15;
	v10 =	vmul.f32 v10, v9  }
0x2d9: {  	v13 =	vld [tilespmem:s18+$0x10];
	v14 =	vunpack.i.u.bf16.f32 v15;
	[tilespmem:s4+$0xFFFFFF80] =	vst v11;
	v11 =	vmul.f32 v12, v5  }
0x2da: {  	v12 =	vmul.f32 v14, v5;
	[tilespmem:s4+$0xFFFFFF90] =	vst v10  }
0x2db: {  	v8 =	vmul.f32 v8, v2;
	v10 =	vld [tilespmem:s3+$0xFFFFFFD0];
	[tilespmem:s4+$0x0] =	vst v11  }
0x2dc: {  	v2 =	vmul.f32 v6, v2;
	v6 =	vunpack.i.l.bf16.f32 v7;
	[tilespmem:s4+$0x10] =	vst v12  }
0x2dd: {  	[tilespmem:s20+$0x60] =	vst v8;
	v7 =	vunpack.i.u.bf16.f32 v7;
	v6 =	vmul.f32 v6, v3;
	v8 =	vld [tilespmem:s3+$0x10]  }
0x2de: {  	[tilespmem:s20+$0x70] =	vst v2;
	v7 =	vmul.f32 v7, v3;
	v11 =	vunpack.i.l.bf16.f32 v13  }
0x2df: {  	v2 =	vld [tilespmem:s30+$0xFFFFFFF0];
	[tilespmem:s29+$0xFFFFFFA0] =	vst v6;
	v12 =	vunpack.i.u.bf16.f32 v13;
	v6 =	vmul.f32 v11, v4  }
0x2e0: {  	[tilespmem:s29+$0xFFFFFFB0] =	vst v7;
	v11 =	vmul.f32 v12, v4;
	v7 =	vunpack.i.l.bf16.f32 v10  }
0x2e1: {  	v12 =	vld [tilespmem:s9+$0xFFFFFFE0];
	[tilespmem:s29+$0x20] =	vst v6;
	v6 =	vunpack.i.u.bf16.f32 v10;
	v7 =	vmul.f32 v7, v9  }
0x2e2: {  	[tilespmem:s29+$0x30] =	vst v11;
	v6 =	vmul.f32 v6, v9;
	v10 =	vunpack.i.l.bf16.f32 v8  }
0x2e3: {  	v11 =	vld [tilespmem:s9+$0x20];
	v8 =	vunpack.i.u.bf16.f32 v8;
	[tilespmem:s4+$0xFFFFFFA0] =	vst v7;
	v7 =	vmul.f32 v10, v5  }
0x2e4: {  	v10 =	vunpack.i.u.bf16.f32 v2;
	v8 =	vmul.f32 v8, v5;
	[tilespmem:s4+$0xFFFFFFB0] =	vst v6  }
0x2e5: {  	v2 =	vunpack.i.l.bf16.f32 v2;
	v6 =	vmul.f32 v10, v1;
	v10 =	vld [tilespmem:s3+$0xFFFFFFE0];
	[tilespmem:s4+$0x20] =	vst v7  }
0x2e6: {  	v1 =	vmul.f32 v2, v1;
	v2 =	vunpack.i.l.bf16.f32 v12;
	[tilespmem:s4+$0x30] =	vst v8  }
0x2e7: {  	v2 =	vmul.f32 v2, v3;
	[tilespmem:s21+$0xFFFFFFF0] =	vst v6;
	v6 =	vunpack.i.u.bf16.f32 v12;
	v7 =	vld [tilespmem:s3+$0x20]  }
0x2e8: {  	[tilespmem:s21+$0xFFFFFFE0] =	vst v1;
	v1 =	vmul.f32 v6, v3;
	v6 =	vunpack.i.l.bf16.f32 v11  }
0x2e9: {  	v8 =	vld [tilespmem:s30+$0x30];
	v11 =	vunpack.i.u.bf16.f32 v11;
	[tilespmem:s29+$0xFFFFFFC0] =	vst v2;
	v2 =	vmul.f32 v6, v4  }
0x2ea: {  	v6 =	vmul.f32 v11, v4;
	[tilespmem:s29+$0xFFFFFFD0] =	vst v1;
	v1 =	vunpack.i.l.bf16.f32 v10  }
0x2eb: {  	v11 =	vld [tilespmem:s9+$0xFFFFFFF0];
	[tilespmem:s29+$0x40] =	vst v2;
	v2 =	vunpack.i.u.bf16.f32 v10;
	v1 =	vmul.f32 v1, v9  }
0x2ec: {  	[tilespmem:s29+$0x50] =	vst v6;
	v2 =	vmul.f32 v2, v9;
	v6 =	vunpack.i.l.bf16.f32 v7  }
0x2ed: {  	v10 =	vld [tilespmem:s9+$0x30];
	v7 =	vunpack.i.u.bf16.f32 v7;
	[tilespmem:s4+$0xFFFFFFC0] =	vst v1;
	v1 =	vmul.f32 v6, v5  }
0x2ee: {  	v6 =	vunpack.i.l.bf16.f32 v8;
	v7 =	vmul.f32 v7, v5;
	[tilespmem:s4+$0xFFFFFFD0] =	vst v2  }
0x2ef: {  	v2 =	vunpack.i.u.bf16.f32 v8;
	v6 =	vmul.f32 v6, v0;
	v8 =	vld [tilespmem:s3+$0xFFFFFFF0];
	[tilespmem:s4+$0x40] =	vst v1  }
0x2f0: {  	v0 =	vmul.f32 v2, v0;
	[tilespmem:s4+$0x50] =	vst v7;
	v1 =	vunpack.i.u.bf16.f32 v11  }
0x2f1: {  	[tilespmem:s21+$0x60] =	vst v6;
	v2 =	vunpack.i.l.bf16.f32 v11;
	v6 =	vld [tilespmem:s3+$0x30];
	v1 =	vmul.f32 v1, v3  }
0x2f2: {  	[tilespmem:s21+$0x70] =	vst v0;
	v0 =	vmul.f32 v2, v3;
	v2 =	vunpack.i.l.bf16.f32 v10  }
0x2f3: {  	v2 =	vmul.f32 v2, v4;
	[tilespmem:s29+$0xFFFFFFF0] =	vst v1;
	v1 =	vunpack.i.u.bf16.f32 v10  }
0x2f4: {  	[tilespmem:s29+$0xFFFFFFE0] =	vst v0;
	v0 =	vmul.f32 v1, v4;
	v1 =	vunpack.i.u.bf16.f32 v8  }
0x2f5: {  	[tilespmem:s29+$0x60] =	vst v2;
	v2 =	vunpack.i.l.bf16.f32 v8;
	v1 =	vmul.f32 v1, v9  }
0x2f6: {  	[tilespmem:s29+$0x70] =	vst v0;
	v0 =	vmul.f32 v2, v9;
	v2 =	vunpack.i.l.bf16.f32 v6  }
0x2f7: {  	[tilespmem:s4+$0xFFFFFFF0] =	vst v1;
	v1 =	vunpack.i.u.bf16.f32 v6;
	v2 =	vmul.f32 v2, v5  }
0x2f8: {  	[tilespmem:s4+$0xFFFFFFE0] =	vst v0;
	v0 =	vmul.f32 v1, v5  }
0x2f9: {  	[tilespmem:s4+$0x60] =	vst v2  }
0x2fa: {  	s20 =	simm.s32 $0x13F00;
	s21 =	simm.s32 $0x18200;
	[tilespmem:s4+$0x70] =	vst v0  }
0x2fb: {  	[spmem:s1] =	stream.indirect.scatter.add.f32 [tilespmem:s21], [sflag:$0x5], $0x80, s20, s12, $0xb8;
	[tilespmem:$0x1C200] =	vst v63  }
0x2fc: {  	_ =	swait.ge [sflag:s15], $0x40  }
0x2fd: {  	[sflag:s15] =	ssyncset.done $0x0  }
0x2fe: {  	[sflag:s15] =	ssyncadd.s32 $0xFFFFFFC0  }
0x2ff: {  	_ =	swait.ge [sflag:s15], $0x40  }
0x300: {  	[sflag:s15] =	ssyncset.done $0x0  }
0x301: {  	[sflag:s15] =	ssyncadd.s32 $0xFFFFFFC0  }
0x302: {  	_ =	swait.ge [sflag:s15], $0x40  }
0x303: {  	[sflag:s15] =	ssyncset.done $0x0;
	s3 =	rddreg [dreg:$0x1c]  }
0x304: {  	s18 =	simm.s32 $0x17200;
	[sflag:s15] =	ssyncadd.s32 $0xFFFFFFC0;
	s3 =	sadd.s32 @!p0 s2, s3  }
0x305: {  	s20 =	simm.s32 $0x13DC0;
	s9 =	rddreg [dreg:$0x0];
	s3 =	sshll.u32 @!p0 s3, $0x3  }
0x306: {  	[tilespmem:s18], [sflag:$0x4] =	stream.indirect.gather [hbm4b:s9+s12], $0x40, s20, s12, $0xb8;
	[tilespmem:$0x1C200] =	vst v63  }
0x307: {  	s3 =	sand.u32 @!p0 $0x1FFFFFD0, s3  }
0x308: {  	s9 =	simm.s32 @!p0 $0x0;
	s18 =	simm.s32 @!p0 $0x13C80;
	s4 =	sadd.s32 @!p0 s5, s3  }
0x309: {  	[tilespmem:s18], [sflag:$0x9] =	stream.linear.gather @!p0 [hbm4b:s4+s9], $0x40, $0x38;
	[tilespmem:$0x1C200] =	vst v63  }
0x30a: {  	s4 =	sadd.s32 @!p0 s6, s3;
	s18 =	simm.s32 @!p0 $0x13E80  }
0x30b: {  	[tilespmem:s18], [sflag:$0x9] =	stream.linear.gather @!p0 [hbm4b:s4+s9], $0x40, $0x38;
	[tilespmem:$0x1C200] =	vst v63  }
0x30c: {  	s21 =	simm.s32 $0x0;
	s3 =	sadd.s32 @!p0 s7, s3;
	s4 =	simm.s32 @!p0 $0x14080  }
0x30d: {  	[tilespmem:s4], [sflag:$0x9] =	stream.linear.gather @!p0 [hbm4b:s3+s9], $0x40, $0x38;
	[tilespmem:$0x1C200] =	vst v63  }
0x30e: {  	v0 =	vmov s21;
	s4 =	simm.s32 $0x2  }
0x30f: {  	v0 =	vand.u32 $0xFFFFFFFE, v0;
	_ =	swait.ge [sflag:s4], $0x1000  }
0x310: {  	v0 =	vbroadcast v0, $0x0;
	[sflag:s4] =	ssyncset.done $0x0  }
0x311: {  	[sflag:s4] =	ssyncadd.s32 $0xFFFFF000  }
0x312: {  	_ =	swait.ge [sflag:s24], $0x2000  }
0x313: {  	[sflag:s24] =	ssyncset.done $0x0  }
0x314: {  	s3 =	simm.s32 $0x15240;
	s9 =	simm.s32 $0x1;
	[sflag:s24] =	ssyncadd.s32 $0xFFFFE000  }
0x315: {  	v1 =	vmov s9;
	v3 =	vld [tilespmem:s3+$0xFFFFFFC0]  }
0x316: {  	v5 =	vld.idx.msk [tilespmem:v0+s11+$0x0], $0xffff;
	_ =	sdelay $0x2  }
0x317: {  	v0 =	vld [tilespmem:s3+$0x0]  }
0x318: {  	v2 =	vld.idx.msk [tilespmem:v1+s11+$0x0], $0xffff;
	v1 =	vunpack.i.l.bf16.f32 v3  }
0x319: {  	v3 =	vunpack.i.u.bf16.f32 v3;
	v1 =	vmul.f32 v1, v5  }
0x31a: {  	s20 =	simm.s32 $0x1A280;
	v3 =	vmul.f32 v3, v5  }
0x31b: {  	s18 =	simm.s32 $0x2;
	[tilespmem:s20+$0xFFFFFF80] =	vst v1  }
0x31c: {  	v4 =	vmov s18;
	v1 =	vunpack.i.l.bf16.f32 v0;
	[tilespmem:s20+$0xFFFFFF90] =	vst v3  }
0x31d: {  	v0 =	vunpack.i.u.bf16.f32 v0;
	v3 =	vand.u32 $0xFFFFFFFE, v4;
	v1 =	vmul.f32 v1, v2;
	v4 =	vld [tilespmem:s3+$0xFFFFFFD0]  }
0x31e: {  	v0 =	vmul.f32 v0, v2;
	v3 =	vbroadcast v3, $0x0  }
0x31f: {  	[tilespmem:s20+$0x0] =	vst v1  }
0x320: {  	s21 =	simm.s32 $0x3;
	[tilespmem:s20+$0x10] =	vst v0  }
0x321: {  	v0 =	vmov s21;
	v6 =	vld [tilespmem:s3+$0x10]  }
0x322: {  	s30 =	simm.s32 $0x152C0;
	v1 =	vunpack.i.l.bf16.f32 v4  }
0x323: {  	v7 =	vld [tilespmem:s30+$0xFFFFFFC0];
	v4 =	vunpack.i.u.bf16.f32 v4;
	v8 =	vmul.f32 v1, v5  }
0x324: {  	v1 =	vld.idx.msk [tilespmem:v3+s11+$0x0], $0xffff;
	v3 =	vmul.f32 v4, v5  }
0x325: {  	v4 =	vld [tilespmem:s30+$0x0];
	[tilespmem:s20+$0xFFFFFFA0] =	vst v8  }
0x326: {  	v0 =	vld.idx.msk [tilespmem:v0+s11+$0x0], $0xffff;
	v8 =	vunpack.i.l.bf16.f32 v6;
	[tilespmem:s20+$0xFFFFFFB0] =	vst v3  }
0x327: {  	v3 =	vunpack.i.u.bf16.f32 v6;
	v6 =	vmul.f32 v8, v2;
	v8 =	vld [tilespmem:s3+$0xFFFFFFE0]  }
0x328: {  	v9 =	vunpack.i.l.bf16.f32 v7;
	v3 =	vmul.f32 v3, v2  }
0x329: {  	[tilespmem:s20+$0x20] =	vst v6;
	v6 =	vunpack.i.u.bf16.f32 v7;
	v7 =	vmul.f32 v9, v1  }
0x32a: {  	s9 =	simm.s32 $0x4;
	s21 =	simm.s32 $0x1A380;
	[tilespmem:s20+$0x30] =	vst v3;
	v3 =	vmul.f32 v6, v1;
	v6 =	vunpack.i.l.bf16.f32 v4  }
0x32b: {  	v10 =	vmov s9;
	v4 =	vunpack.i.u.bf16.f32 v4;
	v9 =	vld [tilespmem:s3+$0x20];
	[tilespmem:s21+$0xFFFFFF80] =	vst v7;
	v6 =	vmul.f32 v6, v0  }
0x32c: {  	v4 =	vmul.f32 v4, v0;
	v7 =	vand.u32 $0xFFFFFFFE, v10;
	[tilespmem:s21+$0xFFFFFF90] =	vst v3;
	v3 =	vunpack.i.l.bf16.f32 v8  }
0x32d: {  	v7 =	vbroadcast v7, $0x0;
	v10 =	vld [tilespmem:s30+$0xFFFFFFD0];
	[tilespmem:s21+$0x0] =	vst v6;
	v6 =	vunpack.i.u.bf16.f32 v8;
	v3 =	vmul.f32 v3, v5  }
0x32e: {  	[tilespmem:s21+$0x10] =	vst v4;
	v4 =	vmul.f32 v6, v5  }
0x32f: {  	s18 =	simm.s32 $0x5;
	v6 =	vld [tilespmem:s30+$0x10];
	[tilespmem:s20+$0xFFFFFFC0] =	vst v3  }
0x330: {  	v8 =	vmov s18;
	v3 =	vunpack.i.l.bf16.f32 v9;
	[tilespmem:s20+$0xFFFFFFD0] =	vst v4  }
0x331: {  	s18 =	simm.s32 $0x15340;
	v4 =	vunpack.i.u.bf16.f32 v9;
	v3 =	vmul.f32 v3, v2;
	v9 =	vld [tilespmem:s3+$0xFFFFFFF0]  }
0x332: {  	v11 =	vld [tilespmem:s18+$0xFFFFFFC0];
	v4 =	vmul.f32 v4, v2;
	v12 =	vunpack.i.l.bf16.f32 v10  }
0x333: {  	[tilespmem:s20+$0x40] =	vst v3;
	v3 =	vld.idx.msk [tilespmem:v7+s11+$0x0], $0xffff;
	v7 =	vunpack.i.u.bf16.f32 v10;
	v10 =	vmul.f32 v12, v1  }
0x334: {  	[tilespmem:s20+$0x50] =	vst v4;
	v12 =	vld [tilespmem:s18+$0x0];
	v7 =	vmul.f32 v7, v1;
	v13 =	vunpack.i.l.bf16.f32 v6  }
0x335: {  	v4 =	vld.idx.msk [tilespmem:v8+s11+$0x0], $0xffff;
	v6 =	vunpack.i.u.bf16.f32 v6;
	v8 =	vmul.f32 v13, v0;
	[tilespmem:s21+$0xFFFFFFA0] =	vst v10  }
0x336: {  	v6 =	vmul.f32 v6, v0;
	v10 =	vld [tilespmem:s3+$0x30];
	[tilespmem:s21+$0xFFFFFFB0] =	vst v7;
	v7 =	vunpack.i.u.bf16.f32 v9  }
0x337: {  	v9 =	vunpack.i.l.bf16.f32 v9;
	v13 =	vld [tilespmem:s30+$0xFFFFFFE0];
	[tilespmem:s21+$0x20] =	vst v8;
	v7 =	vmul.f32 v7, v5  }
0x338: {  	s4 =	simm.s32 $0x7;
	[tilespmem:s21+$0x30] =	vst v6;
	v6 =	vunpack.i.u.bf16.f32 v11;
	v8 =	vmul.f32 v9, v5;
	v9 =	vunpack.i.l.bf16.f32 v11  }
0x339: {  	v5 =	vmov s4;
	v14 =	vld [tilespmem:s30+$0x20];
	v9 =	vmul.f32 v9, v3;
	v11 =	vunpack.i.u.bf16.f32 v12;
	[tilespmem:s20+$0xFFFFFFF0] =	vst v7  }
0x33a: {  	s29 =	simm.s32 $0x1A480;
	s9 =	simm.s32 $0x6;
	v7 =	vmul.f32 v6, v3;
	v6 =	vunpack.i.l.bf16.f32 v12;
	v11 =	vmul.f32 v11, v4;
	[tilespmem:s20+$0xFFFFFFE0] =	vst v8  }
0x33b: {  	v8 =	vmov s9;
	[tilespmem:s29+$0xFFFFFF80] =	vst v9;
	v12 =	vmul.f32 v6, v4;
	v6 =	vunpack.i.u.bf16.f32 v10  }
0x33c: {  	v9 =	vand.u32 $0xFFFFFFFE, v8;
	v8 =	vunpack.i.l.bf16.f32 v10;
	[tilespmem:s29+$0xFFFFFF90] =	vst v7;
	v7 =	vunpack.i.l.bf16.f32 v13  }
0x33d: {  	v9 =	vbroadcast v9, $0x0;
	[tilespmem:s29+$0x0] =	vst v12;
	v12 =	vunpack.i.u.bf16.f32 v13;
	v10 =	vmul.f32 v7, v1;
	v7 =	vld [tilespmem:s18+$0xFFFFFFD0]  }
0x33e: {  	s3 =	simm.s32 $0x8;
	s9 =	simm.s32 $0x15340;
	[tilespmem:s29+$0x10] =	vst v11;
	v13 =	vunpack.i.l.bf16.f32 v14;
	v11 =	vmul.f32 v12, v1;
	v12 =	vunpack.i.u.bf16.f32 v14  }
.LBB2_13:
0x33f: {  	p1 =	slt.u32 s3, $0x3E;
	v14 =	vld [tilespmem:s18+$0x10];
	[tilespmem:s21+$0xFFFFFFC0] =	vst v10;
	v10 =	vmul.f32 v13, v0;
	v12 =	vmul.f32 v12, v0  }
0x340: {  	v8 =	vmul.f32 v8, v2;
	v6 =	vmul.f32 v6, v2;
	v2 =	vmov v0;
	v5 =	vld.idx.msk [tilespmem:v5+s11+$0x0], $0xffff;
	[tilespmem:s21+$0xFFFFFFD0] =	vst v11  }
0x341: {  	s18 =	sadd.s32 $0x80, s18;
	v0 =	vmov v4;
	v11 =	vld [tilespmem:s30+$0xFFFFFFF0];
	[tilespmem:s21+$0x40] =	vst v10  }
0x342: {  	v10 =	vld [tilespmem:s18+$0xFFFFFFC0];
	v4 =	vunpack.i.l.bf16.f32 v7;
	[tilespmem:s21+$0x50] =	vst v12  }
0x343: {  	v7 =	vunpack.i.u.bf16.f32 v7;
	v9 =	vld.idx.msk [tilespmem:v9+s11+$0x0], $0xffff;
	v15 =	vmul.f32 v4, v3;
	[tilespmem:s20+$0x60] =	vst v8  }
0x344: {  	v7 =	vmul.f32 v7, v3;
	v8 =	vld [tilespmem:s18+$0x0];
	v12 =	vunpack.i.u.bf16.f32 v14;
	v13 =	vunpack.i.l.bf16.f32 v14;
	[tilespmem:s20+$0x70] =	vst v6;
	s20 =	smov.u32 s21;
	s21 =	smov.u32 s29  }
0x345: {  	[tilespmem:s29+$0xFFFFFFA0] =	vst v15;
	v6 =	vmul.f32 v13, v0;
	v12 =	vmul.f32 v12, v0;
	v13 =	vld [tilespmem:s30+$0x30];
	s30 =	smov.u32 s9;
	s9 =	smov.u32 s18  }
0x346: {  	v4 =	vmov v5;
	[tilespmem:s29+$0xFFFFFFB0] =	vst v7;
	v7 =	vunpack.i.u.bf16.f32 v11;
	v11 =	vunpack.i.l.bf16.f32 v11  }
0x347: {  	s4 =	sadd.s32 $0x1, s3;
	v14 =	vld [tilespmem:s30+$0xFFFFFFE0];
	[tilespmem:s29+$0x20] =	vst v6;
	v6 =	vmul.f32 v11, v1;
	v7 =	vmul.f32 v7, v1;
	v1 =	vmov v3  }
0x348: {  	v5 =	vmov s4;
	v16 =	vunpack.i.l.bf16.f32 v10;
	[tilespmem:s29+$0x30] =	vst v12  }
0x349: {  	v10 =	vunpack.i.u.bf16.f32 v10;
	v11 =	vmul.f32 v16, v9;
	v3 =	vmovc v9;
	v12 =	vunpack.i.u.bf16.f32 v8;
	v15 =	vld [tilespmem:s30+$0x20];
	[tilespmem:s20+$0xFFFFFFF0] =	vst v7  }
.Ltmp7:
0x34a: {  	s29 =	sadd.s32 $0x100, s29;
	v7 =	vmul.f32 v10, v3;
	v8 =	vunpack.i.l.bf16.f32 v8;
	v12 =	vmul.f32 v12, v4;
	[tilespmem:s20+$0xFFFFFFE0] =	vst v6;
	(pc) =	sbr.rel @p1 .LBB2_13-.Ltmp7, $4  }
0x34b: {  	v9 =	vmov s3;
	v10 =	vmul.f32 v8, v4;
	v6 =	vunpack.i.u.bf16.f32 v13;
	[tilespmem:s29+$0xFFFFFF80] =	vst v11  }
0x34c: {  	v9 =	vand.u32 $0xFFFFFFFE, v9;
	v8 =	vunpack.i.l.bf16.f32 v13;
	[tilespmem:s29+$0xFFFFFF90] =	vst v7;
	v11 =	vunpack.i.l.bf16.f32 v14  }
0x34d: {  	v9 =	vbroadcast v9, $0x0;
	v13 =	vunpack.i.u.bf16.f32 v14;
	v7 =	vld [tilespmem:s18+$0xFFFFFFD0];
	[tilespmem:s29+$0x0] =	vst v10;
	v10 =	vmul.f32 v11, v1  }
0x34e: {  	s3 =	sadd.s32 $0x2, s3;
	v11 =	vmul.f32 v13, v1;
	[tilespmem:s29+$0x10] =	vst v12;
	v12 =	vunpack.i.u.bf16.f32 v15;
	v13 =	vunpack.i.l.bf16.f32 v15  }
0x34f: {  	_ =	sdelay $0x1  }
0x350: {  	s3 =	sadd.s32 $0x80, s18  }
0x351: {  	v14 =	vld [tilespmem:s3+$0xFFFFFFC0]  }
0x352: {  	v9 =	vld.idx.msk [tilespmem:v9+s11+$0x0], $0xffff  }
0x353: {  	v15 =	vld [tilespmem:s3+$0x0]  }
0x354: {  	v5 =	vld.idx.msk [tilespmem:v5+s11+$0x0], $0xffff  }
0x355: {  	[tilespmem:s21+$0xFFFFFFC0] =	vst v10;
	v10 =	vmul.f32 v13, v0  }
0x356: {  	v12 =	vmul.f32 v12, v0;
	[tilespmem:s21+$0xFFFFFFD0] =	vst v11;
	v11 =	vunpack.i.l.bf16.f32 v14  }
0x357: {  	[tilespmem:s21+$0x40] =	vst v10;
	v10 =	vunpack.i.u.bf16.f32 v14;
	v11 =	vmul.f32 v11, v9  }
0x358: {  	s4 =	sadd.s32 $0x100, s29;
	[tilespmem:s21+$0x50] =	vst v12;
	v12 =	vunpack.i.l.bf16.f32 v15;
	v10 =	vmul.f32 v10, v9  }
0x359: {  	v13 =	vld [tilespmem:s18+$0x10];
	v14 =	vunpack.i.u.bf16.f32 v15;
	[tilespmem:s4+$0xFFFFFF80] =	vst v11;
	v11 =	vmul.f32 v12, v5  }
0x35a: {  	v12 =	vmul.f32 v14, v5;
	[tilespmem:s4+$0xFFFFFF90] =	vst v10  }
0x35b: {  	v8 =	vmul.f32 v8, v2;
	v10 =	vld [tilespmem:s3+$0xFFFFFFD0];
	[tilespmem:s4+$0x0] =	vst v11  }
0x35c: {  	v2 =	vmul.f32 v6, v2;
	v6 =	vunpack.i.l.bf16.f32 v7;
	[tilespmem:s4+$0x10] =	vst v12  }
0x35d: {  	[tilespmem:s20+$0x60] =	vst v8;
	v7 =	vunpack.i.u.bf16.f32 v7;
	v6 =	vmul.f32 v6, v3;
	v8 =	vld [tilespmem:s3+$0x10]  }
0x35e: {  	[tilespmem:s20+$0x70] =	vst v2;
	v7 =	vmul.f32 v7, v3;
	v11 =	vunpack.i.l.bf16.f32 v13  }
0x35f: {  	v2 =	vld [tilespmem:s30+$0xFFFFFFF0];
	[tilespmem:s29+$0xFFFFFFA0] =	vst v6;
	v12 =	vunpack.i.u.bf16.f32 v13;
	v6 =	vmul.f32 v11, v4  }
0x360: {  	[tilespmem:s29+$0xFFFFFFB0] =	vst v7;
	v11 =	vmul.f32 v12, v4;
	v7 =	vunpack.i.l.bf16.f32 v10  }
0x361: {  	v12 =	vld [tilespmem:s9+$0xFFFFFFE0];
	[tilespmem:s29+$0x20] =	vst v6;
	v6 =	vunpack.i.u.bf16.f32 v10;
	v7 =	vmul.f32 v7, v9  }
0x362: {  	[tilespmem:s29+$0x30] =	vst v11;
	v6 =	vmul.f32 v6, v9;
	v10 =	vunpack.i.l.bf16.f32 v8  }
0x363: {  	v11 =	vld [tilespmem:s9+$0x20];
	v8 =	vunpack.i.u.bf16.f32 v8;
	[tilespmem:s4+$0xFFFFFFA0] =	vst v7;
	v7 =	vmul.f32 v10, v5  }
0x364: {  	v10 =	vunpack.i.u.bf16.f32 v2;
	v8 =	vmul.f32 v8, v5;
	[tilespmem:s4+$0xFFFFFFB0] =	vst v6  }
0x365: {  	v2 =	vunpack.i.l.bf16.f32 v2;
	v6 =	vmul.f32 v10, v1;
	v10 =	vld [tilespmem:s3+$0xFFFFFFE0];
	[tilespmem:s4+$0x20] =	vst v7  }
0x366: {  	v1 =	vmul.f32 v2, v1;
	v2 =	vunpack.i.l.bf16.f32 v12;
	[tilespmem:s4+$0x30] =	vst v8  }
0x367: {  	v2 =	vmul.f32 v2, v3;
	[tilespmem:s21+$0xFFFFFFF0] =	vst v6;
	v6 =	vunpack.i.u.bf16.f32 v12;
	v7 =	vld [tilespmem:s3+$0x20]  }
0x368: {  	[tilespmem:s21+$0xFFFFFFE0] =	vst v1;
	v1 =	vmul.f32 v6, v3;
	v6 =	vunpack.i.l.bf16.f32 v11  }
0x369: {  	v8 =	vld [tilespmem:s30+$0x30];
	v11 =	vunpack.i.u.bf16.f32 v11;
	[tilespmem:s29+$0xFFFFFFC0] =	vst v2;
	v2 =	vmul.f32 v6, v4  }
0x36a: {  	v6 =	vmul.f32 v11, v4;
	[tilespmem:s29+$0xFFFFFFD0] =	vst v1;
	v1 =	vunpack.i.l.bf16.f32 v10  }
0x36b: {  	v11 =	vld [tilespmem:s9+$0xFFFFFFF0];
	[tilespmem:s29+$0x40] =	vst v2;
	v2 =	vunpack.i.u.bf16.f32 v10;
	v1 =	vmul.f32 v1, v9  }
0x36c: {  	[tilespmem:s29+$0x50] =	vst v6;
	v2 =	vmul.f32 v2, v9;
	v6 =	vunpack.i.l.bf16.f32 v7  }
0x36d: {  	v10 =	vld [tilespmem:s9+$0x30];
	v7 =	vunpack.i.u.bf16.f32 v7;
	[tilespmem:s4+$0xFFFFFFC0] =	vst v1;
	v1 =	vmul.f32 v6, v5  }
0x36e: {  	v6 =	vunpack.i.l.bf16.f32 v8;
	v7 =	vmul.f32 v7, v5;
	[tilespmem:s4+$0xFFFFFFD0] =	vst v2  }
0x36f: {  	v2 =	vunpack.i.u.bf16.f32 v8;
	v6 =	vmul.f32 v6, v0;
	v8 =	vld [tilespmem:s3+$0xFFFFFFF0];
	[tilespmem:s4+$0x40] =	vst v1  }
0x370: {  	v0 =	vmul.f32 v2, v0;
	[tilespmem:s4+$0x50] =	vst v7;
	v1 =	vunpack.i.u.bf16.f32 v11  }
0x371: {  	[tilespmem:s21+$0x60] =	vst v6;
	v2 =	vunpack.i.l.bf16.f32 v11;
	v6 =	vld [tilespmem:s3+$0x30];
	v1 =	vmul.f32 v1, v3  }
0x372: {  	[tilespmem:s21+$0x70] =	vst v0;
	v0 =	vmul.f32 v2, v3;
	v2 =	vunpack.i.l.bf16.f32 v10  }
0x373: {  	v2 =	vmul.f32 v2, v4;
	[tilespmem:s29+$0xFFFFFFF0] =	vst v1;
	v1 =	vunpack.i.u.bf16.f32 v10  }
0x374: {  	[tilespmem:s29+$0xFFFFFFE0] =	vst v0;
	v0 =	vmul.f32 v1, v4;
	v1 =	vunpack.i.u.bf16.f32 v8  }
0x375: {  	[tilespmem:s29+$0x60] =	vst v2;
	v2 =	vunpack.i.l.bf16.f32 v8;
	v1 =	vmul.f32 v1, v9  }
0x376: {  	[tilespmem:s29+$0x70] =	vst v0;
	v0 =	vmul.f32 v2, v9;
	v2 =	vunpack.i.l.bf16.f32 v6  }
0x377: {  	[tilespmem:s4+$0xFFFFFFF0] =	vst v1;
	v1 =	vunpack.i.u.bf16.f32 v6;
	v2 =	vmul.f32 v2, v5  }
0x378: {  	[tilespmem:s4+$0xFFFFFFE0] =	vst v0;
	v0 =	vmul.f32 v1, v5  }
0x379: {  	[tilespmem:s4+$0x60] =	vst v2  }
0x37a: {  	s18 =	simm.s32 $0x13F40;
	s20 =	simm.s32 $0x1A200;
	s3 =	simm.s32 @!p0 $0x7;
	[tilespmem:s4+$0x70] =	vst v0  }
0x37b: {  	[spmem:s1] =	stream.indirect.scatter.add.f32 [tilespmem:s20], [sflag:$0x6], $0x80, s18, s12, $0xb8;
	[tilespmem:$0x1C200] =	vst v63  }
0x37c: {  	_ =	swait.ge @!p0 [sflag:s3], $0x40  }
0x37d: {  	[sflag:s3] =	ssyncset.done @!p0 $0x0  }
0x37e: {  	[sflag:s3] =	ssyncadd.s32 @!p0 $0xFFFFFFC0  }
0x37f: {  	_ =	swait.ge @!p0 [sflag:s3], $0x40  }
0x380: {  	[sflag:s3] =	ssyncset.done @!p0 $0x0  }
0x381: {  	[sflag:s3] =	ssyncadd.s32 @!p0 $0xFFFFFFC0  }
0x382: {  	_ =	swait.ge @!p0 [sflag:s3], $0x40  }
0x383: {  	[sflag:s3] =	ssyncset.done @!p0 $0x0  }
0x384: {  	s9 =	simm.s32 @!p0 $0x14200;
	[sflag:s3] =	ssyncadd.s32 @!p0 $0xFFFFFFC0  }
0x385: {  	s4 =	simm.s32 @!p0 $0x13C00;
	s3 =	simm.s32 @!p0 $0x40;
	s18 =	rddreg [dreg:$0x0]  }
0x386: {  	[tilespmem:s9], [sflag:$0x1] =	stream.indirect.gather @!p0 [hbm4b:s18+s3], $0x40, s4, s3, $0xb8;
	[tilespmem:$0x1C200] =	vst v63  }
0x387: {  	s3 =	rddreg [dreg:$0x1d]  }
0x388: {  	s3 =	sadd.s32 @!p0 s2, s3  }
0x389: {  	s3 =	sshll.u32 @!p0 s3, $0x3  }
0x38a: {  	s3 =	sand.u32 @!p0 $0x1FFFFFD8, s3  }
0x38b: {  	s9 =	simm.s32 @!p0 $0x0;
	s18 =	simm.s32 @!p0 $0x13CC0;
	s4 =	sadd.s32 @!p0 s5, s3  }
0x38c: {  	[tilespmem:s18], [sflag:$0xA] =	stream.linear.gather @!p0 [hbm4b:s4+s9], $0x40, $0x38;
	[tilespmem:$0x1C200] =	vst v63  }
0x38d: {  	s4 =	sadd.s32 @!p0 s6, s3;
	s18 =	simm.s32 @!p0 $0x13EC0  }
0x38e: {  	[tilespmem:s18], [sflag:$0xA] =	stream.linear.gather @!p0 [hbm4b:s4+s9], $0x40, $0x38;
	[tilespmem:$0x1C200] =	vst v63  }
0x38f: {  	s21 =	simm.s32 $0x0;
	s3 =	sadd.s32 @!p0 s7, s3;
	s4 =	simm.s32 @!p0 $0x140C0  }
0x390: {  	[tilespmem:s4], [sflag:$0xA] =	stream.linear.gather @!p0 [hbm4b:s3+s9], $0x40, $0x38;
	[tilespmem:$0x1C200] =	vst v63  }
0x391: {  	v0 =	vmov s21;
	s4 =	simm.s32 $0x3  }
0x392: {  	v0 =	vand.u32 $0xFFFFFFFE, v0;
	_ =	swait.ge [sflag:s4], $0x1000  }
0x393: {  	v0 =	vbroadcast v0, $0x0;
	[sflag:s4] =	ssyncset.done $0x0  }
0x394: {  	[sflag:s4] =	ssyncadd.s32 $0xFFFFF000  }
0x395: {  	_ =	swait.ge [sflag:s26], $0x2000  }
0x396: {  	[sflag:s26] =	ssyncset.done $0x0  }
0x397: {  	s3 =	simm.s32 $0x16240;
	s9 =	simm.s32 $0x1;
	[sflag:s26] =	ssyncadd.s32 $0xFFFFE000  }
0x398: {  	v1 =	vmov s9;
	v3 =	vld [tilespmem:s3+$0xFFFFFFC0]  }
0x399: {  	v5 =	vld.idx.msk [tilespmem:v0+s10+$0x0], $0xffff;
	_ =	sdelay $0x2  }
0x39a: {  	v0 =	vld [tilespmem:s3+$0x0]  }
0x39b: {  	v2 =	vld.idx.msk [tilespmem:v1+s10+$0x0], $0xffff;
	v1 =	vunpack.i.l.bf16.f32 v3  }
0x39c: {  	v3 =	vunpack.i.u.bf16.f32 v3;
	v1 =	vmul.f32 v1, v5  }
0x39d: {  	s20 =	simm.s32 $0x18280;
	v3 =	vmul.f32 v3, v5  }
0x39e: {  	s18 =	simm.s32 $0x2;
	[tilespmem:s20+$0xFFFFFF80] =	vst v1  }
0x39f: {  	v4 =	vmov s18;
	v1 =	vunpack.i.l.bf16.f32 v0;
	[tilespmem:s20+$0xFFFFFF90] =	vst v3  }
0x3a0: {  	v0 =	vunpack.i.u.bf16.f32 v0;
	v3 =	vand.u32 $0xFFFFFFFE, v4;
	v1 =	vmul.f32 v1, v2;
	v4 =	vld [tilespmem:s3+$0xFFFFFFD0]  }
0x3a1: {  	v0 =	vmul.f32 v0, v2;
	v3 =	vbroadcast v3, $0x0  }
0x3a2: {  	[tilespmem:s20+$0x0] =	vst v1  }
0x3a3: {  	s21 =	simm.s32 $0x3;
	[tilespmem:s20+$0x10] =	vst v0  }
0x3a4: {  	v0 =	vmov s21;
	v6 =	vld [tilespmem:s3+$0x10]  }
0x3a5: {  	s30 =	simm.s32 $0x162C0;
	v1 =	vunpack.i.l.bf16.f32 v4  }
0x3a6: {  	v7 =	vld [tilespmem:s30+$0xFFFFFFC0];
	v4 =	vunpack.i.u.bf16.f32 v4;
	v8 =	vmul.f32 v1, v5  }
0x3a7: {  	v1 =	vld.idx.msk [tilespmem:v3+s10+$0x0], $0xffff;
	v3 =	vmul.f32 v4, v5  }
0x3a8: {  	v4 =	vld [tilespmem:s30+$0x0];
	[tilespmem:s20+$0xFFFFFFA0] =	vst v8  }
0x3a9: {  	v0 =	vld.idx.msk [tilespmem:v0+s10+$0x0], $0xffff;
	v8 =	vunpack.i.l.bf16.f32 v6;
	[tilespmem:s20+$0xFFFFFFB0] =	vst v3  }
0x3aa: {  	v3 =	vunpack.i.u.bf16.f32 v6;
	v6 =	vmul.f32 v8, v2;
	v8 =	vld [tilespmem:s3+$0xFFFFFFE0]  }
0x3ab: {  	v9 =	vunpack.i.l.bf16.f32 v7;
	v3 =	vmul.f32 v3, v2  }
0x3ac: {  	[tilespmem:s20+$0x20] =	vst v6;
	v6 =	vunpack.i.u.bf16.f32 v7;
	v7 =	vmul.f32 v9, v1  }
0x3ad: {  	s9 =	simm.s32 $0x4;
	s21 =	simm.s32 $0x18380;
	[tilespmem:s20+$0x30] =	vst v3;
	v3 =	vmul.f32 v6, v1;
	v6 =	vunpack.i.l.bf16.f32 v4  }
0x3ae: {  	v10 =	vmov s9;
	v4 =	vunpack.i.u.bf16.f32 v4;
	v9 =	vld [tilespmem:s3+$0x20];
	[tilespmem:s21+$0xFFFFFF80] =	vst v7;
	v6 =	vmul.f32 v6, v0  }
0x3af: {  	v4 =	vmul.f32 v4, v0;
	v7 =	vand.u32 $0xFFFFFFFE, v10;
	[tilespmem:s21+$0xFFFFFF90] =	vst v3;
	v3 =	vunpack.i.l.bf16.f32 v8  }
0x3b0: {  	v7 =	vbroadcast v7, $0x0;
	v10 =	vld [tilespmem:s30+$0xFFFFFFD0];
	[tilespmem:s21+$0x0] =	vst v6;
	v6 =	vunpack.i.u.bf16.f32 v8;
	v3 =	vmul.f32 v3, v5  }
0x3b1: {  	[tilespmem:s21+$0x10] =	vst v4;
	v4 =	vmul.f32 v6, v5  }
0x3b2: {  	s18 =	simm.s32 $0x5;
	v6 =	vld [tilespmem:s30+$0x10];
	[tilespmem:s20+$0xFFFFFFC0] =	vst v3  }
0x3b3: {  	v8 =	vmov s18;
	v3 =	vunpack.i.l.bf16.f32 v9;
	[tilespmem:s20+$0xFFFFFFD0] =	vst v4  }
0x3b4: {  	s18 =	simm.s32 $0x16340;
	v4 =	vunpack.i.u.bf16.f32 v9;
	v3 =	vmul.f32 v3, v2;
	v9 =	vld [tilespmem:s3+$0xFFFFFFF0]  }
0x3b5: {  	v11 =	vld [tilespmem:s18+$0xFFFFFFC0];
	v4 =	vmul.f32 v4, v2;
	v12 =	vunpack.i.l.bf16.f32 v10  }
0x3b6: {  	[tilespmem:s20+$0x40] =	vst v3;
	v3 =	vld.idx.msk [tilespmem:v7+s10+$0x0], $0xffff;
	v7 =	vunpack.i.u.bf16.f32 v10;
	v10 =	vmul.f32 v12, v1  }
0x3b7: {  	[tilespmem:s20+$0x50] =	vst v4;
	v12 =	vld [tilespmem:s18+$0x0];
	v7 =	vmul.f32 v7, v1;
	v13 =	vunpack.i.l.bf16.f32 v6  }
0x3b8: {  	v4 =	vld.idx.msk [tilespmem:v8+s10+$0x0], $0xffff;
	v6 =	vunpack.i.u.bf16.f32 v6;
	v8 =	vmul.f32 v13, v0;
	[tilespmem:s21+$0xFFFFFFA0] =	vst v10  }
0x3b9: {  	v6 =	vmul.f32 v6, v0;
	v10 =	vld [tilespmem:s3+$0x30];
	[tilespmem:s21+$0xFFFFFFB0] =	vst v7;
	v7 =	vunpack.i.u.bf16.f32 v9  }
0x3ba: {  	v9 =	vunpack.i.l.bf16.f32 v9;
	v13 =	vld [tilespmem:s30+$0xFFFFFFE0];
	[tilespmem:s21+$0x20] =	vst v8;
	v7 =	vmul.f32 v7, v5  }
0x3bb: {  	s4 =	simm.s32 $0x7;
	[tilespmem:s21+$0x30] =	vst v6;
	v6 =	vunpack.i.u.bf16.f32 v11;
	v8 =	vmul.f32 v9, v5;
	v9 =	vunpack.i.l.bf16.f32 v11  }
0x3bc: {  	v5 =	vmov s4;
	v14 =	vld [tilespmem:s30+$0x20];
	v9 =	vmul.f32 v9, v3;
	v11 =	vunpack.i.u.bf16.f32 v12;
	[tilespmem:s20+$0xFFFFFFF0] =	vst v7  }
0x3bd: {  	s29 =	simm.s32 $0x18480;
	s9 =	simm.s32 $0x6;
	v7 =	vmul.f32 v6, v3;
	v6 =	vunpack.i.l.bf16.f32 v12;
	v11 =	vmul.f32 v11, v4;
	[tilespmem:s20+$0xFFFFFFE0] =	vst v8  }
0x3be: {  	v8 =	vmov s9;
	[tilespmem:s29+$0xFFFFFF80] =	vst v9;
	v12 =	vmul.f32 v6, v4;
	v6 =	vunpack.i.u.bf16.f32 v10  }
0x3bf: {  	v9 =	vand.u32 $0xFFFFFFFE, v8;
	v8 =	vunpack.i.l.bf16.f32 v10;
	[tilespmem:s29+$0xFFFFFF90] =	vst v7;
	v7 =	vunpack.i.l.bf16.f32 v13  }
0x3c0: {  	v9 =	vbroadcast v9, $0x0;
	[tilespmem:s29+$0x0] =	vst v12;
	v12 =	vunpack.i.u.bf16.f32 v13;
	v10 =	vmul.f32 v7, v1;
	v7 =	vld [tilespmem:s18+$0xFFFFFFD0]  }
0x3c1: {  	s3 =	simm.s32 $0x8;
	s9 =	simm.s32 $0x16340;
	[tilespmem:s29+$0x10] =	vst v11;
	v13 =	vunpack.i.l.bf16.f32 v14;
	v11 =	vmul.f32 v12, v1;
	v12 =	vunpack.i.u.bf16.f32 v14  }
.LBB2_15:
0x3c2: {  	p1 =	slt.u32 s3, $0x3E;
	v14 =	vld [tilespmem:s18+$0x10];
	[tilespmem:s21+$0xFFFFFFC0] =	vst v10;
	v10 =	vmul.f32 v13, v0;
	v12 =	vmul.f32 v12, v0  }
0x3c3: {  	v8 =	vmul.f32 v8, v2;
	v6 =	vmul.f32 v6, v2;
	v2 =	vmov v0;
	v5 =	vld.idx.msk [tilespmem:v5+s10+$0x0], $0xffff;
	[tilespmem:s21+$0xFFFFFFD0] =	vst v11  }
0x3c4: {  	s18 =	sadd.s32 $0x80, s18;
	v0 =	vmov v4;
	v11 =	vld [tilespmem:s30+$0xFFFFFFF0];
	[tilespmem:s21+$0x40] =	vst v10  }
0x3c5: {  	v10 =	vld [tilespmem:s18+$0xFFFFFFC0];
	v4 =	vunpack.i.l.bf16.f32 v7;
	[tilespmem:s21+$0x50] =	vst v12  }
0x3c6: {  	v7 =	vunpack.i.u.bf16.f32 v7;
	v9 =	vld.idx.msk [tilespmem:v9+s10+$0x0], $0xffff;
	v15 =	vmul.f32 v4, v3;
	[tilespmem:s20+$0x60] =	vst v8  }
0x3c7: {  	v7 =	vmul.f32 v7, v3;
	v8 =	vld [tilespmem:s18+$0x0];
	v12 =	vunpack.i.u.bf16.f32 v14;
	v13 =	vunpack.i.l.bf16.f32 v14;
	[tilespmem:s20+$0x70] =	vst v6;
	s20 =	smov.u32 s21;
	s21 =	smov.u32 s29  }
0x3c8: {  	[tilespmem:s29+$0xFFFFFFA0] =	vst v15;
	v6 =	vmul.f32 v13, v0;
	v12 =	vmul.f32 v12, v0;
	v13 =	vld [tilespmem:s30+$0x30];
	s30 =	smov.u32 s9;
	s9 =	smov.u32 s18  }
0x3c9: {  	v4 =	vmov v5;
	[tilespmem:s29+$0xFFFFFFB0] =	vst v7;
	v7 =	vunpack.i.u.bf16.f32 v11;
	v11 =	vunpack.i.l.bf16.f32 v11  }
0x3ca: {  	s4 =	sadd.s32 $0x1, s3;
	v14 =	vld [tilespmem:s30+$0xFFFFFFE0];
	[tilespmem:s29+$0x20] =	vst v6;
	v6 =	vmul.f32 v11, v1;
	v7 =	vmul.f32 v7, v1;
	v1 =	vmov v3  }
0x3cb: {  	v5 =	vmov s4;
	v16 =	vunpack.i.l.bf16.f32 v10;
	[tilespmem:s29+$0x30] =	vst v12  }
0x3cc: {  	v10 =	vunpack.i.u.bf16.f32 v10;
	v11 =	vmul.f32 v16, v9;
	v3 =	vmovc v9;
	v12 =	vunpack.i.u.bf16.f32 v8;
	v15 =	vld [tilespmem:s30+$0x20];
	[tilespmem:s20+$0xFFFFFFF0] =	vst v7  }
.Ltmp8:
0x3cd: {  	s29 =	sadd.s32 $0x100, s29;
	v7 =	vmul.f32 v10, v3;
	v8 =	vunpack.i.l.bf16.f32 v8;
	v12 =	vmul.f32 v12, v4;
	[tilespmem:s20+$0xFFFFFFE0] =	vst v6;
	(pc) =	sbr.rel @p1 .LBB2_15-.Ltmp8, $4  }
0x3ce: {  	v9 =	vmov s3;
	v10 =	vmul.f32 v8, v4;
	v6 =	vunpack.i.u.bf16.f32 v13;
	[tilespmem:s29+$0xFFFFFF80] =	vst v11  }
0x3cf: {  	v9 =	vand.u32 $0xFFFFFFFE, v9;
	v8 =	vunpack.i.l.bf16.f32 v13;
	[tilespmem:s29+$0xFFFFFF90] =	vst v7;
	v11 =	vunpack.i.l.bf16.f32 v14  }
0x3d0: {  	v9 =	vbroadcast v9, $0x0;
	v13 =	vunpack.i.u.bf16.f32 v14;
	v7 =	vld [tilespmem:s18+$0xFFFFFFD0];
	[tilespmem:s29+$0x0] =	vst v10;
	v10 =	vmul.f32 v11, v1  }
0x3d1: {  	s3 =	sadd.s32 $0x2, s3;
	v11 =	vmul.f32 v13, v1;
	[tilespmem:s29+$0x10] =	vst v12;
	v12 =	vunpack.i.u.bf16.f32 v15;
	v13 =	vunpack.i.l.bf16.f32 v15  }
0x3d2: {  	_ =	sdelay $0x1  }
0x3d3: {  	s3 =	sadd.s32 $0x80, s18  }
0x3d4: {  	v14 =	vld [tilespmem:s3+$0xFFFFFFC0]  }
0x3d5: {  	v9 =	vld.idx.msk [tilespmem:v9+s10+$0x0], $0xffff  }
0x3d6: {  	v15 =	vld [tilespmem:s3+$0x0]  }
0x3d7: {  	v5 =	vld.idx.msk [tilespmem:v5+s10+$0x0], $0xffff  }
0x3d8: {  	[tilespmem:s21+$0xFFFFFFC0] =	vst v10;
	v10 =	vmul.f32 v13, v0  }
0x3d9: {  	v12 =	vmul.f32 v12, v0;
	[tilespmem:s21+$0xFFFFFFD0] =	vst v11;
	v11 =	vunpack.i.l.bf16.f32 v14  }
0x3da: {  	[tilespmem:s21+$0x40] =	vst v10;
	v10 =	vunpack.i.u.bf16.f32 v14;
	v11 =	vmul.f32 v11, v9  }
0x3db: {  	s4 =	sadd.s32 $0x100, s29;
	[tilespmem:s21+$0x50] =	vst v12;
	v12 =	vunpack.i.l.bf16.f32 v15;
	v10 =	vmul.f32 v10, v9  }
0x3dc: {  	v13 =	vld [tilespmem:s18+$0x10];
	v14 =	vunpack.i.u.bf16.f32 v15;
	[tilespmem:s4+$0xFFFFFF80] =	vst v11;
	v11 =	vmul.f32 v12, v5  }
0x3dd: {  	v12 =	vmul.f32 v14, v5;
	[tilespmem:s4+$0xFFFFFF90] =	vst v10  }
0x3de: {  	v8 =	vmul.f32 v8, v2;
	v10 =	vld [tilespmem:s3+$0xFFFFFFD0];
	[tilespmem:s4+$0x0] =	vst v11  }
0x3df: {  	v2 =	vmul.f32 v6, v2;
	v6 =	vunpack.i.l.bf16.f32 v7;
	[tilespmem:s4+$0x10] =	vst v12  }
0x3e0: {  	[tilespmem:s20+$0x60] =	vst v8;
	v7 =	vunpack.i.u.bf16.f32 v7;
	v6 =	vmul.f32 v6, v3;
	v8 =	vld [tilespmem:s3+$0x10]  }
0x3e1: {  	[tilespmem:s20+$0x70] =	vst v2;
	v7 =	vmul.f32 v7, v3;
	v11 =	vunpack.i.l.bf16.f32 v13  }
0x3e2: {  	v2 =	vld [tilespmem:s30+$0xFFFFFFF0];
	[tilespmem:s29+$0xFFFFFFA0] =	vst v6;
	v12 =	vunpack.i.u.bf16.f32 v13;
	v6 =	vmul.f32 v11, v4  }
0x3e3: {  	[tilespmem:s29+$0xFFFFFFB0] =	vst v7;
	v11 =	vmul.f32 v12, v4;
	v7 =	vunpack.i.l.bf16.f32 v10  }
0x3e4: {  	v12 =	vld [tilespmem:s9+$0xFFFFFFE0];
	[tilespmem:s29+$0x20] =	vst v6;
	v6 =	vunpack.i.u.bf16.f32 v10;
	v7 =	vmul.f32 v7, v9  }
0x3e5: {  	[tilespmem:s29+$0x30] =	vst v11;
	v6 =	vmul.f32 v6, v9;
	v10 =	vunpack.i.l.bf16.f32 v8  }
0x3e6: {  	v11 =	vld [tilespmem:s9+$0x20];
	v8 =	vunpack.i.u.bf16.f32 v8;
	[tilespmem:s4+$0xFFFFFFA0] =	vst v7;
	v7 =	vmul.f32 v10, v5  }
0x3e7: {  	v10 =	vunpack.i.u.bf16.f32 v2;
	v8 =	vmul.f32 v8, v5;
	[tilespmem:s4+$0xFFFFFFB0] =	vst v6  }
0x3e8: {  	v2 =	vunpack.i.l.bf16.f32 v2;
	v6 =	vmul.f32 v10, v1;
	v10 =	vld [tilespmem:s3+$0xFFFFFFE0];
	[tilespmem:s4+$0x20] =	vst v7  }
0x3e9: {  	v1 =	vmul.f32 v2, v1;
	v2 =	vunpack.i.l.bf16.f32 v12;
	[tilespmem:s4+$0x30] =	vst v8  }
0x3ea: {  	v2 =	vmul.f32 v2, v3;
	[tilespmem:s21+$0xFFFFFFF0] =	vst v6;
	v6 =	vunpack.i.u.bf16.f32 v12;
	v7 =	vld [tilespmem:s3+$0x20]  }
0x3eb: {  	[tilespmem:s21+$0xFFFFFFE0] =	vst v1;
	v1 =	vmul.f32 v6, v3;
	v6 =	vunpack.i.l.bf16.f32 v11  }
0x3ec: {  	v8 =	vld [tilespmem:s30+$0x30];
	v11 =	vunpack.i.u.bf16.f32 v11;
	[tilespmem:s29+$0xFFFFFFC0] =	vst v2;
	v2 =	vmul.f32 v6, v4  }
0x3ed: {  	v6 =	vmul.f32 v11, v4;
	[tilespmem:s29+$0xFFFFFFD0] =	vst v1;
	v1 =	vunpack.i.l.bf16.f32 v10  }
0x3ee: {  	v11 =	vld [tilespmem:s9+$0xFFFFFFF0];
	[tilespmem:s29+$0x40] =	vst v2;
	v2 =	vunpack.i.u.bf16.f32 v10;
	v1 =	vmul.f32 v1, v9  }
0x3ef: {  	[tilespmem:s29+$0x50] =	vst v6;
	v2 =	vmul.f32 v2, v9;
	v6 =	vunpack.i.l.bf16.f32 v7  }
0x3f0: {  	v10 =	vld [tilespmem:s9+$0x30];
	v7 =	vunpack.i.u.bf16.f32 v7;
	[tilespmem:s4+$0xFFFFFFC0] =	vst v1;
	v1 =	vmul.f32 v6, v5  }
0x3f1: {  	v6 =	vunpack.i.l.bf16.f32 v8;
	v7 =	vmul.f32 v7, v5;
	[tilespmem:s4+$0xFFFFFFD0] =	vst v2  }
0x3f2: {  	v2 =	vunpack.i.u.bf16.f32 v8;
	v6 =	vmul.f32 v6, v0;
	v8 =	vld [tilespmem:s3+$0xFFFFFFF0];
	[tilespmem:s4+$0x40] =	vst v1  }
0x3f3: {  	v0 =	vmul.f32 v2, v0;
	[tilespmem:s4+$0x50] =	vst v7;
	v1 =	vunpack.i.u.bf16.f32 v11  }
0x3f4: {  	[tilespmem:s21+$0x60] =	vst v6;
	v2 =	vunpack.i.l.bf16.f32 v11;
	v6 =	vld [tilespmem:s3+$0x30];
	v1 =	vmul.f32 v1, v3  }
0x3f5: {  	[tilespmem:s21+$0x70] =	vst v0;
	v0 =	vmul.f32 v2, v3;
	v2 =	vunpack.i.l.bf16.f32 v10  }
0x3f6: {  	v2 =	vmul.f32 v2, v4;
	[tilespmem:s29+$0xFFFFFFF0] =	vst v1;
	v1 =	vunpack.i.u.bf16.f32 v10  }
0x3f7: {  	[tilespmem:s29+$0xFFFFFFE0] =	vst v0;
	v0 =	vmul.f32 v1, v4;
	v1 =	vunpack.i.u.bf16.f32 v8  }
0x3f8: {  	[tilespmem:s29+$0x60] =	vst v2;
	v2 =	vunpack.i.l.bf16.f32 v8;
	v1 =	vmul.f32 v1, v9  }
0x3f9: {  	[tilespmem:s29+$0x70] =	vst v0;
	v0 =	vmul.f32 v2, v9;
	v2 =	vunpack.i.l.bf16.f32 v6  }
0x3fa: {  	[tilespmem:s4+$0xFFFFFFF0] =	vst v1;
	v1 =	vunpack.i.u.bf16.f32 v6;
	v2 =	vmul.f32 v2, v5  }
0x3fb: {  	[tilespmem:s4+$0xFFFFFFE0] =	vst v0;
	v0 =	vmul.f32 v1, v5  }
0x3fc: {  	[tilespmem:s4+$0x60] =	vst v2  }
0x3fd: {  	s18 =	simm.s32 $0x18200;
	s20 =	simm.s32 $0x13F80;
	s3 =	simm.s32 @!p0 $0x8;
	[tilespmem:s4+$0x70] =	vst v0  }
0x3fe: {  	[spmem:s1] =	stream.indirect.scatter.add.f32 [tilespmem:s18], [sflag:$0x5], $0x80, s20, s12, $0xb8;
	[tilespmem:$0x1C200] =	vst v63  }
0x3ff: {  	_ =	swait.ge @!p0 [sflag:s3], $0x40  }
0x400: {  	[sflag:s3] =	ssyncset.done @!p0 $0x0  }
0x401: {  	[sflag:s3] =	ssyncadd.s32 @!p0 $0xFFFFFFC0  }
0x402: {  	_ =	swait.ge @!p0 [sflag:s3], $0x40  }
0x403: {  	[sflag:s3] =	ssyncset.done @!p0 $0x0  }
0x404: {  	[sflag:s3] =	ssyncadd.s32 @!p0 $0xFFFFFFC0  }
0x405: {  	_ =	swait.ge @!p0 [sflag:s3], $0x40  }
0x406: {  	[sflag:s3] =	ssyncset.done @!p0 $0x0  }
0x407: {  	s9 =	simm.s32 @!p0 $0x15200;
	[sflag:s3] =	ssyncadd.s32 @!p0 $0xFFFFFFC0  }
0x408: {  	s4 =	simm.s32 @!p0 $0x13C40;
	s3 =	simm.s32 @!p0 $0x40;
	s18 =	rddreg [dreg:$0x0]  }
0x409: {  	[tilespmem:s9], [sflag:$0x2] =	stream.indirect.gather @!p0 [hbm4b:s18+s3], $0x40, s4, s3, $0xb8;
	[tilespmem:$0x1C200] =	vst v63  }
0x40a: {  	s3 =	rddreg [dreg:$0x1e]  }
0x40b: {  	s3 =	sadd.s32 @!p0 s2, s3  }
0x40c: {  	s3 =	sshll.u32 @!p0 s3, $0x3  }
0x40d: {  	s3 =	sand.u32 @!p0 $0x1FFFFFE0, s3  }
0x40e: {  	s9 =	simm.s32 @!p0 $0x0;
	s18 =	simm.s32 @!p0 $0x13D00;
	s4 =	sadd.s32 @!p0 s5, s3  }
0x40f: {  	[tilespmem:s18], [sflag:$0xB] =	stream.linear.gather @!p0 [hbm4b:s4+s9], $0x40, $0x38;
	[tilespmem:$0x1C200] =	vst v63  }
0x410: {  	s4 =	sadd.s32 @!p0 s6, s3;
	s18 =	simm.s32 @!p0 $0x13F00  }
0x411: {  	[tilespmem:s18], [sflag:$0xB] =	stream.linear.gather @!p0 [hbm4b:s4+s9], $0x40, $0x38;
	[tilespmem:$0x1C200] =	vst v63  }
0x412: {  	s21 =	simm.s32 $0x0;
	s3 =	sadd.s32 @!p0 s7, s3;
	s4 =	simm.s32 @!p0 $0x14100  }
0x413: {  	[tilespmem:s4], [sflag:$0xB] =	stream.linear.gather @!p0 [hbm4b:s3+s9], $0x40, $0x38;
	[tilespmem:$0x1C200] =	vst v63  }
0x414: {  	v0 =	vmov s21;
	s4 =	simm.s32 $0x4  }
0x415: {  	v0 =	vand.u32 $0xFFFFFFFE, v0;
	_ =	swait.ge [sflag:s4], $0x1000  }
0x416: {  	v0 =	vbroadcast v0, $0x0;
	[sflag:s4] =	ssyncset.done $0x0  }
0x417: {  	[sflag:s4] =	ssyncadd.s32 $0xFFFFF000  }
0x418: {  	_ =	swait.ge [sflag:s24], $0x2000  }
0x419: {  	[sflag:s24] =	ssyncset.done $0x0  }
0x41a: {  	s3 =	simm.s32 $0x17240;
	s9 =	simm.s32 $0x1;
	[sflag:s24] =	ssyncadd.s32 $0xFFFFE000  }
0x41b: {  	v1 =	vmov s9;
	v2 =	vld [tilespmem:s3+$0xFFFFFFC0]  }
0x41c: {  	v5 =	vld.idx.msk [tilespmem:v0+s8+$0x0], $0xffff;
	_ =	sdelay $0x2  }
0x41d: {  	v0 =	vld [tilespmem:s3+$0x0]  }
0x41e: {  	v3 =	vld.idx.msk [tilespmem:v1+s8+$0x0], $0xffff;
	v1 =	vunpack.i.l.bf16.f32 v2  }
0x41f: {  	v2 =	vunpack.i.u.bf16.f32 v2;
	v1 =	vmul.f32 v1, v5  }
0x420: {  	s20 =	simm.s32 $0x1A280;
	v2 =	vmul.f32 v2, v5  }
0x421: {  	s18 =	simm.s32 $0x2;
	[tilespmem:s20+$0xFFFFFF80] =	vst v1  }
0x422: {  	v4 =	vmov s18;
	v1 =	vunpack.i.l.bf16.f32 v0;
	[tilespmem:s20+$0xFFFFFF90] =	vst v2  }
0x423: {  	v0 =	vunpack.i.u.bf16.f32 v0;
	v2 =	vand.u32 $0xFFFFFFFE, v4;
	v1 =	vmul.f32 v1, v3;
	v4 =	vld [tilespmem:s3+$0xFFFFFFD0]  }
0x424: {  	v0 =	vmul.f32 v0, v3;
	v2 =	vbroadcast v2, $0x0  }
0x425: {  	[tilespmem:s20+$0x0] =	vst v1  }
0x426: {  	s21 =	simm.s32 $0x3;
	[tilespmem:s20+$0x10] =	vst v0  }
0x427: {  	v0 =	vmov s21;
	v6 =	vld [tilespmem:s3+$0x10]  }
0x428: {  	s30 =	simm.s32 $0x172C0;
	v1 =	vunpack.i.l.bf16.f32 v4  }
0x429: {  	v7 =	vld [tilespmem:s30+$0xFFFFFFC0];
	v4 =	vunpack.i.u.bf16.f32 v4;
	v8 =	vmul.f32 v1, v5  }
0x42a: {  	v1 =	vld.idx.msk [tilespmem:v2+s8+$0x0], $0xffff;
	v2 =	vmul.f32 v4, v5  }
0x42b: {  	v4 =	vld [tilespmem:s30+$0x0];
	[tilespmem:s20+$0xFFFFFFA0] =	vst v8  }
0x42c: {  	v0 =	vld.idx.msk [tilespmem:v0+s8+$0x0], $0xffff;
	v8 =	vunpack.i.l.bf16.f32 v6;
	[tilespmem:s20+$0xFFFFFFB0] =	vst v2  }
0x42d: {  	v2 =	vunpack.i.u.bf16.f32 v6;
	v6 =	vmul.f32 v8, v3;
	v8 =	vld [tilespmem:s3+$0xFFFFFFE0]  }
0x42e: {  	v9 =	vunpack.i.l.bf16.f32 v7;
	v2 =	vmul.f32 v2, v3  }
0x42f: {  	[tilespmem:s20+$0x20] =	vst v6;
	v6 =	vunpack.i.u.bf16.f32 v7;
	v7 =	vmul.f32 v9, v1  }
0x430: {  	s9 =	simm.s32 $0x4;
	s21 =	simm.s32 $0x1A380;
	[tilespmem:s20+$0x30] =	vst v2;
	v2 =	vmul.f32 v6, v1;
	v6 =	vunpack.i.l.bf16.f32 v4  }
0x431: {  	v10 =	vmov s9;
	v4 =	vunpack.i.u.bf16.f32 v4;
	v9 =	vld [tilespmem:s3+$0x20];
	[tilespmem:s21+$0xFFFFFF80] =	vst v7;
	v6 =	vmul.f32 v6, v0  }
0x432: {  	v4 =	vmul.f32 v4, v0;
	v7 =	vand.u32 $0xFFFFFFFE, v10;
	[tilespmem:s21+$0xFFFFFF90] =	vst v2;
	v2 =	vunpack.i.l.bf16.f32 v8  }
0x433: {  	v7 =	vbroadcast v7, $0x0;
	v10 =	vld [tilespmem:s30+$0xFFFFFFD0];
	[tilespmem:s21+$0x0] =	vst v6;
	v6 =	vunpack.i.u.bf16.f32 v8;
	v2 =	vmul.f32 v2, v5  }
0x434: {  	[tilespmem:s21+$0x10] =	vst v4;
	v4 =	vmul.f32 v6, v5  }
0x435: {  	s18 =	simm.s32 $0x5;
	v6 =	vld [tilespmem:s30+$0x10];
	[tilespmem:s20+$0xFFFFFFC0] =	vst v2  }
0x436: {  	v8 =	vmov s18;
	v2 =	vunpack.i.l.bf16.f32 v9;
	[tilespmem:s20+$0xFFFFFFD0] =	vst v4  }
0x437: {  	s18 =	simm.s32 $0x17340;
	v4 =	vunpack.i.u.bf16.f32 v9;
	v2 =	vmul.f32 v2, v3;
	v9 =	vld [tilespmem:s3+$0xFFFFFFF0]  }
0x438: {  	v11 =	vld [tilespmem:s18+$0xFFFFFFC0];
	v4 =	vmul.f32 v4, v3;
	v12 =	vunpack.i.l.bf16.f32 v10  }
0x439: {  	[tilespmem:s20+$0x40] =	vst v2;
	v2 =	vld.idx.msk [tilespmem:v7+s8+$0x0], $0xffff;
	v7 =	vunpack.i.u.bf16.f32 v10;
	v10 =	vmul.f32 v12, v1  }
0x43a: {  	[tilespmem:s20+$0x50] =	vst v4;
	v12 =	vld [tilespmem:s18+$0x0];
	v7 =	vmul.f32 v7, v1;
	v13 =	vunpack.i.l.bf16.f32 v6  }
0x43b: {  	v4 =	vld.idx.msk [tilespmem:v8+s8+$0x0], $0xffff;
	v6 =	vunpack.i.u.bf16.f32 v6;
	v8 =	vmul.f32 v13, v0;
	[tilespmem:s21+$0xFFFFFFA0] =	vst v10  }
0x43c: {  	v6 =	vmul.f32 v6, v0;
	v10 =	vld [tilespmem:s3+$0x30];
	[tilespmem:s21+$0xFFFFFFB0] =	vst v7;
	v7 =	vunpack.i.u.bf16.f32 v9  }
0x43d: {  	s4 =	simm.s32 $0x7;
	v9 =	vunpack.i.l.bf16.f32 v9;
	v13 =	vld [tilespmem:s30+$0xFFFFFFE0];
	[tilespmem:s21+$0x20] =	vst v8;
	v7 =	vmul.f32 v7, v5  }
0x43e: {  	[tilespmem:s21+$0x30] =	vst v6;
	v6 =	vunpack.i.u.bf16.f32 v11;
	v8 =	vmul.f32 v9, v5;
	v5 =	vmov s4  }
0x43f: {  	v9 =	vunpack.i.l.bf16.f32 v11;
	v14 =	vld [tilespmem:s30+$0x20];
	v6 =	vmul.f32 v6, v2;
	v11 =	vunpack.i.u.bf16.f32 v12;
	[tilespmem:s20+$0xFFFFFFF0] =	vst v7  }
0x440: {  	s29 =	simm.s32 $0x1A480;
	s9 =	simm.s32 $0x6;
	v9 =	vmul.f32 v9, v2;
	v7 =	vunpack.i.l.bf16.f32 v12;
	v11 =	vmul.f32 v11, v4;
	[tilespmem:s20+$0xFFFFFFE0] =	vst v8  }
0x441: {  	v8 =	vmov s9;
	[tilespmem:s29+$0xFFFFFF90] =	vst v6;
	v12 =	vmul.f32 v7, v4;
	v7 =	vunpack.i.u.bf16.f32 v10  }
0x442: {  	[tilespmem:s29+$0xFFFFFF80] =	vst v9;
	v8 =	vand.u32 $0xFFFFFFFE, v8;
	v9 =	vunpack.i.l.bf16.f32 v10;
	v6 =	vunpack.i.l.bf16.f32 v13  }
0x443: {  	v8 =	vbroadcast v8, $0x0;
	v10 =	vunpack.i.u.bf16.f32 v13;
	[tilespmem:s29+$0x0] =	vst v12;
	v12 =	vmul.f32 v6, v1;
	v6 =	vld [tilespmem:s18+$0xFFFFFFD0]  }
0x444: {  	s3 =	simm.s32 $0x8;
	s9 =	simm.s32 $0x17340;
	[tilespmem:s29+$0x10] =	vst v11;
	v13 =	vmul.f32 v10, v1;
	v10 =	vunpack.i.u.bf16.f32 v14;
	v11 =	vunpack.i.l.bf16.f32 v14  }
.LBB2_17:
0x445: {  	p1 =	slt.u32 s3, $0x3E;
	v14 =	vld [tilespmem:s18+$0x10];
	[tilespmem:s21+$0xFFFFFFC0] =	vst v12;
	v11 =	vmul.f32 v11, v0;
	v10 =	vmul.f32 v10, v0  }
0x446: {  	v9 =	vmul.f32 v9, v3;
	v7 =	vmul.f32 v7, v3;
	v3 =	vmov v0;
	v5 =	vld.idx.msk [tilespmem:v5+s8+$0x0], $0xffff;
	[tilespmem:s21+$0xFFFFFFD0] =	vst v13  }
0x447: {  	s18 =	sadd.s32 $0x80, s18;
	v0 =	vmov v4;
	v12 =	vld [tilespmem:s30+$0xFFFFFFF0];
	[tilespmem:s21+$0x40] =	vst v11  }
0x448: {  	v11 =	vld [tilespmem:s18+$0xFFFFFFC0];
	v4 =	vunpack.i.l.bf16.f32 v6;
	[tilespmem:s21+$0x50] =	vst v10  }
0x449: {  	v6 =	vunpack.i.u.bf16.f32 v6;
	v8 =	vld.idx.msk [tilespmem:v8+s8+$0x0], $0xffff;
	v15 =	vmul.f32 v4, v2;
	[tilespmem:s20+$0x60] =	vst v9  }
0x44a: {  	v6 =	vmul.f32 v6, v2;
	v9 =	vld [tilespmem:s18+$0x0];
	v10 =	vunpack.i.u.bf16.f32 v14;
	v13 =	vunpack.i.l.bf16.f32 v14;
	[tilespmem:s20+$0x70] =	vst v7;
	s20 =	smov.u32 s21;
	s21 =	smov.u32 s29  }
0x44b: {  	[tilespmem:s29+$0xFFFFFFA0] =	vst v15;
	v7 =	vmul.f32 v13, v0;
	v10 =	vmul.f32 v10, v0;
	v13 =	vld [tilespmem:s30+$0x30];
	s30 =	smov.u32 s9;
	s9 =	smov.u32 s18  }
0x44c: {  	v4 =	vmov v5;
	[tilespmem:s29+$0xFFFFFFB0] =	vst v6;
	v6 =	vunpack.i.u.bf16.f32 v12;
	v12 =	vunpack.i.l.bf16.f32 v12  }
0x44d: {  	s4 =	sadd.s32 $0x1, s3;
	v14 =	vld [tilespmem:s30+$0xFFFFFFE0];
	[tilespmem:s29+$0x20] =	vst v7;
	v7 =	vmul.f32 v12, v1;
	v6 =	vmul.f32 v6, v1;
	v1 =	vmov v2  }
0x44e: {  	v5 =	vmov s4;
	v16 =	vunpack.i.l.bf16.f32 v11;
	[tilespmem:s29+$0x30] =	vst v10  }
0x44f: {  	v10 =	vunpack.i.u.bf16.f32 v11;
	v11 =	vmul.f32 v16, v8;
	v2 =	vmovc v8;
	v12 =	vunpack.i.u.bf16.f32 v9;
	v15 =	vld [tilespmem:s30+$0x20];
	[tilespmem:s20+$0xFFFFFFF0] =	vst v6  }
.Ltmp9:
0x450: {  	s29 =	sadd.s32 $0x100, s29;
	v6 =	vmul.f32 v10, v2;
	v8 =	vunpack.i.l.bf16.f32 v9;
	v10 =	vmul.f32 v12, v4;
	[tilespmem:s20+$0xFFFFFFE0] =	vst v7;
	(pc) =	sbr.rel @p1 .LBB2_17-.Ltmp9, $4  }
0x451: {  	v9 =	vmov s3;
	v7 =	vunpack.i.u.bf16.f32 v13;
	[tilespmem:s29+$0xFFFFFF80] =	vst v11;
	v11 =	vmul.f32 v8, v4  }
0x452: {  	v8 =	vand.u32 $0xFFFFFFFE, v9;
	v9 =	vunpack.i.l.bf16.f32 v13;
	[tilespmem:s29+$0xFFFFFF90] =	vst v6;
	v12 =	vunpack.i.l.bf16.f32 v14  }
0x453: {  	v8 =	vbroadcast v8, $0x0;
	v6 =	vld [tilespmem:s18+$0xFFFFFFD0];
	[tilespmem:s29+$0x0] =	vst v11;
	v11 =	vunpack.i.u.bf16.f32 v14;
	v12 =	vmul.f32 v12, v1  }
0x454: {  	s3 =	sadd.s32 $0x2, s3;
	[tilespmem:s29+$0x10] =	vst v10;
	v13 =	vmul.f32 v11, v1;
	v10 =	vunpack.i.u.bf16.f32 v15;
	v11 =	vunpack.i.l.bf16.f32 v15  }
0x455: {  	_ =	sdelay $0x1  }
0x456: {  	s3 =	sadd.s32 $0x80, s18  }
0x457: {  	v14 =	vld [tilespmem:s3+$0xFFFFFFC0]  }
0x458: {  	v8 =	vld.idx.msk [tilespmem:v8+s8+$0x0], $0xffff  }
0x459: {  	v15 =	vld [tilespmem:s3+$0x0]  }
0x45a: {  	v5 =	vld.idx.msk [tilespmem:v5+s8+$0x0], $0xffff  }
0x45b: {  	[tilespmem:s21+$0xFFFFFFC0] =	vst v12;
	v9 =	vmul.f32 v9, v3  }
0x45c: {  	v53 =	vmul.f32 v7, v3;
	[tilespmem:s21+$0xFFFFFFD0] =	vst v13;
	v54 =	vunpack.i.l.bf16.f32 v14  }
0x45d: {  	v58 =	vld [tilespmem:s18+$0x10];
	[tilespmem:s20+$0x60] =	vst v9;
	v55 =	vunpack.i.u.bf16.f32 v14;
	v7 =	vmul.f32 v54, v8  }
0x45e: {  	s4 =	sadd.s32 $0x100, s29;
	[tilespmem:s20+$0x70] =	vst v53;
	v57 =	vunpack.i.l.bf16.f32 v15;
	v56 =	vmul.f32 v55, v8  }
0x45f: {  	v59 =	vunpack.i.u.bf16.f32 v15;
	v60 =	vmul.f32 v57, v5;
	[tilespmem:s4+$0xFFFFFF80] =	vst v7  }
0x460: {  	v16 =	vunpack.i.l.bf16.f32 v6;
	v61 =	vmul.f32 v59, v5;
	[tilespmem:s4+$0xFFFFFF90] =	vst v56  }
0x461: {  	v17 =	vunpack.i.u.bf16.f32 v6;
	v18 =	vmul.f32 v16, v2;
	[tilespmem:s4+$0x0] =	vst v60;
	v63 =	vld [tilespmem:s3+$0xFFFFFFD0]  }
0x462: {  	v3 =	vmul.f32 v17, v2;
	v19 =	vunpack.i.l.bf16.f32 v58;
	[tilespmem:s4+$0x10] =	vst v61  }
0x463: {  	v12 =	vunpack.i.u.bf16.f32 v58;
	[tilespmem:s29+$0xFFFFFFA0] =	vst v18;
	v21 =	vmul.f32 v19, v4;
	v9 =	vld [tilespmem:s3+$0x10]  }
0x464: {  	v22 =	vmul.f32 v12, v4;
	[tilespmem:s29+$0xFFFFFFB0] =	vst v3  }
0x465: {  	v62 =	vmul.f32 v11, v0;
	v20 =	vld [tilespmem:s30+$0xFFFFFFF0];
	[tilespmem:s29+$0x20] =	vst v21  }
0x466: {  	v15 =	vmul.f32 v10, v0;
	v24 =	vld [tilespmem:s9+$0xFFFFFFE0];
	[tilespmem:s29+$0x30] =	vst v22;
	v23 =	vunpack.i.l.bf16.f32 v63  }
0x467: {  	[tilespmem:s21+$0x40] =	vst v62;
	v27 =	vld [tilespmem:s9+$0x20];
	v25 =	vunpack.i.u.bf16.f32 v63;
	v3 =	vmul.f32 v23, v8  }
0x468: {  	[tilespmem:s21+$0x50] =	vst v15;
	v26 =	vunpack.i.l.bf16.f32 v9;
	v6 =	vmul.f32 v25, v8  }
0x469: {  	v9 =	vunpack.i.u.bf16.f32 v9;
	v28 =	vmul.f32 v26, v5;
	[tilespmem:s4+$0xFFFFFFA0] =	vst v3  }
0x46a: {  	v30 =	vunpack.i.l.bf16.f32 v20;
	v9 =	vmul.f32 v9, v5;
	[tilespmem:s4+$0xFFFFFFB0] =	vst v6  }
0x46b: {  	v32 =	vmul.f32 v30, v1;
	v34 =	vunpack.i.u.bf16.f32 v24;
	[tilespmem:s4+$0x20] =	vst v28;
	v31 =	vld [tilespmem:s3+$0xFFFFFFE0]  }
0x46c: {  	v36 =	vmul.f32 v34, v2;
	v37 =	vunpack.i.l.bf16.f32 v27;
	[tilespmem:s4+$0x30] =	vst v9  }
0x46d: {  	[tilespmem:s21+$0xFFFFFFE0] =	vst v32;
	v11 =	vunpack.i.u.bf16.f32 v27;
	v39 =	vmul.f32 v37, v4;
	v35 =	vld [tilespmem:s3+$0x20]  }
0x46e: {  	v33 =	vunpack.i.l.bf16.f32 v24;
	v40 =	vmul.f32 v11, v4;
	[tilespmem:s29+$0xFFFFFFD0] =	vst v36  }
0x46f: {  	v29 =	vunpack.i.u.bf16.f32 v20;
	v38 =	vld [tilespmem:s30+$0x30];
	[tilespmem:s29+$0x40] =	vst v39;
	v3 =	vmul.f32 v33, v2  }
0x470: {  	v7 =	vmul.f32 v29, v1;
	[tilespmem:s29+$0x50] =	vst v40;
	v41 =	vunpack.i.l.bf16.f32 v31  }
0x471: {  	v45 =	vld [tilespmem:s9+$0x30];
	[tilespmem:s29+$0xFFFFFFC0] =	vst v3;
	v43 =	vunpack.i.u.bf16.f32 v31;
	v1 =	vmul.f32 v41, v8  }
0x472: {  	[tilespmem:s21+$0xFFFFFFF0] =	vst v7;
	v42 =	vld [tilespmem:s9+$0xFFFFFFF0];
	v44 =	vunpack.i.l.bf16.f32 v35;
	v3 =	vmul.f32 v43, v8  }
0x473: {  	v7 =	vunpack.i.u.bf16.f32 v35;
	v46 =	vmul.f32 v44, v5;
	[tilespmem:s4+$0xFFFFFFC0] =	vst v1  }
0x474: {  	v48 =	vunpack.i.u.bf16.f32 v38;
	v7 =	vmul.f32 v7, v5;
	[tilespmem:s4+$0xFFFFFFD0] =	vst v3  }
0x475: {  	v47 =	vunpack.i.l.bf16.f32 v38;
	v50 =	vmul.f32 v48, v0;
	[tilespmem:s4+$0x40] =	vst v46;
	v49 =	vld [tilespmem:s3+$0xFFFFFFF0]  }
0x476: {  	v6 =	vmul.f32 v47, v0;
	v56 =	vunpack.i.u.bf16.f32 v45;
	[tilespmem:s4+$0x50] =	vst v7  }
0x477: {  	[tilespmem:s21+$0x70] =	vst v50;
	v57 =	vmul.f32 v56, v4;
	v51 =	vunpack.i.u.bf16.f32 v42;
	v53 =	vld [tilespmem:s3+$0x30]  }
0x478: {  	[tilespmem:s21+$0x60] =	vst v6;
	v52 =	vunpack.i.l.bf16.f32 v42;
	v1 =	vmul.f32 v51, v2  }
0x479: {  	v55 =	vunpack.i.l.bf16.f32 v45;
	[tilespmem:s29+$0x70] =	vst v57;
	v54 =	vmul.f32 v52, v2  }
0x47a: {  	v2 =	vmul.f32 v55, v4;
	[tilespmem:s29+$0xFFFFFFF0] =	vst v1;
	v58 =	vunpack.i.u.bf16.f32 v49  }
0x47b: {  	[tilespmem:s29+$0xFFFFFFE0] =	vst v54;
	v59 =	vunpack.i.l.bf16.f32 v49;
	v1 =	vmul.f32 v58, v8  }
0x47c: {  	[tilespmem:s29+$0x60] =	vst v2;
	v61 =	vunpack.i.l.bf16.f32 v53;
	v60 =	vmul.f32 v59, v8  }
.Ltmp10:
0x47d: {  	v62 =	vunpack.i.u.bf16.f32 v53;
	v2 =	vmul.f32 v61, v5;
	[tilespmem:s4+$0xFFFFFFF0] =	vst v1;
	(pc) =	sbr.rel @p0 .LBB2_20-.Ltmp10, $4  }
0x47e: {  	v63 =	vmul.f32 v62, v5;
	[tilespmem:s4+$0xFFFFFFE0] =	vst v60  }
0x47f: {  	[tilespmem:s4+$0x60] =	vst v2  }
0x480: {  	s30 =	simm.s32 $0x13FC0;
	s29 =	simm.s32 $0x1A200;
	[tilespmem:s4+$0x70] =	vst v63  }
0x481: {  	[spmem:s1] =	stream.indirect.scatter.add.f32 [tilespmem:s29], [sflag:$0x6], $0x80, s30, s12, $0xb8;
	[tilespmem:$0x1C200] =	vst v63  }
0x482: {  	_ =	swait.ge [sflag:s17], $0x40  }
0x483: {  	[sflag:s17] =	ssyncset.done $0x0  }
0x484: {  	[sflag:s17] =	ssyncadd.s32 $0xFFFFFFC0  }
0x485: {  	_ =	swait.ge [sflag:s17], $0x40  }
0x486: {  	[sflag:s17] =	ssyncset.done $0x0  }
0x487: {  	[sflag:s17] =	ssyncadd.s32 $0xFFFFFFC0  }
0x488: {  	_ =	swait.ge [sflag:s17], $0x40  }
0x489: {  	[sflag:s17] =	ssyncset.done $0x0  }
0x48a: {  	[sflag:s17] =	ssyncadd.s32 $0xFFFFFFC0  }
0x48b: {  	s4 =	simm.s32 $0x13C80;
	s9 =	simm.s32 $0x16200;
	s3 =	rddreg [dreg:$0x0]  }
0x48c: {  	[tilespmem:s9], [sflag:$0x3] =	stream.indirect.gather [hbm4b:s3+s12], $0x40, s4, s12, $0xb8;
	[tilespmem:$0x1C200] =	vst v63  }
0x48d: {  	s9 =	rddreg [dreg:$0x1f]  }
0x48e: {  	s2 =	sadd.s32 s2, s9  }
0x48f: {  	s2 =	sshll.u32 s2, $0x3  }
0x490: {  	s2 =	sand.u32 $0x1FFFFFE8, s2  }
0x491: {  	s20 =	simm.s32 $0x0;
	s21 =	simm.s32 $0x13D40;
	s18 =	sadd.s32 s5, s2  }
0x492: {  	[tilespmem:s21], [sflag:$0xC] =	stream.linear.gather [hbm4b:s18+s20], $0x40, $0x38;
	[tilespmem:$0x1C200] =	vst v63  }
.Ltmp11:
0x493: {  	_ = 	snop;
	(pc) =	sbr.rel .LBB2_2-.Ltmp11, $4  }
0x494: {  	s30 =	simm.s32 $0x13F40;
	s29 =	sadd.s32 s6, s2  }
0x495: {  	[tilespmem:s30], [sflag:$0xC] =	stream.linear.gather [hbm4b:s29+s20], $0x40, $0x38;
	[tilespmem:$0x1C200] =	vst v63  }
0x496: {  	s0 =	sadd.s32 $0x1, s0;
	s2 =	sadd.s32 s7, s2  }
0x497: {  	[tilespmem:s11], [sflag:$0xC] =	stream.linear.gather [hbm4b:s2+s20], $0x40, $0x38;
	[tilespmem:$0x1C200] =	vst v63  }
.LBB2_21:
0x498: {  	_ =	sfence.sel $0x180000  }
0x499: {  	[bflag:$0x0] =	sbarrier.arrive $0xFFFF  }
0x49a: {  	_ =	strace $0x90000047  }
0x49b: {  	s0 =	stileid.u32;
	[bflag:$0x2] =	sbarrier.arrive $0xFFFF  }
0x49c: {  	p0 =	sne.s32 s0, $0x0;
	s0 =	rddreg [dreg:$0x3]  }
0x49d: {  	s0 =	sadd.s32 @!p0 $0x100000, s0  }
0x49e: {  	[sflag:s0] =	ssyncadd.tile.s32 @!p0 $0x1;
	_ =	shalt  }
.Lfunc_end2:
_tile_overlayer_lowered:
.L_overlay_start_2:
0x49f: {  	(tag) =	ssettag $0x2  }
0x4a0: {  	s0 =	rddreg [dreg:$0x0];
	s2 =	stileid.u32  }
0x4a1: {  	s1 =	rddreg [dreg:$0x1];
	p0 =	sne.s32 s2, $0x0  }
0x4a2: {  	s3 =	rddreg [dreg:$0x2];
	[bflag:$0x3] =	sbarrier.arrive $0xFFFF;
	s2 =	simm.s32 @!p0 $0x1C10  }
0x4a3: {  	[timem:s3], [sflag:s2] =	dma.local @!p0 [hbm:s0], s1  }
0x4a4: {  	s0 =	simm.s32 @!p0 $0x10  }
0x4a5: {  	_ =	swait.ge @!p0 [sflag:s0], s1  }
0x4a6: {  	s1 =	ssub.s32 @!p0 $0x0, s1;
	[sflag:s0] =	ssyncset.done @!p0 $0x0  }
0x4a7: {  	[sflag:s0] =	ssyncadd.s32 @!p0 s1  }
0x4a8: {  	[bflag:$0x3] =	sbarrier.arrive $0xFFFF  }
0x4a9: {  	_ =	shalt  }

</sc_bundles>
